<compile_context>
chip_gen: v7x
topology: tpu7x:2x2x1
jax: 0.10.2.dev20260603
libtpu: 0.0.44.dev20260713+nightly
codegen_flags: <defaults>
</compile_context>

<pallas_src>
import functools

import jax
import jax.numpy as jnp
from jax import lax
from jax.experimental import pallas as pl
from jax.experimental.pallas import tpu as pltpu
from jax.experimental.pallas import tpu_sc as plsc

N = 100000
D = 128
HID = 16
H = 4
B = 64
HP = 8
BLK = 2000
NB = N // BLK

NW = 32
UNIT = 400
UPB = BLK // UNIT
NU = N // UNIT
SREPS = (NU + NW - 1) // NW
UG = 5
GPU = UNIT // 16
HU = H * UNIT

_NEG = float("-inf")


def _score_body(x_ref, seg_ref, w1_ref, b1_ref, w2_ref, sc_ref, sc2_ref,
                smax_ref):
    i = pl.program_id(0)
    x = x_ref[...]
    hid = jnp.maximum(
        jnp.dot(x, w1_ref[...], preferred_element_type=jnp.float32)
        + b1_ref[...], 0.0)
    st = lax.dot_general(w2_ref[...], hid, (((1,), (1,)), ((), ())),
                         preferred_element_type=jnp.float32)
    sc_ref[0] = st
    for j in range(UPB):
        sc2_ref[0, j] = st[:H, j * UNIT:(j + 1) * UNIT]
    seg = seg_ref[0]
    bids = lax.broadcasted_iota(jnp.int32, (B, BLK), 0)
    mask = bids == seg
    ci = lax.broadcasted_iota(jnp.int32, (B, HP), 1)
    bm = jnp.full((B, HP), _NEG)
    for h in range(H):
        mh = jnp.max(jnp.where(mask, st[h:h + 1, :], _NEG),
                     axis=1, keepdims=True)
        bm = jnp.where(ci == h, mh, bm)

    @pl.when(i == 0)
    def _():
        smax_ref[...] = bm

    @pl.when(i > 0)
    def _():
        smax_ref[...] = jnp.maximum(smax_ref[...], bm)


def _scores_and_segmax(x, seg3, w1cat, b1row, w2t):
    return pl.pallas_call(
        _score_body,
        grid=(NB,),
        in_specs=[
            pl.BlockSpec((BLK, D), lambda i: (i, 0)),
            pl.BlockSpec((1, 1, BLK), lambda i: (i, 0, 0)),
            pl.BlockSpec((D, H * HID), lambda i: (0, 0)),
            pl.BlockSpec((1, H * HID), lambda i: (0, 0)),
            pl.BlockSpec((HP, H * HID), lambda i: (0, 0)),
        ],
        out_specs=[
            pl.BlockSpec((1, HP, BLK), lambda i: (i, 0, 0)),
            pl.BlockSpec((1, UPB, H, UNIT), lambda i: (i, 0, 0, 0)),
            pl.BlockSpec((B, HP), lambda i: (0, 0)),
        ],
        out_shape=[
            jax.ShapeDtypeStruct((NB, HP, BLK), jnp.float32),
            jax.ShapeDtypeStruct((NB, UPB, H, UNIT), jnp.float32),
            jax.ShapeDtypeStruct((B, HP), jnp.float32),
        ],
    )(x, seg3, w1cat, b1row, w2t)


def _denom_body(sc_hbm, seg_hbm, smax_hbm, out_hbm, *scratch):
    seg_bufs = scratch[0:SREPS]
    sc_bufs = scratch[SREPS:2 * SREPS]
    smax_v = scratch[2 * SREPS]
    acc_v = scratch[2 * SREPS + 1]
    sems = scratch[2 * SREPS + 2:]
    c = lax.axis_index("c")
    s = lax.axis_index("s")
    wid = s * 2 + c
    pltpu.sync_copy(smax_hbm, smax_v)
    z = jnp.zeros((16,), jnp.float32)
    for j in range((HP * B) // 16):
        acc_v[pl.ds(j * 16, 16)] = z

    for r in range(SREPS):
        u = wid + r * NW

        @pl.when(u < NU)
        def _(u=u, r=r):
            pltpu.async_copy(seg_hbm.at[pl.ds(u * UNIT, UNIT)],
                             seg_bufs[r], sems[r])
            pltpu.async_copy(sc_hbm.at[u // UPB, u % UPB],
                             sc_bufs[r], sems[r])

    for r in range(SREPS):
        u = wid + r * NW

        @pl.when(u < NU)
        def _(u=u, r=r):
            pltpu.make_async_copy(seg_hbm.at[pl.ds(0, UNIT)],
                                  seg_bufs[r], sems[r]).wait()
            pltpu.make_async_copy(sc_hbm.at[0, 0],
                                  sc_bufs[r], sems[r]).wait()
            seg_v = seg_bufs[r]
            sc_v = sc_bufs[r]

            def body_g(g5, carry):
                for k in range(UG):
                    base = (g5 * UG + k) * 16
                    sv = seg_v[pl.ds(base, 16)]
                    svp = sv * HP
                    for h in range(H):
                        s16 = sc_v[h, pl.ds(base, 16)]
                        iv = svp + h
                        m16 = plsc.load_gather(smax_v, [iv])
                        e = jnp.exp(s16 - m16)
                        plsc.addupdate_scatter(acc_v, [iv], e)
                return carry

            lax.fori_loop(0, GPU // UG, body_g, 0)

    pltpu.sync_copy(acc_v, out_hbm.at[wid])


@functools.partial(jax.jit, static_argnums=())
def _denom_partials(scores_t, seg, smax):
    mesh = plsc.VectorSubcoreMesh(core_axis_name="c", subcore_axis_name="s")
    k = functools.partial(
        pl.kernel,
        mesh=mesh,
        compiler_params=pltpu.CompilerParams(needs_layout_passes=False),
        out_type=jax.ShapeDtypeStruct((NW, HP * B), jnp.float32),
        scratch_types=(
            [pltpu.VMEM((UNIT,), jnp.int32)] * SREPS
            + [pltpu.VMEM((H, UNIT), jnp.float32)] * SREPS
            + [pltpu.VMEM((B * HP,), jnp.float32),
               pltpu.VMEM((HP * B,), jnp.float32)]
            + [pltpu.SemaphoreType.DMA] * SREPS
        ),
    )(_denom_body)
    return k(scores_t, seg, smax)


def _uacc_body(x_ref, seg_ref, sc_ref, smax_ref, u_ref):
    i = pl.program_id(0)
    sm = smax_ref[...]
    sm = jnp.where(jnp.isfinite(sm), sm, 0.0)
    seg = seg_ref[0]
    oh = (lax.broadcasted_iota(jnp.int32, (B, BLK), 0) == seg
          ).astype(jnp.float32)
    smg = lax.dot_general(sm, oh, (((0,), (0,)), ((), ())),
                          preferred_element_type=jnp.float32,
                          precision=lax.Precision.HIGHEST)
    e = jnp.exp(sc_ref[0] - smg)
    for h in range(H):
        w = oh * e[h:h + 1, :]
        part = lax.dot_general(w, x_ref[...], (((1,), (0,)), ((), ())),
                               preferred_element_type=jnp.float32)

        @pl.when(i == 0)
        def _(h=h, part=part):
            u_ref[h] = part

        @pl.when(i > 0)
        def _(h=h, part=part):
            u_ref[h] += part


def _uacc(x, seg3, scores_t, smax):
    return pl.pallas_call(
        _uacc_body,
        grid=(NB,),
        in_specs=[
            pl.BlockSpec((BLK, D), lambda i: (i, 0)),
            pl.BlockSpec((1, 1, BLK), lambda i: (i, 0, 0)),
            pl.BlockSpec((1, HP, BLK), lambda i: (i, 0, 0)),
            pl.BlockSpec((B, HP), lambda i: (0, 0)),
        ],
        out_specs=pl.BlockSpec((H, B, D), lambda i: (0, 0, 0)),
        out_shape=jax.ShapeDtypeStruct((H, B, D), jnp.float32),
    )(x, seg3, scores_t, smax)


def _finish_body(u_ref, parts_ref, out_ref):
    d = jnp.sum(parts_ref[...], axis=0)
    dinv = jnp.where(d > 0, 1.0 / d, 0.0)
    acc = u_ref[0] * dinv[:, 0:1]
    for h in range(1, H):
        acc = acc + u_ref[h] * dinv[:, h:h + 1]
    out_ref[...] = acc * (1.0 / H)


def _finish(u, parts):
    return pl.pallas_call(
        _finish_body,
        in_specs=[
            pl.BlockSpec((H, B, D), lambda: (0, 0, 0)),
            pl.BlockSpec((NW, B, HP), lambda: (0, 0, 0)),
        ],
        out_specs=pl.BlockSpec((B, D), lambda: (0, 0)),
        out_shape=jax.ShapeDtypeStruct((B, D), jnp.float32),
    )(u, parts)


def kernel(node_features, segment_ids, W1, b1, W2, b2):
    x = node_features.astype(jnp.float32)
    seg = segment_ids.astype(jnp.int32)
    seg3 = seg.reshape(NB, 1, BLK)

    w1cat = jnp.transpose(W1, (1, 0, 2)).reshape(D, H * HID)
    b1row = b1.reshape(1, H * HID)
    w2r = W2[:, :, 0]
    w2t = jnp.zeros((HP, H * HID), jnp.float32)
    for h in range(H):
        w2t = w2t.at[h, h * HID:(h + 1) * HID].set(w2r[h])

    scores_t, scores_u, smax = _scores_and_segmax(x, seg3, w1cat, b1row, w2t)
    parts = _denom_partials(scores_u, seg, smax.reshape(B * HP))
    u = _uacc(x, seg3, scores_t, smax)
    out = _finish(u, parts.reshape(NW, B, HP))
    return out

# --- scband reference (transcript-rebuilt; emitter-appended) ---
"""Pipeline reference for scband-multi-head-attention-pooling-76888504533412 (READ-ONLY COPY).

The authoritative reference and input builder live on the scoring server;
editing this copy changes nothing except your own understanding.
"""

import jax, jax.numpy as jnp
import numpy as np

N = 100000
D = 128
HID = 16
H = 4
B = 64


def setup_inputs(seed: int = 0) -> dict:
    key = jax.random.key(seed)
    ks = jax.random.split(key, 5)
    node_features = jax.random.normal(ks[0], (N, D), dtype=jnp.float32)
    segment_ids = jnp.sort(jax.random.randint(ks[1], (N,), 0, B)).astype(jnp.int64)
    W1 = jax.random.normal(ks[2], (H, D, HID), dtype=jnp.float32) * (1.0 / np.sqrt(D))
    b1 = jnp.zeros((H, HID), dtype=jnp.float32)
    W2 = jax.random.normal(ks[3], (H, HID, 1), dtype=jnp.float32) * (1.0 / np.sqrt(HID))
    b2 = jnp.zeros((H, 1), dtype=jnp.float32)
    return {
        "node_features": node_features,
        "segment_ids": segment_ids,
        "W1": W1,
        "b1": b1,
        "W2": W2,
        "b2": b2,
    }


def reference(node_features, segment_ids, W1, b1, W2, b2):
    head_outputs = []
    for h in range(H):
        # per-head scoring MLP: Linear -> ReLU -> (Dropout p=0) -> Linear
        hid = jax.nn.relu(node_features @ W1[h] + b1[h])
        scores = (hid @ W2[h] + b2[h])[:, 0]  # [N]
        # dgl.softmax_nodes: softmax of scores within each graph segment
        smax = jax.ops.segment_max(scores, segment_ids, num_segments=B)
        smax = jnp.where(jnp.isfinite(smax), smax, 0.0)
        e = jnp.exp(scores - smax[segment_ids])
        denom = jax.ops.segment_sum(e, segment_ids, num_segments=B)
        attn = e / denom[segment_ids]  # [N]
        # weighted node features, then dgl.sum_nodes (segment sum)
        weighted = attn[:, None] * node_features  # [N, D]
        head_repr = jax.ops.segment_sum(weighted, segment_ids, num_segments=B)  # [B, D]
        head_outputs.append(head_repr)
    # combine_type == 'mean'
    graph_repr = jnp.mean(jnp.stack(head_outputs, axis=0), axis=0)  # [B, D]
    return graph_repr

if __name__ == "__main__":
    import jax
    _d = setup_inputs()
    print(jax.jit(kernel)(*tuple(_d.values())))

</pallas_src>

<mosaic_0001>
#map = affine_map<(d0, d1) -> (0, 0, 0, 0)>
#map1 = affine_map<(d0, d1) -> (0)>
#map2 = affine_map<(d0, d1) -> (0, 0)>
module attributes {stable_mosaic.version = 14 : i64} {
  func.func @_denom_body(%arg0: i32, %arg1: i32, %arg2: memref<50x5x4x400xf32, #tpu.memory_space<hbm>>, %arg3: memref<100000xi32, #tpu.memory_space<hbm>>, %arg4: memref<512xf32, #tpu.memory_space<hbm>>, %arg5: memref<32x512xf32, #tpu.memory_space<hbm>>, %arg6: memref<400xi32, #tpu.memory_space<vmem>>, %arg7: memref<400xi32, #tpu.memory_space<vmem>>, %arg8: memref<400xi32, #tpu.memory_space<vmem>>, %arg9: memref<400xi32, #tpu.memory_space<vmem>>, %arg10: memref<400xi32, #tpu.memory_space<vmem>>, %arg11: memref<400xi32, #tpu.memory_space<vmem>>, %arg12: memref<400xi32, #tpu.memory_space<vmem>>, %arg13: memref<400xi32, #tpu.memory_space<vmem>>, %arg14: memref<4x400xf32, #tpu.memory_space<vmem>>, %arg15: memref<4x400xf32, #tpu.memory_space<vmem>>, %arg16: memref<4x400xf32, #tpu.memory_space<vmem>>, %arg17: memref<4x400xf32, #tpu.memory_space<vmem>>, %arg18: memref<4x400xf32, #tpu.memory_space<vmem>>, %arg19: memref<4x400xf32, #tpu.memory_space<vmem>>, %arg20: memref<4x400xf32, #tpu.memory_space<vmem>>, %arg21: memref<4x400xf32, #tpu.memory_space<vmem>>, %arg22: memref<512xf32, #tpu.memory_space<vmem>>, %arg23: memref<512xf32, #tpu.memory_space<vmem>>, %arg24: memref<!tpu.dma_semaphore, #tpu.memory_space<semaphore_mem>>, %arg25: memref<!tpu.dma_semaphore, #tpu.memory_space<semaphore_mem>>, %arg26: memref<!tpu.dma_semaphore, #tpu.memory_space<semaphore_mem>>, %arg27: memref<!tpu.dma_semaphore, #tpu.memory_space<semaphore_mem>>, %arg28: memref<!tpu.dma_semaphore, #tpu.memory_space<semaphore_mem>>, %arg29: memref<!tpu.dma_semaphore, #tpu.memory_space<semaphore_mem>>, %arg30: memref<!tpu.dma_semaphore, #tpu.memory_space<semaphore_mem>>, %arg31: memref<!tpu.dma_semaphore, #tpu.memory_space<semaphore_mem>>) attributes {dimension_semantics = [#tpu.dimension_semantics<core_parallel>, #tpu.dimension_semantics<subcore_parallel>], iteration_bounds = array<i64: 2, 16>, scalar_prefetch = 0 : i64, scratch_operands = 26 : i64, tpu.core_type = #tpu.core_type<sc_vector_subcore>, window_params = [{transform_indices = #map}, {transform_indices = #map1}, {transform_indices = #map1}, {transform_indices = #map2}]} {
    %mul3A = arith.constant 2 : i32
    %mul3A_0 = arith.muli %arg1, %mul3A : i32
    %add3A = arith.addi %mul3A_0, %arg0 : i32
    "tpu.region"() ({
      %run_scoped3A = tpu.sem_alloc : memref<!tpu.dma_semaphore, #tpu.memory_space<semaphore_mem>>
      tpu.enqueue_dma source(%arg4 : memref<512xf32, #tpu.memory_space<hbm>>) target(%arg22 : memref<512xf32, #tpu.memory_space<vmem>>) target_semaphore(%run_scoped3A : memref<!tpu.dma_semaphore, #tpu.memory_space<semaphore_mem>>)
      tpu.wait_dma2 semaphore(%run_scoped3A : memref<!tpu.dma_semaphore, #tpu.memory_space<semaphore_mem>>) src(%arg4 : memref<512xf32, #tpu.memory_space<hbm>>) dst(%arg22 : memref<512xf32, #tpu.memory_space<vmem>>)
      tpu.yield
    }) : () -> ()
    %broadcast_in_dim3A = arith.constant 0.000000e+00 : f32
    %broadcast_in_dim3A_1 = vector.broadcast %broadcast_in_dim3A : f32 to vector<16xf32>
    %swap3A = arith.constant 0 : index
    %swap3A_2 = tpu.vector_load %arg23[%swap3A] {strides = array<i32>} : memref<512xf32, #tpu.memory_space<vmem>>, vector<16xf32>,
    tpu.vector_store %arg23[%swap3A], %broadcast_in_dim3A_1 {strides = array<i32>} : memref<512xf32, #tpu.memory_space<vmem>>, vector<16xf32>,
    %swap3A_3 = arith.constant 16 : index
    %swap3A_4 = tpu.vector_load %arg23[%swap3A_3] {strides = array<i32>} : memref<512xf32, #tpu.memory_space<vmem>>, vector<16xf32>,
    tpu.vector_store %arg23[%swap3A_3], %broadcast_in_dim3A_1 {strides = array<i32>} : memref<512xf32, #tpu.memory_space<vmem>>, vector<16xf32>,
    %swap3A_5 = arith.constant 32 : index
    %swap3A_6 = tpu.vector_load %arg23[%swap3A_5] {strides = array<i32>} : memref<512xf32, #tpu.memory_space<vmem>>, vector<16xf32>,
    tpu.vector_store %arg23[%swap3A_5], %broadcast_in_dim3A_1 {strides = array<i32>} : memref<512xf32, #tpu.memory_space<vmem>>, vector<16xf32>,
    %swap3A_7 = arith.constant 48 : index
    %swap3A_8 = tpu.vector_load %arg23[%swap3A_7] {strides = array<i32>} : memref<512xf32, #tpu.memory_space<vmem>>, vector<16xf32>,
    tpu.vector_store %arg23[%swap3A_7], %broadcast_in_dim3A_1 {strides = array<i32>} : memref<512xf32, #tpu.memory_space<vmem>>, vector<16xf32>,
    %swap3A_9 = arith.constant 64 : index
    %swap3A_10 = tpu.vector_load %arg23[%swap3A_9] {strides = array<i32>} : memref<512xf32, #tpu.memory_space<vmem>>, vector<16xf32>,
    tpu.vector_store %arg23[%swap3A_9], %broadcast_in_dim3A_1 {strides = array<i32>} : memref<512xf32, #tpu.memory_space<vmem>>, vector<16xf32>,
    %swap3A_11 = arith.constant 80 : index
    %swap3A_12 = tpu.vector_load %arg23[%swap3A_11] {strides = array<i32>} : memref<512xf32, #tpu.memory_space<vmem>>, vector<16xf32>,
    tpu.vector_store %arg23[%swap3A_11], %broadcast_in_dim3A_1 {strides = array<i32>} : memref<512xf32, #tpu.memory_space<vmem>>, vector<16xf32>,
    %swap3A_13 = arith.constant 96 : index
    %swap3A_14 = tpu.vector_load %arg23[%swap3A_13] {strides = array<i32>} : memref<512xf32, #tpu.memory_space<vmem>>, vector<16xf32>,
    tpu.vector_store %arg23[%swap3A_13], %broadcast_in_dim3A_1 {strides = array<i32>} : memref<512xf32, #tpu.memory_space<vmem>>, vector<16xf32>,
    %swap3A_15 = arith.constant 112 : index
    %swap3A_16 = tpu.vector_load %arg23[%swap3A_15] {strides = array<i32>} : memref<512xf32, #tpu.memory_space<vmem>>, vector<16xf32>,
    tpu.vector_store %arg23[%swap3A_15], %broadcast_in_dim3A_1 {strides = array<i32>} : memref<512xf32, #tpu.memory_space<vmem>>, vector<16xf32>,
    %swap3A_17 = arith.constant 128 : index
    %swap3A_18 = tpu.vector_load %arg23[%swap3A_17] {strides = array<i32>} : memref<512xf32, #tpu.memory_space<vmem>>, vector<16xf32>,
    tpu.vector_store %arg23[%swap3A_17], %broadcast_in_dim3A_1 {strides = array<i32>} : memref<512xf32, #tpu.memory_space<vmem>>, vector<16xf32>,
    %swap3A_19 = arith.constant 144 : index
    %swap3A_20 = tpu.vector_load %arg23[%swap3A_19] {strides = array<i32>} : memref<512xf32, #tpu.memory_space<vmem>>, vector<16xf32>,
    tpu.vector_store %arg23[%swap3A_19], %broadcast_in_dim3A_1 {strides = array<i32>} : memref<512xf32, #tpu.memory_space<vmem>>, vector<16xf32>,
    %swap3A_21 = arith.constant 160 : index
    %swap3A_22 = tpu.vector_load %arg23[%swap3A_21] {strides = array<i32>} : memref<512xf32, #tpu.memory_space<vmem>>, vector<16xf32>,
    tpu.vector_store %arg23[%swap3A_21], %broadcast_in_dim3A_1 {strides = array<i32>} : memref<512xf32, #tpu.memory_space<vmem>>, vector<16xf32>,
    %swap3A_23 = arith.constant 176 : index
    %swap3A_24 = tpu.vector_load %arg23[%swap3A_23] {strides = array<i32>} : memref<512xf32, #tpu.memory_space<vmem>>, vector<16xf32>,
    tpu.vector_store %arg23[%swap3A_23], %broadcast_in_dim3A_1 {strides = array<i32>} : memref<512xf32, #tpu.memory_space<vmem>>, vector<16xf32>,
    %swap3A_25 = arith.constant 192 : index
    %swap3A_26 = tpu.vector_load %arg23[%swap3A_25] {strides = array<i32>} : memref<512xf32, #tpu.memory_space<vmem>>, vector<16xf32>,
    tpu.vector_store %arg23[%swap3A_25], %broadcast_in_dim3A_1 {strides = array<i32>} : memref<512xf32, #tpu.memory_space<vmem>>, vector<16xf32>,
    %swap3A_27 = arith.constant 208 : index
    %swap3A_28 = tpu.vector_load %arg23[%swap3A_27] {strides = array<i32>} : memref<512xf32, #tpu.memory_space<vmem>>, vector<16xf32>,
    tpu.vector_store %arg23[%swap3A_27], %broadcast_in_dim3A_1 {strides = array<i32>} : memref<512xf32, #tpu.memory_space<vmem>>, vector<16xf32>,
    %swap3A_29 = arith.constant 224 : index
    %swap3A_30 = tpu.vector_load %arg23[%swap3A_29] {strides = array<i32>} : memref<512xf32, #tpu.memory_space<vmem>>, vector<16xf32>,
    tpu.vector_store %arg23[%swap3A_29], %broadcast_in_dim3A_1 {strides = array<i32>} : memref<512xf32, #tpu.memory_space<vmem>>, vector<16xf32>,
    %swap3A_31 = arith.constant 240 : index
    %swap3A_32 = tpu.vector_load %arg23[%swap3A_31] {strides = array<i32>} : memref<512xf32, #tpu.memory_space<vmem>>, vector<16xf32>,
    tpu.vector_store %arg23[%swap3A_31], %broadcast_in_dim3A_1 {strides = array<i32>} : memref<512xf32, #tpu.memory_space<vmem>>, vector<16xf32>,
    %swap3A_33 = arith.constant 256 : index
    %swap3A_34 = tpu.vector_load %arg23[%swap3A_33] {strides = array<i32>} : memref<512xf32, #tpu.memory_space<vmem>>, vector<16xf32>,
    tpu.vector_store %arg23[%swap3A_33], %broadcast_in_dim3A_1 {strides = array<i32>} : memref<512xf32, #tpu.memory_space<vmem>>, vector<16xf32>,
    %swap3A_35 = arith.constant 272 : index
    %swap3A_36 = tpu.vector_load %arg23[%swap3A_35] {strides = array<i32>} : memref<512xf32, #tpu.memory_space<vmem>>, vector<16xf32>,
    tpu.vector_store %arg23[%swap3A_35], %broadcast_in_dim3A_1 {strides = array<i32>} : memref<512xf32, #tpu.memory_space<vmem>>, vector<16xf32>,
    %swap3A_37 = arith.constant 288 : index
    %swap3A_38 = tpu.vector_load %arg23[%swap3A_37] {strides = array<i32>} : memref<512xf32, #tpu.memory_space<vmem>>, vector<16xf32>,
    tpu.vector_store %arg23[%swap3A_37], %broadcast_in_dim3A_1 {strides = array<i32>} : memref<512xf32, #tpu.memory_space<vmem>>, vector<16xf32>,
    %swap3A_39 = arith.constant 304 : index
    %swap3A_40 = tpu.vector_load %arg23[%swap3A_39] {strides = array<i32>} : memref<512xf32, #tpu.memory_space<vmem>>, vector<16xf32>,
    tpu.vector_store %arg23[%swap3A_39], %broadcast_in_dim3A_1 {strides = array<i32>} : memref<512xf32, #tpu.memory_space<vmem>>, vector<16xf32>,
    %swap3A_41 = arith.constant 320 : index
    %swap3A_42 = tpu.vector_load %arg23[%swap3A_41] {strides = array<i32>} : memref<512xf32, #tpu.memory_space<vmem>>, vector<16xf32>,
    tpu.vector_store %arg23[%swap3A_41], %broadcast_in_dim3A_1 {strides = array<i32>} : memref<512xf32, #tpu.memory_space<vmem>>, vector<16xf32>,
    %swap3A_43 = arith.constant 336 : index
    %swap3A_44 = tpu.vector_load %arg23[%swap3A_43] {strides = array<i32>} : memref<512xf32, #tpu.memory_space<vmem>>, vector<16xf32>,
    tpu.vector_store %arg23[%swap3A_43], %broadcast_in_dim3A_1 {strides = array<i32>} : memref<512xf32, #tpu.memory_space<vmem>>, vector<16xf32>,
    %swap3A_45 = arith.constant 352 : index
    %swap3A_46 = tpu.vector_load %arg23[%swap3A_45] {strides = array<i32>} : memref<512xf32, #tpu.memory_space<vmem>>, vector<16xf32>,
    tpu.vector_store %arg23[%swap3A_45], %broadcast_in_dim3A_1 {strides = array<i32>} : memref<512xf32, #tpu.memory_space<vmem>>, vector<16xf32>,
    %swap3A_47 = arith.constant 368 : index
    %swap3A_48 = tpu.vector_load %arg23[%swap3A_47] {strides = array<i32>} : memref<512xf32, #tpu.memory_space<vmem>>, vector<16xf32>,
    tpu.vector_store %arg23[%swap3A_47], %broadcast_in_dim3A_1 {strides = array<i32>} : memref<512xf32, #tpu.memory_space<vmem>>, vector<16xf32>,
    %swap3A_49 = arith.constant 384 : index
    %swap3A_50 = tpu.vector_load %arg23[%swap3A_49] {strides = array<i32>} : memref<512xf32, #tpu.memory_space<vmem>>, vector<16xf32>,
    tpu.vector_store %arg23[%swap3A_49], %broadcast_in_dim3A_1 {strides = array<i32>} : memref<512xf32, #tpu.memory_space<vmem>>, vector<16xf32>,
    %swap3A_51 = arith.constant 400 : index
    %swap3A_52 = tpu.vector_load %arg23[%swap3A_51] {strides = array<i32>} : memref<512xf32, #tpu.memory_space<vmem>>, vector<16xf32>,
    tpu.vector_store %arg23[%swap3A_51], %broadcast_in_dim3A_1 {strides = array<i32>} : memref<512xf32, #tpu.memory_space<vmem>>, vector<16xf32>,
    %swap3A_53 = arith.constant 416 : index
    %swap3A_54 = tpu.vector_load %arg23[%swap3A_53] {strides = array<i32>} : memref<512xf32, #tpu.memory_space<vmem>>, vector<16xf32>,
    tpu.vector_store %arg23[%swap3A_53], %broadcast_in_dim3A_1 {strides = array<i32>} : memref<512xf32, #tpu.memory_space<vmem>>, vector<16xf32>,
    %swap3A_55 = arith.constant 432 : index
    %swap3A_56 = tpu.vector_load %arg23[%swap3A_55] {strides = array<i32>} : memref<512xf32, #tpu.memory_space<vmem>>, vector<16xf32>,
    tpu.vector_store %arg23[%swap3A_55], %broadcast_in_dim3A_1 {strides = array<i32>} : memref<512xf32, #tpu.memory_space<vmem>>, vector<16xf32>,
    %swap3A_57 = arith.constant 448 : index
    %swap3A_58 = tpu.vector_load %arg23[%swap3A_57] {strides = array<i32>} : memref<512xf32, #tpu.memory_space<vmem>>, vector<16xf32>,
    tpu.vector_store %arg23[%swap3A_57], %broadcast_in_dim3A_1 {strides = array<i32>} : memref<512xf32, #tpu.memory_space<vmem>>, vector<16xf32>,
    %swap3A_59 = arith.constant 464 : index
    %swap3A_60 = tpu.vector_load %arg23[%swap3A_59] {strides = array<i32>} : memref<512xf32, #tpu.memory_space<vmem>>, vector<16xf32>,
    tpu.vector_store %arg23[%swap3A_59], %broadcast_in_dim3A_1 {strides = array<i32>} : memref<512xf32, #tpu.memory_space<vmem>>, vector<16xf32>,
    %swap3A_61 = arith.constant 480 : index
    %swap3A_62 = tpu.vector_load %arg23[%swap3A_61] {strides = array<i32>} : memref<512xf32, #tpu.memory_space<vmem>>, vector<16xf32>,
    tpu.vector_store %arg23[%swap3A_61], %broadcast_in_dim3A_1 {strides = array<i32>} : memref<512xf32, #tpu.memory_space<vmem>>, vector<16xf32>,
    %swap3A_63 = arith.constant 496 : index
    %swap3A_64 = tpu.vector_load %arg23[%swap3A_63] {strides = array<i32>} : memref<512xf32, #tpu.memory_space<vmem>>, vector<16xf32>,
    tpu.vector_store %arg23[%swap3A_63], %broadcast_in_dim3A_1 {strides = array<i32>} : memref<512xf32, #tpu.memory_space<vmem>>, vector<16xf32>,
    %add3A_65 = arith.constant 0 : i32
    %add3A_66 = arith.addi %add3A, %add3A_65 : i32
    %lt3A = arith.constant 250 : i32
    %lt3A_67 = arith.cmpi slt, %add3A_66, %lt3A : i32
    %convert_element_type3A = arith.extui %lt3A_67 : i1 to i32
    %cond3A = arith.constant 0 : i32
    %cond3A_68 = arith.cmpi ne, %convert_element_type3A, %cond3A : i32
    scf.if %cond3A_68 {
      %mul3A_174 = arith.constant 400 : i32
      %mul3A_175 = arith.muli %add3A_66, %mul3A_174 : i32
      %dma_start3A = tpu.memref_slice %arg3[%mul3A_175] : memref<100000xi32, #tpu.memory_space<hbm>> -> memref<400xi32, #tpu.memory_space<hbm>>
      %dma_start3A_176 = tpu.memref_slice %arg3[%mul3A_175] : memref<100000xi32, #tpu.memory_space<hbm>> -> memref<400xi32, #tpu.memory_space<hbm>>
      tpu.enqueue_dma source(%dma_start3A_176 : memref<400xi32, #tpu.memory_space<hbm>>) target(%arg6 : memref<400xi32, #tpu.memory_space<vmem>>) target_semaphore(%arg24 : memref<!tpu.dma_semaphore, #tpu.memory_space<semaphore_mem>>)
      %jit3A = arith.constant 5 : i32
      %div3A = arith.divsi %add3A_66, %jit3A : i32
      %sign3A = arith.constant 0 : i32
      %sign3A_177 = arith.cmpi sgt, %add3A_66, %sign3A : i32
      %sign3A_178 = arith.extui %sign3A_177 : i1 to i32
      %sign3A_179 = arith.constant 0 : i32
      %sign3A_180 = arith.cmpi slt, %add3A_66, %sign3A_179 : i32
      %sign3A_181 = arith.extui %sign3A_180 : i1 to i32
      %sign3A_182 = arith.subi %sign3A_178, %sign3A_181 : i32
      %sign3A_183 = arith.constant 0 : i32
      %sign3A_184 = arith.cmpi sgt, %jit3A, %sign3A_183 : i32
      %sign3A_185 = arith.extui %sign3A_184 : i1 to i32
      %sign3A_186 = arith.constant 0 : i32
      %sign3A_187 = arith.cmpi slt, %jit3A, %sign3A_186 : i32
      %sign3A_188 = arith.extui %sign3A_187 : i1 to i32
      %sign3A_189 = arith.subi %sign3A_185, %sign3A_188 : i32
      %ne3A = arith.cmpi ne, %sign3A_182, %sign3A_189 : i32
      %rem3A = arith.remsi %add3A_66, %jit3A : i32
      %ne3A_190 = arith.constant 0 : i32
      %ne3A_191 = arith.cmpi ne, %rem3A, %ne3A_190 : i32
      %and3A = arith.andi %ne3A, %ne3A_191 : i1
      %sub3A = arith.constant 1 : i32
      %sub3A_192 = arith.subi %div3A, %sub3A : i32
      %select_n3A = arith.select %and3A, %sub3A_192, %div3A : i32
      %jit3A_193 = arith.constant 5 : i32
      %eq3A = arith.constant 0 : i32
      %eq3A_194 = arith.cmpi eq, %jit3A_193, %eq3A : i32
      %jit3A_195 = arith.constant 1 : i32
      %select_n3A_196 = arith.select %eq3A_194, %jit3A_195, %jit3A_193 : i32
      %rem3A_197 = arith.remsi %add3A_66, %select_n3A_196 : i32
      %ne3A_198 = arith.constant 0 : i32
      %ne3A_199 = arith.cmpi ne, %rem3A_197, %ne3A_198 : i32
      %lt3A_200 = arith.constant 0 : i32
      %lt3A_201 = arith.cmpi slt, %rem3A_197, %lt3A_200 : i32
      %lt3A_202 = arith.constant 0 : i32
      %lt3A_203 = arith.cmpi slt, %select_n3A_196, %lt3A_202 : i32
      %ne3A_204 = arith.xori %lt3A_201, %lt3A_203 : i1
      %and3A_205 = arith.andi %ne3A_204, %ne3A_199 : i1
      %add3A_206 = arith.addi %rem3A_197, %select_n3A_196 : i32
      %select_n3A_207 = arith.select %and3A_205, %add3A_206, %rem3A_197 : i32
      %dma_start3A_208 = arith.constant 0 : i32
      %dma_start3A_209 = arith.constant 0 : i32
      %dma_start3A_210 = tpu.memref_slice %arg2[%select_n3A, %select_n3A_207, %dma_start3A_208, %dma_start3A_209] : memref<50x5x4x400xf32, #tpu.memory_space<hbm>> -> memref<1x1x4x400xf32, #tpu.memory_space<hbm>>
      %dma_start3A_211 = tpu.memref_squeeze %dma_start3A_210 : memref<1x1x4x400xf32, #tpu.memory_space<hbm>> -> memref<4x400xf32, #tpu.memory_space<hbm>>
      %dma_start3A_212 = arith.constant 0 : i32
      %dma_start3A_213 = arith.constant 0 : i32
      %dma_start3A_214 = tpu.memref_slice %arg2[%select_n3A, %select_n3A_207, %dma_start3A_212, %dma_start3A_213] : memref<50x5x4x400xf32, #tpu.memory_space<hbm>> -> memref<1x1x4x400xf32, #tpu.memory_space<hbm>>
      %dma_start3A_215 = tpu.memref_squeeze %dma_start3A_214 : memref<1x1x4x400xf32, #tpu.memory_space<hbm>> -> memref<4x400xf32, #tpu.memory_space<hbm>>
      tpu.enqueue_dma source(%dma_start3A_215 : memref<4x400xf32, #tpu.memory_space<hbm>>) target(%arg14 : memref<4x400xf32, #tpu.memory_space<vmem>>) target_semaphore(%arg24 : memref<!tpu.dma_semaphore, #tpu.memory_space<semaphore_mem>>)
    } else {
    }
    %add3A_69 = arith.constant 32 : i32
    %add3A_70 = arith.addi %add3A, %add3A_69 : i32
    %lt3A_71 = arith.constant 250 : i32
    %lt3A_72 = arith.cmpi slt, %add3A_70, %lt3A_71 : i32
    %convert_element_type3A_73 = arith.extui %lt3A_72 : i1 to i32
    %cond3A_74 = arith.constant 0 : i32
    %cond3A_75 = arith.cmpi ne, %convert_element_type3A_73, %cond3A_74 : i32
    scf.if %cond3A_75 {
      %mul3A_174 = arith.constant 400 : i32
      %mul3A_175 = arith.muli %add3A_70, %mul3A_174 : i32
      %dma_start3A = tpu.memref_slice %arg3[%mul3A_175] : memref<100000xi32, #tpu.memory_space<hbm>> -> memref<400xi32, #tpu.memory_space<hbm>>
      %dma_start3A_176 = tpu.memref_slice %arg3[%mul3A_175] : memref<100000xi32, #tpu.memory_space<hbm>> -> memref<400xi32, #tpu.memory_space<hbm>>
      tpu.enqueue_dma source(%dma_start3A_176 : memref<400xi32, #tpu.memory_space<hbm>>) target(%arg7 : memref<400xi32, #tpu.memory_space<vmem>>) target_semaphore(%arg25 : memref<!tpu.dma_semaphore, #tpu.memory_space<semaphore_mem>>)
      %jit3A = arith.constant 5 : i32
      %div3A = arith.divsi %add3A_70, %jit3A : i32
      %sign3A = arith.constant 0 : i32
      %sign3A_177 = arith.cmpi sgt, %add3A_70, %sign3A : i32
      %sign3A_178 = arith.extui %sign3A_177 : i1 to i32
      %sign3A_179 = arith.constant 0 : i32
      %sign3A_180 = arith.cmpi slt, %add3A_70, %sign3A_179 : i32
      %sign3A_181 = arith.extui %sign3A_180 : i1 to i32
      %sign3A_182 = arith.subi %sign3A_178, %sign3A_181 : i32
      %sign3A_183 = arith.constant 0 : i32
      %sign3A_184 = arith.cmpi sgt, %jit3A, %sign3A_183 : i32
      %sign3A_185 = arith.extui %sign3A_184 : i1 to i32
      %sign3A_186 = arith.constant 0 : i32
      %sign3A_187 = arith.cmpi slt, %jit3A, %sign3A_186 : i32
      %sign3A_188 = arith.extui %sign3A_187 : i1 to i32
      %sign3A_189 = arith.subi %sign3A_185, %sign3A_188 : i32
      %ne3A = arith.cmpi ne, %sign3A_182, %sign3A_189 : i32
      %rem3A = arith.remsi %add3A_70, %jit3A : i32
      %ne3A_190 = arith.constant 0 : i32
      %ne3A_191 = arith.cmpi ne, %rem3A, %ne3A_190 : i32
      %and3A = arith.andi %ne3A, %ne3A_191 : i1
      %sub3A = arith.constant 1 : i32
      %sub3A_192 = arith.subi %div3A, %sub3A : i32
      %select_n3A = arith.select %and3A, %sub3A_192, %div3A : i32
      %jit3A_193 = arith.constant 5 : i32
      %eq3A = arith.constant 0 : i32
      %eq3A_194 = arith.cmpi eq, %jit3A_193, %eq3A : i32
      %jit3A_195 = arith.constant 1 : i32
      %select_n3A_196 = arith.select %eq3A_194, %jit3A_195, %jit3A_193 : i32
      %rem3A_197 = arith.remsi %add3A_70, %select_n3A_196 : i32
      %ne3A_198 = arith.constant 0 : i32
      %ne3A_199 = arith.cmpi ne, %rem3A_197, %ne3A_198 : i32
      %lt3A_200 = arith.constant 0 : i32
      %lt3A_201 = arith.cmpi slt, %rem3A_197, %lt3A_200 : i32
      %lt3A_202 = arith.constant 0 : i32
      %lt3A_203 = arith.cmpi slt, %select_n3A_196, %lt3A_202 : i32
      %ne3A_204 = arith.xori %lt3A_201, %lt3A_203 : i1
      %and3A_205 = arith.andi %ne3A_204, %ne3A_199 : i1
      %add3A_206 = arith.addi %rem3A_197, %select_n3A_196 : i32
      %select_n3A_207 = arith.select %and3A_205, %add3A_206, %rem3A_197 : i32
      %dma_start3A_208 = arith.constant 0 : i32
      %dma_start3A_209 = arith.constant 0 : i32
      %dma_start3A_210 = tpu.memref_slice %arg2[%select_n3A, %select_n3A_207, %dma_start3A_208, %dma_start3A_209] : memref<50x5x4x400xf32, #tpu.memory_space<hbm>> -> memref<1x1x4x400xf32, #tpu.memory_space<hbm>>
      %dma_start3A_211 = tpu.memref_squeeze %dma_start3A_210 : memref<1x1x4x400xf32, #tpu.memory_space<hbm>> -> memref<4x400xf32, #tpu.memory_space<hbm>>
      %dma_start3A_212 = arith.constant 0 : i32
      %dma_start3A_213 = arith.constant 0 : i32
      %dma_start3A_214 = tpu.memref_slice %arg2[%select_n3A, %select_n3A_207, %dma_start3A_212, %dma_start3A_213] : memref<50x5x4x400xf32, #tpu.memory_space<hbm>> -> memref<1x1x4x400xf32, #tpu.memory_space<hbm>>
      %dma_start3A_215 = tpu.memref_squeeze %dma_start3A_214 : memref<1x1x4x400xf32, #tpu.memory_space<hbm>> -> memref<4x400xf32, #tpu.memory_space<hbm>>
      tpu.enqueue_dma source(%dma_start3A_215 : memref<4x400xf32, #tpu.memory_space<hbm>>) target(%arg15 : memref<4x400xf32, #tpu.memory_space<vmem>>) target_semaphore(%arg25 : memref<!tpu.dma_semaphore, #tpu.memory_space<semaphore_mem>>)
    } else {
    }
    %add3A_76 = arith.constant 64 : i32
    %add3A_77 = arith.addi %add3A, %add3A_76 : i32
    %lt3A_78 = arith.constant 250 : i32
    %lt3A_79 = arith.cmpi slt, %add3A_77, %lt3A_78 : i32
    %convert_element_type3A_80 = arith.extui %lt3A_79 : i1 to i32
    %cond3A_81 = arith.constant 0 : i32
    %cond3A_82 = arith.cmpi ne, %convert_element_type3A_80, %cond3A_81 : i32
    scf.if %cond3A_82 {
      %mul3A_174 = arith.constant 400 : i32
      %mul3A_175 = arith.muli %add3A_77, %mul3A_174 : i32
      %dma_start3A = tpu.memref_slice %arg3[%mul3A_175] : memref<100000xi32, #tpu.memory_space<hbm>> -> memref<400xi32, #tpu.memory_space<hbm>>
      %dma_start3A_176 = tpu.memref_slice %arg3[%mul3A_175] : memref<100000xi32, #tpu.memory_space<hbm>> -> memref<400xi32, #tpu.memory_space<hbm>>
      tpu.enqueue_dma source(%dma_start3A_176 : memref<400xi32, #tpu.memory_space<hbm>>) target(%arg8 : memref<400xi32, #tpu.memory_space<vmem>>) target_semaphore(%arg26 : memref<!tpu.dma_semaphore, #tpu.memory_space<semaphore_mem>>)
      %jit3A = arith.constant 5 : i32
      %div3A = arith.divsi %add3A_77, %jit3A : i32
      %sign3A = arith.constant 0 : i32
      %sign3A_177 = arith.cmpi sgt, %add3A_77, %sign3A : i32
      %sign3A_178 = arith.extui %sign3A_177 : i1 to i32
      %sign3A_179 = arith.constant 0 : i32
      %sign3A_180 = arith.cmpi slt, %add3A_77, %sign3A_179 : i32
      %sign3A_181 = arith.extui %sign3A_180 : i1 to i32
      %sign3A_182 = arith.subi %sign3A_178, %sign3A_181 : i32
      %sign3A_183 = arith.constant 0 : i32
      %sign3A_184 = arith.cmpi sgt, %jit3A, %sign3A_183 : i32
      %sign3A_185 = arith.extui %sign3A_184 : i1 to i32
      %sign3A_186 = arith.constant 0 : i32
      %sign3A_187 = arith.cmpi slt, %jit3A, %sign3A_186 : i32
      %sign3A_188 = arith.extui %sign3A_187 : i1 to i32
      %sign3A_189 = arith.subi %sign3A_185, %sign3A_188 : i32
      %ne3A = arith.cmpi ne, %sign3A_182, %sign3A_189 : i32
      %rem3A = arith.remsi %add3A_77, %jit3A : i32
      %ne3A_190 = arith.constant 0 : i32
      %ne3A_191 = arith.cmpi ne, %rem3A, %ne3A_190 : i32
      %and3A = arith.andi %ne3A, %ne3A_191 : i1
      %sub3A = arith.constant 1 : i32
      %sub3A_192 = arith.subi %div3A, %sub3A : i32
      %select_n3A = arith.select %and3A, %sub3A_192, %div3A : i32
      %jit3A_193 = arith.constant 5 : i32
      %eq3A = arith.constant 0 : i32
      %eq3A_194 = arith.cmpi eq, %jit3A_193, %eq3A : i32
      %jit3A_195 = arith.constant 1 : i32
      %select_n3A_196 = arith.select %eq3A_194, %jit3A_195, %jit3A_193 : i32
      %rem3A_197 = arith.remsi %add3A_77, %select_n3A_196 : i32
      %ne3A_198 = arith.constant 0 : i32
      %ne3A_199 = arith.cmpi ne, %rem3A_197, %ne3A_198 : i32
      %lt3A_200 = arith.constant 0 : i32
      %lt3A_201 = arith.cmpi slt, %rem3A_197, %lt3A_200 : i32
      %lt3A_202 = arith.constant 0 : i32
      %lt3A_203 = arith.cmpi slt, %select_n3A_196, %lt3A_202 : i32
      %ne3A_204 = arith.xori %lt3A_201, %lt3A_203 : i1
      %and3A_205 = arith.andi %ne3A_204, %ne3A_199 : i1
      %add3A_206 = arith.addi %rem3A_197, %select_n3A_196 : i32
      %select_n3A_207 = arith.select %and3A_205, %add3A_206, %rem3A_197 : i32
      %dma_start3A_208 = arith.constant 0 : i32
      %dma_start3A_209 = arith.constant 0 : i32
      %dma_start3A_210 = tpu.memref_slice %arg2[%select_n3A, %select_n3A_207, %dma_start3A_208, %dma_start3A_209] : memref<50x5x4x400xf32, #tpu.memory_space<hbm>> -> memref<1x1x4x400xf32, #tpu.memory_space<hbm>>
      %dma_start3A_211 = tpu.memref_squeeze %dma_start3A_210 : memref<1x1x4x400xf32, #tpu.memory_space<hbm>> -> memref<4x400xf32, #tpu.memory_space<hbm>>
      %dma_start3A_212 = arith.constant 0 : i32
      %dma_start3A_213 = arith.constant 0 : i32
      %dma_start3A_214 = tpu.memref_slice %arg2[%select_n3A, %select_n3A_207, %dma_start3A_212, %dma_start3A_213] : memref<50x5x4x400xf32, #tpu.memory_space<hbm>> -> memref<1x1x4x400xf32, #tpu.memory_space<hbm>>
      %dma_start3A_215 = tpu.memref_squeeze %dma_start3A_214 : memref<1x1x4x400xf32, #tpu.memory_space<hbm>> -> memref<4x400xf32, #tpu.memory_space<hbm>>
      tpu.enqueue_dma source(%dma_start3A_215 : memref<4x400xf32, #tpu.memory_space<hbm>>) target(%arg16 : memref<4x400xf32, #tpu.memory_space<vmem>>) target_semaphore(%arg26 : memref<!tpu.dma_semaphore, #tpu.memory_space<semaphore_mem>>)
    } else {
    }
    %add3A_83 = arith.constant 96 : i32
    %add3A_84 = arith.addi %add3A, %add3A_83 : i32
    %lt3A_85 = arith.constant 250 : i32
    %lt3A_86 = arith.cmpi slt, %add3A_84, %lt3A_85 : i32
    %convert_element_type3A_87 = arith.extui %lt3A_86 : i1 to i32
    %cond3A_88 = arith.constant 0 : i32
    %cond3A_89 = arith.cmpi ne, %convert_element_type3A_87, %cond3A_88 : i32
    scf.if %cond3A_89 {
      %mul3A_174 = arith.constant 400 : i32
      %mul3A_175 = arith.muli %add3A_84, %mul3A_174 : i32
      %dma_start3A = tpu.memref_slice %arg3[%mul3A_175] : memref<100000xi32, #tpu.memory_space<hbm>> -> memref<400xi32, #tpu.memory_space<hbm>>
      %dma_start3A_176 = tpu.memref_slice %arg3[%mul3A_175] : memref<100000xi32, #tpu.memory_space<hbm>> -> memref<400xi32, #tpu.memory_space<hbm>>
      tpu.enqueue_dma source(%dma_start3A_176 : memref<400xi32, #tpu.memory_space<hbm>>) target(%arg9 : memref<400xi32, #tpu.memory_space<vmem>>) target_semaphore(%arg27 : memref<!tpu.dma_semaphore, #tpu.memory_space<semaphore_mem>>)
      %jit3A = arith.constant 5 : i32
      %div3A = arith.divsi %add3A_84, %jit3A : i32
      %sign3A = arith.constant 0 : i32
      %sign3A_177 = arith.cmpi sgt, %add3A_84, %sign3A : i32
      %sign3A_178 = arith.extui %sign3A_177 : i1 to i32
      %sign3A_179 = arith.constant 0 : i32
      %sign3A_180 = arith.cmpi slt, %add3A_84, %sign3A_179 : i32
      %sign3A_181 = arith.extui %sign3A_180 : i1 to i32
      %sign3A_182 = arith.subi %sign3A_178, %sign3A_181 : i32
      %sign3A_183 = arith.constant 0 : i32
      %sign3A_184 = arith.cmpi sgt, %jit3A, %sign3A_183 : i32
      %sign3A_185 = arith.extui %sign3A_184 : i1 to i32
      %sign3A_186 = arith.constant 0 : i32
      %sign3A_187 = arith.cmpi slt, %jit3A, %sign3A_186 : i32
      %sign3A_188 = arith.extui %sign3A_187 : i1 to i32
      %sign3A_189 = arith.subi %sign3A_185, %sign3A_188 : i32
      %ne3A = arith.cmpi ne, %sign3A_182, %sign3A_189 : i32
      %rem3A = arith.remsi %add3A_84, %jit3A : i32
      %ne3A_190 = arith.constant 0 : i32
      %ne3A_191 = arith.cmpi ne, %rem3A, %ne3A_190 : i32
      %and3A = arith.andi %ne3A, %ne3A_191 : i1
      %sub3A = arith.constant 1 : i32
      %sub3A_192 = arith.subi %div3A, %sub3A : i32
      %select_n3A = arith.select %and3A, %sub3A_192, %div3A : i32
      %jit3A_193 = arith.constant 5 : i32
      %eq3A = arith.constant 0 : i32
      %eq3A_194 = arith.cmpi eq, %jit3A_193, %eq3A : i32
      %jit3A_195 = arith.constant 1 : i32
      %select_n3A_196 = arith.select %eq3A_194, %jit3A_195, %jit3A_193 : i32
      %rem3A_197 = arith.remsi %add3A_84, %select_n3A_196 : i32
      %ne3A_198 = arith.constant 0 : i32
      %ne3A_199 = arith.cmpi ne, %rem3A_197, %ne3A_198 : i32
      %lt3A_200 = arith.constant 0 : i32
      %lt3A_201 = arith.cmpi slt, %rem3A_197, %lt3A_200 : i32
      %lt3A_202 = arith.constant 0 : i32
      %lt3A_203 = arith.cmpi slt, %select_n3A_196, %lt3A_202 : i32
      %ne3A_204 = arith.xori %lt3A_201, %lt3A_203 : i1
      %and3A_205 = arith.andi %ne3A_204, %ne3A_199 : i1
      %add3A_206 = arith.addi %rem3A_197, %select_n3A_196 : i32
      %select_n3A_207 = arith.select %and3A_205, %add3A_206, %rem3A_197 : i32
      %dma_start3A_208 = arith.constant 0 : i32
      %dma_start3A_209 = arith.constant 0 : i32
      %dma_start3A_210 = tpu.memref_slice %arg2[%select_n3A, %select_n3A_207, %dma_start3A_208, %dma_start3A_209] : memref<50x5x4x400xf32, #tpu.memory_space<hbm>> -> memref<1x1x4x400xf32, #tpu.memory_space<hbm>>
      %dma_start3A_211 = tpu.memref_squeeze %dma_start3A_210 : memref<1x1x4x400xf32, #tpu.memory_space<hbm>> -> memref<4x400xf32, #tpu.memory_space<hbm>>
      %dma_start3A_212 = arith.constant 0 : i32
      %dma_start3A_213 = arith.constant 0 : i32
      %dma_start3A_214 = tpu.memref_slice %arg2[%select_n3A, %select_n3A_207, %dma_start3A_212, %dma_start3A_213] : memref<50x5x4x400xf32, #tpu.memory_space<hbm>> -> memref<1x1x4x400xf32, #tpu.memory_space<hbm>>
      %dma_start3A_215 = tpu.memref_squeeze %dma_start3A_214 : memref<1x1x4x400xf32, #tpu.memory_space<hbm>> -> memref<4x400xf32, #tpu.memory_space<hbm>>
      tpu.enqueue_dma source(%dma_start3A_215 : memref<4x400xf32, #tpu.memory_space<hbm>>) target(%arg17 : memref<4x400xf32, #tpu.memory_space<vmem>>) target_semaphore(%arg27 : memref<!tpu.dma_semaphore, #tpu.memory_space<semaphore_mem>>)
    } else {
    }
    %add3A_90 = arith.constant 128 : i32
    %add3A_91 = arith.addi %add3A, %add3A_90 : i32
    %lt3A_92 = arith.constant 250 : i32
    %lt3A_93 = arith.cmpi slt, %add3A_91, %lt3A_92 : i32
    %convert_element_type3A_94 = arith.extui %lt3A_93 : i1 to i32
    %cond3A_95 = arith.constant 0 : i32
    %cond3A_96 = arith.cmpi ne, %convert_element_type3A_94, %cond3A_95 : i32
    scf.if %cond3A_96 {
      %mul3A_174 = arith.constant 400 : i32
      %mul3A_175 = arith.muli %add3A_91, %mul3A_174 : i32
      %dma_start3A = tpu.memref_slice %arg3[%mul3A_175] : memref<100000xi32, #tpu.memory_space<hbm>> -> memref<400xi32, #tpu.memory_space<hbm>>
      %dma_start3A_176 = tpu.memref_slice %arg3[%mul3A_175] : memref<100000xi32, #tpu.memory_space<hbm>> -> memref<400xi32, #tpu.memory_space<hbm>>
      tpu.enqueue_dma source(%dma_start3A_176 : memref<400xi32, #tpu.memory_space<hbm>>) target(%arg10 : memref<400xi32, #tpu.memory_space<vmem>>) target_semaphore(%arg28 : memref<!tpu.dma_semaphore, #tpu.memory_space<semaphore_mem>>)
      %jit3A = arith.constant 5 : i32
      %div3A = arith.divsi %add3A_91, %jit3A : i32
      %sign3A = arith.constant 0 : i32
      %sign3A_177 = arith.cmpi sgt, %add3A_91, %sign3A : i32
      %sign3A_178 = arith.extui %sign3A_177 : i1 to i32
      %sign3A_179 = arith.constant 0 : i32
      %sign3A_180 = arith.cmpi slt, %add3A_91, %sign3A_179 : i32
      %sign3A_181 = arith.extui %sign3A_180 : i1 to i32
      %sign3A_182 = arith.subi %sign3A_178, %sign3A_181 : i32
      %sign3A_183 = arith.constant 0 : i32
      %sign3A_184 = arith.cmpi sgt, %jit3A, %sign3A_183 : i32
      %sign3A_185 = arith.extui %sign3A_184 : i1 to i32
      %sign3A_186 = arith.constant 0 : i32
      %sign3A_187 = arith.cmpi slt, %jit3A, %sign3A_186 : i32
      %sign3A_188 = arith.extui %sign3A_187 : i1 to i32
      %sign3A_189 = arith.subi %sign3A_185, %sign3A_188 : i32
      %ne3A = arith.cmpi ne, %sign3A_182, %sign3A_189 : i32
      %rem3A = arith.remsi %add3A_91, %jit3A : i32
      %ne3A_190 = arith.constant 0 : i32
      %ne3A_191 = arith.cmpi ne, %rem3A, %ne3A_190 : i32
      %and3A = arith.andi %ne3A, %ne3A_191 : i1
      %sub3A = arith.constant 1 : i32
      %sub3A_192 = arith.subi %div3A, %sub3A : i32
      %select_n3A = arith.select %and3A, %sub3A_192, %div3A : i32
      %jit3A_193 = arith.constant 5 : i32
      %eq3A = arith.constant 0 : i32
      %eq3A_194 = arith.cmpi eq, %jit3A_193, %eq3A : i32
      %jit3A_195 = arith.constant 1 : i32
      %select_n3A_196 = arith.select %eq3A_194, %jit3A_195, %jit3A_193 : i32
      %rem3A_197 = arith.remsi %add3A_91, %select_n3A_196 : i32
      %ne3A_198 = arith.constant 0 : i32
      %ne3A_199 = arith.cmpi ne, %rem3A_197, %ne3A_198 : i32
      %lt3A_200 = arith.constant 0 : i32
      %lt3A_201 = arith.cmpi slt, %rem3A_197, %lt3A_200 : i32
      %lt3A_202 = arith.constant 0 : i32
      %lt3A_203 = arith.cmpi slt, %select_n3A_196, %lt3A_202 : i32
      %ne3A_204 = arith.xori %lt3A_201, %lt3A_203 : i1
      %and3A_205 = arith.andi %ne3A_204, %ne3A_199 : i1
      %add3A_206 = arith.addi %rem3A_197, %select_n3A_196 : i32
      %select_n3A_207 = arith.select %and3A_205, %add3A_206, %rem3A_197 : i32
      %dma_start3A_208 = arith.constant 0 : i32
      %dma_start3A_209 = arith.constant 0 : i32
      %dma_start3A_210 = tpu.memref_slice %arg2[%select_n3A, %select_n3A_207, %dma_start3A_208, %dma_start3A_209] : memref<50x5x4x400xf32, #tpu.memory_space<hbm>> -> memref<1x1x4x400xf32, #tpu.memory_space<hbm>>
      %dma_start3A_211 = tpu.memref_squeeze %dma_start3A_210 : memref<1x1x4x400xf32, #tpu.memory_space<hbm>> -> memref<4x400xf32, #tpu.memory_space<hbm>>
      %dma_start3A_212 = arith.constant 0 : i32
      %dma_start3A_213 = arith.constant 0 : i32
      %dma_start3A_214 = tpu.memref_slice %arg2[%select_n3A, %select_n3A_207, %dma_start3A_212, %dma_start3A_213] : memref<50x5x4x400xf32, #tpu.memory_space<hbm>> -> memref<1x1x4x400xf32, #tpu.memory_space<hbm>>
      %dma_start3A_215 = tpu.memref_squeeze %dma_start3A_214 : memref<1x1x4x400xf32, #tpu.memory_space<hbm>> -> memref<4x400xf32, #tpu.memory_space<hbm>>
      tpu.enqueue_dma source(%dma_start3A_215 : memref<4x400xf32, #tpu.memory_space<hbm>>) target(%arg18 : memref<4x400xf32, #tpu.memory_space<vmem>>) target_semaphore(%arg28 : memref<!tpu.dma_semaphore, #tpu.memory_space<semaphore_mem>>)
    } else {
    }
    %add3A_97 = arith.constant 160 : i32
    %add3A_98 = arith.addi %add3A, %add3A_97 : i32
    %lt3A_99 = arith.constant 250 : i32
    %lt3A_100 = arith.cmpi slt, %add3A_98, %lt3A_99 : i32
    %convert_element_type3A_101 = arith.extui %lt3A_100 : i1 to i32
    %cond3A_102 = arith.constant 0 : i32
    %cond3A_103 = arith.cmpi ne, %convert_element_type3A_101, %cond3A_102 : i32
    scf.if %cond3A_103 {
      %mul3A_174 = arith.constant 400 : i32
      %mul3A_175 = arith.muli %add3A_98, %mul3A_174 : i32
      %dma_start3A = tpu.memref_slice %arg3[%mul3A_175] : memref<100000xi32, #tpu.memory_space<hbm>> -> memref<400xi32, #tpu.memory_space<hbm>>
      %dma_start3A_176 = tpu.memref_slice %arg3[%mul3A_175] : memref<100000xi32, #tpu.memory_space<hbm>> -> memref<400xi32, #tpu.memory_space<hbm>>
      tpu.enqueue_dma source(%dma_start3A_176 : memref<400xi32, #tpu.memory_space<hbm>>) target(%arg11 : memref<400xi32, #tpu.memory_space<vmem>>) target_semaphore(%arg29 : memref<!tpu.dma_semaphore, #tpu.memory_space<semaphore_mem>>)
      %jit3A = arith.constant 5 : i32
      %div3A = arith.divsi %add3A_98, %jit3A : i32
      %sign3A = arith.constant 0 : i32
      %sign3A_177 = arith.cmpi sgt, %add3A_98, %sign3A : i32
      %sign3A_178 = arith.extui %sign3A_177 : i1 to i32
      %sign3A_179 = arith.constant 0 : i32
      %sign3A_180 = arith.cmpi slt, %add3A_98, %sign3A_179 : i32
      %sign3A_181 = arith.extui %sign3A_180 : i1 to i32
      %sign3A_182 = arith.subi %sign3A_178, %sign3A_181 : i32
      %sign3A_183 = arith.constant 0 : i32
      %sign3A_184 = arith.cmpi sgt, %jit3A, %sign3A_183 : i32
      %sign3A_185 = arith.extui %sign3A_184 : i1 to i32
      %sign3A_186 = arith.constant 0 : i32
      %sign3A_187 = arith.cmpi slt, %jit3A, %sign3A_186 : i32
      %sign3A_188 = arith.extui %sign3A_187 : i1 to i32
      %sign3A_189 = arith.subi %sign3A_185, %sign3A_188 : i32
      %ne3A = arith.cmpi ne, %sign3A_182, %sign3A_189 : i32
      %rem3A = arith.remsi %add3A_98, %jit3A : i32
      %ne3A_190 = arith.constant 0 : i32
      %ne3A_191 = arith.cmpi ne, %rem3A, %ne3A_190 : i32
      %and3A = arith.andi %ne3A, %ne3A_191 : i1
      %sub3A = arith.constant 1 : i32
      %sub3A_192 = arith.subi %div3A, %sub3A : i32
      %select_n3A = arith.select %and3A, %sub3A_192, %div3A : i32
      %jit3A_193 = arith.constant 5 : i32
      %eq3A = arith.constant 0 : i32
      %eq3A_194 = arith.cmpi eq, %jit3A_193, %eq3A : i32
      %jit3A_195 = arith.constant 1 : i32
      %select_n3A_196 = arith.select %eq3A_194, %jit3A_195, %jit3A_193 : i32
      %rem3A_197 = arith.remsi %add3A_98, %select_n3A_196 : i32
      %ne3A_198 = arith.constant 0 : i32
      %ne3A_199 = arith.cmpi ne, %rem3A_197, %ne3A_198 : i32
      %lt3A_200 = arith.constant 0 : i32
      %lt3A_201 = arith.cmpi slt, %rem3A_197, %lt3A_200 : i32
      %lt3A_202 = arith.constant 0 : i32
      %lt3A_203 = arith.cmpi slt, %select_n3A_196, %lt3A_202 : i32
      %ne3A_204 = arith.xori %lt3A_201, %lt3A_203 : i1
      %and3A_205 = arith.andi %ne3A_204, %ne3A_199 : i1
      %add3A_206 = arith.addi %rem3A_197, %select_n3A_196 : i32
      %select_n3A_207 = arith.select %and3A_205, %add3A_206, %rem3A_197 : i32
      %dma_start3A_208 = arith.constant 0 : i32
      %dma_start3A_209 = arith.constant 0 : i32
      %dma_start3A_210 = tpu.memref_slice %arg2[%select_n3A, %select_n3A_207, %dma_start3A_208, %dma_start3A_209] : memref<50x5x4x400xf32, #tpu.memory_space<hbm>> -> memref<1x1x4x400xf32, #tpu.memory_space<hbm>>
      %dma_start3A_211 = tpu.memref_squeeze %dma_start3A_210 : memref<1x1x4x400xf32, #tpu.memory_space<hbm>> -> memref<4x400xf32, #tpu.memory_space<hbm>>
      %dma_start3A_212 = arith.constant 0 : i32
      %dma_start3A_213 = arith.constant 0 : i32
      %dma_start3A_214 = tpu.memref_slice %arg2[%select_n3A, %select_n3A_207, %dma_start3A_212, %dma_start3A_213] : memref<50x5x4x400xf32, #tpu.memory_space<hbm>> -> memref<1x1x4x400xf32, #tpu.memory_space<hbm>>
      %dma_start3A_215 = tpu.memref_squeeze %dma_start3A_214 : memref<1x1x4x400xf32, #tpu.memory_space<hbm>> -> memref<4x400xf32, #tpu.memory_space<hbm>>
      tpu.enqueue_dma source(%dma_start3A_215 : memref<4x400xf32, #tpu.memory_space<hbm>>) target(%arg19 : memref<4x400xf32, #tpu.memory_space<vmem>>) target_semaphore(%arg29 : memref<!tpu.dma_semaphore, #tpu.memory_space<semaphore_mem>>)
    } else {
    }
    %add3A_104 = arith.constant 192 : i32
    %add3A_105 = arith.addi %add3A, %add3A_104 : i32
    %lt3A_106 = arith.constant 250 : i32
    %lt3A_107 = arith.cmpi slt, %add3A_105, %lt3A_106 : i32
    %convert_element_type3A_108 = arith.extui %lt3A_107 : i1 to i32
    %cond3A_109 = arith.constant 0 : i32
    %cond3A_110 = arith.cmpi ne, %convert_element_type3A_108, %cond3A_109 : i32
    scf.if %cond3A_110 {
      %mul3A_174 = arith.constant 400 : i32
      %mul3A_175 = arith.muli %add3A_105, %mul3A_174 : i32
      %dma_start3A = tpu.memref_slice %arg3[%mul3A_175] : memref<100000xi32, #tpu.memory_space<hbm>> -> memref<400xi32, #tpu.memory_space<hbm>>
      %dma_start3A_176 = tpu.memref_slice %arg3[%mul3A_175] : memref<100000xi32, #tpu.memory_space<hbm>> -> memref<400xi32, #tpu.memory_space<hbm>>
      tpu.enqueue_dma source(%dma_start3A_176 : memref<400xi32, #tpu.memory_space<hbm>>) target(%arg12 : memref<400xi32, #tpu.memory_space<vmem>>) target_semaphore(%arg30 : memref<!tpu.dma_semaphore, #tpu.memory_space<semaphore_mem>>)
      %jit3A = arith.constant 5 : i32
      %div3A = arith.divsi %add3A_105, %jit3A : i32
      %sign3A = arith.constant 0 : i32
      %sign3A_177 = arith.cmpi sgt, %add3A_105, %sign3A : i32
      %sign3A_178 = arith.extui %sign3A_177 : i1 to i32
      %sign3A_179 = arith.constant 0 : i32
      %sign3A_180 = arith.cmpi slt, %add3A_105, %sign3A_179 : i32
      %sign3A_181 = arith.extui %sign3A_180 : i1 to i32
      %sign3A_182 = arith.subi %sign3A_178, %sign3A_181 : i32
      %sign3A_183 = arith.constant 0 : i32
      %sign3A_184 = arith.cmpi sgt, %jit3A, %sign3A_183 : i32
      %sign3A_185 = arith.extui %sign3A_184 : i1 to i32
      %sign3A_186 = arith.constant 0 : i32
      %sign3A_187 = arith.cmpi slt, %jit3A, %sign3A_186 : i32
      %sign3A_188 = arith.extui %sign3A_187 : i1 to i32
      %sign3A_189 = arith.subi %sign3A_185, %sign3A_188 : i32
      %ne3A = arith.cmpi ne, %sign3A_182, %sign3A_189 : i32
      %rem3A = arith.remsi %add3A_105, %jit3A : i32
      %ne3A_190 = arith.constant 0 : i32
      %ne3A_191 = arith.cmpi ne, %rem3A, %ne3A_190 : i32
      %and3A = arith.andi %ne3A, %ne3A_191 : i1
      %sub3A = arith.constant 1 : i32
      %sub3A_192 = arith.subi %div3A, %sub3A : i32
      %select_n3A = arith.select %and3A, %sub3A_192, %div3A : i32
      %jit3A_193 = arith.constant 5 : i32
      %eq3A = arith.constant 0 : i32
      %eq3A_194 = arith.cmpi eq, %jit3A_193, %eq3A : i32
      %jit3A_195 = arith.constant 1 : i32
      %select_n3A_196 = arith.select %eq3A_194, %jit3A_195, %jit3A_193 : i32
      %rem3A_197 = arith.remsi %add3A_105, %select_n3A_196 : i32
      %ne3A_198 = arith.constant 0 : i32
      %ne3A_199 = arith.cmpi ne, %rem3A_197, %ne3A_198 : i32
      %lt3A_200 = arith.constant 0 : i32
      %lt3A_201 = arith.cmpi slt, %rem3A_197, %lt3A_200 : i32
      %lt3A_202 = arith.constant 0 : i32
      %lt3A_203 = arith.cmpi slt, %select_n3A_196, %lt3A_202 : i32
      %ne3A_204 = arith.xori %lt3A_201, %lt3A_203 : i1
      %and3A_205 = arith.andi %ne3A_204, %ne3A_199 : i1
      %add3A_206 = arith.addi %rem3A_197, %select_n3A_196 : i32
      %select_n3A_207 = arith.select %and3A_205, %add3A_206, %rem3A_197 : i32
      %dma_start3A_208 = arith.constant 0 : i32
      %dma_start3A_209 = arith.constant 0 : i32
      %dma_start3A_210 = tpu.memref_slice %arg2[%select_n3A, %select_n3A_207, %dma_start3A_208, %dma_start3A_209] : memref<50x5x4x400xf32, #tpu.memory_space<hbm>> -> memref<1x1x4x400xf32, #tpu.memory_space<hbm>>
      %dma_start3A_211 = tpu.memref_squeeze %dma_start3A_210 : memref<1x1x4x400xf32, #tpu.memory_space<hbm>> -> memref<4x400xf32, #tpu.memory_space<hbm>>
      %dma_start3A_212 = arith.constant 0 : i32
      %dma_start3A_213 = arith.constant 0 : i32
      %dma_start3A_214 = tpu.memref_slice %arg2[%select_n3A, %select_n3A_207, %dma_start3A_212, %dma_start3A_213] : memref<50x5x4x400xf32, #tpu.memory_space<hbm>> -> memref<1x1x4x400xf32, #tpu.memory_space<hbm>>
      %dma_start3A_215 = tpu.memref_squeeze %dma_start3A_214 : memref<1x1x4x400xf32, #tpu.memory_space<hbm>> -> memref<4x400xf32, #tpu.memory_space<hbm>>
      tpu.enqueue_dma source(%dma_start3A_215 : memref<4x400xf32, #tpu.memory_space<hbm>>) target(%arg20 : memref<4x400xf32, #tpu.memory_space<vmem>>) target_semaphore(%arg30 : memref<!tpu.dma_semaphore, #tpu.memory_space<semaphore_mem>>)
    } else {
    }
    %add3A_111 = arith.constant 224 : i32
    %add3A_112 = arith.addi %add3A, %add3A_111 : i32
    %lt3A_113 = arith.constant 250 : i32
    %lt3A_114 = arith.cmpi slt, %add3A_112, %lt3A_113 : i32
    %convert_element_type3A_115 = arith.extui %lt3A_114 : i1 to i32
    %cond3A_116 = arith.constant 0 : i32
    %cond3A_117 = arith.cmpi ne, %convert_element_type3A_115, %cond3A_116 : i32
    scf.if %cond3A_117 {
      %mul3A_174 = arith.constant 400 : i32
      %mul3A_175 = arith.muli %add3A_112, %mul3A_174 : i32
      %dma_start3A = tpu.memref_slice %arg3[%mul3A_175] : memref<100000xi32, #tpu.memory_space<hbm>> -> memref<400xi32, #tpu.memory_space<hbm>>
      %dma_start3A_176 = tpu.memref_slice %arg3[%mul3A_175] : memref<100000xi32, #tpu.memory_space<hbm>> -> memref<400xi32, #tpu.memory_space<hbm>>
      tpu.enqueue_dma source(%dma_start3A_176 : memref<400xi32, #tpu.memory_space<hbm>>) target(%arg13 : memref<400xi32, #tpu.memory_space<vmem>>) target_semaphore(%arg31 : memref<!tpu.dma_semaphore, #tpu.memory_space<semaphore_mem>>)
      %jit3A = arith.constant 5 : i32
      %div3A = arith.divsi %add3A_112, %jit3A : i32
      %sign3A = arith.constant 0 : i32
      %sign3A_177 = arith.cmpi sgt, %add3A_112, %sign3A : i32
      %sign3A_178 = arith.extui %sign3A_177 : i1 to i32
      %sign3A_179 = arith.constant 0 : i32
      %sign3A_180 = arith.cmpi slt, %add3A_112, %sign3A_179 : i32
      %sign3A_181 = arith.extui %sign3A_180 : i1 to i32
      %sign3A_182 = arith.subi %sign3A_178, %sign3A_181 : i32
      %sign3A_183 = arith.constant 0 : i32
      %sign3A_184 = arith.cmpi sgt, %jit3A, %sign3A_183 : i32
      %sign3A_185 = arith.extui %sign3A_184 : i1 to i32
      %sign3A_186 = arith.constant 0 : i32
      %sign3A_187 = arith.cmpi slt, %jit3A, %sign3A_186 : i32
      %sign3A_188 = arith.extui %sign3A_187 : i1 to i32
      %sign3A_189 = arith.subi %sign3A_185, %sign3A_188 : i32
      %ne3A = arith.cmpi ne, %sign3A_182, %sign3A_189 : i32
      %rem3A = arith.remsi %add3A_112, %jit3A : i32
      %ne3A_190 = arith.constant 0 : i32
      %ne3A_191 = arith.cmpi ne, %rem3A, %ne3A_190 : i32
      %and3A = arith.andi %ne3A, %ne3A_191 : i1
      %sub3A = arith.constant 1 : i32
      %sub3A_192 = arith.subi %div3A, %sub3A : i32
      %select_n3A = arith.select %and3A, %sub3A_192, %div3A : i32
      %jit3A_193 = arith.constant 5 : i32
      %eq3A = arith.constant 0 : i32
      %eq3A_194 = arith.cmpi eq, %jit3A_193, %eq3A : i32
      %jit3A_195 = arith.constant 1 : i32
      %select_n3A_196 = arith.select %eq3A_194, %jit3A_195, %jit3A_193 : i32
      %rem3A_197 = arith.remsi %add3A_112, %select_n3A_196 : i32
      %ne3A_198 = arith.constant 0 : i32
      %ne3A_199 = arith.cmpi ne, %rem3A_197, %ne3A_198 : i32
      %lt3A_200 = arith.constant 0 : i32
      %lt3A_201 = arith.cmpi slt, %rem3A_197, %lt3A_200 : i32
      %lt3A_202 = arith.constant 0 : i32
      %lt3A_203 = arith.cmpi slt, %select_n3A_196, %lt3A_202 : i32
      %ne3A_204 = arith.xori %lt3A_201, %lt3A_203 : i1
      %and3A_205 = arith.andi %ne3A_204, %ne3A_199 : i1
      %add3A_206 = arith.addi %rem3A_197, %select_n3A_196 : i32
      %select_n3A_207 = arith.select %and3A_205, %add3A_206, %rem3A_197 : i32
      %dma_start3A_208 = arith.constant 0 : i32
      %dma_start3A_209 = arith.constant 0 : i32
      %dma_start3A_210 = tpu.memref_slice %arg2[%select_n3A, %select_n3A_207, %dma_start3A_208, %dma_start3A_209] : memref<50x5x4x400xf32, #tpu.memory_space<hbm>> -> memref<1x1x4x400xf32, #tpu.memory_space<hbm>>
      %dma_start3A_211 = tpu.memref_squeeze %dma_start3A_210 : memref<1x1x4x400xf32, #tpu.memory_space<hbm>> -> memref<4x400xf32, #tpu.memory_space<hbm>>
      %dma_start3A_212 = arith.constant 0 : i32
      %dma_start3A_213 = arith.constant 0 : i32
      %dma_start3A_214 = tpu.memref_slice %arg2[%select_n3A, %select_n3A_207, %dma_start3A_212, %dma_start3A_213] : memref<50x5x4x400xf32, #tpu.memory_space<hbm>> -> memref<1x1x4x400xf32, #tpu.memory_space<hbm>>
      %dma_start3A_215 = tpu.memref_squeeze %dma_start3A_214 : memref<1x1x4x400xf32, #tpu.memory_space<hbm>> -> memref<4x400xf32, #tpu.memory_space<hbm>>
      tpu.enqueue_dma source(%dma_start3A_215 : memref<4x400xf32, #tpu.memory_space<hbm>>) target(%arg21 : memref<4x400xf32, #tpu.memory_space<vmem>>) target_semaphore(%arg31 : memref<!tpu.dma_semaphore, #tpu.memory_space<semaphore_mem>>)
    } else {
    }
    %add3A_118 = arith.constant 0 : i32
    %add3A_119 = arith.addi %add3A, %add3A_118 : i32
    %lt3A_120 = arith.constant 250 : i32
    %lt3A_121 = arith.cmpi slt, %add3A_119, %lt3A_120 : i32
    %convert_element_type3A_122 = arith.extui %lt3A_121 : i1 to i32
    %cond3A_123 = arith.constant 0 : i32
    %cond3A_124 = arith.cmpi ne, %convert_element_type3A_122, %cond3A_123 : i32
    scf.if %cond3A_124 {
      %dma_wait3A = arith.constant 0 : i32
      %dma_wait3A_174 = tpu.memref_slice %arg3[%dma_wait3A] : memref<100000xi32, #tpu.memory_space<hbm>> -> memref<400xi32, #tpu.memory_space<hbm>>
      %dma_wait3A_175 = arith.constant 0 : i32
      %dma_wait3A_176 = tpu.memref_slice %arg3[%dma_wait3A_175] : memref<100000xi32, #tpu.memory_space<hbm>> -> memref<400xi32, #tpu.memory_space<hbm>>
      tpu.wait_dma2 semaphore(%arg24 : memref<!tpu.dma_semaphore, #tpu.memory_space<semaphore_mem>>) src(%dma_wait3A_176 : memref<400xi32, #tpu.memory_space<hbm>>) dst(%arg6 : memref<400xi32, #tpu.memory_space<vmem>>)
      %dma_wait3A_177 = arith.constant 0 : i32
      %dma_wait3A_178 = arith.constant 0 : i32
      %dma_wait3A_179 = arith.constant 0 : i32
      %dma_wait3A_180 = arith.constant 0 : i32
      %dma_wait3A_181 = tpu.memref_slice %arg2[%dma_wait3A_177, %dma_wait3A_178, %dma_wait3A_179, %dma_wait3A_180] : memref<50x5x4x400xf32, #tpu.memory_space<hbm>> -> memref<1x1x4x400xf32, #tpu.memory_space<hbm>>
      %dma_wait3A_182 = tpu.memref_squeeze %dma_wait3A_181 : memref<1x1x4x400xf32, #tpu.memory_space<hbm>> -> memref<4x400xf32, #tpu.memory_space<hbm>>
      %dma_wait3A_183 = arith.constant 0 : i32
      %dma_wait3A_184 = arith.constant 0 : i32
      %dma_wait3A_185 = tpu.memref_slice %arg2[%dma_wait3A_177, %dma_wait3A_178, %dma_wait3A_183, %dma_wait3A_184] : memref<50x5x4x400xf32, #tpu.memory_space<hbm>> -> memref<1x1x4x400xf32, #tpu.memory_space<hbm>>
      %dma_wait3A_186 = tpu.memref_squeeze %dma_wait3A_185 : memref<1x1x4x400xf32, #tpu.memory_space<hbm>> -> memref<4x400xf32, #tpu.memory_space<hbm>>
      tpu.wait_dma2 semaphore(%arg24 : memref<!tpu.dma_semaphore, #tpu.memory_space<semaphore_mem>>) src(%dma_wait3A_186 : memref<4x400xf32, #tpu.memory_space<hbm>>) dst(%arg14 : memref<4x400xf32, #tpu.memory_space<vmem>>)
      %scan3A = arith.constant 0 : i32
      %scan3A_187 = arith.constant 0 : i32
      %scan3A_188 = arith.constant 5 : i32
      %scan3A_189 = arith.addi %scan3A_187, %scan3A_188 : i32
      %scan3A_190 = arith.constant 1 : i32
      scf.for %scan3A_192 = %scan3A_187 to %scan3A_189 step %scan3A_190  : i32 {
        %mul3A_193 = arith.constant 5 : i32
        %mul3A_194 = arith.muli %scan3A_192, %mul3A_193 : i32
        %add3A_195 = arith.constant 0 : i32
        %add3A_196 = arith.addi %mul3A_194, %add3A_195 : i32
        %mul3A_197 = arith.constant 16 : i32
        %mul3A_198 = arith.muli %add3A_196, %mul3A_197 : i32
        %get3A = arith.index_cast %mul3A_198 : i32 to index
        %get3A_199 = tpu.vector_load %arg6[%get3A] {strides = array<i32>} : memref<400xi32, #tpu.memory_space<vmem>>, vector<16xi32>,
        %mul3A_200 = arith.constant 8 : i32
        %mul3A_201 = vector.broadcast %mul3A_200 : i32 to vector<16xi32>
        %mul3A_202 = arith.muli %get3A_199, %mul3A_201 : vector<16xi32>
        %get3A_203 = arith.constant 0 : i32
        %get3A_204 = arith.index_cast %get3A_203 : i32 to index
        %get3A_205 = arith.index_cast %mul3A_198 : i32 to index
        %get3A_206 = tpu.vector_load %arg14[%get3A_204, %get3A_205] {strides = array<i32>} : memref<4x400xf32, #tpu.memory_space<vmem>>, vector<16xf32>,
        %add3A_207 = arith.constant 0 : i32
        %add3A_208 = vector.broadcast %add3A_207 : i32 to vector<16xi32>
        %add3A_209 = arith.addi %mul3A_202, %add3A_208 : vector<16xi32>
        %gather3A = tpu.vector_load_idx %arg22[%add3A_209] : memref<512xf32, #tpu.memory_space<vmem>>[vector<16xi32>], vector<16xf32>,
        %sub3A = arith.subf %get3A_206, %gather3A : vector<16xf32>
        %exp3A = math.exp %sub3A : vector<16xf32>
        tpu.vector_store_idx %arg23[%add3A_209], %exp3A {add = true} : memref<512xf32, #tpu.memory_space<vmem>>[vector<16xi32>], vector<16xf32>,
        %get3A_210 = arith.constant 1 : i32
        %get3A_211 = arith.index_cast %get3A_210 : i32 to index
        %get3A_212 = arith.index_cast %mul3A_198 : i32 to index
        %get3A_213 = tpu.vector_load %arg14[%get3A_211, %get3A_212] {strides = array<i32>} : memref<4x400xf32, #tpu.memory_space<vmem>>, vector<16xf32>,
        %add3A_214 = arith.constant 1 : i32
        %add3A_215 = vector.broadcast %add3A_214 : i32 to vector<16xi32>
        %add3A_216 = arith.addi %mul3A_202, %add3A_215 : vector<16xi32>
        %gather3A_217 = tpu.vector_load_idx %arg22[%add3A_216] : memref<512xf32, #tpu.memory_space<vmem>>[vector<16xi32>], vector<16xf32>,
        %sub3A_218 = arith.subf %get3A_213, %gather3A_217 : vector<16xf32>
        %exp3A_219 = math.exp %sub3A_218 : vector<16xf32>
        tpu.vector_store_idx %arg23[%add3A_216], %exp3A_219 {add = true} : memref<512xf32, #tpu.memory_space<vmem>>[vector<16xi32>], vector<16xf32>,
        %get3A_220 = arith.constant 2 : i32
        %get3A_221 = arith.index_cast %get3A_220 : i32 to index
        %get3A_222 = arith.index_cast %mul3A_198 : i32 to index
        %get3A_223 = tpu.vector_load %arg14[%get3A_221, %get3A_222] {strides = array<i32>} : memref<4x400xf32, #tpu.memory_space<vmem>>, vector<16xf32>,
        %add3A_224 = arith.constant 2 : i32
        %add3A_225 = vector.broadcast %add3A_224 : i32 to vector<16xi32>
        %add3A_226 = arith.addi %mul3A_202, %add3A_225 : vector<16xi32>
        %gather3A_227 = tpu.vector_load_idx %arg22[%add3A_226] : memref<512xf32, #tpu.memory_space<vmem>>[vector<16xi32>], vector<16xf32>,
        %sub3A_228 = arith.subf %get3A_223, %gather3A_227 : vector<16xf32>
        %exp3A_229 = math.exp %sub3A_228 : vector<16xf32>
        tpu.vector_store_idx %arg23[%add3A_226], %exp3A_229 {add = true} : memref<512xf32, #tpu.memory_space<vmem>>[vector<16xi32>], vector<16xf32>,
        %get3A_230 = arith.constant 3 : i32
        %get3A_231 = arith.index_cast %get3A_230 : i32 to index
        %get3A_232 = arith.index_cast %mul3A_198 : i32 to index
        %get3A_233 = tpu.vector_load %arg14[%get3A_231, %get3A_232] {strides = array<i32>} : memref<4x400xf32, #tpu.memory_space<vmem>>, vector<16xf32>,
        %add3A_234 = arith.constant 3 : i32
        %add3A_235 = vector.broadcast %add3A_234 : i32 to vector<16xi32>
        %add3A_236 = arith.addi %mul3A_202, %add3A_235 : vector<16xi32>
        %gather3A_237 = tpu.vector_load_idx %arg22[%add3A_236] : memref<512xf32, #tpu.memory_space<vmem>>[vector<16xi32>], vector<16xf32>,
        %sub3A_238 = arith.subf %get3A_233, %gather3A_237 : vector<16xf32>
        %exp3A_239 = math.exp %sub3A_238 : vector<16xf32>
        tpu.vector_store_idx %arg23[%add3A_236], %exp3A_239 {add = true} : memref<512xf32, #tpu.memory_space<vmem>>[vector<16xi32>], vector<16xf32>,
        %mul3A_240 = arith.constant 5 : i32
        %mul3A_241 = arith.muli %scan3A_192, %mul3A_240 : i32
        %add3A_242 = arith.constant 1 : i32
        %add3A_243 = arith.addi %mul3A_241, %add3A_242 : i32
        %mul3A_244 = arith.constant 16 : i32
        %mul3A_245 = arith.muli %add3A_243, %mul3A_244 : i32
        %get3A_246 = arith.index_cast %mul3A_245 : i32 to index
        %get3A_247 = tpu.vector_load %arg6[%get3A_246] {strides = array<i32>} : memref<400xi32, #tpu.memory_space<vmem>>, vector<16xi32>,
        %mul3A_248 = arith.constant 8 : i32
        %mul3A_249 = vector.broadcast %mul3A_248 : i32 to vector<16xi32>
        %mul3A_250 = arith.muli %get3A_247, %mul3A_249 : vector<16xi32>
        %get3A_251 = arith.constant 0 : i32
        %get3A_252 = arith.index_cast %get3A_251 : i32 to index
        %get3A_253 = arith.index_cast %mul3A_245 : i32 to index
        %get3A_254 = tpu.vector_load %arg14[%get3A_252, %get3A_253] {strides = array<i32>} : memref<4x400xf32, #tpu.memory_space<vmem>>, vector<16xf32>,
        %add3A_255 = arith.constant 0 : i32
        %add3A_256 = vector.broadcast %add3A_255 : i32 to vector<16xi32>
        %add3A_257 = arith.addi %mul3A_250, %add3A_256 : vector<16xi32>
        %gather3A_258 = tpu.vector_load_idx %arg22[%add3A_257] : memref<512xf32, #tpu.memory_space<vmem>>[vector<16xi32>], vector<16xf32>,
        %sub3A_259 = arith.subf %get3A_254, %gather3A_258 : vector<16xf32>
        %exp3A_260 = math.exp %sub3A_259 : vector<16xf32>
        tpu.vector_store_idx %arg23[%add3A_257], %exp3A_260 {add = true} : memref<512xf32, #tpu.memory_space<vmem>>[vector<16xi32>], vector<16xf32>,
        %get3A_261 = arith.constant 1 : i32
        %get3A_262 = arith.index_cast %get3A_261 : i32 to index
        %get3A_263 = arith.index_cast %mul3A_245 : i32 to index
        %get3A_264 = tpu.vector_load %arg14[%get3A_262, %get3A_263] {strides = array<i32>} : memref<4x400xf32, #tpu.memory_space<vmem>>, vector<16xf32>,
        %add3A_265 = arith.constant 1 : i32
        %add3A_266 = vector.broadcast %add3A_265 : i32 to vector<16xi32>
        %add3A_267 = arith.addi %mul3A_250, %add3A_266 : vector<16xi32>
        %gather3A_268 = tpu.vector_load_idx %arg22[%add3A_267] : memref<512xf32, #tpu.memory_space<vmem>>[vector<16xi32>], vector<16xf32>,
        %sub3A_269 = arith.subf %get3A_264, %gather3A_268 : vector<16xf32>
        %exp3A_270 = math.exp %sub3A_269 : vector<16xf32>
        tpu.vector_store_idx %arg23[%add3A_267], %exp3A_270 {add = true} : memref<512xf32, #tpu.memory_space<vmem>>[vector<16xi32>], vector<16xf32>,
        %get3A_271 = arith.constant 2 : i32
        %get3A_272 = arith.index_cast %get3A_271 : i32 to index
        %get3A_273 = arith.index_cast %mul3A_245 : i32 to index
        %get3A_274 = tpu.vector_load %arg14[%get3A_272, %get3A_273] {strides = array<i32>} : memref<4x400xf32, #tpu.memory_space<vmem>>, vector<16xf32>,
        %add3A_275 = arith.constant 2 : i32
        %add3A_276 = vector.broadcast %add3A_275 : i32 to vector<16xi32>
        %add3A_277 = arith.addi %mul3A_250, %add3A_276 : vector<16xi32>
        %gather3A_278 = tpu.vector_load_idx %arg22[%add3A_277] : memref<512xf32, #tpu.memory_space<vmem>>[vector<16xi32>], vector<16xf32>,
        %sub3A_279 = arith.subf %get3A_274, %gather3A_278 : vector<16xf32>
        %exp3A_280 = math.exp %sub3A_279 : vector<16xf32>
        tpu.vector_store_idx %arg23[%add3A_277], %exp3A_280 {add = true} : memref<512xf32, #tpu.memory_space<vmem>>[vector<16xi32>], vector<16xf32>,
        %get3A_281 = arith.constant 3 : i32
        %get3A_282 = arith.index_cast %get3A_281 : i32 to index
        %get3A_283 = arith.index_cast %mul3A_245 : i32 to index
        %get3A_284 = tpu.vector_load %arg14[%get3A_282, %get3A_283] {strides = array<i32>} : memref<4x400xf32, #tpu.memory_space<vmem>>, vector<16xf32>,
        %add3A_285 = arith.constant 3 : i32
        %add3A_286 = vector.broadcast %add3A_285 : i32 to vector<16xi32>
        %add3A_287 = arith.addi %mul3A_250, %add3A_286 : vector<16xi32>
        %gather3A_288 = tpu.vector_load_idx %arg22[%add3A_287] : memref<512xf32, #tpu.memory_space<vmem>>[vector<16xi32>], vector<16xf32>,
        %sub3A_289 = arith.subf %get3A_284, %gather3A_288 : vector<16xf32>
        %exp3A_290 = math.exp %sub3A_289 : vector<16xf32>
        tpu.vector_store_idx %arg23[%add3A_287], %exp3A_290 {add = true} : memref<512xf32, #tpu.memory_space<vmem>>[vector<16xi32>], vector<16xf32>,
        %mul3A_291 = arith.constant 5 : i32
        %mul3A_292 = arith.muli %scan3A_192, %mul3A_291 : i32
        %add3A_293 = arith.constant 2 : i32
        %add3A_294 = arith.addi %mul3A_292, %add3A_293 : i32
        %mul3A_295 = arith.constant 16 : i32
        %mul3A_296 = arith.muli %add3A_294, %mul3A_295 : i32
        %get3A_297 = arith.index_cast %mul3A_296 : i32 to index
        %get3A_298 = tpu.vector_load %arg6[%get3A_297] {strides = array<i32>} : memref<400xi32, #tpu.memory_space<vmem>>, vector<16xi32>,
        %mul3A_299 = arith.constant 8 : i32
        %mul3A_300 = vector.broadcast %mul3A_299 : i32 to vector<16xi32>
        %mul3A_301 = arith.muli %get3A_298, %mul3A_300 : vector<16xi32>
        %get3A_302 = arith.constant 0 : i32
        %get3A_303 = arith.index_cast %get3A_302 : i32 to index
        %get3A_304 = arith.index_cast %mul3A_296 : i32 to index
        %get3A_305 = tpu.vector_load %arg14[%get3A_303, %get3A_304] {strides = array<i32>} : memref<4x400xf32, #tpu.memory_space<vmem>>, vector<16xf32>,
        %add3A_306 = arith.constant 0 : i32
        %add3A_307 = vector.broadcast %add3A_306 : i32 to vector<16xi32>
        %add3A_308 = arith.addi %mul3A_301, %add3A_307 : vector<16xi32>
        %gather3A_309 = tpu.vector_load_idx %arg22[%add3A_308] : memref<512xf32, #tpu.memory_space<vmem>>[vector<16xi32>], vector<16xf32>,
        %sub3A_310 = arith.subf %get3A_305, %gather3A_309 : vector<16xf32>
        %exp3A_311 = math.exp %sub3A_310 : vector<16xf32>
        tpu.vector_store_idx %arg23[%add3A_308], %exp3A_311 {add = true} : memref<512xf32, #tpu.memory_space<vmem>>[vector<16xi32>], vector<16xf32>,
        %get3A_312 = arith.constant 1 : i32
        %get3A_313 = arith.index_cast %get3A_312 : i32 to index
        %get3A_314 = arith.index_cast %mul3A_296 : i32 to index
        %get3A_315 = tpu.vector_load %arg14[%get3A_313, %get3A_314] {strides = array<i32>} : memref<4x400xf32, #tpu.memory_space<vmem>>, vector<16xf32>,
        %add3A_316 = arith.constant 1 : i32
        %add3A_317 = vector.broadcast %add3A_316 : i32 to vector<16xi32>
        %add3A_318 = arith.addi %mul3A_301, %add3A_317 : vector<16xi32>
        %gather3A_319 = tpu.vector_load_idx %arg22[%add3A_318] : memref<512xf32, #tpu.memory_space<vmem>>[vector<16xi32>], vector<16xf32>,
        %sub3A_320 = arith.subf %get3A_315, %gather3A_319 : vector<16xf32>
        %exp3A_321 = math.exp %sub3A_320 : vector<16xf32>
        tpu.vector_store_idx %arg23[%add3A_318], %exp3A_321 {add = true} : memref<512xf32, #tpu.memory_space<vmem>>[vector<16xi32>], vector<16xf32>,
        %get3A_322 = arith.constant 2 : i32
        %get3A_323 = arith.index_cast %get3A_322 : i32 to index
        %get3A_324 = arith.index_cast %mul3A_296 : i32 to index
        %get3A_325 = tpu.vector_load %arg14[%get3A_323, %get3A_324] {strides = array<i32>} : memref<4x400xf32, #tpu.memory_space<vmem>>, vector<16xf32>,
        %add3A_326 = arith.constant 2 : i32
        %add3A_327 = vector.broadcast %add3A_326 : i32 to vector<16xi32>
        %add3A_328 = arith.addi %mul3A_301, %add3A_327 : vector<16xi32>
        %gather3A_329 = tpu.vector_load_idx %arg22[%add3A_328] : memref<512xf32, #tpu.memory_space<vmem>>[vector<16xi32>], vector<16xf32>,
        %sub3A_330 = arith.subf %get3A_325, %gather3A_329 : vector<16xf32>
        %exp3A_331 = math.exp %sub3A_330 : vector<16xf32>
        tpu.vector_store_idx %arg23[%add3A_328], %exp3A_331 {add = true} : memref<512xf32, #tpu.memory_space<vmem>>[vector<16xi32>], vector<16xf32>,
        %get3A_332 = arith.constant 3 : i32
        %get3A_333 = arith.index_cast %get3A_332 : i32 to index
        %get3A_334 = arith.index_cast %mul3A_296 : i32 to index
        %get3A_335 = tpu.vector_load %arg14[%get3A_333, %get3A_334] {strides = array<i32>} : memref<4x400xf32, #tpu.memory_space<vmem>>, vector<16xf32>,
        %add3A_336 = arith.constant 3 : i32
        %add3A_337 = vector.broadcast %add3A_336 : i32 to vector<16xi32>
        %add3A_338 = arith.addi %mul3A_301, %add3A_337 : vector<16xi32>
        %gather3A_339 = tpu.vector_load_idx %arg22[%add3A_338] : memref<512xf32, #tpu.memory_space<vmem>>[vector<16xi32>], vector<16xf32>,
        %sub3A_340 = arith.subf %get3A_335, %gather3A_339 : vector<16xf32>
        %exp3A_341 = math.exp %sub3A_340 : vector<16xf32>
        tpu.vector_store_idx %arg23[%add3A_338], %exp3A_341 {add = true} : memref<512xf32, #tpu.memory_space<vmem>>[vector<16xi32>], vector<16xf32>,
        %mul3A_342 = arith.constant 5 : i32
        %mul3A_343 = arith.muli %scan3A_192, %mul3A_342 : i32
        %add3A_344 = arith.constant 3 : i32
        %add3A_345 = arith.addi %mul3A_343, %add3A_344 : i32
        %mul3A_346 = arith.constant 16 : i32
        %mul3A_347 = arith.muli %add3A_345, %mul3A_346 : i32
        %get3A_348 = arith.index_cast %mul3A_347 : i32 to index
        %get3A_349 = tpu.vector_load %arg6[%get3A_348] {strides = array<i32>} : memref<400xi32, #tpu.memory_space<vmem>>, vector<16xi32>,
        %mul3A_350 = arith.constant 8 : i32
        %mul3A_351 = vector.broadcast %mul3A_350 : i32 to vector<16xi32>
        %mul3A_352 = arith.muli %get3A_349, %mul3A_351 : vector<16xi32>
        %get3A_353 = arith.constant 0 : i32
        %get3A_354 = arith.index_cast %get3A_353 : i32 to index
        %get3A_355 = arith.index_cast %mul3A_347 : i32 to index
        %get3A_356 = tpu.vector_load %arg14[%get3A_354, %get3A_355] {strides = array<i32>} : memref<4x400xf32, #tpu.memory_space<vmem>>, vector<16xf32>,
        %add3A_357 = arith.constant 0 : i32
        %add3A_358 = vector.broadcast %add3A_357 : i32 to vector<16xi32>
        %add3A_359 = arith.addi %mul3A_352, %add3A_358 : vector<16xi32>
        %gather3A_360 = tpu.vector_load_idx %arg22[%add3A_359] : memref<512xf32, #tpu.memory_space<vmem>>[vector<16xi32>], vector<16xf32>,
        %sub3A_361 = arith.subf %get3A_356, %gather3A_360 : vector<16xf32>
        %exp3A_362 = math.exp %sub3A_361 : vector<16xf32>
        tpu.vector_store_idx %arg23[%add3A_359], %exp3A_362 {add = true} : memref<512xf32, #tpu.memory_space<vmem>>[vector<16xi32>], vector<16xf32>,
        %get3A_363 = arith.constant 1 : i32
        %get3A_364 = arith.index_cast %get3A_363 : i32 to index
        %get3A_365 = arith.index_cast %mul3A_347 : i32 to index
        %get3A_366 = tpu.vector_load %arg14[%get3A_364, %get3A_365] {strides = array<i32>} : memref<4x400xf32, #tpu.memory_space<vmem>>, vector<16xf32>,
        %add3A_367 = arith.constant 1 : i32
        %add3A_368 = vector.broadcast %add3A_367 : i32 to vector<16xi32>
        %add3A_369 = arith.addi %mul3A_352, %add3A_368 : vector<16xi32>
        %gather3A_370 = tpu.vector_load_idx %arg22[%add3A_369] : memref<512xf32, #tpu.memory_space<vmem>>[vector<16xi32>], vector<16xf32>,
        %sub3A_371 = arith.subf %get3A_366, %gather3A_370 : vector<16xf32>
        %exp3A_372 = math.exp %sub3A_371 : vector<16xf32>
        tpu.vector_store_idx %arg23[%add3A_369], %exp3A_372 {add = true} : memref<512xf32, #tpu.memory_space<vmem>>[vector<16xi32>], vector<16xf32>,
        %get3A_373 = arith.constant 2 : i32
        %get3A_374 = arith.index_cast %get3A_373 : i32 to index
        %get3A_375 = arith.index_cast %mul3A_347 : i32 to index
        %get3A_376 = tpu.vector_load %arg14[%get3A_374, %get3A_375] {strides = array<i32>} : memref<4x400xf32, #tpu.memory_space<vmem>>, vector<16xf32>,
        %add3A_377 = arith.constant 2 : i32
        %add3A_378 = vector.broadcast %add3A_377 : i32 to vector<16xi32>
        %add3A_379 = arith.addi %mul3A_352, %add3A_378 : vector<16xi32>
        %gather3A_380 = tpu.vector_load_idx %arg22[%add3A_379] : memref<512xf32, #tpu.memory_space<vmem>>[vector<16xi32>], vector<16xf32>,
        %sub3A_381 = arith.subf %get3A_376, %gather3A_380 : vector<16xf32>
        %exp3A_382 = math.exp %sub3A_381 : vector<16xf32>
        tpu.vector_store_idx %arg23[%add3A_379], %exp3A_382 {add = true} : memref<512xf32, #tpu.memory_space<vmem>>[vector<16xi32>], vector<16xf32>,
        %get3A_383 = arith.constant 3 : i32
        %get3A_384 = arith.index_cast %get3A_383 : i32 to index
        %get3A_385 = arith.index_cast %mul3A_347 : i32 to index
        %get3A_386 = tpu.vector_load %arg14[%get3A_384, %get3A_385] {strides = array<i32>} : memref<4x400xf32, #tpu.memory_space<vmem>>, vector<16xf32>,
        %add3A_387 = arith.constant 3 : i32
        %add3A_388 = vector.broadcast %add3A_387 : i32 to vector<16xi32>
        %add3A_389 = arith.addi %mul3A_352, %add3A_388 : vector<16xi32>
        %gather3A_390 = tpu.vector_load_idx %arg22[%add3A_389] : memref<512xf32, #tpu.memory_space<vmem>>[vector<16xi32>], vector<16xf32>,
        %sub3A_391 = arith.subf %get3A_386, %gather3A_390 : vector<16xf32>
        %exp3A_392 = math.exp %sub3A_391 : vector<16xf32>
        tpu.vector_store_idx %arg23[%add3A_389], %exp3A_392 {add = true} : memref<512xf32, #tpu.memory_space<vmem>>[vector<16xi32>], vector<16xf32>,
        %mul3A_393 = arith.constant 5 : i32
        %mul3A_394 = arith.muli %scan3A_192, %mul3A_393 : i32
        %add3A_395 = arith.constant 4 : i32
        %add3A_396 = arith.addi %mul3A_394, %add3A_395 : i32
        %mul3A_397 = arith.constant 16 : i32
        %mul3A_398 = arith.muli %add3A_396, %mul3A_397 : i32
        %get3A_399 = arith.index_cast %mul3A_398 : i32 to index
        %get3A_400 = tpu.vector_load %arg6[%get3A_399] {strides = array<i32>} : memref<400xi32, #tpu.memory_space<vmem>>, vector<16xi32>,
        %mul3A_401 = arith.constant 8 : i32
        %mul3A_402 = vector.broadcast %mul3A_401 : i32 to vector<16xi32>
        %mul3A_403 = arith.muli %get3A_400, %mul3A_402 : vector<16xi32>
        %get3A_404 = arith.constant 0 : i32
        %get3A_405 = arith.index_cast %get3A_404 : i32 to index
        %get3A_406 = arith.index_cast %mul3A_398 : i32 to index
        %get3A_407 = tpu.vector_load %arg14[%get3A_405, %get3A_406] {strides = array<i32>} : memref<4x400xf32, #tpu.memory_space<vmem>>, vector<16xf32>,
        %add3A_408 = arith.constant 0 : i32
        %add3A_409 = vector.broadcast %add3A_408 : i32 to vector<16xi32>
        %add3A_410 = arith.addi %mul3A_403, %add3A_409 : vector<16xi32>
        %gather3A_411 = tpu.vector_load_idx %arg22[%add3A_410] : memref<512xf32, #tpu.memory_space<vmem>>[vector<16xi32>], vector<16xf32>,
        %sub3A_412 = arith.subf %get3A_407, %gather3A_411 : vector<16xf32>
        %exp3A_413 = math.exp %sub3A_412 : vector<16xf32>
        tpu.vector_store_idx %arg23[%add3A_410], %exp3A_413 {add = true} : memref<512xf32, #tpu.memory_space<vmem>>[vector<16xi32>], vector<16xf32>,
        %get3A_414 = arith.constant 1 : i32
        %get3A_415 = arith.index_cast %get3A_414 : i32 to index
        %get3A_416 = arith.index_cast %mul3A_398 : i32 to index
        %get3A_417 = tpu.vector_load %arg14[%get3A_415, %get3A_416] {strides = array<i32>} : memref<4x400xf32, #tpu.memory_space<vmem>>, vector<16xf32>,
        %add3A_418 = arith.constant 1 : i32
        %add3A_419 = vector.broadcast %add3A_418 : i32 to vector<16xi32>
        %add3A_420 = arith.addi %mul3A_403, %add3A_419 : vector<16xi32>
        %gather3A_421 = tpu.vector_load_idx %arg22[%add3A_420] : memref<512xf32, #tpu.memory_space<vmem>>[vector<16xi32>], vector<16xf32>,
        %sub3A_422 = arith.subf %get3A_417, %gather3A_421 : vector<16xf32>
        %exp3A_423 = math.exp %sub3A_422 : vector<16xf32>
        tpu.vector_store_idx %arg23[%add3A_420], %exp3A_423 {add = true} : memref<512xf32, #tpu.memory_space<vmem>>[vector<16xi32>], vector<16xf32>,
        %get3A_424 = arith.constant 2 : i32
        %get3A_425 = arith.index_cast %get3A_424 : i32 to index
        %get3A_426 = arith.index_cast %mul3A_398 : i32 to index
        %get3A_427 = tpu.vector_load %arg14[%get3A_425, %get3A_426] {strides = array<i32>} : memref<4x400xf32, #tpu.memory_space<vmem>>, vector<16xf32>,
        %add3A_428 = arith.constant 2 : i32
        %add3A_429 = vector.broadcast %add3A_428 : i32 to vector<16xi32>
        %add3A_430 = arith.addi %mul3A_403, %add3A_429 : vector<16xi32>
        %gather3A_431 = tpu.vector_load_idx %arg22[%add3A_430] : memref<512xf32, #tpu.memory_space<vmem>>[vector<16xi32>], vector<16xf32>,
        %sub3A_432 = arith.subf %get3A_427, %gather3A_431 : vector<16xf32>
        %exp3A_433 = math.exp %sub3A_432 : vector<16xf32>
        tpu.vector_store_idx %arg23[%add3A_430], %exp3A_433 {add = true} : memref<512xf32, #tpu.memory_space<vmem>>[vector<16xi32>], vector<16xf32>,
        %get3A_434 = arith.constant 3 : i32
        %get3A_435 = arith.index_cast %get3A_434 : i32 to index
        %get3A_436 = arith.index_cast %mul3A_398 : i32 to index
        %get3A_437 = tpu.vector_load %arg14[%get3A_435, %get3A_436] {strides = array<i32>} : memref<4x400xf32, #tpu.memory_space<vmem>>, vector<16xf32>,
        %add3A_438 = arith.constant 3 : i32
        %add3A_439 = vector.broadcast %add3A_438 : i32 to vector<16xi32>
        %add3A_440 = arith.addi %mul3A_403, %add3A_439 : vector<16xi32>
        %gather3A_441 = tpu.vector_load_idx %arg22[%add3A_440] : memref<512xf32, #tpu.memory_space<vmem>>[vector<16xi32>], vector<16xf32>,
        %sub3A_442 = arith.subf %get3A_437, %gather3A_441 : vector<16xf32>
        %exp3A_443 = math.exp %sub3A_442 : vector<16xf32>
        tpu.vector_store_idx %arg23[%add3A_440], %exp3A_443 {add = true} : memref<512xf32, #tpu.memory_space<vmem>>[vector<16xi32>], vector<16xf32>,
      }
      %scan3A_191 = arith.constant 5 : i32
    } else {
    }
    %add3A_125 = arith.constant 32 : i32
    %add3A_126 = arith.addi %add3A, %add3A_125 : i32
    %lt3A_127 = arith.constant 250 : i32
    %lt3A_128 = arith.cmpi slt, %add3A_126, %lt3A_127 : i32
    %convert_element_type3A_129 = arith.extui %lt3A_128 : i1 to i32
    %cond3A_130 = arith.constant 0 : i32
    %cond3A_131 = arith.cmpi ne, %convert_element_type3A_129, %cond3A_130 : i32
    scf.if %cond3A_131 {
      %dma_wait3A = arith.constant 0 : i32
      %dma_wait3A_174 = tpu.memref_slice %arg3[%dma_wait3A] : memref<100000xi32, #tpu.memory_space<hbm>> -> memref<400xi32, #tpu.memory_space<hbm>>
      %dma_wait3A_175 = arith.constant 0 : i32
      %dma_wait3A_176 = tpu.memref_slice %arg3[%dma_wait3A_175] : memref<100000xi32, #tpu.memory_space<hbm>> -> memref<400xi32, #tpu.memory_space<hbm>>
      tpu.wait_dma2 semaphore(%arg25 : memref<!tpu.dma_semaphore, #tpu.memory_space<semaphore_mem>>) src(%dma_wait3A_176 : memref<400xi32, #tpu.memory_space<hbm>>) dst(%arg7 : memref<400xi32, #tpu.memory_space<vmem>>)
      %dma_wait3A_177 = arith.constant 0 : i32
      %dma_wait3A_178 = arith.constant 0 : i32
      %dma_wait3A_179 = arith.constant 0 : i32
      %dma_wait3A_180 = arith.constant 0 : i32
      %dma_wait3A_181 = tpu.memref_slice %arg2[%dma_wait3A_177, %dma_wait3A_178, %dma_wait3A_179, %dma_wait3A_180] : memref<50x5x4x400xf32, #tpu.memory_space<hbm>> -> memref<1x1x4x400xf32, #tpu.memory_space<hbm>>
      %dma_wait3A_182 = tpu.memref_squeeze %dma_wait3A_181 : memref<1x1x4x400xf32, #tpu.memory_space<hbm>> -> memref<4x400xf32, #tpu.memory_space<hbm>>
      %dma_wait3A_183 = arith.constant 0 : i32
      %dma_wait3A_184 = arith.constant 0 : i32
      %dma_wait3A_185 = tpu.memref_slice %arg2[%dma_wait3A_177, %dma_wait3A_178, %dma_wait3A_183, %dma_wait3A_184] : memref<50x5x4x400xf32, #tpu.memory_space<hbm>> -> memref<1x1x4x400xf32, #tpu.memory_space<hbm>>
      %dma_wait3A_186 = tpu.memref_squeeze %dma_wait3A_185 : memref<1x1x4x400xf32, #tpu.memory_space<hbm>> -> memref<4x400xf32, #tpu.memory_space<hbm>>
      tpu.wait_dma2 semaphore(%arg25 : memref<!tpu.dma_semaphore, #tpu.memory_space<semaphore_mem>>) src(%dma_wait3A_186 : memref<4x400xf32, #tpu.memory_space<hbm>>) dst(%arg15 : memref<4x400xf32, #tpu.memory_space<vmem>>)
      %scan3A = arith.constant 0 : i32
      %scan3A_187 = arith.constant 0 : i32
      %scan3A_188 = arith.constant 5 : i32
      %scan3A_189 = arith.addi %scan3A_187, %scan3A_188 : i32
      %scan3A_190 = arith.constant 1 : i32
      scf.for %scan3A_192 = %scan3A_187 to %scan3A_189 step %scan3A_190  : i32 {
        %mul3A_193 = arith.constant 5 : i32
        %mul3A_194 = arith.muli %scan3A_192, %mul3A_193 : i32
        %add3A_195 = arith.constant 0 : i32
        %add3A_196 = arith.addi %mul3A_194, %add3A_195 : i32
        %mul3A_197 = arith.constant 16 : i32
        %mul3A_198 = arith.muli %add3A_196, %mul3A_197 : i32
        %get3A = arith.index_cast %mul3A_198 : i32 to index
        %get3A_199 = tpu.vector_load %arg7[%get3A] {strides = array<i32>} : memref<400xi32, #tpu.memory_space<vmem>>, vector<16xi32>,
        %mul3A_200 = arith.constant 8 : i32
        %mul3A_201 = vector.broadcast %mul3A_200 : i32 to vector<16xi32>
        %mul3A_202 = arith.muli %get3A_199, %mul3A_201 : vector<16xi32>
        %get3A_203 = arith.constant 0 : i32
        %get3A_204 = arith.index_cast %get3A_203 : i32 to index
        %get3A_205 = arith.index_cast %mul3A_198 : i32 to index
        %get3A_206 = tpu.vector_load %arg15[%get3A_204, %get3A_205] {strides = array<i32>} : memref<4x400xf32, #tpu.memory_space<vmem>>, vector<16xf32>,
        %add3A_207 = arith.constant 0 : i32
        %add3A_208 = vector.broadcast %add3A_207 : i32 to vector<16xi32>
        %add3A_209 = arith.addi %mul3A_202, %add3A_208 : vector<16xi32>
        %gather3A = tpu.vector_load_idx %arg22[%add3A_209] : memref<512xf32, #tpu.memory_space<vmem>>[vector<16xi32>], vector<16xf32>,
        %sub3A = arith.subf %get3A_206, %gather3A : vector<16xf32>
        %exp3A = math.exp %sub3A : vector<16xf32>
        tpu.vector_store_idx %arg23[%add3A_209], %exp3A {add = true} : memref<512xf32, #tpu.memory_space<vmem>>[vector<16xi32>], vector<16xf32>,
        %get3A_210 = arith.constant 1 : i32
        %get3A_211 = arith.index_cast %get3A_210 : i32 to index
        %get3A_212 = arith.index_cast %mul3A_198 : i32 to index
        %get3A_213 = tpu.vector_load %arg15[%get3A_211, %get3A_212] {strides = array<i32>} : memref<4x400xf32, #tpu.memory_space<vmem>>, vector<16xf32>,
        %add3A_214 = arith.constant 1 : i32
        %add3A_215 = vector.broadcast %add3A_214 : i32 to vector<16xi32>
        %add3A_216 = arith.addi %mul3A_202, %add3A_215 : vector<16xi32>
        %gather3A_217 = tpu.vector_load_idx %arg22[%add3A_216] : memref<512xf32, #tpu.memory_space<vmem>>[vector<16xi32>], vector<16xf32>,
        %sub3A_218 = arith.subf %get3A_213, %gather3A_217 : vector<16xf32>
        %exp3A_219 = math.exp %sub3A_218 : vector<16xf32>
        tpu.vector_store_idx %arg23[%add3A_216], %exp3A_219 {add = true} : memref<512xf32, #tpu.memory_space<vmem>>[vector<16xi32>], vector<16xf32>,
        %get3A_220 = arith.constant 2 : i32
        %get3A_221 = arith.index_cast %get3A_220 : i32 to index
        %get3A_222 = arith.index_cast %mul3A_198 : i32 to index
        %get3A_223 = tpu.vector_load %arg15[%get3A_221, %get3A_222] {strides = array<i32>} : memref<4x400xf32, #tpu.memory_space<vmem>>, vector<16xf32>,
        %add3A_224 = arith.constant 2 : i32
        %add3A_225 = vector.broadcast %add3A_224 : i32 to vector<16xi32>
        %add3A_226 = arith.addi %mul3A_202, %add3A_225 : vector<16xi32>
        %gather3A_227 = tpu.vector_load_idx %arg22[%add3A_226] : memref<512xf32, #tpu.memory_space<vmem>>[vector<16xi32>], vector<16xf32>,
        %sub3A_228 = arith.subf %get3A_223, %gather3A_227 : vector<16xf32>
        %exp3A_229 = math.exp %sub3A_228 : vector<16xf32>
        tpu.vector_store_idx %arg23[%add3A_226], %exp3A_229 {add = true} : memref<512xf32, #tpu.memory_space<vmem>>[vector<16xi32>], vector<16xf32>,
        %get3A_230 = arith.constant 3 : i32
        %get3A_231 = arith.index_cast %get3A_230 : i32 to index
        %get3A_232 = arith.index_cast %mul3A_198 : i32 to index
        %get3A_233 = tpu.vector_load %arg15[%get3A_231, %get3A_232] {strides = array<i32>} : memref<4x400xf32, #tpu.memory_space<vmem>>, vector<16xf32>,
        %add3A_234 = arith.constant 3 : i32
        %add3A_235 = vector.broadcast %add3A_234 : i32 to vector<16xi32>
        %add3A_236 = arith.addi %mul3A_202, %add3A_235 : vector<16xi32>
        %gather3A_237 = tpu.vector_load_idx %arg22[%add3A_236] : memref<512xf32, #tpu.memory_space<vmem>>[vector<16xi32>], vector<16xf32>,
        %sub3A_238 = arith.subf %get3A_233, %gather3A_237 : vector<16xf32>
        %exp3A_239 = math.exp %sub3A_238 : vector<16xf32>
        tpu.vector_store_idx %arg23[%add3A_236], %exp3A_239 {add = true} : memref<512xf32, #tpu.memory_space<vmem>>[vector<16xi32>], vector<16xf32>,
        %mul3A_240 = arith.constant 5 : i32
        %mul3A_241 = arith.muli %scan3A_192, %mul3A_240 : i32
        %add3A_242 = arith.constant 1 : i32
        %add3A_243 = arith.addi %mul3A_241, %add3A_242 : i32
        %mul3A_244 = arith.constant 16 : i32
        %mul3A_245 = arith.muli %add3A_243, %mul3A_244 : i32
        %get3A_246 = arith.index_cast %mul3A_245 : i32 to index
        %get3A_247 = tpu.vector_load %arg7[%get3A_246] {strides = array<i32>} : memref<400xi32, #tpu.memory_space<vmem>>, vector<16xi32>,
        %mul3A_248 = arith.constant 8 : i32
        %mul3A_249 = vector.broadcast %mul3A_248 : i32 to vector<16xi32>
        %mul3A_250 = arith.muli %get3A_247, %mul3A_249 : vector<16xi32>
        %get3A_251 = arith.constant 0 : i32
        %get3A_252 = arith.index_cast %get3A_251 : i32 to index
        %get3A_253 = arith.index_cast %mul3A_245 : i32 to index
        %get3A_254 = tpu.vector_load %arg15[%get3A_252, %get3A_253] {strides = array<i32>} : memref<4x400xf32, #tpu.memory_space<vmem>>, vector<16xf32>,
        %add3A_255 = arith.constant 0 : i32
        %add3A_256 = vector.broadcast %add3A_255 : i32 to vector<16xi32>
        %add3A_257 = arith.addi %mul3A_250, %add3A_256 : vector<16xi32>
        %gather3A_258 = tpu.vector_load_idx %arg22[%add3A_257] : memref<512xf32, #tpu.memory_space<vmem>>[vector<16xi32>], vector<16xf32>,
        %sub3A_259 = arith.subf %get3A_254, %gather3A_258 : vector<16xf32>
        %exp3A_260 = math.exp %sub3A_259 : vector<16xf32>
        tpu.vector_store_idx %arg23[%add3A_257], %exp3A_260 {add = true} : memref<512xf32, #tpu.memory_space<vmem>>[vector<16xi32>], vector<16xf32>,
        %get3A_261 = arith.constant 1 : i32
        %get3A_262 = arith.index_cast %get3A_261 : i32 to index
        %get3A_263 = arith.index_cast %mul3A_245 : i32 to index
        %get3A_264 = tpu.vector_load %arg15[%get3A_262, %get3A_263] {strides = array<i32>} : memref<4x400xf32, #tpu.memory_space<vmem>>, vector<16xf32>,
        %add3A_265 = arith.constant 1 : i32
        %add3A_266 = vector.broadcast %add3A_265 : i32 to vector<16xi32>
        %add3A_267 = arith.addi %mul3A_250, %add3A_266 : vector<16xi32>
        %gather3A_268 = tpu.vector_load_idx %arg22[%add3A_267] : memref<512xf32, #tpu.memory_space<vmem>>[vector<16xi32>], vector<16xf32>,
        %sub3A_269 = arith.subf %get3A_264, %gather3A_268 : vector<16xf32>
        %exp3A_270 = math.exp %sub3A_269 : vector<16xf32>
        tpu.vector_store_idx %arg23[%add3A_267], %exp3A_270 {add = true} : memref<512xf32, #tpu.memory_space<vmem>>[vector<16xi32>], vector<16xf32>,
        %get3A_271 = arith.constant 2 : i32
        %get3A_272 = arith.index_cast %get3A_271 : i32 to index
        %get3A_273 = arith.index_cast %mul3A_245 : i32 to index
        %get3A_274 = tpu.vector_load %arg15[%get3A_272, %get3A_273] {strides = array<i32>} : memref<4x400xf32, #tpu.memory_space<vmem>>, vector<16xf32>,
        %add3A_275 = arith.constant 2 : i32
        %add3A_276 = vector.broadcast %add3A_275 : i32 to vector<16xi32>
        %add3A_277 = arith.addi %mul3A_250, %add3A_276 : vector<16xi32>
        %gather3A_278 = tpu.vector_load_idx %arg22[%add3A_277] : memref<512xf32, #tpu.memory_space<vmem>>[vector<16xi32>], vector<16xf32>,
        %sub3A_279 = arith.subf %get3A_274, %gather3A_278 : vector<16xf32>
        %exp3A_280 = math.exp %sub3A_279 : vector<16xf32>
        tpu.vector_store_idx %arg23[%add3A_277], %exp3A_280 {add = true} : memref<512xf32, #tpu.memory_space<vmem>>[vector<16xi32>], vector<16xf32>,
        %get3A_281 = arith.constant 3 : i32
        %get3A_282 = arith.index_cast %get3A_281 : i32 to index
        %get3A_283 = arith.index_cast %mul3A_245 : i32 to index
        %get3A_284 = tpu.vector_load %arg15[%get3A_282, %get3A_283] {strides = array<i32>} : memref<4x400xf32, #tpu.memory_space<vmem>>, vector<16xf32>,
        %add3A_285 = arith.constant 3 : i32
        %add3A_286 = vector.broadcast %add3A_285 : i32 to vector<16xi32>
        %add3A_287 = arith.addi %mul3A_250, %add3A_286 : vector<16xi32>
        %gather3A_288 = tpu.vector_load_idx %arg22[%add3A_287] : memref<512xf32, #tpu.memory_space<vmem>>[vector<16xi32>], vector<16xf32>,
        %sub3A_289 = arith.subf %get3A_284, %gather3A_288 : vector<16xf32>
        %exp3A_290 = math.exp %sub3A_289 : vector<16xf32>
        tpu.vector_store_idx %arg23[%add3A_287], %exp3A_290 {add = true} : memref<512xf32, #tpu.memory_space<vmem>>[vector<16xi32>], vector<16xf32>,
        %mul3A_291 = arith.constant 5 : i32
        %mul3A_292 = arith.muli %scan3A_192, %mul3A_291 : i32
        %add3A_293 = arith.constant 2 : i32
        %add3A_294 = arith.addi %mul3A_292, %add3A_293 : i32
        %mul3A_295 = arith.constant 16 : i32
        %mul3A_296 = arith.muli %add3A_294, %mul3A_295 : i32
        %get3A_297 = arith.index_cast %mul3A_296 : i32 to index
        %get3A_298 = tpu.vector_load %arg7[%get3A_297] {strides = array<i32>} : memref<400xi32, #tpu.memory_space<vmem>>, vector<16xi32>,
        %mul3A_299 = arith.constant 8 : i32
        %mul3A_300 = vector.broadcast %mul3A_299 : i32 to vector<16xi32>
        %mul3A_301 = arith.muli %get3A_298, %mul3A_300 : vector<16xi32>
        %get3A_302 = arith.constant 0 : i32
        %get3A_303 = arith.index_cast %get3A_302 : i32 to index
        %get3A_304 = arith.index_cast %mul3A_296 : i32 to index
        %get3A_305 = tpu.vector_load %arg15[%get3A_303, %get3A_304] {strides = array<i32>} : memref<4x400xf32, #tpu.memory_space<vmem>>, vector<16xf32>,
        %add3A_306 = arith.constant 0 : i32
        %add3A_307 = vector.broadcast %add3A_306 : i32 to vector<16xi32>
        %add3A_308 = arith.addi %mul3A_301, %add3A_307 : vector<16xi32>
        %gather3A_309 = tpu.vector_load_idx %arg22[%add3A_308] : memref<512xf32, #tpu.memory_space<vmem>>[vector<16xi32>], vector<16xf32>,
        %sub3A_310 = arith.subf %get3A_305, %gather3A_309 : vector<16xf32>
        %exp3A_311 = math.exp %sub3A_310 : vector<16xf32>
        tpu.vector_store_idx %arg23[%add3A_308], %exp3A_311 {add = true} : memref<512xf32, #tpu.memory_space<vmem>>[vector<16xi32>], vector<16xf32>,
        %get3A_312 = arith.constant 1 : i32
        %get3A_313 = arith.index_cast %get3A_312 : i32 to index
        %get3A_314 = arith.index_cast %mul3A_296 : i32 to index
        %get3A_315 = tpu.vector_load %arg15[%get3A_313, %get3A_314] {strides = array<i32>} : memref<4x400xf32, #tpu.memory_space<vmem>>, vector<16xf32>,
        %add3A_316 = arith.constant 1 : i32
        %add3A_317 = vector.broadcast %add3A_316 : i32 to vector<16xi32>
        %add3A_318 = arith.addi %mul3A_301, %add3A_317 : vector<16xi32>
        %gather3A_319 = tpu.vector_load_idx %arg22[%add3A_318] : memref<512xf32, #tpu.memory_space<vmem>>[vector<16xi32>], vector<16xf32>,
        %sub3A_320 = arith.subf %get3A_315, %gather3A_319 : vector<16xf32>
        %exp3A_321 = math.exp %sub3A_320 : vector<16xf32>
        tpu.vector_store_idx %arg23[%add3A_318], %exp3A_321 {add = true} : memref<512xf32, #tpu.memory_space<vmem>>[vector<16xi32>], vector<16xf32>,
        %get3A_322 = arith.constant 2 : i32
        %get3A_323 = arith.index_cast %get3A_322 : i32 to index
        %get3A_324 = arith.index_cast %mul3A_296 : i32 to index
        %get3A_325 = tpu.vector_load %arg15[%get3A_323, %get3A_324] {strides = array<i32>} : memref<4x400xf32, #tpu.memory_space<vmem>>, vector<16xf32>,
        %add3A_326 = arith.constant 2 : i32
        %add3A_327 = vector.broadcast %add3A_326 : i32 to vector<16xi32>
        %add3A_328 = arith.addi %mul3A_301, %add3A_327 : vector<16xi32>
        %gather3A_329 = tpu.vector_load_idx %arg22[%add3A_328] : memref<512xf32, #tpu.memory_space<vmem>>[vector<16xi32>], vector<16xf32>,
        %sub3A_330 = arith.subf %get3A_325, %gather3A_329 : vector<16xf32>
        %exp3A_331 = math.exp %sub3A_330 : vector<16xf32>
        tpu.vector_store_idx %arg23[%add3A_328], %exp3A_331 {add = true} : memref<512xf32, #tpu.memory_space<vmem>>[vector<16xi32>], vector<16xf32>,
        %get3A_332 = arith.constant 3 : i32
        %get3A_333 = arith.index_cast %get3A_332 : i32 to index
        %get3A_334 = arith.index_cast %mul3A_296 : i32 to index
        %get3A_335 = tpu.vector_load %arg15[%get3A_333, %get3A_334] {strides = array<i32>} : memref<4x400xf32, #tpu.memory_space<vmem>>, vector<16xf32>,
        %add3A_336 = arith.constant 3 : i32
        %add3A_337 = vector.broadcast %add3A_336 : i32 to vector<16xi32>
        %add3A_338 = arith.addi %mul3A_301, %add3A_337 : vector<16xi32>
        %gather3A_339 = tpu.vector_load_idx %arg22[%add3A_338] : memref<512xf32, #tpu.memory_space<vmem>>[vector<16xi32>], vector<16xf32>,
        %sub3A_340 = arith.subf %get3A_335, %gather3A_339 : vector<16xf32>
        %exp3A_341 = math.exp %sub3A_340 : vector<16xf32>
        tpu.vector_store_idx %arg23[%add3A_338], %exp3A_341 {add = true} : memref<512xf32, #tpu.memory_space<vmem>>[vector<16xi32>], vector<16xf32>,
        %mul3A_342 = arith.constant 5 : i32
        %mul3A_343 = arith.muli %scan3A_192, %mul3A_342 : i32
        %add3A_344 = arith.constant 3 : i32
        %add3A_345 = arith.addi %mul3A_343, %add3A_344 : i32
        %mul3A_346 = arith.constant 16 : i32
        %mul3A_347 = arith.muli %add3A_345, %mul3A_346 : i32
        %get3A_348 = arith.index_cast %mul3A_347 : i32 to index
        %get3A_349 = tpu.vector_load %arg7[%get3A_348] {strides = array<i32>} : memref<400xi32, #tpu.memory_space<vmem>>, vector<16xi32>,
        %mul3A_350 = arith.constant 8 : i32
        %mul3A_351 = vector.broadcast %mul3A_350 : i32 to vector<16xi32>
        %mul3A_352 = arith.muli %get3A_349, %mul3A_351 : vector<16xi32>
        %get3A_353 = arith.constant 0 : i32
        %get3A_354 = arith.index_cast %get3A_353 : i32 to index
        %get3A_355 = arith.index_cast %mul3A_347 : i32 to index
        %get3A_356 = tpu.vector_load %arg15[%get3A_354, %get3A_355] {strides = array<i32>} : memref<4x400xf32, #tpu.memory_space<vmem>>, vector<16xf32>,
        %add3A_357 = arith.constant 0 : i32
        %add3A_358 = vector.broadcast %add3A_357 : i32 to vector<16xi32>
        %add3A_359 = arith.addi %mul3A_352, %add3A_358 : vector<16xi32>
        %gather3A_360 = tpu.vector_load_idx %arg22[%add3A_359] : memref<512xf32, #tpu.memory_space<vmem>>[vector<16xi32>], vector<16xf32>,
        %sub3A_361 = arith.subf %get3A_356, %gather3A_360 : vector<16xf32>
        %exp3A_362 = math.exp %sub3A_361 : vector<16xf32>
        tpu.vector_store_idx %arg23[%add3A_359], %exp3A_362 {add = true} : memref<512xf32, #tpu.memory_space<vmem>>[vector<16xi32>], vector<16xf32>,
        %get3A_363 = arith.constant 1 : i32
        %get3A_364 = arith.index_cast %get3A_363 : i32 to index
        %get3A_365 = arith.index_cast %mul3A_347 : i32 to index
        %get3A_366 = tpu.vector_load %arg15[%get3A_364, %get3A_365] {strides = array<i32>} : memref<4x400xf32, #tpu.memory_space<vmem>>, vector<16xf32>,
        %add3A_367 = arith.constant 1 : i32
        %add3A_368 = vector.broadcast %add3A_367 : i32 to vector<16xi32>
        %add3A_369 = arith.addi %mul3A_352, %add3A_368 : vector<16xi32>
        %gather3A_370 = tpu.vector_load_idx %arg22[%add3A_369] : memref<512xf32, #tpu.memory_space<vmem>>[vector<16xi32>], vector<16xf32>,
        %sub3A_371 = arith.subf %get3A_366, %gather3A_370 : vector<16xf32>
        %exp3A_372 = math.exp %sub3A_371 : vector<16xf32>
        tpu.vector_store_idx %arg23[%add3A_369], %exp3A_372 {add = true} : memref<512xf32, #tpu.memory_space<vmem>>[vector<16xi32>], vector<16xf32>,
        %get3A_373 = arith.constant 2 : i32
        %get3A_374 = arith.index_cast %get3A_373 : i32 to index
        %get3A_375 = arith.index_cast %mul3A_347 : i32 to index
        %get3A_376 = tpu.vector_load %arg15[%get3A_374, %get3A_375] {strides = array<i32>} : memref<4x400xf32, #tpu.memory_space<vmem>>, vector<16xf32>,
        %add3A_377 = arith.constant 2 : i32
        %add3A_378 = vector.broadcast %add3A_377 : i32 to vector<16xi32>
        %add3A_379 = arith.addi %mul3A_352, %add3A_378 : vector<16xi32>
        %gather3A_380 = tpu.vector_load_idx %arg22[%add3A_379] : memref<512xf32, #tpu.memory_space<vmem>>[vector<16xi32>], vector<16xf32>,
        %sub3A_381 = arith.subf %get3A_376, %gather3A_380 : vector<16xf32>
        %exp3A_382 = math.exp %sub3A_381 : vector<16xf32>
        tpu.vector_store_idx %arg23[%add3A_379], %exp3A_382 {add = true} : memref<512xf32, #tpu.memory_space<vmem>>[vector<16xi32>], vector<16xf32>,
        %get3A_383 = arith.constant 3 : i32
        %get3A_384 = arith.index_cast %get3A_383 : i32 to index
        %get3A_385 = arith.index_cast %mul3A_347 : i32 to index
        %get3A_386 = tpu.vector_load %arg15[%get3A_384, %get3A_385] {strides = array<i32>} : memref<4x400xf32, #tpu.memory_space<vmem>>, vector<16xf32>,
        %add3A_387 = arith.constant 3 : i32
        %add3A_388 = vector.broadcast %add3A_387 : i32 to vector<16xi32>
        %add3A_389 = arith.addi %mul3A_352, %add3A_388 : vector<16xi32>
        %gather3A_390 = tpu.vector_load_idx %arg22[%add3A_389] : memref<512xf32, #tpu.memory_space<vmem>>[vector<16xi32>], vector<16xf32>,
        %sub3A_391 = arith.subf %get3A_386, %gather3A_390 : vector<16xf32>
        %exp3A_392 = math.exp %sub3A_391 : vector<16xf32>
        tpu.vector_store_idx %arg23[%add3A_389], %exp3A_392 {add = true} : memref<512xf32, #tpu.memory_space<vmem>>[vector<16xi32>], vector<16xf32>,
        %mul3A_393 = arith.constant 5 : i32
        %mul3A_394 = arith.muli %scan3A_192, %mul3A_393 : i32
        %add3A_395 = arith.constant 4 : i32
        %add3A_396 = arith.addi %mul3A_394, %add3A_395 : i32
        %mul3A_397 = arith.constant 16 : i32
        %mul3A_398 = arith.muli %add3A_396, %mul3A_397 : i32
        %get3A_399 = arith.index_cast %mul3A_398 : i32 to index
        %get3A_400 = tpu.vector_load %arg7[%get3A_399] {strides = array<i32>} : memref<400xi32, #tpu.memory_space<vmem>>, vector<16xi32>,
        %mul3A_401 = arith.constant 8 : i32
        %mul3A_402 = vector.broadcast %mul3A_401 : i32 to vector<16xi32>
        %mul3A_403 = arith.muli %get3A_400, %mul3A_402 : vector<16xi32>
        %get3A_404 = arith.constant 0 : i32
        %get3A_405 = arith.index_cast %get3A_404 : i32 to index
        %get3A_406 = arith.index_cast %mul3A_398 : i32 to index
        %get3A_407 = tpu.vector_load %arg15[%get3A_405, %get3A_406] {strides = array<i32>} : memref<4x400xf32, #tpu.memory_space<vmem>>, vector<16xf32>,
        %add3A_408 = arith.constant 0 : i32
        %add3A_409 = vector.broadcast %add3A_408 : i32 to vector<16xi32>
        %add3A_410 = arith.addi %mul3A_403, %add3A_409 : vector<16xi32>
        %gather3A_411 = tpu.vector_load_idx %arg22[%add3A_410] : memref<512xf32, #tpu.memory_space<vmem>>[vector<16xi32>], vector<16xf32>,
        %sub3A_412 = arith.subf %get3A_407, %gather3A_411 : vector<16xf32>
        %exp3A_413 = math.exp %sub3A_412 : vector<16xf32>
        tpu.vector_store_idx %arg23[%add3A_410], %exp3A_413 {add = true} : memref<512xf32, #tpu.memory_space<vmem>>[vector<16xi32>], vector<16xf32>,
        %get3A_414 = arith.constant 1 : i32
        %get3A_415 = arith.index_cast %get3A_414 : i32 to index
        %get3A_416 = arith.index_cast %mul3A_398 : i32 to index
        %get3A_417 = tpu.vector_load %arg15[%get3A_415, %get3A_416] {strides = array<i32>} : memref<4x400xf32, #tpu.memory_space<vmem>>, vector<16xf32>,
        %add3A_418 = arith.constant 1 : i32
        %add3A_419 = vector.broadcast %add3A_418 : i32 to vector<16xi32>
        %add3A_420 = arith.addi %mul3A_403, %add3A_419 : vector<16xi32>
        %gather3A_421 = tpu.vector_load_idx %arg22[%add3A_420] : memref<512xf32, #tpu.memory_space<vmem>>[vector<16xi32>], vector<16xf32>,
        %sub3A_422 = arith.subf %get3A_417, %gather3A_421 : vector<16xf32>
        %exp3A_423 = math.exp %sub3A_422 : vector<16xf32>
        tpu.vector_store_idx %arg23[%add3A_420], %exp3A_423 {add = true} : memref<512xf32, #tpu.memory_space<vmem>>[vector<16xi32>], vector<16xf32>,
        %get3A_424 = arith.constant 2 : i32
        %get3A_425 = arith.index_cast %get3A_424 : i32 to index
        %get3A_426 = arith.index_cast %mul3A_398 : i32 to index
        %get3A_427 = tpu.vector_load %arg15[%get3A_425, %get3A_426] {strides = array<i32>} : memref<4x400xf32, #tpu.memory_space<vmem>>, vector<16xf32>,
        %add3A_428 = arith.constant 2 : i32
        %add3A_429 = vector.broadcast %add3A_428 : i32 to vector<16xi32>
        %add3A_430 = arith.addi %mul3A_403, %add3A_429 : vector<16xi32>
        %gather3A_431 = tpu.vector_load_idx %arg22[%add3A_430] : memref<512xf32, #tpu.memory_space<vmem>>[vector<16xi32>], vector<16xf32>,
        %sub3A_432 = arith.subf %get3A_427, %gather3A_431 : vector<16xf32>
        %exp3A_433 = math.exp %sub3A_432 : vector<16xf32>
        tpu.vector_store_idx %arg23[%add3A_430], %exp3A_433 {add = true} : memref<512xf32, #tpu.memory_space<vmem>>[vector<16xi32>], vector<16xf32>,
        %get3A_434 = arith.constant 3 : i32
        %get3A_435 = arith.index_cast %get3A_434 : i32 to index
        %get3A_436 = arith.index_cast %mul3A_398 : i32 to index
        %get3A_437 = tpu.vector_load %arg15[%get3A_435, %get3A_436] {strides = array<i32>} : memref<4x400xf32, #tpu.memory_space<vmem>>, vector<16xf32>,
        %add3A_438 = arith.constant 3 : i32
        %add3A_439 = vector.broadcast %add3A_438 : i32 to vector<16xi32>
        %add3A_440 = arith.addi %mul3A_403, %add3A_439 : vector<16xi32>
        %gather3A_441 = tpu.vector_load_idx %arg22[%add3A_440] : memref<512xf32, #tpu.memory_space<vmem>>[vector<16xi32>], vector<16xf32>,
        %sub3A_442 = arith.subf %get3A_437, %gather3A_441 : vector<16xf32>
        %exp3A_443 = math.exp %sub3A_442 : vector<16xf32>
        tpu.vector_store_idx %arg23[%add3A_440], %exp3A_443 {add = true} : memref<512xf32, #tpu.memory_space<vmem>>[vector<16xi32>], vector<16xf32>,
      }
      %scan3A_191 = arith.constant 5 : i32
    } else {
    }
    %add3A_132 = arith.constant 64 : i32
    %add3A_133 = arith.addi %add3A, %add3A_132 : i32
    %lt3A_134 = arith.constant 250 : i32
    %lt3A_135 = arith.cmpi slt, %add3A_133, %lt3A_134 : i32
    %convert_element_type3A_136 = arith.extui %lt3A_135 : i1 to i32
    %cond3A_137 = arith.constant 0 : i32
    %cond3A_138 = arith.cmpi ne, %convert_element_type3A_136, %cond3A_137 : i32
    scf.if %cond3A_138 {
      %dma_wait3A = arith.constant 0 : i32
      %dma_wait3A_174 = tpu.memref_slice %arg3[%dma_wait3A] : memref<100000xi32, #tpu.memory_space<hbm>> -> memref<400xi32, #tpu.memory_space<hbm>>
      %dma_wait3A_175 = arith.constant 0 : i32
      %dma_wait3A_176 = tpu.memref_slice %arg3[%dma_wait3A_175] : memref<100000xi32, #tpu.memory_space<hbm>> -> memref<400xi32, #tpu.memory_space<hbm>>
      tpu.wait_dma2 semaphore(%arg26 : memref<!tpu.dma_semaphore, #tpu.memory_space<semaphore_mem>>) src(%dma_wait3A_176 : memref<400xi32, #tpu.memory_space<hbm>>) dst(%arg8 : memref<400xi32, #tpu.memory_space<vmem>>)
      %dma_wait3A_177 = arith.constant 0 : i32
      %dma_wait3A_178 = arith.constant 0 : i32
      %dma_wait3A_179 = arith.constant 0 : i32
      %dma_wait3A_180 = arith.constant 0 : i32
      %dma_wait3A_181 = tpu.memref_slice %arg2[%dma_wait3A_177, %dma_wait3A_178, %dma_wait3A_179, %dma_wait3A_180] : memref<50x5x4x400xf32, #tpu.memory_space<hbm>> -> memref<1x1x4x400xf32, #tpu.memory_space<hbm>>
      %dma_wait3A_182 = tpu.memref_squeeze %dma_wait3A_181 : memref<1x1x4x400xf32, #tpu.memory_space<hbm>> -> memref<4x400xf32, #tpu.memory_space<hbm>>
      %dma_wait3A_183 = arith.constant 0 : i32
      %dma_wait3A_184 = arith.constant 0 : i32
      %dma_wait3A_185 = tpu.memref_slice %arg2[%dma_wait3A_177, %dma_wait3A_178, %dma_wait3A_183, %dma_wait3A_184] : memref<50x5x4x400xf32, #tpu.memory_space<hbm>> -> memref<1x1x4x400xf32, #tpu.memory_space<hbm>>
      %dma_wait3A_186 = tpu.memref_squeeze %dma_wait3A_185 : memref<1x1x4x400xf32, #tpu.memory_space<hbm>> -> memref<4x400xf32, #tpu.memory_space<hbm>>
      tpu.wait_dma2 semaphore(%arg26 : memref<!tpu.dma_semaphore, #tpu.memory_space<semaphore_mem>>) src(%dma_wait3A_186 : memref<4x400xf32, #tpu.memory_space<hbm>>) dst(%arg16 : memref<4x400xf32, #tpu.memory_space<vmem>>)
      %scan3A = arith.constant 0 : i32
      %scan3A_187 = arith.constant 0 : i32
      %scan3A_188 = arith.constant 5 : i32
      %scan3A_189 = arith.addi %scan3A_187, %scan3A_188 : i32
      %scan3A_190 = arith.constant 1 : i32
      scf.for %scan3A_192 = %scan3A_187 to %scan3A_189 step %scan3A_190  : i32 {
        %mul3A_193 = arith.constant 5 : i32
        %mul3A_194 = arith.muli %scan3A_192, %mul3A_193 : i32
        %add3A_195 = arith.constant 0 : i32
        %add3A_196 = arith.addi %mul3A_194, %add3A_195 : i32
        %mul3A_197 = arith.constant 16 : i32
        %mul3A_198 = arith.muli %add3A_196, %mul3A_197 : i32
        %get3A = arith.index_cast %mul3A_198 : i32 to index
        %get3A_199 = tpu.vector_load %arg8[%get3A] {strides = array<i32>} : memref<400xi32, #tpu.memory_space<vmem>>, vector<16xi32>,
        %mul3A_200 = arith.constant 8 : i32
        %mul3A_201 = vector.broadcast %mul3A_200 : i32 to vector<16xi32>
        %mul3A_202 = arith.muli %get3A_199, %mul3A_201 : vector<16xi32>
        %get3A_203 = arith.constant 0 : i32
        %get3A_204 = arith.index_cast %get3A_203 : i32 to index
        %get3A_205 = arith.index_cast %mul3A_198 : i32 to index
        %get3A_206 = tpu.vector_load %arg16[%get3A_204, %get3A_205] {strides = array<i32>} : memref<4x400xf32, #tpu.memory_space<vmem>>, vector<16xf32>,
        %add3A_207 = arith.constant 0 : i32
        %add3A_208 = vector.broadcast %add3A_207 : i32 to vector<16xi32>
        %add3A_209 = arith.addi %mul3A_202, %add3A_208 : vector<16xi32>
        %gather3A = tpu.vector_load_idx %arg22[%add3A_209] : memref<512xf32, #tpu.memory_space<vmem>>[vector<16xi32>], vector<16xf32>,
        %sub3A = arith.subf %get3A_206, %gather3A : vector<16xf32>
        %exp3A = math.exp %sub3A : vector<16xf32>
        tpu.vector_store_idx %arg23[%add3A_209], %exp3A {add = true} : memref<512xf32, #tpu.memory_space<vmem>>[vector<16xi32>], vector<16xf32>,
        %get3A_210 = arith.constant 1 : i32
        %get3A_211 = arith.index_cast %get3A_210 : i32 to index
        %get3A_212 = arith.index_cast %mul3A_198 : i32 to index
        %get3A_213 = tpu.vector_load %arg16[%get3A_211, %get3A_212] {strides = array<i32>} : memref<4x400xf32, #tpu.memory_space<vmem>>, vector<16xf32>,
        %add3A_214 = arith.constant 1 : i32
        %add3A_215 = vector.broadcast %add3A_214 : i32 to vector<16xi32>
        %add3A_216 = arith.addi %mul3A_202, %add3A_215 : vector<16xi32>
        %gather3A_217 = tpu.vector_load_idx %arg22[%add3A_216] : memref<512xf32, #tpu.memory_space<vmem>>[vector<16xi32>], vector<16xf32>,
        %sub3A_218 = arith.subf %get3A_213, %gather3A_217 : vector<16xf32>
        %exp3A_219 = math.exp %sub3A_218 : vector<16xf32>
        tpu.vector_store_idx %arg23[%add3A_216], %exp3A_219 {add = true} : memref<512xf32, #tpu.memory_space<vmem>>[vector<16xi32>], vector<16xf32>,
        %get3A_220 = arith.constant 2 : i32
        %get3A_221 = arith.index_cast %get3A_220 : i32 to index
        %get3A_222 = arith.index_cast %mul3A_198 : i32 to index
        %get3A_223 = tpu.vector_load %arg16[%get3A_221, %get3A_222] {strides = array<i32>} : memref<4x400xf32, #tpu.memory_space<vmem>>, vector<16xf32>,
        %add3A_224 = arith.constant 2 : i32
        %add3A_225 = vector.broadcast %add3A_224 : i32 to vector<16xi32>
        %add3A_226 = arith.addi %mul3A_202, %add3A_225 : vector<16xi32>
        %gather3A_227 = tpu.vector_load_idx %arg22[%add3A_226] : memref<512xf32, #tpu.memory_space<vmem>>[vector<16xi32>], vector<16xf32>,
        %sub3A_228 = arith.subf %get3A_223, %gather3A_227 : vector<16xf32>
        %exp3A_229 = math.exp %sub3A_228 : vector<16xf32>
        tpu.vector_store_idx %arg23[%add3A_226], %exp3A_229 {add = true} : memref<512xf32, #tpu.memory_space<vmem>>[vector<16xi32>], vector<16xf32>,
        %get3A_230 = arith.constant 3 : i32
        %get3A_231 = arith.index_cast %get3A_230 : i32 to index
        %get3A_232 = arith.index_cast %mul3A_198 : i32 to index
        %get3A_233 = tpu.vector_load %arg16[%get3A_231, %get3A_232] {strides = array<i32>} : memref<4x400xf32, #tpu.memory_space<vmem>>, vector<16xf32>,
        %add3A_234 = arith.constant 3 : i32
        %add3A_235 = vector.broadcast %add3A_234 : i32 to vector<16xi32>
        %add3A_236 = arith.addi %mul3A_202, %add3A_235 : vector<16xi32>
        %gather3A_237 = tpu.vector_load_idx %arg22[%add3A_236] : memref<512xf32, #tpu.memory_space<vmem>>[vector<16xi32>], vector<16xf32>,
        %sub3A_238 = arith.subf %get3A_233, %gather3A_237 : vector<16xf32>
        %exp3A_239 = math.exp %sub3A_238 : vector<16xf32>
        tpu.vector_store_idx %arg23[%add3A_236], %exp3A_239 {add = true} : memref<512xf32, #tpu.memory_space<vmem>>[vector<16xi32>], vector<16xf32>,
        %mul3A_240 = arith.constant 5 : i32
        %mul3A_241 = arith.muli %scan3A_192, %mul3A_240 : i32
        %add3A_242 = arith.constant 1 : i32
        %add3A_243 = arith.addi %mul3A_241, %add3A_242 : i32
        %mul3A_244 = arith.constant 16 : i32
        %mul3A_245 = arith.muli %add3A_243, %mul3A_244 : i32
        %get3A_246 = arith.index_cast %mul3A_245 : i32 to index
        %get3A_247 = tpu.vector_load %arg8[%get3A_246] {strides = array<i32>} : memref<400xi32, #tpu.memory_space<vmem>>, vector<16xi32>,
        %mul3A_248 = arith.constant 8 : i32
        %mul3A_249 = vector.broadcast %mul3A_248 : i32 to vector<16xi32>
        %mul3A_250 = arith.muli %get3A_247, %mul3A_249 : vector<16xi32>
        %get3A_251 = arith.constant 0 : i32
        %get3A_252 = arith.index_cast %get3A_251 : i32 to index
        %get3A_253 = arith.index_cast %mul3A_245 : i32 to index
        %get3A_254 = tpu.vector_load %arg16[%get3A_252, %get3A_253] {strides = array<i32>} : memref<4x400xf32, #tpu.memory_space<vmem>>, vector<16xf32>,
        %add3A_255 = arith.constant 0 : i32
        %add3A_256 = vector.broadcast %add3A_255 : i32 to vector<16xi32>
        %add3A_257 = arith.addi %mul3A_250, %add3A_256 : vector<16xi32>
        %gather3A_258 = tpu.vector_load_idx %arg22[%add3A_257] : memref<512xf32, #tpu.memory_space<vmem>>[vector<16xi32>], vector<16xf32>,
        %sub3A_259 = arith.subf %get3A_254, %gather3A_258 : vector<16xf32>
        %exp3A_260 = math.exp %sub3A_259 : vector<16xf32>
        tpu.vector_store_idx %arg23[%add3A_257], %exp3A_260 {add = true} : memref<512xf32, #tpu.memory_space<vmem>>[vector<16xi32>], vector<16xf32>,
        %get3A_261 = arith.constant 1 : i32
        %get3A_262 = arith.index_cast %get3A_261 : i32 to index
        %get3A_263 = arith.index_cast %mul3A_245 : i32 to index
        %get3A_264 = tpu.vector_load %arg16[%get3A_262, %get3A_263] {strides = array<i32>} : memref<4x400xf32, #tpu.memory_space<vmem>>, vector<16xf32>,
        %add3A_265 = arith.constant 1 : i32
        %add3A_266 = vector.broadcast %add3A_265 : i32 to vector<16xi32>
        %add3A_267 = arith.addi %mul3A_250, %add3A_266 : vector<16xi32>
        %gather3A_268 = tpu.vector_load_idx %arg22[%add3A_267] : memref<512xf32, #tpu.memory_space<vmem>>[vector<16xi32>], vector<16xf32>,
        %sub3A_269 = arith.subf %get3A_264, %gather3A_268 : vector<16xf32>
        %exp3A_270 = math.exp %sub3A_269 : vector<16xf32>
        tpu.vector_store_idx %arg23[%add3A_267], %exp3A_270 {add = true} : memref<512xf32, #tpu.memory_space<vmem>>[vector<16xi32>], vector<16xf32>,
        %get3A_271 = arith.constant 2 : i32
        %get3A_272 = arith.index_cast %get3A_271 : i32 to index
        %get3A_273 = arith.index_cast %mul3A_245 : i32 to index
        %get3A_274 = tpu.vector_load %arg16[%get3A_272, %get3A_273] {strides = array<i32>} : memref<4x400xf32, #tpu.memory_space<vmem>>, vector<16xf32>,
        %add3A_275 = arith.constant 2 : i32
        %add3A_276 = vector.broadcast %add3A_275 : i32 to vector<16xi32>
        %add3A_277 = arith.addi %mul3A_250, %add3A_276 : vector<16xi32>
        %gather3A_278 = tpu.vector_load_idx %arg22[%add3A_277] : memref<512xf32, #tpu.memory_space<vmem>>[vector<16xi32>], vector<16xf32>,
        %sub3A_279 = arith.subf %get3A_274, %gather3A_278 : vector<16xf32>
        %exp3A_280 = math.exp %sub3A_279 : vector<16xf32>
        tpu.vector_store_idx %arg23[%add3A_277], %exp3A_280 {add = true} : memref<512xf32, #tpu.memory_space<vmem>>[vector<16xi32>], vector<16xf32>,
        %get3A_281 = arith.constant 3 : i32
        %get3A_282 = arith.index_cast %get3A_281 : i32 to index
        %get3A_283 = arith.index_cast %mul3A_245 : i32 to index
        %get3A_284 = tpu.vector_load %arg16[%get3A_282, %get3A_283] {strides = array<i32>} : memref<4x400xf32, #tpu.memory_space<vmem>>, vector<16xf32>,
        %add3A_285 = arith.constant 3 : i32
        %add3A_286 = vector.broadcast %add3A_285 : i32 to vector<16xi32>
        %add3A_287 = arith.addi %mul3A_250, %add3A_286 : vector<16xi32>
        %gather3A_288 = tpu.vector_load_idx %arg22[%add3A_287] : memref<512xf32, #tpu.memory_space<vmem>>[vector<16xi32>], vector<16xf32>,
        %sub3A_289 = arith.subf %get3A_284, %gather3A_288 : vector<16xf32>
        %exp3A_290 = math.exp %sub3A_289 : vector<16xf32>
        tpu.vector_store_idx %arg23[%add3A_287], %exp3A_290 {add = true} : memref<512xf32, #tpu.memory_space<vmem>>[vector<16xi32>], vector<16xf32>,
        %mul3A_291 = arith.constant 5 : i32
        %mul3A_292 = arith.muli %scan3A_192, %mul3A_291 : i32
        %add3A_293 = arith.constant 2 : i32
        %add3A_294 = arith.addi %mul3A_292, %add3A_293 : i32
        %mul3A_295 = arith.constant 16 : i32
        %mul3A_296 = arith.muli %add3A_294, %mul3A_295 : i32
        %get3A_297 = arith.index_cast %mul3A_296 : i32 to index
        %get3A_298 = tpu.vector_load %arg8[%get3A_297] {strides = array<i32>} : memref<400xi32, #tpu.memory_space<vmem>>, vector<16xi32>,
        %mul3A_299 = arith.constant 8 : i32
        %mul3A_300 = vector.broadcast %mul3A_299 : i32 to vector<16xi32>
        %mul3A_301 = arith.muli %get3A_298, %mul3A_300 : vector<16xi32>
        %get3A_302 = arith.constant 0 : i32
        %get3A_303 = arith.index_cast %get3A_302 : i32 to index
        %get3A_304 = arith.index_cast %mul3A_296 : i32 to index
        %get3A_305 = tpu.vector_load %arg16[%get3A_303, %get3A_304] {strides = array<i32>} : memref<4x400xf32, #tpu.memory_space<vmem>>, vector<16xf32>,
        %add3A_306 = arith.constant 0 : i32
        %add3A_307 = vector.broadcast %add3A_306 : i32 to vector<16xi32>
        %add3A_308 = arith.addi %mul3A_301, %add3A_307 : vector<16xi32>
        %gather3A_309 = tpu.vector_load_idx %arg22[%add3A_308] : memref<512xf32, #tpu.memory_space<vmem>>[vector<16xi32>], vector<16xf32>,
        %sub3A_310 = arith.subf %get3A_305, %gather3A_309 : vector<16xf32>
        %exp3A_311 = math.exp %sub3A_310 : vector<16xf32>
        tpu.vector_store_idx %arg23[%add3A_308], %exp3A_311 {add = true} : memref<512xf32, #tpu.memory_space<vmem>>[vector<16xi32>], vector<16xf32>,
        %get3A_312 = arith.constant 1 : i32
        %get3A_313 = arith.index_cast %get3A_312 : i32 to index
        %get3A_314 = arith.index_cast %mul3A_296 : i32 to index
        %get3A_315 = tpu.vector_load %arg16[%get3A_313, %get3A_314] {strides = array<i32>} : memref<4x400xf32, #tpu.memory_space<vmem>>, vector<16xf32>,
        %add3A_316 = arith.constant 1 : i32
        %add3A_317 = vector.broadcast %add3A_316 : i32 to vector<16xi32>
        %add3A_318 = arith.addi %mul3A_301, %add3A_317 : vector<16xi32>
        %gather3A_319 = tpu.vector_load_idx %arg22[%add3A_318] : memref<512xf32, #tpu.memory_space<vmem>>[vector<16xi32>], vector<16xf32>,
        %sub3A_320 = arith.subf %get3A_315, %gather3A_319 : vector<16xf32>
        %exp3A_321 = math.exp %sub3A_320 : vector<16xf32>
        tpu.vector_store_idx %arg23[%add3A_318], %exp3A_321 {add = true} : memref<512xf32, #tpu.memory_space<vmem>>[vector<16xi32>], vector<16xf32>,
        %get3A_322 = arith.constant 2 : i32
        %get3A_323 = arith.index_cast %get3A_322 : i32 to index
        %get3A_324 = arith.index_cast %mul3A_296 : i32 to index
        %get3A_325 = tpu.vector_load %arg16[%get3A_323, %get3A_324] {strides = array<i32>} : memref<4x400xf32, #tpu.memory_space<vmem>>, vector<16xf32>,
        %add3A_326 = arith.constant 2 : i32
        %add3A_327 = vector.broadcast %add3A_326 : i32 to vector<16xi32>
        %add3A_328 = arith.addi %mul3A_301, %add3A_327 : vector<16xi32>
        %gather3A_329 = tpu.vector_load_idx %arg22[%add3A_328] : memref<512xf32, #tpu.memory_space<vmem>>[vector<16xi32>], vector<16xf32>,
        %sub3A_330 = arith.subf %get3A_325, %gather3A_329 : vector<16xf32>
        %exp3A_331 = math.exp %sub3A_330 : vector<16xf32>
        tpu.vector_store_idx %arg23[%add3A_328], %exp3A_331 {add = true} : memref<512xf32, #tpu.memory_space<vmem>>[vector<16xi32>], vector<16xf32>,
        %get3A_332 = arith.constant 3 : i32
        %get3A_333 = arith.index_cast %get3A_332 : i32 to index
        %get3A_334 = arith.index_cast %mul3A_296 : i32 to index
        %get3A_335 = tpu.vector_load %arg16[%get3A_333, %get3A_334] {strides = array<i32>} : memref<4x400xf32, #tpu.memory_space<vmem>>, vector<16xf32>,
        %add3A_336 = arith.constant 3 : i32
        %add3A_337 = vector.broadcast %add3A_336 : i32 to vector<16xi32>
        %add3A_338 = arith.addi %mul3A_301, %add3A_337 : vector<16xi32>
        %gather3A_339 = tpu.vector_load_idx %arg22[%add3A_338] : memref<512xf32, #tpu.memory_space<vmem>>[vector<16xi32>], vector<16xf32>,
        %sub3A_340 = arith.subf %get3A_335, %gather3A_339 : vector<16xf32>
        %exp3A_341 = math.exp %sub3A_340 : vector<16xf32>
        tpu.vector_store_idx %arg23[%add3A_338], %exp3A_341 {add = true} : memref<512xf32, #tpu.memory_space<vmem>>[vector<16xi32>], vector<16xf32>,
        %mul3A_342 = arith.constant 5 : i32
        %mul3A_343 = arith.muli %scan3A_192, %mul3A_342 : i32
        %add3A_344 = arith.constant 3 : i32
        %add3A_345 = arith.addi %mul3A_343, %add3A_344 : i32
        %mul3A_346 = arith.constant 16 : i32
        %mul3A_347 = arith.muli %add3A_345, %mul3A_346 : i32
        %get3A_348 = arith.index_cast %mul3A_347 : i32 to index
        %get3A_349 = tpu.vector_load %arg8[%get3A_348] {strides = array<i32>} : memref<400xi32, #tpu.memory_space<vmem>>, vector<16xi32>,
        %mul3A_350 = arith.constant 8 : i32
        %mul3A_351 = vector.broadcast %mul3A_350 : i32 to vector<16xi32>
        %mul3A_352 = arith.muli %get3A_349, %mul3A_351 : vector<16xi32>
        %get3A_353 = arith.constant 0 : i32
        %get3A_354 = arith.index_cast %get3A_353 : i32 to index
        %get3A_355 = arith.index_cast %mul3A_347 : i32 to index
        %get3A_356 = tpu.vector_load %arg16[%get3A_354, %get3A_355] {strides = array<i32>} : memref<4x400xf32, #tpu.memory_space<vmem>>, vector<16xf32>,
        %add3A_357 = arith.constant 0 : i32
        %add3A_358 = vector.broadcast %add3A_357 : i32 to vector<16xi32>
        %add3A_359 = arith.addi %mul3A_352, %add3A_358 : vector<16xi32>
        %gather3A_360 = tpu.vector_load_idx %arg22[%add3A_359] : memref<512xf32, #tpu.memory_space<vmem>>[vector<16xi32>], vector<16xf32>,
        %sub3A_361 = arith.subf %get3A_356, %gather3A_360 : vector<16xf32>
        %exp3A_362 = math.exp %sub3A_361 : vector<16xf32>
        tpu.vector_store_idx %arg23[%add3A_359], %exp3A_362 {add = true} : memref<512xf32, #tpu.memory_space<vmem>>[vector<16xi32>], vector<16xf32>,
        %get3A_363 = arith.constant 1 : i32
        %get3A_364 = arith.index_cast %get3A_363 : i32 to index
        %get3A_365 = arith.index_cast %mul3A_347 : i32 to index
        %get3A_366 = tpu.vector_load %arg16[%get3A_364, %get3A_365] {strides = array<i32>} : memref<4x400xf32, #tpu.memory_space<vmem>>, vector<16xf32>,
        %add3A_367 = arith.constant 1 : i32
        %add3A_368 = vector.broadcast %add3A_367 : i32 to vector<16xi32>
        %add3A_369 = arith.addi %mul3A_352, %add3A_368 : vector<16xi32>
        %gather3A_370 = tpu.vector_load_idx %arg22[%add3A_369] : memref<512xf32, #tpu.memory_space<vmem>>[vector<16xi32>], vector<16xf32>,
        %sub3A_371 = arith.subf %get3A_366, %gather3A_370 : vector<16xf32>
        %exp3A_372 = math.exp %sub3A_371 : vector<16xf32>
        tpu.vector_store_idx %arg23[%add3A_369], %exp3A_372 {add = true} : memref<512xf32, #tpu.memory_space<vmem>>[vector<16xi32>], vector<16xf32>,
        %get3A_373 = arith.constant 2 : i32
        %get3A_374 = arith.index_cast %get3A_373 : i32 to index
        %get3A_375 = arith.index_cast %mul3A_347 : i32 to index
        %get3A_376 = tpu.vector_load %arg16[%get3A_374, %get3A_375] {strides = array<i32>} : memref<4x400xf32, #tpu.memory_space<vmem>>, vector<16xf32>,
        %add3A_377 = arith.constant 2 : i32
        %add3A_378 = vector.broadcast %add3A_377 : i32 to vector<16xi32>
        %add3A_379 = arith.addi %mul3A_352, %add3A_378 : vector<16xi32>
        %gather3A_380 = tpu.vector_load_idx %arg22[%add3A_379] : memref<512xf32, #tpu.memory_space<vmem>>[vector<16xi32>], vector<16xf32>,
        %sub3A_381 = arith.subf %get3A_376, %gather3A_380 : vector<16xf32>
        %exp3A_382 = math.exp %sub3A_381 : vector<16xf32>
        tpu.vector_store_idx %arg23[%add3A_379], %exp3A_382 {add = true} : memref<512xf32, #tpu.memory_space<vmem>>[vector<16xi32>], vector<16xf32>,
        %get3A_383 = arith.constant 3 : i32
        %get3A_384 = arith.index_cast %get3A_383 : i32 to index
        %get3A_385 = arith.index_cast %mul3A_347 : i32 to index
        %get3A_386 = tpu.vector_load %arg16[%get3A_384, %get3A_385] {strides = array<i32>} : memref<4x400xf32, #tpu.memory_space<vmem>>, vector<16xf32>,
        %add3A_387 = arith.constant 3 : i32
        %add3A_388 = vector.broadcast %add3A_387 : i32 to vector<16xi32>
        %add3A_389 = arith.addi %mul3A_352, %add3A_388 : vector<16xi32>
        %gather3A_390 = tpu.vector_load_idx %arg22[%add3A_389] : memref<512xf32, #tpu.memory_space<vmem>>[vector<16xi32>], vector<16xf32>,
        %sub3A_391 = arith.subf %get3A_386, %gather3A_390 : vector<16xf32>
        %exp3A_392 = math.exp %sub3A_391 : vector<16xf32>
        tpu.vector_store_idx %arg23[%add3A_389], %exp3A_392 {add = true} : memref<512xf32, #tpu.memory_space<vmem>>[vector<16xi32>], vector<16xf32>,
        %mul3A_393 = arith.constant 5 : i32
        %mul3A_394 = arith.muli %scan3A_192, %mul3A_393 : i32
        %add3A_395 = arith.constant 4 : i32
        %add3A_396 = arith.addi %mul3A_394, %add3A_395 : i32
        %mul3A_397 = arith.constant 16 : i32
        %mul3A_398 = arith.muli %add3A_396, %mul3A_397 : i32
        %get3A_399 = arith.index_cast %mul3A_398 : i32 to index
        %get3A_400 = tpu.vector_load %arg8[%get3A_399] {strides = array<i32>} : memref<400xi32, #tpu.memory_space<vmem>>, vector<16xi32>,
        %mul3A_401 = arith.constant 8 : i32
        %mul3A_402 = vector.broadcast %mul3A_401 : i32 to vector<16xi32>
        %mul3A_403 = arith.muli %get3A_400, %mul3A_402 : vector<16xi32>
        %get3A_404 = arith.constant 0 : i32
        %get3A_405 = arith.index_cast %get3A_404 : i32 to index
        %get3A_406 = arith.index_cast %mul3A_398 : i32 to index
        %get3A_407 = tpu.vector_load %arg16[%get3A_405, %get3A_406] {strides = array<i32>} : memref<4x400xf32, #tpu.memory_space<vmem>>, vector<16xf32>,
        %add3A_408 = arith.constant 0 : i32
        %add3A_409 = vector.broadcast %add3A_408 : i32 to vector<16xi32>
        %add3A_410 = arith.addi %mul3A_403, %add3A_409 : vector<16xi32>
        %gather3A_411 = tpu.vector_load_idx %arg22[%add3A_410] : memref<512xf32, #tpu.memory_space<vmem>>[vector<16xi32>], vector<16xf32>,
        %sub3A_412 = arith.subf %get3A_407, %gather3A_411 : vector<16xf32>
        %exp3A_413 = math.exp %sub3A_412 : vector<16xf32>
        tpu.vector_store_idx %arg23[%add3A_410], %exp3A_413 {add = true} : memref<512xf32, #tpu.memory_space<vmem>>[vector<16xi32>], vector<16xf32>,
        %get3A_414 = arith.constant 1 : i32
        %get3A_415 = arith.index_cast %get3A_414 : i32 to index
        %get3A_416 = arith.index_cast %mul3A_398 : i32 to index
        %get3A_417 = tpu.vector_load %arg16[%get3A_415, %get3A_416] {strides = array<i32>} : memref<4x400xf32, #tpu.memory_space<vmem>>, vector<16xf32>,
        %add3A_418 = arith.constant 1 : i32
        %add3A_419 = vector.broadcast %add3A_418 : i32 to vector<16xi32>
        %add3A_420 = arith.addi %mul3A_403, %add3A_419 : vector<16xi32>
        %gather3A_421 = tpu.vector_load_idx %arg22[%add3A_420] : memref<512xf32, #tpu.memory_space<vmem>>[vector<16xi32>], vector<16xf32>,
        %sub3A_422 = arith.subf %get3A_417, %gather3A_421 : vector<16xf32>
        %exp3A_423 = math.exp %sub3A_422 : vector<16xf32>
        tpu.vector_store_idx %arg23[%add3A_420], %exp3A_423 {add = true} : memref<512xf32, #tpu.memory_space<vmem>>[vector<16xi32>], vector<16xf32>,
        %get3A_424 = arith.constant 2 : i32
        %get3A_425 = arith.index_cast %get3A_424 : i32 to index
        %get3A_426 = arith.index_cast %mul3A_398 : i32 to index
        %get3A_427 = tpu.vector_load %arg16[%get3A_425, %get3A_426] {strides = array<i32>} : memref<4x400xf32, #tpu.memory_space<vmem>>, vector<16xf32>,
        %add3A_428 = arith.constant 2 : i32
        %add3A_429 = vector.broadcast %add3A_428 : i32 to vector<16xi32>
        %add3A_430 = arith.addi %mul3A_403, %add3A_429 : vector<16xi32>
        %gather3A_431 = tpu.vector_load_idx %arg22[%add3A_430] : memref<512xf32, #tpu.memory_space<vmem>>[vector<16xi32>], vector<16xf32>,
        %sub3A_432 = arith.subf %get3A_427, %gather3A_431 : vector<16xf32>
        %exp3A_433 = math.exp %sub3A_432 : vector<16xf32>
        tpu.vector_store_idx %arg23[%add3A_430], %exp3A_433 {add = true} : memref<512xf32, #tpu.memory_space<vmem>>[vector<16xi32>], vector<16xf32>,
        %get3A_434 = arith.constant 3 : i32
        %get3A_435 = arith.index_cast %get3A_434 : i32 to index
        %get3A_436 = arith.index_cast %mul3A_398 : i32 to index
        %get3A_437 = tpu.vector_load %arg16[%get3A_435, %get3A_436] {strides = array<i32>} : memref<4x400xf32, #tpu.memory_space<vmem>>, vector<16xf32>,
        %add3A_438 = arith.constant 3 : i32
        %add3A_439 = vector.broadcast %add3A_438 : i32 to vector<16xi32>
        %add3A_440 = arith.addi %mul3A_403, %add3A_439 : vector<16xi32>
        %gather3A_441 = tpu.vector_load_idx %arg22[%add3A_440] : memref<512xf32, #tpu.memory_space<vmem>>[vector<16xi32>], vector<16xf32>,
        %sub3A_442 = arith.subf %get3A_437, %gather3A_441 : vector<16xf32>
        %exp3A_443 = math.exp %sub3A_442 : vector<16xf32>
        tpu.vector_store_idx %arg23[%add3A_440], %exp3A_443 {add = true} : memref<512xf32, #tpu.memory_space<vmem>>[vector<16xi32>], vector<16xf32>,
      }
      %scan3A_191 = arith.constant 5 : i32
    } else {
    }
    %add3A_139 = arith.constant 96 : i32
    %add3A_140 = arith.addi %add3A, %add3A_139 : i32
    %lt3A_141 = arith.constant 250 : i32
    %lt3A_142 = arith.cmpi slt, %add3A_140, %lt3A_141 : i32
    %convert_element_type3A_143 = arith.extui %lt3A_142 : i1 to i32
    %cond3A_144 = arith.constant 0 : i32
    %cond3A_145 = arith.cmpi ne, %convert_element_type3A_143, %cond3A_144 : i32
    scf.if %cond3A_145 {
      %dma_wait3A = arith.constant 0 : i32
      %dma_wait3A_174 = tpu.memref_slice %arg3[%dma_wait3A] : memref<100000xi32, #tpu.memory_space<hbm>> -> memref<400xi32, #tpu.memory_space<hbm>>
      %dma_wait3A_175 = arith.constant 0 : i32
      %dma_wait3A_176 = tpu.memref_slice %arg3[%dma_wait3A_175] : memref<100000xi32, #tpu.memory_space<hbm>> -> memref<400xi32, #tpu.memory_space<hbm>>
      tpu.wait_dma2 semaphore(%arg27 : memref<!tpu.dma_semaphore, #tpu.memory_space<semaphore_mem>>) src(%dma_wait3A_176 : memref<400xi32, #tpu.memory_space<hbm>>) dst(%arg9 : memref<400xi32, #tpu.memory_space<vmem>>)
      %dma_wait3A_177 = arith.constant 0 : i32
      %dma_wait3A_178 = arith.constant 0 : i32
      %dma_wait3A_179 = arith.constant 0 : i32
      %dma_wait3A_180 = arith.constant 0 : i32
      %dma_wait3A_181 = tpu.memref_slice %arg2[%dma_wait3A_177, %dma_wait3A_178, %dma_wait3A_179, %dma_wait3A_180] : memref<50x5x4x400xf32, #tpu.memory_space<hbm>> -> memref<1x1x4x400xf32, #tpu.memory_space<hbm>>
      %dma_wait3A_182 = tpu.memref_squeeze %dma_wait3A_181 : memref<1x1x4x400xf32, #tpu.memory_space<hbm>> -> memref<4x400xf32, #tpu.memory_space<hbm>>
      %dma_wait3A_183 = arith.constant 0 : i32
      %dma_wait3A_184 = arith.constant 0 : i32
      %dma_wait3A_185 = tpu.memref_slice %arg2[%dma_wait3A_177, %dma_wait3A_178, %dma_wait3A_183, %dma_wait3A_184] : memref<50x5x4x400xf32, #tpu.memory_space<hbm>> -> memref<1x1x4x400xf32, #tpu.memory_space<hbm>>
      %dma_wait3A_186 = tpu.memref_squeeze %dma_wait3A_185 : memref<1x1x4x400xf32, #tpu.memory_space<hbm>> -> memref<4x400xf32, #tpu.memory_space<hbm>>
      tpu.wait_dma2 semaphore(%arg27 : memref<!tpu.dma_semaphore, #tpu.memory_space<semaphore_mem>>) src(%dma_wait3A_186 : memref<4x400xf32, #tpu.memory_space<hbm>>) dst(%arg17 : memref<4x400xf32, #tpu.memory_space<vmem>>)
      %scan3A = arith.constant 0 : i32
      %scan3A_187 = arith.constant 0 : i32
      %scan3A_188 = arith.constant 5 : i32
      %scan3A_189 = arith.addi %scan3A_187, %scan3A_188 : i32
      %scan3A_190 = arith.constant 1 : i32
      scf.for %scan3A_192 = %scan3A_187 to %scan3A_189 step %scan3A_190  : i32 {
        %mul3A_193 = arith.constant 5 : i32
        %mul3A_194 = arith.muli %scan3A_192, %mul3A_193 : i32
        %add3A_195 = arith.constant 0 : i32
        %add3A_196 = arith.addi %mul3A_194, %add3A_195 : i32
        %mul3A_197 = arith.constant 16 : i32
        %mul3A_198 = arith.muli %add3A_196, %mul3A_197 : i32
        %get3A = arith.index_cast %mul3A_198 : i32 to index
        %get3A_199 = tpu.vector_load %arg9[%get3A] {strides = array<i32>} : memref<400xi32, #tpu.memory_space<vmem>>, vector<16xi32>,
        %mul3A_200 = arith.constant 8 : i32
        %mul3A_201 = vector.broadcast %mul3A_200 : i32 to vector<16xi32>
        %mul3A_202 = arith.muli %get3A_199, %mul3A_201 : vector<16xi32>
        %get3A_203 = arith.constant 0 : i32
        %get3A_204 = arith.index_cast %get3A_203 : i32 to index
        %get3A_205 = arith.index_cast %mul3A_198 : i32 to index
        %get3A_206 = tpu.vector_load %arg17[%get3A_204, %get3A_205] {strides = array<i32>} : memref<4x400xf32, #tpu.memory_space<vmem>>, vector<16xf32>,
        %add3A_207 = arith.constant 0 : i32
        %add3A_208 = vector.broadcast %add3A_207 : i32 to vector<16xi32>
        %add3A_209 = arith.addi %mul3A_202, %add3A_208 : vector<16xi32>
        %gather3A = tpu.vector_load_idx %arg22[%add3A_209] : memref<512xf32, #tpu.memory_space<vmem>>[vector<16xi32>], vector<16xf32>,
        %sub3A = arith.subf %get3A_206, %gather3A : vector<16xf32>
        %exp3A = math.exp %sub3A : vector<16xf32>
        tpu.vector_store_idx %arg23[%add3A_209], %exp3A {add = true} : memref<512xf32, #tpu.memory_space<vmem>>[vector<16xi32>], vector<16xf32>,
        %get3A_210 = arith.constant 1 : i32
        %get3A_211 = arith.index_cast %get3A_210 : i32 to index
        %get3A_212 = arith.index_cast %mul3A_198 : i32 to index
        %get3A_213 = tpu.vector_load %arg17[%get3A_211, %get3A_212] {strides = array<i32>} : memref<4x400xf32, #tpu.memory_space<vmem>>, vector<16xf32>,
        %add3A_214 = arith.constant 1 : i32
        %add3A_215 = vector.broadcast %add3A_214 : i32 to vector<16xi32>
        %add3A_216 = arith.addi %mul3A_202, %add3A_215 : vector<16xi32>
        %gather3A_217 = tpu.vector_load_idx %arg22[%add3A_216] : memref<512xf32, #tpu.memory_space<vmem>>[vector<16xi32>], vector<16xf32>,
        %sub3A_218 = arith.subf %get3A_213, %gather3A_217 : vector<16xf32>
        %exp3A_219 = math.exp %sub3A_218 : vector<16xf32>
        tpu.vector_store_idx %arg23[%add3A_216], %exp3A_219 {add = true} : memref<512xf32, #tpu.memory_space<vmem>>[vector<16xi32>], vector<16xf32>,
        %get3A_220 = arith.constant 2 : i32
        %get3A_221 = arith.index_cast %get3A_220 : i32 to index
        %get3A_222 = arith.index_cast %mul3A_198 : i32 to index
        %get3A_223 = tpu.vector_load %arg17[%get3A_221, %get3A_222] {strides = array<i32>} : memref<4x400xf32, #tpu.memory_space<vmem>>, vector<16xf32>,
        %add3A_224 = arith.constant 2 : i32
        %add3A_225 = vector.broadcast %add3A_224 : i32 to vector<16xi32>
        %add3A_226 = arith.addi %mul3A_202, %add3A_225 : vector<16xi32>
        %gather3A_227 = tpu.vector_load_idx %arg22[%add3A_226] : memref<512xf32, #tpu.memory_space<vmem>>[vector<16xi32>], vector<16xf32>,
        %sub3A_228 = arith.subf %get3A_223, %gather3A_227 : vector<16xf32>
        %exp3A_229 = math.exp %sub3A_228 : vector<16xf32>
        tpu.vector_store_idx %arg23[%add3A_226], %exp3A_229 {add = true} : memref<512xf32, #tpu.memory_space<vmem>>[vector<16xi32>], vector<16xf32>,
        %get3A_230 = arith.constant 3 : i32
        %get3A_231 = arith.index_cast %get3A_230 : i32 to index
        %get3A_232 = arith.index_cast %mul3A_198 : i32 to index
        %get3A_233 = tpu.vector_load %arg17[%get3A_231, %get3A_232] {strides = array<i32>} : memref<4x400xf32, #tpu.memory_space<vmem>>, vector<16xf32>,
        %add3A_234 = arith.constant 3 : i32
        %add3A_235 = vector.broadcast %add3A_234 : i32 to vector<16xi32>
        %add3A_236 = arith.addi %mul3A_202, %add3A_235 : vector<16xi32>
        %gather3A_237 = tpu.vector_load_idx %arg22[%add3A_236] : memref<512xf32, #tpu.memory_space<vmem>>[vector<16xi32>], vector<16xf32>,
        %sub3A_238 = arith.subf %get3A_233, %gather3A_237 : vector<16xf32>
        %exp3A_239 = math.exp %sub3A_238 : vector<16xf32>
        tpu.vector_store_idx %arg23[%add3A_236], %exp3A_239 {add = true} : memref<512xf32, #tpu.memory_space<vmem>>[vector<16xi32>], vector<16xf32>,
        %mul3A_240 = arith.constant 5 : i32
        %mul3A_241 = arith.muli %scan3A_192, %mul3A_240 : i32
        %add3A_242 = arith.constant 1 : i32
        %add3A_243 = arith.addi %mul3A_241, %add3A_242 : i32
        %mul3A_244 = arith.constant 16 : i32
        %mul3A_245 = arith.muli %add3A_243, %mul3A_244 : i32
        %get3A_246 = arith.index_cast %mul3A_245 : i32 to index
        %get3A_247 = tpu.vector_load %arg9[%get3A_246] {strides = array<i32>} : memref<400xi32, #tpu.memory_space<vmem>>, vector<16xi32>,
        %mul3A_248 = arith.constant 8 : i32
        %mul3A_249 = vector.broadcast %mul3A_248 : i32 to vector<16xi32>
        %mul3A_250 = arith.muli %get3A_247, %mul3A_249 : vector<16xi32>
        %get3A_251 = arith.constant 0 : i32
        %get3A_252 = arith.index_cast %get3A_251 : i32 to index
        %get3A_253 = arith.index_cast %mul3A_245 : i32 to index
        %get3A_254 = tpu.vector_load %arg17[%get3A_252, %get3A_253] {strides = array<i32>} : memref<4x400xf32, #tpu.memory_space<vmem>>, vector<16xf32>,
        %add3A_255 = arith.constant 0 : i32
        %add3A_256 = vector.broadcast %add3A_255 : i32 to vector<16xi32>
        %add3A_257 = arith.addi %mul3A_250, %add3A_256 : vector<16xi32>
        %gather3A_258 = tpu.vector_load_idx %arg22[%add3A_257] : memref<512xf32, #tpu.memory_space<vmem>>[vector<16xi32>], vector<16xf32>,
        %sub3A_259 = arith.subf %get3A_254, %gather3A_258 : vector<16xf32>
        %exp3A_260 = math.exp %sub3A_259 : vector<16xf32>
        tpu.vector_store_idx %arg23[%add3A_257], %exp3A_260 {add = true} : memref<512xf32, #tpu.memory_space<vmem>>[vector<16xi32>], vector<16xf32>,
        %get3A_261 = arith.constant 1 : i32
        %get3A_262 = arith.index_cast %get3A_261 : i32 to index
        %get3A_263 = arith.index_cast %mul3A_245 : i32 to index
        %get3A_264 = tpu.vector_load %arg17[%get3A_262, %get3A_263] {strides = array<i32>} : memref<4x400xf32, #tpu.memory_space<vmem>>, vector<16xf32>,
        %add3A_265 = arith.constant 1 : i32
        %add3A_266 = vector.broadcast %add3A_265 : i32 to vector<16xi32>
        %add3A_267 = arith.addi %mul3A_250, %add3A_266 : vector<16xi32>
        %gather3A_268 = tpu.vector_load_idx %arg22[%add3A_267] : memref<512xf32, #tpu.memory_space<vmem>>[vector<16xi32>], vector<16xf32>,
        %sub3A_269 = arith.subf %get3A_264, %gather3A_268 : vector<16xf32>
        %exp3A_270 = math.exp %sub3A_269 : vector<16xf32>
        tpu.vector_store_idx %arg23[%add3A_267], %exp3A_270 {add = true} : memref<512xf32, #tpu.memory_space<vmem>>[vector<16xi32>], vector<16xf32>,
        %get3A_271 = arith.constant 2 : i32
        %get3A_272 = arith.index_cast %get3A_271 : i32 to index
        %get3A_273 = arith.index_cast %mul3A_245 : i32 to index
        %get3A_274 = tpu.vector_load %arg17[%get3A_272, %get3A_273] {strides = array<i32>} : memref<4x400xf32, #tpu.memory_space<vmem>>, vector<16xf32>,
        %add3A_275 = arith.constant 2 : i32
        %add3A_276 = vector.broadcast %add3A_275 : i32 to vector<16xi32>
        %add3A_277 = arith.addi %mul3A_250, %add3A_276 : vector<16xi32>
        %gather3A_278 = tpu.vector_load_idx %arg22[%add3A_277] : memref<512xf32, #tpu.memory_space<vmem>>[vector<16xi32>], vector<16xf32>,
        %sub3A_279 = arith.subf %get3A_274, %gather3A_278 : vector<16xf32>
        %exp3A_280 = math.exp %sub3A_279 : vector<16xf32>
        tpu.vector_store_idx %arg23[%add3A_277], %exp3A_280 {add = true} : memref<512xf32, #tpu.memory_space<vmem>>[vector<16xi32>], vector<16xf32>,
        %get3A_281 = arith.constant 3 : i32
        %get3A_282 = arith.index_cast %get3A_281 : i32 to index
        %get3A_283 = arith.index_cast %mul3A_245 : i32 to index
        %get3A_284 = tpu.vector_load %arg17[%get3A_282, %get3A_283] {strides = array<i32>} : memref<4x400xf32, #tpu.memory_space<vmem>>, vector<16xf32>,
        %add3A_285 = arith.constant 3 : i32
        %add3A_286 = vector.broadcast %add3A_285 : i32 to vector<16xi32>
        %add3A_287 = arith.addi %mul3A_250, %add3A_286 : vector<16xi32>
        %gather3A_288 = tpu.vector_load_idx %arg22[%add3A_287] : memref<512xf32, #tpu.memory_space<vmem>>[vector<16xi32>], vector<16xf32>,
        %sub3A_289 = arith.subf %get3A_284, %gather3A_288 : vector<16xf32>
        %exp3A_290 = math.exp %sub3A_289 : vector<16xf32>
        tpu.vector_store_idx %arg23[%add3A_287], %exp3A_290 {add = true} : memref<512xf32, #tpu.memory_space<vmem>>[vector<16xi32>], vector<16xf32>,
        %mul3A_291 = arith.constant 5 : i32
        %mul3A_292 = arith.muli %scan3A_192, %mul3A_291 : i32
        %add3A_293 = arith.constant 2 : i32
        %add3A_294 = arith.addi %mul3A_292, %add3A_293 : i32
        %mul3A_295 = arith.constant 16 : i32
        %mul3A_296 = arith.muli %add3A_294, %mul3A_295 : i32
        %get3A_297 = arith.index_cast %mul3A_296 : i32 to index
        %get3A_298 = tpu.vector_load %arg9[%get3A_297] {strides = array<i32>} : memref<400xi32, #tpu.memory_space<vmem>>, vector<16xi32>,
        %mul3A_299 = arith.constant 8 : i32
        %mul3A_300 = vector.broadcast %mul3A_299 : i32 to vector<16xi32>
        %mul3A_301 = arith.muli %get3A_298, %mul3A_300 : vector<16xi32>
        %get3A_302 = arith.constant 0 : i32
        %get3A_303 = arith.index_cast %get3A_302 : i32 to index
        %get3A_304 = arith.index_cast %mul3A_296 : i32 to index
        %get3A_305 = tpu.vector_load %arg17[%get3A_303, %get3A_304] {strides = array<i32>} : memref<4x400xf32, #tpu.memory_space<vmem>>, vector<16xf32>,
        %add3A_306 = arith.constant 0 : i32
        %add3A_307 = vector.broadcast %add3A_306 : i32 to vector<16xi32>
        %add3A_308 = arith.addi %mul3A_301, %add3A_307 : vector<16xi32>
        %gather3A_309 = tpu.vector_load_idx %arg22[%add3A_308] : memref<512xf32, #tpu.memory_space<vmem>>[vector<16xi32>], vector<16xf32>,
        %sub3A_310 = arith.subf %get3A_305, %gather3A_309 : vector<16xf32>
        %exp3A_311 = math.exp %sub3A_310 : vector<16xf32>
        tpu.vector_store_idx %arg23[%add3A_308], %exp3A_311 {add = true} : memref<512xf32, #tpu.memory_space<vmem>>[vector<16xi32>], vector<16xf32>,
        %get3A_312 = arith.constant 1 : i32
        %get3A_313 = arith.index_cast %get3A_312 : i32 to index
        %get3A_314 = arith.index_cast %mul3A_296 : i32 to index
        %get3A_315 = tpu.vector_load %arg17[%get3A_313, %get3A_314] {strides = array<i32>} : memref<4x400xf32, #tpu.memory_space<vmem>>, vector<16xf32>,
        %add3A_316 = arith.constant 1 : i32
        %add3A_317 = vector.broadcast %add3A_316 : i32 to vector<16xi32>
        %add3A_318 = arith.addi %mul3A_301, %add3A_317 : vector<16xi32>
        %gather3A_319 = tpu.vector_load_idx %arg22[%add3A_318] : memref<512xf32, #tpu.memory_space<vmem>>[vector<16xi32>], vector<16xf32>,
        %sub3A_320 = arith.subf %get3A_315, %gather3A_319 : vector<16xf32>
        %exp3A_321 = math.exp %sub3A_320 : vector<16xf32>
        tpu.vector_store_idx %arg23[%add3A_318], %exp3A_321 {add = true} : memref<512xf32, #tpu.memory_space<vmem>>[vector<16xi32>], vector<16xf32>,
        %get3A_322 = arith.constant 2 : i32
        %get3A_323 = arith.index_cast %get3A_322 : i32 to index
        %get3A_324 = arith.index_cast %mul3A_296 : i32 to index
        %get3A_325 = tpu.vector_load %arg17[%get3A_323, %get3A_324] {strides = array<i32>} : memref<4x400xf32, #tpu.memory_space<vmem>>, vector<16xf32>,
        %add3A_326 = arith.constant 2 : i32
        %add3A_327 = vector.broadcast %add3A_326 : i32 to vector<16xi32>
        %add3A_328 = arith.addi %mul3A_301, %add3A_327 : vector<16xi32>
        %gather3A_329 = tpu.vector_load_idx %arg22[%add3A_328] : memref<512xf32, #tpu.memory_space<vmem>>[vector<16xi32>], vector<16xf32>,
        %sub3A_330 = arith.subf %get3A_325, %gather3A_329 : vector<16xf32>
        %exp3A_331 = math.exp %sub3A_330 : vector<16xf32>
        tpu.vector_store_idx %arg23[%add3A_328], %exp3A_331 {add = true} : memref<512xf32, #tpu.memory_space<vmem>>[vector<16xi32>], vector<16xf32>,
        %get3A_332 = arith.constant 3 : i32
        %get3A_333 = arith.index_cast %get3A_332 : i32 to index
        %get3A_334 = arith.index_cast %mul3A_296 : i32 to index
        %get3A_335 = tpu.vector_load %arg17[%get3A_333, %get3A_334] {strides = array<i32>} : memref<4x400xf32, #tpu.memory_space<vmem>>, vector<16xf32>,
        %add3A_336 = arith.constant 3 : i32
        %add3A_337 = vector.broadcast %add3A_336 : i32 to vector<16xi32>
        %add3A_338 = arith.addi %mul3A_301, %add3A_337 : vector<16xi32>
        %gather3A_339 = tpu.vector_load_idx %arg22[%add3A_338] : memref<512xf32, #tpu.memory_space<vmem>>[vector<16xi32>], vector<16xf32>,
        %sub3A_340 = arith.subf %get3A_335, %gather3A_339 : vector<16xf32>
        %exp3A_341 = math.exp %sub3A_340 : vector<16xf32>
        tpu.vector_store_idx %arg23[%add3A_338], %exp3A_341 {add = true} : memref<512xf32, #tpu.memory_space<vmem>>[vector<16xi32>], vector<16xf32>,
        %mul3A_342 = arith.constant 5 : i32
        %mul3A_343 = arith.muli %scan3A_192, %mul3A_342 : i32
        %add3A_344 = arith.constant 3 : i32
        %add3A_345 = arith.addi %mul3A_343, %add3A_344 : i32
        %mul3A_346 = arith.constant 16 : i32
        %mul3A_347 = arith.muli %add3A_345, %mul3A_346 : i32
        %get3A_348 = arith.index_cast %mul3A_347 : i32 to index
        %get3A_349 = tpu.vector_load %arg9[%get3A_348] {strides = array<i32>} : memref<400xi32, #tpu.memory_space<vmem>>, vector<16xi32>,
        %mul3A_350 = arith.constant 8 : i32
        %mul3A_351 = vector.broadcast %mul3A_350 : i32 to vector<16xi32>
        %mul3A_352 = arith.muli %get3A_349, %mul3A_351 : vector<16xi32>
        %get3A_353 = arith.constant 0 : i32
        %get3A_354 = arith.index_cast %get3A_353 : i32 to index
        %get3A_355 = arith.index_cast %mul3A_347 : i32 to index
        %get3A_356 = tpu.vector_load %arg17[%get3A_354, %get3A_355] {strides = array<i32>} : memref<4x400xf32, #tpu.memory_space<vmem>>, vector<16xf32>,
        %add3A_357 = arith.constant 0 : i32
        %add3A_358 = vector.broadcast %add3A_357 : i32 to vector<16xi32>
        %add3A_359 = arith.addi %mul3A_352, %add3A_358 : vector<16xi32>
        %gather3A_360 = tpu.vector_load_idx %arg22[%add3A_359] : memref<512xf32, #tpu.memory_space<vmem>>[vector<16xi32>], vector<16xf32>,
        %sub3A_361 = arith.subf %get3A_356, %gather3A_360 : vector<16xf32>
        %exp3A_362 = math.exp %sub3A_361 : vector<16xf32>
        tpu.vector_store_idx %arg23[%add3A_359], %exp3A_362 {add = true} : memref<512xf32, #tpu.memory_space<vmem>>[vector<16xi32>], vector<16xf32>,
        %get3A_363 = arith.constant 1 : i32
        %get3A_364 = arith.index_cast %get3A_363 : i32 to index
        %get3A_365 = arith.index_cast %mul3A_347 : i32 to index
        %get3A_366 = tpu.vector_load %arg17[%get3A_364, %get3A_365] {strides = array<i32>} : memref<4x400xf32, #tpu.memory_space<vmem>>, vector<16xf32>,
        %add3A_367 = arith.constant 1 : i32
        %add3A_368 = vector.broadcast %add3A_367 : i32 to vector<16xi32>
        %add3A_369 = arith.addi %mul3A_352, %add3A_368 : vector<16xi32>
        %gather3A_370 = tpu.vector_load_idx %arg22[%add3A_369] : memref<512xf32, #tpu.memory_space<vmem>>[vector<16xi32>], vector<16xf32>,
        %sub3A_371 = arith.subf %get3A_366, %gather3A_370 : vector<16xf32>
        %exp3A_372 = math.exp %sub3A_371 : vector<16xf32>
        tpu.vector_store_idx %arg23[%add3A_369], %exp3A_372 {add = true} : memref<512xf32, #tpu.memory_space<vmem>>[vector<16xi32>], vector<16xf32>,
        %get3A_373 = arith.constant 2 : i32
        %get3A_374 = arith.index_cast %get3A_373 : i32 to index
        %get3A_375 = arith.index_cast %mul3A_347 : i32 to index
        %get3A_376 = tpu.vector_load %arg17[%get3A_374, %get3A_375] {strides = array<i32>} : memref<4x400xf32, #tpu.memory_space<vmem>>, vector<16xf32>,
        %add3A_377 = arith.constant 2 : i32
        %add3A_378 = vector.broadcast %add3A_377 : i32 to vector<16xi32>
        %add3A_379 = arith.addi %mul3A_352, %add3A_378 : vector<16xi32>
        %gather3A_380 = tpu.vector_load_idx %arg22[%add3A_379] : memref<512xf32, #tpu.memory_space<vmem>>[vector<16xi32>], vector<16xf32>,
        %sub3A_381 = arith.subf %get3A_376, %gather3A_380 : vector<16xf32>
        %exp3A_382 = math.exp %sub3A_381 : vector<16xf32>
        tpu.vector_store_idx %arg23[%add3A_379], %exp3A_382 {add = true} : memref<512xf32, #tpu.memory_space<vmem>>[vector<16xi32>], vector<16xf32>,
        %get3A_383 = arith.constant 3 : i32
        %get3A_384 = arith.index_cast %get3A_383 : i32 to index
        %get3A_385 = arith.index_cast %mul3A_347 : i32 to index
        %get3A_386 = tpu.vector_load %arg17[%get3A_384, %get3A_385] {strides = array<i32>} : memref<4x400xf32, #tpu.memory_space<vmem>>, vector<16xf32>,
        %add3A_387 = arith.constant 3 : i32
        %add3A_388 = vector.broadcast %add3A_387 : i32 to vector<16xi32>
        %add3A_389 = arith.addi %mul3A_352, %add3A_388 : vector<16xi32>
        %gather3A_390 = tpu.vector_load_idx %arg22[%add3A_389] : memref<512xf32, #tpu.memory_space<vmem>>[vector<16xi32>], vector<16xf32>,
        %sub3A_391 = arith.subf %get3A_386, %gather3A_390 : vector<16xf32>
        %exp3A_392 = math.exp %sub3A_391 : vector<16xf32>
        tpu.vector_store_idx %arg23[%add3A_389], %exp3A_392 {add = true} : memref<512xf32, #tpu.memory_space<vmem>>[vector<16xi32>], vector<16xf32>,
        %mul3A_393 = arith.constant 5 : i32
        %mul3A_394 = arith.muli %scan3A_192, %mul3A_393 : i32
        %add3A_395 = arith.constant 4 : i32
        %add3A_396 = arith.addi %mul3A_394, %add3A_395 : i32
        %mul3A_397 = arith.constant 16 : i32
        %mul3A_398 = arith.muli %add3A_396, %mul3A_397 : i32
        %get3A_399 = arith.index_cast %mul3A_398 : i32 to index
        %get3A_400 = tpu.vector_load %arg9[%get3A_399] {strides = array<i32>} : memref<400xi32, #tpu.memory_space<vmem>>, vector<16xi32>,
        %mul3A_401 = arith.constant 8 : i32
        %mul3A_402 = vector.broadcast %mul3A_401 : i32 to vector<16xi32>
        %mul3A_403 = arith.muli %get3A_400, %mul3A_402 : vector<16xi32>
        %get3A_404 = arith.constant 0 : i32
        %get3A_405 = arith.index_cast %get3A_404 : i32 to index
        %get3A_406 = arith.index_cast %mul3A_398 : i32 to index
        %get3A_407 = tpu.vector_load %arg17[%get3A_405, %get3A_406] {strides = array<i32>} : memref<4x400xf32, #tpu.memory_space<vmem>>, vector<16xf32>,
        %add3A_408 = arith.constant 0 : i32
        %add3A_409 = vector.broadcast %add3A_408 : i32 to vector<16xi32>
        %add3A_410 = arith.addi %mul3A_403, %add3A_409 : vector<16xi32>
        %gather3A_411 = tpu.vector_load_idx %arg22[%add3A_410] : memref<512xf32, #tpu.memory_space<vmem>>[vector<16xi32>], vector<16xf32>,
        %sub3A_412 = arith.subf %get3A_407, %gather3A_411 : vector<16xf32>
        %exp3A_413 = math.exp %sub3A_412 : vector<16xf32>
        tpu.vector_store_idx %arg23[%add3A_410], %exp3A_413 {add = true} : memref<512xf32, #tpu.memory_space<vmem>>[vector<16xi32>], vector<16xf32>,
        %get3A_414 = arith.constant 1 : i32
        %get3A_415 = arith.index_cast %get3A_414 : i32 to index
        %get3A_416 = arith.index_cast %mul3A_398 : i32 to index
        %get3A_417 = tpu.vector_load %arg17[%get3A_415, %get3A_416] {strides = array<i32>} : memref<4x400xf32, #tpu.memory_space<vmem>>, vector<16xf32>,
        %add3A_418 = arith.constant 1 : i32
        %add3A_419 = vector.broadcast %add3A_418 : i32 to vector<16xi32>
        %add3A_420 = arith.addi %mul3A_403, %add3A_419 : vector<16xi32>
        %gather3A_421 = tpu.vector_load_idx %arg22[%add3A_420] : memref<512xf32, #tpu.memory_space<vmem>>[vector<16xi32>], vector<16xf32>,
        %sub3A_422 = arith.subf %get3A_417, %gather3A_421 : vector<16xf32>
        %exp3A_423 = math.exp %sub3A_422 : vector<16xf32>
        tpu.vector_store_idx %arg23[%add3A_420], %exp3A_423 {add = true} : memref<512xf32, #tpu.memory_space<vmem>>[vector<16xi32>], vector<16xf32>,
        %get3A_424 = arith.constant 2 : i32
        %get3A_425 = arith.index_cast %get3A_424 : i32 to index
        %get3A_426 = arith.index_cast %mul3A_398 : i32 to index
        %get3A_427 = tpu.vector_load %arg17[%get3A_425, %get3A_426] {strides = array<i32>} : memref<4x400xf32, #tpu.memory_space<vmem>>, vector<16xf32>,
        %add3A_428 = arith.constant 2 : i32
        %add3A_429 = vector.broadcast %add3A_428 : i32 to vector<16xi32>
        %add3A_430 = arith.addi %mul3A_403, %add3A_429 : vector<16xi32>
        %gather3A_431 = tpu.vector_load_idx %arg22[%add3A_430] : memref<512xf32, #tpu.memory_space<vmem>>[vector<16xi32>], vector<16xf32>,
        %sub3A_432 = arith.subf %get3A_427, %gather3A_431 : vector<16xf32>
        %exp3A_433 = math.exp %sub3A_432 : vector<16xf32>
        tpu.vector_store_idx %arg23[%add3A_430], %exp3A_433 {add = true} : memref<512xf32, #tpu.memory_space<vmem>>[vector<16xi32>], vector<16xf32>,
        %get3A_434 = arith.constant 3 : i32
        %get3A_435 = arith.index_cast %get3A_434 : i32 to index
        %get3A_436 = arith.index_cast %mul3A_398 : i32 to index
        %get3A_437 = tpu.vector_load %arg17[%get3A_435, %get3A_436] {strides = array<i32>} : memref<4x400xf32, #tpu.memory_space<vmem>>, vector<16xf32>,
        %add3A_438 = arith.constant 3 : i32
        %add3A_439 = vector.broadcast %add3A_438 : i32 to vector<16xi32>
        %add3A_440 = arith.addi %mul3A_403, %add3A_439 : vector<16xi32>
        %gather3A_441 = tpu.vector_load_idx %arg22[%add3A_440] : memref<512xf32, #tpu.memory_space<vmem>>[vector<16xi32>], vector<16xf32>,
        %sub3A_442 = arith.subf %get3A_437, %gather3A_441 : vector<16xf32>
        %exp3A_443 = math.exp %sub3A_442 : vector<16xf32>
        tpu.vector_store_idx %arg23[%add3A_440], %exp3A_443 {add = true} : memref<512xf32, #tpu.memory_space<vmem>>[vector<16xi32>], vector<16xf32>,
      }
      %scan3A_191 = arith.constant 5 : i32
    } else {
    }
    %add3A_146 = arith.constant 128 : i32
    %add3A_147 = arith.addi %add3A, %add3A_146 : i32
    %lt3A_148 = arith.constant 250 : i32
    %lt3A_149 = arith.cmpi slt, %add3A_147, %lt3A_148 : i32
    %convert_element_type3A_150 = arith.extui %lt3A_149 : i1 to i32
    %cond3A_151 = arith.constant 0 : i32
    %cond3A_152 = arith.cmpi ne, %convert_element_type3A_150, %cond3A_151 : i32
    scf.if %cond3A_152 {
      %dma_wait3A = arith.constant 0 : i32
      %dma_wait3A_174 = tpu.memref_slice %arg3[%dma_wait3A] : memref<100000xi32, #tpu.memory_space<hbm>> -> memref<400xi32, #tpu.memory_space<hbm>>
      %dma_wait3A_175 = arith.constant 0 : i32
      %dma_wait3A_176 = tpu.memref_slice %arg3[%dma_wait3A_175] : memref<100000xi32, #tpu.memory_space<hbm>> -> memref<400xi32, #tpu.memory_space<hbm>>
      tpu.wait_dma2 semaphore(%arg28 : memref<!tpu.dma_semaphore, #tpu.memory_space<semaphore_mem>>) src(%dma_wait3A_176 : memref<400xi32, #tpu.memory_space<hbm>>) dst(%arg10 : memref<400xi32, #tpu.memory_space<vmem>>)
      %dma_wait3A_177 = arith.constant 0 : i32
      %dma_wait3A_178 = arith.constant 0 : i32
      %dma_wait3A_179 = arith.constant 0 : i32
      %dma_wait3A_180 = arith.constant 0 : i32
      %dma_wait3A_181 = tpu.memref_slice %arg2[%dma_wait3A_177, %dma_wait3A_178, %dma_wait3A_179, %dma_wait3A_180] : memref<50x5x4x400xf32, #tpu.memory_space<hbm>> -> memref<1x1x4x400xf32, #tpu.memory_space<hbm>>
      %dma_wait3A_182 = tpu.memref_squeeze %dma_wait3A_181 : memref<1x1x4x400xf32, #tpu.memory_space<hbm>> -> memref<4x400xf32, #tpu.memory_space<hbm>>
      %dma_wait3A_183 = arith.constant 0 : i32
      %dma_wait3A_184 = arith.constant 0 : i32
      %dma_wait3A_185 = tpu.memref_slice %arg2[%dma_wait3A_177, %dma_wait3A_178, %dma_wait3A_183, %dma_wait3A_184] : memref<50x5x4x400xf32, #tpu.memory_space<hbm>> -> memref<1x1x4x400xf32, #tpu.memory_space<hbm>>
      %dma_wait3A_186 = tpu.memref_squeeze %dma_wait3A_185 : memref<1x1x4x400xf32, #tpu.memory_space<hbm>> -> memref<4x400xf32, #tpu.memory_space<hbm>>
      tpu.wait_dma2 semaphore(%arg28 : memref<!tpu.dma_semaphore, #tpu.memory_space<semaphore_mem>>) src(%dma_wait3A_186 : memref<4x400xf32, #tpu.memory_space<hbm>>) dst(%arg18 : memref<4x400xf32, #tpu.memory_space<vmem>>)
      %scan3A = arith.constant 0 : i32
      %scan3A_187 = arith.constant 0 : i32
      %scan3A_188 = arith.constant 5 : i32
      %scan3A_189 = arith.addi %scan3A_187, %scan3A_188 : i32
      %scan3A_190 = arith.constant 1 : i32
      scf.for %scan3A_192 = %scan3A_187 to %scan3A_189 step %scan3A_190  : i32 {
        %mul3A_193 = arith.constant 5 : i32
        %mul3A_194 = arith.muli %scan3A_192, %mul3A_193 : i32
        %add3A_195 = arith.constant 0 : i32
        %add3A_196 = arith.addi %mul3A_194, %add3A_195 : i32
        %mul3A_197 = arith.constant 16 : i32
        %mul3A_198 = arith.muli %add3A_196, %mul3A_197 : i32
        %get3A = arith.index_cast %mul3A_198 : i32 to index
        %get3A_199 = tpu.vector_load %arg10[%get3A] {strides = array<i32>} : memref<400xi32, #tpu.memory_space<vmem>>, vector<16xi32>,
        %mul3A_200 = arith.constant 8 : i32
        %mul3A_201 = vector.broadcast %mul3A_200 : i32 to vector<16xi32>
        %mul3A_202 = arith.muli %get3A_199, %mul3A_201 : vector<16xi32>
        %get3A_203 = arith.constant 0 : i32
        %get3A_204 = arith.index_cast %get3A_203 : i32 to index
        %get3A_205 = arith.index_cast %mul3A_198 : i32 to index
        %get3A_206 = tpu.vector_load %arg18[%get3A_204, %get3A_205] {strides = array<i32>} : memref<4x400xf32, #tpu.memory_space<vmem>>, vector<16xf32>,
        %add3A_207 = arith.constant 0 : i32
        %add3A_208 = vector.broadcast %add3A_207 : i32 to vector<16xi32>
        %add3A_209 = arith.addi %mul3A_202, %add3A_208 : vector<16xi32>
        %gather3A = tpu.vector_load_idx %arg22[%add3A_209] : memref<512xf32, #tpu.memory_space<vmem>>[vector<16xi32>], vector<16xf32>,
        %sub3A = arith.subf %get3A_206, %gather3A : vector<16xf32>
        %exp3A = math.exp %sub3A : vector<16xf32>
        tpu.vector_store_idx %arg23[%add3A_209], %exp3A {add = true} : memref<512xf32, #tpu.memory_space<vmem>>[vector<16xi32>], vector<16xf32>,
        %get3A_210 = arith.constant 1 : i32
        %get3A_211 = arith.index_cast %get3A_210 : i32 to index
        %get3A_212 = arith.index_cast %mul3A_198 : i32 to index
        %get3A_213 = tpu.vector_load %arg18[%get3A_211, %get3A_212] {strides = array<i32>} : memref<4x400xf32, #tpu.memory_space<vmem>>, vector<16xf32>,
        %add3A_214 = arith.constant 1 : i32
        %add3A_215 = vector.broadcast %add3A_214 : i32 to vector<16xi32>
        %add3A_216 = arith.addi %mul3A_202, %add3A_215 : vector<16xi32>
        %gather3A_217 = tpu.vector_load_idx %arg22[%add3A_216] : memref<512xf32, #tpu.memory_space<vmem>>[vector<16xi32>], vector<16xf32>,
        %sub3A_218 = arith.subf %get3A_213, %gather3A_217 : vector<16xf32>
        %exp3A_219 = math.exp %sub3A_218 : vector<16xf32>
        tpu.vector_store_idx %arg23[%add3A_216], %exp3A_219 {add = true} : memref<512xf32, #tpu.memory_space<vmem>>[vector<16xi32>], vector<16xf32>,
        %get3A_220 = arith.constant 2 : i32
        %get3A_221 = arith.index_cast %get3A_220 : i32 to index
        %get3A_222 = arith.index_cast %mul3A_198 : i32 to index
        %get3A_223 = tpu.vector_load %arg18[%get3A_221, %get3A_222] {strides = array<i32>} : memref<4x400xf32, #tpu.memory_space<vmem>>, vector<16xf32>,
        %add3A_224 = arith.constant 2 : i32
        %add3A_225 = vector.broadcast %add3A_224 : i32 to vector<16xi32>
        %add3A_226 = arith.addi %mul3A_202, %add3A_225 : vector<16xi32>
        %gather3A_227 = tpu.vector_load_idx %arg22[%add3A_226] : memref<512xf32, #tpu.memory_space<vmem>>[vector<16xi32>], vector<16xf32>,
        %sub3A_228 = arith.subf %get3A_223, %gather3A_227 : vector<16xf32>
        %exp3A_229 = math.exp %sub3A_228 : vector<16xf32>
        tpu.vector_store_idx %arg23[%add3A_226], %exp3A_229 {add = true} : memref<512xf32, #tpu.memory_space<vmem>>[vector<16xi32>], vector<16xf32>,
        %get3A_230 = arith.constant 3 : i32
        %get3A_231 = arith.index_cast %get3A_230 : i32 to index
        %get3A_232 = arith.index_cast %mul3A_198 : i32 to index
        %get3A_233 = tpu.vector_load %arg18[%get3A_231, %get3A_232] {strides = array<i32>} : memref<4x400xf32, #tpu.memory_space<vmem>>, vector<16xf32>,
        %add3A_234 = arith.constant 3 : i32
        %add3A_235 = vector.broadcast %add3A_234 : i32 to vector<16xi32>
        %add3A_236 = arith.addi %mul3A_202, %add3A_235 : vector<16xi32>
        %gather3A_237 = tpu.vector_load_idx %arg22[%add3A_236] : memref<512xf32, #tpu.memory_space<vmem>>[vector<16xi32>], vector<16xf32>,
        %sub3A_238 = arith.subf %get3A_233, %gather3A_237 : vector<16xf32>
        %exp3A_239 = math.exp %sub3A_238 : vector<16xf32>
        tpu.vector_store_idx %arg23[%add3A_236], %exp3A_239 {add = true} : memref<512xf32, #tpu.memory_space<vmem>>[vector<16xi32>], vector<16xf32>,
        %mul3A_240 = arith.constant 5 : i32
        %mul3A_241 = arith.muli %scan3A_192, %mul3A_240 : i32
        %add3A_242 = arith.constant 1 : i32
        %add3A_243 = arith.addi %mul3A_241, %add3A_242 : i32
        %mul3A_244 = arith.constant 16 : i32
        %mul3A_245 = arith.muli %add3A_243, %mul3A_244 : i32
        %get3A_246 = arith.index_cast %mul3A_245 : i32 to index
        %get3A_247 = tpu.vector_load %arg10[%get3A_246] {strides = array<i32>} : memref<400xi32, #tpu.memory_space<vmem>>, vector<16xi32>,
        %mul3A_248 = arith.constant 8 : i32
        %mul3A_249 = vector.broadcast %mul3A_248 : i32 to vector<16xi32>
        %mul3A_250 = arith.muli %get3A_247, %mul3A_249 : vector<16xi32>
        %get3A_251 = arith.constant 0 : i32
        %get3A_252 = arith.index_cast %get3A_251 : i32 to index
        %get3A_253 = arith.index_cast %mul3A_245 : i32 to index
        %get3A_254 = tpu.vector_load %arg18[%get3A_252, %get3A_253] {strides = array<i32>} : memref<4x400xf32, #tpu.memory_space<vmem>>, vector<16xf32>,
        %add3A_255 = arith.constant 0 : i32
        %add3A_256 = vector.broadcast %add3A_255 : i32 to vector<16xi32>
        %add3A_257 = arith.addi %mul3A_250, %add3A_256 : vector<16xi32>
        %gather3A_258 = tpu.vector_load_idx %arg22[%add3A_257] : memref<512xf32, #tpu.memory_space<vmem>>[vector<16xi32>], vector<16xf32>,
        %sub3A_259 = arith.subf %get3A_254, %gather3A_258 : vector<16xf32>
        %exp3A_260 = math.exp %sub3A_259 : vector<16xf32>
        tpu.vector_store_idx %arg23[%add3A_257], %exp3A_260 {add = true} : memref<512xf32, #tpu.memory_space<vmem>>[vector<16xi32>], vector<16xf32>,
        %get3A_261 = arith.constant 1 : i32
        %get3A_262 = arith.index_cast %get3A_261 : i32 to index
        %get3A_263 = arith.index_cast %mul3A_245 : i32 to index
        %get3A_264 = tpu.vector_load %arg18[%get3A_262, %get3A_263] {strides = array<i32>} : memref<4x400xf32, #tpu.memory_space<vmem>>, vector<16xf32>,
        %add3A_265 = arith.constant 1 : i32
        %add3A_266 = vector.broadcast %add3A_265 : i32 to vector<16xi32>
        %add3A_267 = arith.addi %mul3A_250, %add3A_266 : vector<16xi32>
        %gather3A_268 = tpu.vector_load_idx %arg22[%add3A_267] : memref<512xf32, #tpu.memory_space<vmem>>[vector<16xi32>], vector<16xf32>,
        %sub3A_269 = arith.subf %get3A_264, %gather3A_268 : vector<16xf32>
        %exp3A_270 = math.exp %sub3A_269 : vector<16xf32>
        tpu.vector_store_idx %arg23[%add3A_267], %exp3A_270 {add = true} : memref<512xf32, #tpu.memory_space<vmem>>[vector<16xi32>], vector<16xf32>,
        %get3A_271 = arith.constant 2 : i32
        %get3A_272 = arith.index_cast %get3A_271 : i32 to index
        %get3A_273 = arith.index_cast %mul3A_245 : i32 to index
        %get3A_274 = tpu.vector_load %arg18[%get3A_272, %get3A_273] {strides = array<i32>} : memref<4x400xf32, #tpu.memory_space<vmem>>, vector<16xf32>,
        %add3A_275 = arith.constant 2 : i32
        %add3A_276 = vector.broadcast %add3A_275 : i32 to vector<16xi32>
        %add3A_277 = arith.addi %mul3A_250, %add3A_276 : vector<16xi32>
        %gather3A_278 = tpu.vector_load_idx %arg22[%add3A_277] : memref<512xf32, #tpu.memory_space<vmem>>[vector<16xi32>], vector<16xf32>,
        %sub3A_279 = arith.subf %get3A_274, %gather3A_278 : vector<16xf32>
        %exp3A_280 = math.exp %sub3A_279 : vector<16xf32>
        tpu.vector_store_idx %arg23[%add3A_277], %exp3A_280 {add = true} : memref<512xf32, #tpu.memory_space<vmem>>[vector<16xi32>], vector<16xf32>,
        %get3A_281 = arith.constant 3 : i32
        %get3A_282 = arith.index_cast %get3A_281 : i32 to index
        %get3A_283 = arith.index_cast %mul3A_245 : i32 to index
        %get3A_284 = tpu.vector_load %arg18[%get3A_282, %get3A_283] {strides = array<i32>} : memref<4x400xf32, #tpu.memory_space<vmem>>, vector<16xf32>,
        %add3A_285 = arith.constant 3 : i32
        %add3A_286 = vector.broadcast %add3A_285 : i32 to vector<16xi32>
        %add3A_287 = arith.addi %mul3A_250, %add3A_286 : vector<16xi32>
        %gather3A_288 = tpu.vector_load_idx %arg22[%add3A_287] : memref<512xf32, #tpu.memory_space<vmem>>[vector<16xi32>], vector<16xf32>,
        %sub3A_289 = arith.subf %get3A_284, %gather3A_288 : vector<16xf32>
        %exp3A_290 = math.exp %sub3A_289 : vector<16xf32>
        tpu.vector_store_idx %arg23[%add3A_287], %exp3A_290 {add = true} : memref<512xf32, #tpu.memory_space<vmem>>[vector<16xi32>], vector<16xf32>,
        %mul3A_291 = arith.constant 5 : i32
        %mul3A_292 = arith.muli %scan3A_192, %mul3A_291 : i32
        %add3A_293 = arith.constant 2 : i32
        %add3A_294 = arith.addi %mul3A_292, %add3A_293 : i32
        %mul3A_295 = arith.constant 16 : i32
        %mul3A_296 = arith.muli %add3A_294, %mul3A_295 : i32
        %get3A_297 = arith.index_cast %mul3A_296 : i32 to index
        %get3A_298 = tpu.vector_load %arg10[%get3A_297] {strides = array<i32>} : memref<400xi32, #tpu.memory_space<vmem>>, vector<16xi32>,
        %mul3A_299 = arith.constant 8 : i32
        %mul3A_300 = vector.broadcast %mul3A_299 : i32 to vector<16xi32>
        %mul3A_301 = arith.muli %get3A_298, %mul3A_300 : vector<16xi32>
        %get3A_302 = arith.constant 0 : i32
        %get3A_303 = arith.index_cast %get3A_302 : i32 to index
        %get3A_304 = arith.index_cast %mul3A_296 : i32 to index
        %get3A_305 = tpu.vector_load %arg18[%get3A_303, %get3A_304] {strides = array<i32>} : memref<4x400xf32, #tpu.memory_space<vmem>>, vector<16xf32>,
        %add3A_306 = arith.constant 0 : i32
        %add3A_307 = vector.broadcast %add3A_306 : i32 to vector<16xi32>
        %add3A_308 = arith.addi %mul3A_301, %add3A_307 : vector<16xi32>
        %gather3A_309 = tpu.vector_load_idx %arg22[%add3A_308] : memref<512xf32, #tpu.memory_space<vmem>>[vector<16xi32>], vector<16xf32>,
        %sub3A_310 = arith.subf %get3A_305, %gather3A_309 : vector<16xf32>
        %exp3A_311 = math.exp %sub3A_310 : vector<16xf32>
        tpu.vector_store_idx %arg23[%add3A_308], %exp3A_311 {add = true} : memref<512xf32, #tpu.memory_space<vmem>>[vector<16xi32>], vector<16xf32>,
        %get3A_312 = arith.constant 1 : i32
        %get3A_313 = arith.index_cast %get3A_312 : i32 to index
        %get3A_314 = arith.index_cast %mul3A_296 : i32 to index
        %get3A_315 = tpu.vector_load %arg18[%get3A_313, %get3A_314] {strides = array<i32>} : memref<4x400xf32, #tpu.memory_space<vmem>>, vector<16xf32>,
        %add3A_316 = arith.constant 1 : i32
        %add3A_317 = vector.broadcast %add3A_316 : i32 to vector<16xi32>
        %add3A_318 = arith.addi %mul3A_301, %add3A_317 : vector<16xi32>
        %gather3A_319 = tpu.vector_load_idx %arg22[%add3A_318] : memref<512xf32, #tpu.memory_space<vmem>>[vector<16xi32>], vector<16xf32>,
        %sub3A_320 = arith.subf %get3A_315, %gather3A_319 : vector<16xf32>
        %exp3A_321 = math.exp %sub3A_320 : vector<16xf32>
        tpu.vector_store_idx %arg23[%add3A_318], %exp3A_321 {add = true} : memref<512xf32, #tpu.memory_space<vmem>>[vector<16xi32>], vector<16xf32>,
        %get3A_322 = arith.constant 2 : i32
        %get3A_323 = arith.index_cast %get3A_322 : i32 to index
        %get3A_324 = arith.index_cast %mul3A_296 : i32 to index
        %get3A_325 = tpu.vector_load %arg18[%get3A_323, %get3A_324] {strides = array<i32>} : memref<4x400xf32, #tpu.memory_space<vmem>>, vector<16xf32>,
        %add3A_326 = arith.constant 2 : i32
        %add3A_327 = vector.broadcast %add3A_326 : i32 to vector<16xi32>
        %add3A_328 = arith.addi %mul3A_301, %add3A_327 : vector<16xi32>
        %gather3A_329 = tpu.vector_load_idx %arg22[%add3A_328] : memref<512xf32, #tpu.memory_space<vmem>>[vector<16xi32>], vector<16xf32>,
        %sub3A_330 = arith.subf %get3A_325, %gather3A_329 : vector<16xf32>
        %exp3A_331 = math.exp %sub3A_330 : vector<16xf32>
        tpu.vector_store_idx %arg23[%add3A_328], %exp3A_331 {add = true} : memref<512xf32, #tpu.memory_space<vmem>>[vector<16xi32>], vector<16xf32>,
        %get3A_332 = arith.constant 3 : i32
        %get3A_333 = arith.index_cast %get3A_332 : i32 to index
        %get3A_334 = arith.index_cast %mul3A_296 : i32 to index
        %get3A_335 = tpu.vector_load %arg18[%get3A_333, %get3A_334] {strides = array<i32>} : memref<4x400xf32, #tpu.memory_space<vmem>>, vector<16xf32>,
        %add3A_336 = arith.constant 3 : i32
        %add3A_337 = vector.broadcast %add3A_336 : i32 to vector<16xi32>
        %add3A_338 = arith.addi %mul3A_301, %add3A_337 : vector<16xi32>
        %gather3A_339 = tpu.vector_load_idx %arg22[%add3A_338] : memref<512xf32, #tpu.memory_space<vmem>>[vector<16xi32>], vector<16xf32>,
        %sub3A_340 = arith.subf %get3A_335, %gather3A_339 : vector<16xf32>
        %exp3A_341 = math.exp %sub3A_340 : vector<16xf32>
        tpu.vector_store_idx %arg23[%add3A_338], %exp3A_341 {add = true} : memref<512xf32, #tpu.memory_space<vmem>>[vector<16xi32>], vector<16xf32>,
        %mul3A_342 = arith.constant 5 : i32
        %mul3A_343 = arith.muli %scan3A_192, %mul3A_342 : i32
        %add3A_344 = arith.constant 3 : i32
        %add3A_345 = arith.addi %mul3A_343, %add3A_344 : i32
        %mul3A_346 = arith.constant 16 : i32
        %mul3A_347 = arith.muli %add3A_345, %mul3A_346 : i32
        %get3A_348 = arith.index_cast %mul3A_347 : i32 to index
        %get3A_349 = tpu.vector_load %arg10[%get3A_348] {strides = array<i32>} : memref<400xi32, #tpu.memory_space<vmem>>, vector<16xi32>,
        %mul3A_350 = arith.constant 8 : i32
        %mul3A_351 = vector.broadcast %mul3A_350 : i32 to vector<16xi32>
        %mul3A_352 = arith.muli %get3A_349, %mul3A_351 : vector<16xi32>
        %get3A_353 = arith.constant 0 : i32
        %get3A_354 = arith.index_cast %get3A_353 : i32 to index
        %get3A_355 = arith.index_cast %mul3A_347 : i32 to index
        %get3A_356 = tpu.vector_load %arg18[%get3A_354, %get3A_355] {strides = array<i32>} : memref<4x400xf32, #tpu.memory_space<vmem>>, vector<16xf32>,
        %add3A_357 = arith.constant 0 : i32
        %add3A_358 = vector.broadcast %add3A_357 : i32 to vector<16xi32>
        %add3A_359 = arith.addi %mul3A_352, %add3A_358 : vector<16xi32>
        %gather3A_360 = tpu.vector_load_idx %arg22[%add3A_359] : memref<512xf32, #tpu.memory_space<vmem>>[vector<16xi32>], vector<16xf32>,
        %sub3A_361 = arith.subf %get3A_356, %gather3A_360 : vector<16xf32>
        %exp3A_362 = math.exp %sub3A_361 : vector<16xf32>
        tpu.vector_store_idx %arg23[%add3A_359], %exp3A_362 {add = true} : memref<512xf32, #tpu.memory_space<vmem>>[vector<16xi32>], vector<16xf32>,
        %get3A_363 = arith.constant 1 : i32
        %get3A_364 = arith.index_cast %get3A_363 : i32 to index
        %get3A_365 = arith.index_cast %mul3A_347 : i32 to index
        %get3A_366 = tpu.vector_load %arg18[%get3A_364, %get3A_365] {strides = array<i32>} : memref<4x400xf32, #tpu.memory_space<vmem>>, vector<16xf32>,
        %add3A_367 = arith.constant 1 : i32
        %add3A_368 = vector.broadcast %add3A_367 : i32 to vector<16xi32>
        %add3A_369 = arith.addi %mul3A_352, %add3A_368 : vector<16xi32>
        %gather3A_370 = tpu.vector_load_idx %arg22[%add3A_369] : memref<512xf32, #tpu.memory_space<vmem>>[vector<16xi32>], vector<16xf32>,
        %sub3A_371 = arith.subf %get3A_366, %gather3A_370 : vector<16xf32>
        %exp3A_372 = math.exp %sub3A_371 : vector<16xf32>
        tpu.vector_store_idx %arg23[%add3A_369], %exp3A_372 {add = true} : memref<512xf32, #tpu.memory_space<vmem>>[vector<16xi32>], vector<16xf32>,
        %get3A_373 = arith.constant 2 : i32
        %get3A_374 = arith.index_cast %get3A_373 : i32 to index
        %get3A_375 = arith.index_cast %mul3A_347 : i32 to index
        %get3A_376 = tpu.vector_load %arg18[%get3A_374, %get3A_375] {strides = array<i32>} : memref<4x400xf32, #tpu.memory_space<vmem>>, vector<16xf32>,
        %add3A_377 = arith.constant 2 : i32
        %add3A_378 = vector.broadcast %add3A_377 : i32 to vector<16xi32>
        %add3A_379 = arith.addi %mul3A_352, %add3A_378 : vector<16xi32>
        %gather3A_380 = tpu.vector_load_idx %arg22[%add3A_379] : memref<512xf32, #tpu.memory_space<vmem>>[vector<16xi32>], vector<16xf32>,
        %sub3A_381 = arith.subf %get3A_376, %gather3A_380 : vector<16xf32>
        %exp3A_382 = math.exp %sub3A_381 : vector<16xf32>
        tpu.vector_store_idx %arg23[%add3A_379], %exp3A_382 {add = true} : memref<512xf32, #tpu.memory_space<vmem>>[vector<16xi32>], vector<16xf32>,
        %get3A_383 = arith.constant 3 : i32
        %get3A_384 = arith.index_cast %get3A_383 : i32 to index
        %get3A_385 = arith.index_cast %mul3A_347 : i32 to index
        %get3A_386 = tpu.vector_load %arg18[%get3A_384, %get3A_385] {strides = array<i32>} : memref<4x400xf32, #tpu.memory_space<vmem>>, vector<16xf32>,
        %add3A_387 = arith.constant 3 : i32
        %add3A_388 = vector.broadcast %add3A_387 : i32 to vector<16xi32>
        %add3A_389 = arith.addi %mul3A_352, %add3A_388 : vector<16xi32>
        %gather3A_390 = tpu.vector_load_idx %arg22[%add3A_389] : memref<512xf32, #tpu.memory_space<vmem>>[vector<16xi32>], vector<16xf32>,
        %sub3A_391 = arith.subf %get3A_386, %gather3A_390 : vector<16xf32>
        %exp3A_392 = math.exp %sub3A_391 : vector<16xf32>
        tpu.vector_store_idx %arg23[%add3A_389], %exp3A_392 {add = true} : memref<512xf32, #tpu.memory_space<vmem>>[vector<16xi32>], vector<16xf32>,
        %mul3A_393 = arith.constant 5 : i32
        %mul3A_394 = arith.muli %scan3A_192, %mul3A_393 : i32
        %add3A_395 = arith.constant 4 : i32
        %add3A_396 = arith.addi %mul3A_394, %add3A_395 : i32
        %mul3A_397 = arith.constant 16 : i32
        %mul3A_398 = arith.muli %add3A_396, %mul3A_397 : i32
        %get3A_399 = arith.index_cast %mul3A_398 : i32 to index
        %get3A_400 = tpu.vector_load %arg10[%get3A_399] {strides = array<i32>} : memref<400xi32, #tpu.memory_space<vmem>>, vector<16xi32>,
        %mul3A_401 = arith.constant 8 : i32
        %mul3A_402 = vector.broadcast %mul3A_401 : i32 to vector<16xi32>
        %mul3A_403 = arith.muli %get3A_400, %mul3A_402 : vector<16xi32>
        %get3A_404 = arith.constant 0 : i32
        %get3A_405 = arith.index_cast %get3A_404 : i32 to index
        %get3A_406 = arith.index_cast %mul3A_398 : i32 to index
        %get3A_407 = tpu.vector_load %arg18[%get3A_405, %get3A_406] {strides = array<i32>} : memref<4x400xf32, #tpu.memory_space<vmem>>, vector<16xf32>,
        %add3A_408 = arith.constant 0 : i32
        %add3A_409 = vector.broadcast %add3A_408 : i32 to vector<16xi32>
        %add3A_410 = arith.addi %mul3A_403, %add3A_409 : vector<16xi32>
        %gather3A_411 = tpu.vector_load_idx %arg22[%add3A_410] : memref<512xf32, #tpu.memory_space<vmem>>[vector<16xi32>], vector<16xf32>,
        %sub3A_412 = arith.subf %get3A_407, %gather3A_411 : vector<16xf32>
        %exp3A_413 = math.exp %sub3A_412 : vector<16xf32>
        tpu.vector_store_idx %arg23[%add3A_410], %exp3A_413 {add = true} : memref<512xf32, #tpu.memory_space<vmem>>[vector<16xi32>], vector<16xf32>,
        %get3A_414 = arith.constant 1 : i32
        %get3A_415 = arith.index_cast %get3A_414 : i32 to index
        %get3A_416 = arith.index_cast %mul3A_398 : i32 to index
        %get3A_417 = tpu.vector_load %arg18[%get3A_415, %get3A_416] {strides = array<i32>} : memref<4x400xf32, #tpu.memory_space<vmem>>, vector<16xf32>,
        %add3A_418 = arith.constant 1 : i32
        %add3A_419 = vector.broadcast %add3A_418 : i32 to vector<16xi32>
        %add3A_420 = arith.addi %mul3A_403, %add3A_419 : vector<16xi32>
        %gather3A_421 = tpu.vector_load_idx %arg22[%add3A_420] : memref<512xf32, #tpu.memory_space<vmem>>[vector<16xi32>], vector<16xf32>,
        %sub3A_422 = arith.subf %get3A_417, %gather3A_421 : vector<16xf32>
        %exp3A_423 = math.exp %sub3A_422 : vector<16xf32>
        tpu.vector_store_idx %arg23[%add3A_420], %exp3A_423 {add = true} : memref<512xf32, #tpu.memory_space<vmem>>[vector<16xi32>], vector<16xf32>,
        %get3A_424 = arith.constant 2 : i32
        %get3A_425 = arith.index_cast %get3A_424 : i32 to index
        %get3A_426 = arith.index_cast %mul3A_398 : i32 to index
        %get3A_427 = tpu.vector_load %arg18[%get3A_425, %get3A_426] {strides = array<i32>} : memref<4x400xf32, #tpu.memory_space<vmem>>, vector<16xf32>,
        %add3A_428 = arith.constant 2 : i32
        %add3A_429 = vector.broadcast %add3A_428 : i32 to vector<16xi32>
        %add3A_430 = arith.addi %mul3A_403, %add3A_429 : vector<16xi32>
        %gather3A_431 = tpu.vector_load_idx %arg22[%add3A_430] : memref<512xf32, #tpu.memory_space<vmem>>[vector<16xi32>], vector<16xf32>,
        %sub3A_432 = arith.subf %get3A_427, %gather3A_431 : vector<16xf32>
        %exp3A_433 = math.exp %sub3A_432 : vector<16xf32>
        tpu.vector_store_idx %arg23[%add3A_430], %exp3A_433 {add = true} : memref<512xf32, #tpu.memory_space<vmem>>[vector<16xi32>], vector<16xf32>,
        %get3A_434 = arith.constant 3 : i32
        %get3A_435 = arith.index_cast %get3A_434 : i32 to index
        %get3A_436 = arith.index_cast %mul3A_398 : i32 to index
        %get3A_437 = tpu.vector_load %arg18[%get3A_435, %get3A_436] {strides = array<i32>} : memref<4x400xf32, #tpu.memory_space<vmem>>, vector<16xf32>,
        %add3A_438 = arith.constant 3 : i32
        %add3A_439 = vector.broadcast %add3A_438 : i32 to vector<16xi32>
        %add3A_440 = arith.addi %mul3A_403, %add3A_439 : vector<16xi32>
        %gather3A_441 = tpu.vector_load_idx %arg22[%add3A_440] : memref<512xf32, #tpu.memory_space<vmem>>[vector<16xi32>], vector<16xf32>,
        %sub3A_442 = arith.subf %get3A_437, %gather3A_441 : vector<16xf32>
        %exp3A_443 = math.exp %sub3A_442 : vector<16xf32>
        tpu.vector_store_idx %arg23[%add3A_440], %exp3A_443 {add = true} : memref<512xf32, #tpu.memory_space<vmem>>[vector<16xi32>], vector<16xf32>,
      }
      %scan3A_191 = arith.constant 5 : i32
    } else {
    }
    %add3A_153 = arith.constant 160 : i32
    %add3A_154 = arith.addi %add3A, %add3A_153 : i32
    %lt3A_155 = arith.constant 250 : i32
    %lt3A_156 = arith.cmpi slt, %add3A_154, %lt3A_155 : i32
    %convert_element_type3A_157 = arith.extui %lt3A_156 : i1 to i32
    %cond3A_158 = arith.constant 0 : i32
    %cond3A_159 = arith.cmpi ne, %convert_element_type3A_157, %cond3A_158 : i32
    scf.if %cond3A_159 {
      %dma_wait3A = arith.constant 0 : i32
      %dma_wait3A_174 = tpu.memref_slice %arg3[%dma_wait3A] : memref<100000xi32, #tpu.memory_space<hbm>> -> memref<400xi32, #tpu.memory_space<hbm>>
      %dma_wait3A_175 = arith.constant 0 : i32
      %dma_wait3A_176 = tpu.memref_slice %arg3[%dma_wait3A_175] : memref<100000xi32, #tpu.memory_space<hbm>> -> memref<400xi32, #tpu.memory_space<hbm>>
      tpu.wait_dma2 semaphore(%arg29 : memref<!tpu.dma_semaphore, #tpu.memory_space<semaphore_mem>>) src(%dma_wait3A_176 : memref<400xi32, #tpu.memory_space<hbm>>) dst(%arg11 : memref<400xi32, #tpu.memory_space<vmem>>)
      %dma_wait3A_177 = arith.constant 0 : i32
      %dma_wait3A_178 = arith.constant 0 : i32
      %dma_wait3A_179 = arith.constant 0 : i32
      %dma_wait3A_180 = arith.constant 0 : i32
      %dma_wait3A_181 = tpu.memref_slice %arg2[%dma_wait3A_177, %dma_wait3A_178, %dma_wait3A_179, %dma_wait3A_180] : memref<50x5x4x400xf32, #tpu.memory_space<hbm>> -> memref<1x1x4x400xf32, #tpu.memory_space<hbm>>
      %dma_wait3A_182 = tpu.memref_squeeze %dma_wait3A_181 : memref<1x1x4x400xf32, #tpu.memory_space<hbm>> -> memref<4x400xf32, #tpu.memory_space<hbm>>
      %dma_wait3A_183 = arith.constant 0 : i32
      %dma_wait3A_184 = arith.constant 0 : i32
      %dma_wait3A_185 = tpu.memref_slice %arg2[%dma_wait3A_177, %dma_wait3A_178, %dma_wait3A_183, %dma_wait3A_184] : memref<50x5x4x400xf32, #tpu.memory_space<hbm>> -> memref<1x1x4x400xf32, #tpu.memory_space<hbm>>
      %dma_wait3A_186 = tpu.memref_squeeze %dma_wait3A_185 : memref<1x1x4x400xf32, #tpu.memory_space<hbm>> -> memref<4x400xf32, #tpu.memory_space<hbm>>
      tpu.wait_dma2 semaphore(%arg29 : memref<!tpu.dma_semaphore, #tpu.memory_space<semaphore_mem>>) src(%dma_wait3A_186 : memref<4x400xf32, #tpu.memory_space<hbm>>) dst(%arg19 : memref<4x400xf32, #tpu.memory_space<vmem>>)
      %scan3A = arith.constant 0 : i32
      %scan3A_187 = arith.constant 0 : i32
      %scan3A_188 = arith.constant 5 : i32
      %scan3A_189 = arith.addi %scan3A_187, %scan3A_188 : i32
      %scan3A_190 = arith.constant 1 : i32
      scf.for %scan3A_192 = %scan3A_187 to %scan3A_189 step %scan3A_190  : i32 {
        %mul3A_193 = arith.constant 5 : i32
        %mul3A_194 = arith.muli %scan3A_192, %mul3A_193 : i32
        %add3A_195 = arith.constant 0 : i32
        %add3A_196 = arith.addi %mul3A_194, %add3A_195 : i32
        %mul3A_197 = arith.constant 16 : i32
        %mul3A_198 = arith.muli %add3A_196, %mul3A_197 : i32
        %get3A = arith.index_cast %mul3A_198 : i32 to index
        %get3A_199 = tpu.vector_load %arg11[%get3A] {strides = array<i32>} : memref<400xi32, #tpu.memory_space<vmem>>, vector<16xi32>,
        %mul3A_200 = arith.constant 8 : i32
        %mul3A_201 = vector.broadcast %mul3A_200 : i32 to vector<16xi32>
        %mul3A_202 = arith.muli %get3A_199, %mul3A_201 : vector<16xi32>
        %get3A_203 = arith.constant 0 : i32
        %get3A_204 = arith.index_cast %get3A_203 : i32 to index
        %get3A_205 = arith.index_cast %mul3A_198 : i32 to index
        %get3A_206 = tpu.vector_load %arg19[%get3A_204, %get3A_205] {strides = array<i32>} : memref<4x400xf32, #tpu.memory_space<vmem>>, vector<16xf32>,
        %add3A_207 = arith.constant 0 : i32
        %add3A_208 = vector.broadcast %add3A_207 : i32 to vector<16xi32>
        %add3A_209 = arith.addi %mul3A_202, %add3A_208 : vector<16xi32>
        %gather3A = tpu.vector_load_idx %arg22[%add3A_209] : memref<512xf32, #tpu.memory_space<vmem>>[vector<16xi32>], vector<16xf32>,
        %sub3A = arith.subf %get3A_206, %gather3A : vector<16xf32>
        %exp3A = math.exp %sub3A : vector<16xf32>
        tpu.vector_store_idx %arg23[%add3A_209], %exp3A {add = true} : memref<512xf32, #tpu.memory_space<vmem>>[vector<16xi32>], vector<16xf32>,
        %get3A_210 = arith.constant 1 : i32
        %get3A_211 = arith.index_cast %get3A_210 : i32 to index
        %get3A_212 = arith.index_cast %mul3A_198 : i32 to index
        %get3A_213 = tpu.vector_load %arg19[%get3A_211, %get3A_212] {strides = array<i32>} : memref<4x400xf32, #tpu.memory_space<vmem>>, vector<16xf32>,
        %add3A_214 = arith.constant 1 : i32
        %add3A_215 = vector.broadcast %add3A_214 : i32 to vector<16xi32>
        %add3A_216 = arith.addi %mul3A_202, %add3A_215 : vector<16xi32>
        %gather3A_217 = tpu.vector_load_idx %arg22[%add3A_216] : memref<512xf32, #tpu.memory_space<vmem>>[vector<16xi32>], vector<16xf32>,
        %sub3A_218 = arith.subf %get3A_213, %gather3A_217 : vector<16xf32>
        %exp3A_219 = math.exp %sub3A_218 : vector<16xf32>
        tpu.vector_store_idx %arg23[%add3A_216], %exp3A_219 {add = true} : memref<512xf32, #tpu.memory_space<vmem>>[vector<16xi32>], vector<16xf32>,
        %get3A_220 = arith.constant 2 : i32
        %get3A_221 = arith.index_cast %get3A_220 : i32 to index
        %get3A_222 = arith.index_cast %mul3A_198 : i32 to index
        %get3A_223 = tpu.vector_load %arg19[%get3A_221, %get3A_222] {strides = array<i32>} : memref<4x400xf32, #tpu.memory_space<vmem>>, vector<16xf32>,
        %add3A_224 = arith.constant 2 : i32
        %add3A_225 = vector.broadcast %add3A_224 : i32 to vector<16xi32>
        %add3A_226 = arith.addi %mul3A_202, %add3A_225 : vector<16xi32>
        %gather3A_227 = tpu.vector_load_idx %arg22[%add3A_226] : memref<512xf32, #tpu.memory_space<vmem>>[vector<16xi32>], vector<16xf32>,
        %sub3A_228 = arith.subf %get3A_223, %gather3A_227 : vector<16xf32>
        %exp3A_229 = math.exp %sub3A_228 : vector<16xf32>
        tpu.vector_store_idx %arg23[%add3A_226], %exp3A_229 {add = true} : memref<512xf32, #tpu.memory_space<vmem>>[vector<16xi32>], vector<16xf32>,
        %get3A_230 = arith.constant 3 : i32
        %get3A_231 = arith.index_cast %get3A_230 : i32 to index
        %get3A_232 = arith.index_cast %mul3A_198 : i32 to index
        %get3A_233 = tpu.vector_load %arg19[%get3A_231, %get3A_232] {strides = array<i32>} : memref<4x400xf32, #tpu.memory_space<vmem>>, vector<16xf32>,
        %add3A_234 = arith.constant 3 : i32
        %add3A_235 = vector.broadcast %add3A_234 : i32 to vector<16xi32>
        %add3A_236 = arith.addi %mul3A_202, %add3A_235 : vector<16xi32>
        %gather3A_237 = tpu.vector_load_idx %arg22[%add3A_236] : memref<512xf32, #tpu.memory_space<vmem>>[vector<16xi32>], vector<16xf32>,
        %sub3A_238 = arith.subf %get3A_233, %gather3A_237 : vector<16xf32>
        %exp3A_239 = math.exp %sub3A_238 : vector<16xf32>
        tpu.vector_store_idx %arg23[%add3A_236], %exp3A_239 {add = true} : memref<512xf32, #tpu.memory_space<vmem>>[vector<16xi32>], vector<16xf32>,
        %mul3A_240 = arith.constant 5 : i32
        %mul3A_241 = arith.muli %scan3A_192, %mul3A_240 : i32
        %add3A_242 = arith.constant 1 : i32
        %add3A_243 = arith.addi %mul3A_241, %add3A_242 : i32
        %mul3A_244 = arith.constant 16 : i32
        %mul3A_245 = arith.muli %add3A_243, %mul3A_244 : i32
        %get3A_246 = arith.index_cast %mul3A_245 : i32 to index
        %get3A_247 = tpu.vector_load %arg11[%get3A_246] {strides = array<i32>} : memref<400xi32, #tpu.memory_space<vmem>>, vector<16xi32>,
        %mul3A_248 = arith.constant 8 : i32
        %mul3A_249 = vector.broadcast %mul3A_248 : i32 to vector<16xi32>
        %mul3A_250 = arith.muli %get3A_247, %mul3A_249 : vector<16xi32>
        %get3A_251 = arith.constant 0 : i32
        %get3A_252 = arith.index_cast %get3A_251 : i32 to index
        %get3A_253 = arith.index_cast %mul3A_245 : i32 to index
        %get3A_254 = tpu.vector_load %arg19[%get3A_252, %get3A_253] {strides = array<i32>} : memref<4x400xf32, #tpu.memory_space<vmem>>, vector<16xf32>,
        %add3A_255 = arith.constant 0 : i32
        %add3A_256 = vector.broadcast %add3A_255 : i32 to vector<16xi32>
        %add3A_257 = arith.addi %mul3A_250, %add3A_256 : vector<16xi32>
        %gather3A_258 = tpu.vector_load_idx %arg22[%add3A_257] : memref<512xf32, #tpu.memory_space<vmem>>[vector<16xi32>], vector<16xf32>,
        %sub3A_259 = arith.subf %get3A_254, %gather3A_258 : vector<16xf32>
        %exp3A_260 = math.exp %sub3A_259 : vector<16xf32>
        tpu.vector_store_idx %arg23[%add3A_257], %exp3A_260 {add = true} : memref<512xf32, #tpu.memory_space<vmem>>[vector<16xi32>], vector<16xf32>,
        %get3A_261 = arith.constant 1 : i32
        %get3A_262 = arith.index_cast %get3A_261 : i32 to index
        %get3A_263 = arith.index_cast %mul3A_245 : i32 to index
        %get3A_264 = tpu.vector_load %arg19[%get3A_262, %get3A_263] {strides = array<i32>} : memref<4x400xf32, #tpu.memory_space<vmem>>, vector<16xf32>,
        %add3A_265 = arith.constant 1 : i32
        %add3A_266 = vector.broadcast %add3A_265 : i32 to vector<16xi32>
        %add3A_267 = arith.addi %mul3A_250, %add3A_266 : vector<16xi32>
        %gather3A_268 = tpu.vector_load_idx %arg22[%add3A_267] : memref<512xf32, #tpu.memory_space<vmem>>[vector<16xi32>], vector<16xf32>,
        %sub3A_269 = arith.subf %get3A_264, %gather3A_268 : vector<16xf32>
        %exp3A_270 = math.exp %sub3A_269 : vector<16xf32>
        tpu.vector_store_idx %arg23[%add3A_267], %exp3A_270 {add = true} : memref<512xf32, #tpu.memory_space<vmem>>[vector<16xi32>], vector<16xf32>,
        %get3A_271 = arith.constant 2 : i32
        %get3A_272 = arith.index_cast %get3A_271 : i32 to index
        %get3A_273 = arith.index_cast %mul3A_245 : i32 to index
        %get3A_274 = tpu.vector_load %arg19[%get3A_272, %get3A_273] {strides = array<i32>} : memref<4x400xf32, #tpu.memory_space<vmem>>, vector<16xf32>,
        %add3A_275 = arith.constant 2 : i32
        %add3A_276 = vector.broadcast %add3A_275 : i32 to vector<16xi32>
        %add3A_277 = arith.addi %mul3A_250, %add3A_276 : vector<16xi32>
        %gather3A_278 = tpu.vector_load_idx %arg22[%add3A_277] : memref<512xf32, #tpu.memory_space<vmem>>[vector<16xi32>], vector<16xf32>,
        %sub3A_279 = arith.subf %get3A_274, %gather3A_278 : vector<16xf32>
        %exp3A_280 = math.exp %sub3A_279 : vector<16xf32>
        tpu.vector_store_idx %arg23[%add3A_277], %exp3A_280 {add = true} : memref<512xf32, #tpu.memory_space<vmem>>[vector<16xi32>], vector<16xf32>,
        %get3A_281 = arith.constant 3 : i32
        %get3A_282 = arith.index_cast %get3A_281 : i32 to index
        %get3A_283 = arith.index_cast %mul3A_245 : i32 to index
        %get3A_284 = tpu.vector_load %arg19[%get3A_282, %get3A_283] {strides = array<i32>} : memref<4x400xf32, #tpu.memory_space<vmem>>, vector<16xf32>,
        %add3A_285 = arith.constant 3 : i32
        %add3A_286 = vector.broadcast %add3A_285 : i32 to vector<16xi32>
        %add3A_287 = arith.addi %mul3A_250, %add3A_286 : vector<16xi32>
        %gather3A_288 = tpu.vector_load_idx %arg22[%add3A_287] : memref<512xf32, #tpu.memory_space<vmem>>[vector<16xi32>], vector<16xf32>,
        %sub3A_289 = arith.subf %get3A_284, %gather3A_288 : vector<16xf32>
        %exp3A_290 = math.exp %sub3A_289 : vector<16xf32>
        tpu.vector_store_idx %arg23[%add3A_287], %exp3A_290 {add = true} : memref<512xf32, #tpu.memory_space<vmem>>[vector<16xi32>], vector<16xf32>,
        %mul3A_291 = arith.constant 5 : i32
        %mul3A_292 = arith.muli %scan3A_192, %mul3A_291 : i32
        %add3A_293 = arith.constant 2 : i32
        %add3A_294 = arith.addi %mul3A_292, %add3A_293 : i32
        %mul3A_295 = arith.constant 16 : i32
        %mul3A_296 = arith.muli %add3A_294, %mul3A_295 : i32
        %get3A_297 = arith.index_cast %mul3A_296 : i32 to index
        %get3A_298 = tpu.vector_load %arg11[%get3A_297] {strides = array<i32>} : memref<400xi32, #tpu.memory_space<vmem>>, vector<16xi32>,
        %mul3A_299 = arith.constant 8 : i32
        %mul3A_300 = vector.broadcast %mul3A_299 : i32 to vector<16xi32>
        %mul3A_301 = arith.muli %get3A_298, %mul3A_300 : vector<16xi32>
        %get3A_302 = arith.constant 0 : i32
        %get3A_303 = arith.index_cast %get3A_302 : i32 to index
        %get3A_304 = arith.index_cast %mul3A_296 : i32 to index
        %get3A_305 = tpu.vector_load %arg19[%get3A_303, %get3A_304] {strides = array<i32>} : memref<4x400xf32, #tpu.memory_space<vmem>>, vector<16xf32>,
        %add3A_306 = arith.constant 0 : i32
        %add3A_307 = vector.broadcast %add3A_306 : i32 to vector<16xi32>
        %add3A_308 = arith.addi %mul3A_301, %add3A_307 : vector<16xi32>
        %gather3A_309 = tpu.vector_load_idx %arg22[%add3A_308] : memref<512xf32, #tpu.memory_space<vmem>>[vector<16xi32>], vector<16xf32>,
        %sub3A_310 = arith.subf %get3A_305, %gather3A_309 : vector<16xf32>
        %exp3A_311 = math.exp %sub3A_310 : vector<16xf32>
        tpu.vector_store_idx %arg23[%add3A_308], %exp3A_311 {add = true} : memref<512xf32, #tpu.memory_space<vmem>>[vector<16xi32>], vector<16xf32>,
        %get3A_312 = arith.constant 1 : i32
        %get3A_313 = arith.index_cast %get3A_312 : i32 to index
        %get3A_314 = arith.index_cast %mul3A_296 : i32 to index
        %get3A_315 = tpu.vector_load %arg19[%get3A_313, %get3A_314] {strides = array<i32>} : memref<4x400xf32, #tpu.memory_space<vmem>>, vector<16xf32>,
        %add3A_316 = arith.constant 1 : i32
        %add3A_317 = vector.broadcast %add3A_316 : i32 to vector<16xi32>
        %add3A_318 = arith.addi %mul3A_301, %add3A_317 : vector<16xi32>
        %gather3A_319 = tpu.vector_load_idx %arg22[%add3A_318] : memref<512xf32, #tpu.memory_space<vmem>>[vector<16xi32>], vector<16xf32>,
        %sub3A_320 = arith.subf %get3A_315, %gather3A_319 : vector<16xf32>
        %exp3A_321 = math.exp %sub3A_320 : vector<16xf32>
        tpu.vector_store_idx %arg23[%add3A_318], %exp3A_321 {add = true} : memref<512xf32, #tpu.memory_space<vmem>>[vector<16xi32>], vector<16xf32>,
        %get3A_322 = arith.constant 2 : i32
        %get3A_323 = arith.index_cast %get3A_322 : i32 to index
        %get3A_324 = arith.index_cast %mul3A_296 : i32 to index
        %get3A_325 = tpu.vector_load %arg19[%get3A_323, %get3A_324] {strides = array<i32>} : memref<4x400xf32, #tpu.memory_space<vmem>>, vector<16xf32>,
        %add3A_326 = arith.constant 2 : i32
        %add3A_327 = vector.broadcast %add3A_326 : i32 to vector<16xi32>
        %add3A_328 = arith.addi %mul3A_301, %add3A_327 : vector<16xi32>
        %gather3A_329 = tpu.vector_load_idx %arg22[%add3A_328] : memref<512xf32, #tpu.memory_space<vmem>>[vector<16xi32>], vector<16xf32>,
        %sub3A_330 = arith.subf %get3A_325, %gather3A_329 : vector<16xf32>
        %exp3A_331 = math.exp %sub3A_330 : vector<16xf32>
        tpu.vector_store_idx %arg23[%add3A_328], %exp3A_331 {add = true} : memref<512xf32, #tpu.memory_space<vmem>>[vector<16xi32>], vector<16xf32>,
        %get3A_332 = arith.constant 3 : i32
        %get3A_333 = arith.index_cast %get3A_332 : i32 to index
        %get3A_334 = arith.index_cast %mul3A_296 : i32 to index
        %get3A_335 = tpu.vector_load %arg19[%get3A_333, %get3A_334] {strides = array<i32>} : memref<4x400xf32, #tpu.memory_space<vmem>>, vector<16xf32>,
        %add3A_336 = arith.constant 3 : i32
        %add3A_337 = vector.broadcast %add3A_336 : i32 to vector<16xi32>
        %add3A_338 = arith.addi %mul3A_301, %add3A_337 : vector<16xi32>
        %gather3A_339 = tpu.vector_load_idx %arg22[%add3A_338] : memref<512xf32, #tpu.memory_space<vmem>>[vector<16xi32>], vector<16xf32>,
        %sub3A_340 = arith.subf %get3A_335, %gather3A_339 : vector<16xf32>
        %exp3A_341 = math.exp %sub3A_340 : vector<16xf32>
        tpu.vector_store_idx %arg23[%add3A_338], %exp3A_341 {add = true} : memref<512xf32, #tpu.memory_space<vmem>>[vector<16xi32>], vector<16xf32>,
        %mul3A_342 = arith.constant 5 : i32
        %mul3A_343 = arith.muli %scan3A_192, %mul3A_342 : i32
        %add3A_344 = arith.constant 3 : i32
        %add3A_345 = arith.addi %mul3A_343, %add3A_344 : i32
        %mul3A_346 = arith.constant 16 : i32
        %mul3A_347 = arith.muli %add3A_345, %mul3A_346 : i32
        %get3A_348 = arith.index_cast %mul3A_347 : i32 to index
        %get3A_349 = tpu.vector_load %arg11[%get3A_348] {strides = array<i32>} : memref<400xi32, #tpu.memory_space<vmem>>, vector<16xi32>,
        %mul3A_350 = arith.constant 8 : i32
        %mul3A_351 = vector.broadcast %mul3A_350 : i32 to vector<16xi32>
        %mul3A_352 = arith.muli %get3A_349, %mul3A_351 : vector<16xi32>
        %get3A_353 = arith.constant 0 : i32
        %get3A_354 = arith.index_cast %get3A_353 : i32 to index
        %get3A_355 = arith.index_cast %mul3A_347 : i32 to index
        %get3A_356 = tpu.vector_load %arg19[%get3A_354, %get3A_355] {strides = array<i32>} : memref<4x400xf32, #tpu.memory_space<vmem>>, vector<16xf32>,
        %add3A_357 = arith.constant 0 : i32
        %add3A_358 = vector.broadcast %add3A_357 : i32 to vector<16xi32>
        %add3A_359 = arith.addi %mul3A_352, %add3A_358 : vector<16xi32>
        %gather3A_360 = tpu.vector_load_idx %arg22[%add3A_359] : memref<512xf32, #tpu.memory_space<vmem>>[vector<16xi32>], vector<16xf32>,
        %sub3A_361 = arith.subf %get3A_356, %gather3A_360 : vector<16xf32>
        %exp3A_362 = math.exp %sub3A_361 : vector<16xf32>
        tpu.vector_store_idx %arg23[%add3A_359], %exp3A_362 {add = true} : memref<512xf32, #tpu.memory_space<vmem>>[vector<16xi32>], vector<16xf32>,
        %get3A_363 = arith.constant 1 : i32
        %get3A_364 = arith.index_cast %get3A_363 : i32 to index
        %get3A_365 = arith.index_cast %mul3A_347 : i32 to index
        %get3A_366 = tpu.vector_load %arg19[%get3A_364, %get3A_365] {strides = array<i32>} : memref<4x400xf32, #tpu.memory_space<vmem>>, vector<16xf32>,
        %add3A_367 = arith.constant 1 : i32
        %add3A_368 = vector.broadcast %add3A_367 : i32 to vector<16xi32>
        %add3A_369 = arith.addi %mul3A_352, %add3A_368 : vector<16xi32>
        %gather3A_370 = tpu.vector_load_idx %arg22[%add3A_369] : memref<512xf32, #tpu.memory_space<vmem>>[vector<16xi32>], vector<16xf32>,
        %sub3A_371 = arith.subf %get3A_366, %gather3A_370 : vector<16xf32>
        %exp3A_372 = math.exp %sub3A_371 : vector<16xf32>
        tpu.vector_store_idx %arg23[%add3A_369], %exp3A_372 {add = true} : memref<512xf32, #tpu.memory_space<vmem>>[vector<16xi32>], vector<16xf32>,
        %get3A_373 = arith.constant 2 : i32
        %get3A_374 = arith.index_cast %get3A_373 : i32 to index
        %get3A_375 = arith.index_cast %mul3A_347 : i32 to index
        %get3A_376 = tpu.vector_load %arg19[%get3A_374, %get3A_375] {strides = array<i32>} : memref<4x400xf32, #tpu.memory_space<vmem>>, vector<16xf32>,
        %add3A_377 = arith.constant 2 : i32
        %add3A_378 = vector.broadcast %add3A_377 : i32 to vector<16xi32>
        %add3A_379 = arith.addi %mul3A_352, %add3A_378 : vector<16xi32>
        %gather3A_380 = tpu.vector_load_idx %arg22[%add3A_379] : memref<512xf32, #tpu.memory_space<vmem>>[vector<16xi32>], vector<16xf32>,
        %sub3A_381 = arith.subf %get3A_376, %gather3A_380 : vector<16xf32>
        %exp3A_382 = math.exp %sub3A_381 : vector<16xf32>
        tpu.vector_store_idx %arg23[%add3A_379], %exp3A_382 {add = true} : memref<512xf32, #tpu.memory_space<vmem>>[vector<16xi32>], vector<16xf32>,
        %get3A_383 = arith.constant 3 : i32
        %get3A_384 = arith.index_cast %get3A_383 : i32 to index
        %get3A_385 = arith.index_cast %mul3A_347 : i32 to index
        %get3A_386 = tpu.vector_load %arg19[%get3A_384, %get3A_385] {strides = array<i32>} : memref<4x400xf32, #tpu.memory_space<vmem>>, vector<16xf32>,
        %add3A_387 = arith.constant 3 : i32
        %add3A_388 = vector.broadcast %add3A_387 : i32 to vector<16xi32>
        %add3A_389 = arith.addi %mul3A_352, %add3A_388 : vector<16xi32>
        %gather3A_390 = tpu.vector_load_idx %arg22[%add3A_389] : memref<512xf32, #tpu.memory_space<vmem>>[vector<16xi32>], vector<16xf32>,
        %sub3A_391 = arith.subf %get3A_386, %gather3A_390 : vector<16xf32>
        %exp3A_392 = math.exp %sub3A_391 : vector<16xf32>
        tpu.vector_store_idx %arg23[%add3A_389], %exp3A_392 {add = true} : memref<512xf32, #tpu.memory_space<vmem>>[vector<16xi32>], vector<16xf32>,
        %mul3A_393 = arith.constant 5 : i32
        %mul3A_394 = arith.muli %scan3A_192, %mul3A_393 : i32
        %add3A_395 = arith.constant 4 : i32
        %add3A_396 = arith.addi %mul3A_394, %add3A_395 : i32
        %mul3A_397 = arith.constant 16 : i32
        %mul3A_398 = arith.muli %add3A_396, %mul3A_397 : i32
        %get3A_399 = arith.index_cast %mul3A_398 : i32 to index
        %get3A_400 = tpu.vector_load %arg11[%get3A_399] {strides = array<i32>} : memref<400xi32, #tpu.memory_space<vmem>>, vector<16xi32>,
        %mul3A_401 = arith.constant 8 : i32
        %mul3A_402 = vector.broadcast %mul3A_401 : i32 to vector<16xi32>
        %mul3A_403 = arith.muli %get3A_400, %mul3A_402 : vector<16xi32>
        %get3A_404 = arith.constant 0 : i32
        %get3A_405 = arith.index_cast %get3A_404 : i32 to index
        %get3A_406 = arith.index_cast %mul3A_398 : i32 to index
        %get3A_407 = tpu.vector_load %arg19[%get3A_405, %get3A_406] {strides = array<i32>} : memref<4x400xf32, #tpu.memory_space<vmem>>, vector<16xf32>,
        %add3A_408 = arith.constant 0 : i32
        %add3A_409 = vector.broadcast %add3A_408 : i32 to vector<16xi32>
        %add3A_410 = arith.addi %mul3A_403, %add3A_409 : vector<16xi32>
        %gather3A_411 = tpu.vector_load_idx %arg22[%add3A_410] : memref<512xf32, #tpu.memory_space<vmem>>[vector<16xi32>], vector<16xf32>,
        %sub3A_412 = arith.subf %get3A_407, %gather3A_411 : vector<16xf32>
        %exp3A_413 = math.exp %sub3A_412 : vector<16xf32>
        tpu.vector_store_idx %arg23[%add3A_410], %exp3A_413 {add = true} : memref<512xf32, #tpu.memory_space<vmem>>[vector<16xi32>], vector<16xf32>,
        %get3A_414 = arith.constant 1 : i32
        %get3A_415 = arith.index_cast %get3A_414 : i32 to index
        %get3A_416 = arith.index_cast %mul3A_398 : i32 to index
        %get3A_417 = tpu.vector_load %arg19[%get3A_415, %get3A_416] {strides = array<i32>} : memref<4x400xf32, #tpu.memory_space<vmem>>, vector<16xf32>,
        %add3A_418 = arith.constant 1 : i32
        %add3A_419 = vector.broadcast %add3A_418 : i32 to vector<16xi32>
        %add3A_420 = arith.addi %mul3A_403, %add3A_419 : vector<16xi32>
        %gather3A_421 = tpu.vector_load_idx %arg22[%add3A_420] : memref<512xf32, #tpu.memory_space<vmem>>[vector<16xi32>], vector<16xf32>,
        %sub3A_422 = arith.subf %get3A_417, %gather3A_421 : vector<16xf32>
        %exp3A_423 = math.exp %sub3A_422 : vector<16xf32>
        tpu.vector_store_idx %arg23[%add3A_420], %exp3A_423 {add = true} : memref<512xf32, #tpu.memory_space<vmem>>[vector<16xi32>], vector<16xf32>,
        %get3A_424 = arith.constant 2 : i32
        %get3A_425 = arith.index_cast %get3A_424 : i32 to index
        %get3A_426 = arith.index_cast %mul3A_398 : i32 to index
        %get3A_427 = tpu.vector_load %arg19[%get3A_425, %get3A_426] {strides = array<i32>} : memref<4x400xf32, #tpu.memory_space<vmem>>, vector<16xf32>,
        %add3A_428 = arith.constant 2 : i32
        %add3A_429 = vector.broadcast %add3A_428 : i32 to vector<16xi32>
        %add3A_430 = arith.addi %mul3A_403, %add3A_429 : vector<16xi32>
        %gather3A_431 = tpu.vector_load_idx %arg22[%add3A_430] : memref<512xf32, #tpu.memory_space<vmem>>[vector<16xi32>], vector<16xf32>,
        %sub3A_432 = arith.subf %get3A_427, %gather3A_431 : vector<16xf32>
        %exp3A_433 = math.exp %sub3A_432 : vector<16xf32>
        tpu.vector_store_idx %arg23[%add3A_430], %exp3A_433 {add = true} : memref<512xf32, #tpu.memory_space<vmem>>[vector<16xi32>], vector<16xf32>,
        %get3A_434 = arith.constant 3 : i32
        %get3A_435 = arith.index_cast %get3A_434 : i32 to index
        %get3A_436 = arith.index_cast %mul3A_398 : i32 to index
        %get3A_437 = tpu.vector_load %arg19[%get3A_435, %get3A_436] {strides = array<i32>} : memref<4x400xf32, #tpu.memory_space<vmem>>, vector<16xf32>,
        %add3A_438 = arith.constant 3 : i32
        %add3A_439 = vector.broadcast %add3A_438 : i32 to vector<16xi32>
        %add3A_440 = arith.addi %mul3A_403, %add3A_439 : vector<16xi32>
        %gather3A_441 = tpu.vector_load_idx %arg22[%add3A_440] : memref<512xf32, #tpu.memory_space<vmem>>[vector<16xi32>], vector<16xf32>,
        %sub3A_442 = arith.subf %get3A_437, %gather3A_441 : vector<16xf32>
        %exp3A_443 = math.exp %sub3A_442 : vector<16xf32>
        tpu.vector_store_idx %arg23[%add3A_440], %exp3A_443 {add = true} : memref<512xf32, #tpu.memory_space<vmem>>[vector<16xi32>], vector<16xf32>,
      }
      %scan3A_191 = arith.constant 5 : i32
    } else {
    }
    %add3A_160 = arith.constant 192 : i32
    %add3A_161 = arith.addi %add3A, %add3A_160 : i32
    %lt3A_162 = arith.constant 250 : i32
    %lt3A_163 = arith.cmpi slt, %add3A_161, %lt3A_162 : i32
    %convert_element_type3A_164 = arith.extui %lt3A_163 : i1 to i32
    %cond3A_165 = arith.constant 0 : i32
    %cond3A_166 = arith.cmpi ne, %convert_element_type3A_164, %cond3A_165 : i32
    scf.if %cond3A_166 {
      %dma_wait3A = arith.constant 0 : i32
      %dma_wait3A_174 = tpu.memref_slice %arg3[%dma_wait3A] : memref<100000xi32, #tpu.memory_space<hbm>> -> memref<400xi32, #tpu.memory_space<hbm>>
      %dma_wait3A_175 = arith.constant 0 : i32
      %dma_wait3A_176 = tpu.memref_slice %arg3[%dma_wait3A_175] : memref<100000xi32, #tpu.memory_space<hbm>> -> memref<400xi32, #tpu.memory_space<hbm>>
      tpu.wait_dma2 semaphore(%arg30 : memref<!tpu.dma_semaphore, #tpu.memory_space<semaphore_mem>>) src(%dma_wait3A_176 : memref<400xi32, #tpu.memory_space<hbm>>) dst(%arg12 : memref<400xi32, #tpu.memory_space<vmem>>)
      %dma_wait3A_177 = arith.constant 0 : i32
      %dma_wait3A_178 = arith.constant 0 : i32
      %dma_wait3A_179 = arith.constant 0 : i32
      %dma_wait3A_180 = arith.constant 0 : i32
      %dma_wait3A_181 = tpu.memref_slice %arg2[%dma_wait3A_177, %dma_wait3A_178, %dma_wait3A_179, %dma_wait3A_180] : memref<50x5x4x400xf32, #tpu.memory_space<hbm>> -> memref<1x1x4x400xf32, #tpu.memory_space<hbm>>
      %dma_wait3A_182 = tpu.memref_squeeze %dma_wait3A_181 : memref<1x1x4x400xf32, #tpu.memory_space<hbm>> -> memref<4x400xf32, #tpu.memory_space<hbm>>
      %dma_wait3A_183 = arith.constant 0 : i32
      %dma_wait3A_184 = arith.constant 0 : i32
      %dma_wait3A_185 = tpu.memref_slice %arg2[%dma_wait3A_177, %dma_wait3A_178, %dma_wait3A_183, %dma_wait3A_184] : memref<50x5x4x400xf32, #tpu.memory_space<hbm>> -> memref<1x1x4x400xf32, #tpu.memory_space<hbm>>
      %dma_wait3A_186 = tpu.memref_squeeze %dma_wait3A_185 : memref<1x1x4x400xf32, #tpu.memory_space<hbm>> -> memref<4x400xf32, #tpu.memory_space<hbm>>
      tpu.wait_dma2 semaphore(%arg30 : memref<!tpu.dma_semaphore, #tpu.memory_space<semaphore_mem>>) src(%dma_wait3A_186 : memref<4x400xf32, #tpu.memory_space<hbm>>) dst(%arg20 : memref<4x400xf32, #tpu.memory_space<vmem>>)
      %scan3A = arith.constant 0 : i32
      %scan3A_187 = arith.constant 0 : i32
      %scan3A_188 = arith.constant 5 : i32
      %scan3A_189 = arith.addi %scan3A_187, %scan3A_188 : i32
      %scan3A_190 = arith.constant 1 : i32
      scf.for %scan3A_192 = %scan3A_187 to %scan3A_189 step %scan3A_190  : i32 {
        %mul3A_193 = arith.constant 5 : i32
        %mul3A_194 = arith.muli %scan3A_192, %mul3A_193 : i32
        %add3A_195 = arith.constant 0 : i32
        %add3A_196 = arith.addi %mul3A_194, %add3A_195 : i32
        %mul3A_197 = arith.constant 16 : i32
        %mul3A_198 = arith.muli %add3A_196, %mul3A_197 : i32
        %get3A = arith.index_cast %mul3A_198 : i32 to index
        %get3A_199 = tpu.vector_load %arg12[%get3A] {strides = array<i32>} : memref<400xi32, #tpu.memory_space<vmem>>, vector<16xi32>,
        %mul3A_200 = arith.constant 8 : i32
        %mul3A_201 = vector.broadcast %mul3A_200 : i32 to vector<16xi32>
        %mul3A_202 = arith.muli %get3A_199, %mul3A_201 : vector<16xi32>
        %get3A_203 = arith.constant 0 : i32
        %get3A_204 = arith.index_cast %get3A_203 : i32 to index
        %get3A_205 = arith.index_cast %mul3A_198 : i32 to index
        %get3A_206 = tpu.vector_load %arg20[%get3A_204, %get3A_205] {strides = array<i32>} : memref<4x400xf32, #tpu.memory_space<vmem>>, vector<16xf32>,
        %add3A_207 = arith.constant 0 : i32
        %add3A_208 = vector.broadcast %add3A_207 : i32 to vector<16xi32>
        %add3A_209 = arith.addi %mul3A_202, %add3A_208 : vector<16xi32>
        %gather3A = tpu.vector_load_idx %arg22[%add3A_209] : memref<512xf32, #tpu.memory_space<vmem>>[vector<16xi32>], vector<16xf32>,
        %sub3A = arith.subf %get3A_206, %gather3A : vector<16xf32>
        %exp3A = math.exp %sub3A : vector<16xf32>
        tpu.vector_store_idx %arg23[%add3A_209], %exp3A {add = true} : memref<512xf32, #tpu.memory_space<vmem>>[vector<16xi32>], vector<16xf32>,
        %get3A_210 = arith.constant 1 : i32
        %get3A_211 = arith.index_cast %get3A_210 : i32 to index
        %get3A_212 = arith.index_cast %mul3A_198 : i32 to index
        %get3A_213 = tpu.vector_load %arg20[%get3A_211, %get3A_212] {strides = array<i32>} : memref<4x400xf32, #tpu.memory_space<vmem>>, vector<16xf32>,
        %add3A_214 = arith.constant 1 : i32
        %add3A_215 = vector.broadcast %add3A_214 : i32 to vector<16xi32>
        %add3A_216 = arith.addi %mul3A_202, %add3A_215 : vector<16xi32>
        %gather3A_217 = tpu.vector_load_idx %arg22[%add3A_216] : memref<512xf32, #tpu.memory_space<vmem>>[vector<16xi32>], vector<16xf32>,
        %sub3A_218 = arith.subf %get3A_213, %gather3A_217 : vector<16xf32>
        %exp3A_219 = math.exp %sub3A_218 : vector<16xf32>
        tpu.vector_store_idx %arg23[%add3A_216], %exp3A_219 {add = true} : memref<512xf32, #tpu.memory_space<vmem>>[vector<16xi32>], vector<16xf32>,
        %get3A_220 = arith.constant 2 : i32
        %get3A_221 = arith.index_cast %get3A_220 : i32 to index
        %get3A_222 = arith.index_cast %mul3A_198 : i32 to index
        %get3A_223 = tpu.vector_load %arg20[%get3A_221, %get3A_222] {strides = array<i32>} : memref<4x400xf32, #tpu.memory_space<vmem>>, vector<16xf32>,
        %add3A_224 = arith.constant 2 : i32
        %add3A_225 = vector.broadcast %add3A_224 : i32 to vector<16xi32>
        %add3A_226 = arith.addi %mul3A_202, %add3A_225 : vector<16xi32>
        %gather3A_227 = tpu.vector_load_idx %arg22[%add3A_226] : memref<512xf32, #tpu.memory_space<vmem>>[vector<16xi32>], vector<16xf32>,
        %sub3A_228 = arith.subf %get3A_223, %gather3A_227 : vector<16xf32>
        %exp3A_229 = math.exp %sub3A_228 : vector<16xf32>
        tpu.vector_store_idx %arg23[%add3A_226], %exp3A_229 {add = true} : memref<512xf32, #tpu.memory_space<vmem>>[vector<16xi32>], vector<16xf32>,
        %get3A_230 = arith.constant 3 : i32
        %get3A_231 = arith.index_cast %get3A_230 : i32 to index
        %get3A_232 = arith.index_cast %mul3A_198 : i32 to index
        %get3A_233 = tpu.vector_load %arg20[%get3A_231, %get3A_232] {strides = array<i32>} : memref<4x400xf32, #tpu.memory_space<vmem>>, vector<16xf32>,
        %add3A_234 = arith.constant 3 : i32
        %add3A_235 = vector.broadcast %add3A_234 : i32 to vector<16xi32>
        %add3A_236 = arith.addi %mul3A_202, %add3A_235 : vector<16xi32>
        %gather3A_237 = tpu.vector_load_idx %arg22[%add3A_236] : memref<512xf32, #tpu.memory_space<vmem>>[vector<16xi32>], vector<16xf32>,
        %sub3A_238 = arith.subf %get3A_233, %gather3A_237 : vector<16xf32>
        %exp3A_239 = math.exp %sub3A_238 : vector<16xf32>
        tpu.vector_store_idx %arg23[%add3A_236], %exp3A_239 {add = true} : memref<512xf32, #tpu.memory_space<vmem>>[vector<16xi32>], vector<16xf32>,
        %mul3A_240 = arith.constant 5 : i32
        %mul3A_241 = arith.muli %scan3A_192, %mul3A_240 : i32
        %add3A_242 = arith.constant 1 : i32
        %add3A_243 = arith.addi %mul3A_241, %add3A_242 : i32
        %mul3A_244 = arith.constant 16 : i32
        %mul3A_245 = arith.muli %add3A_243, %mul3A_244 : i32
        %get3A_246 = arith.index_cast %mul3A_245 : i32 to index
        %get3A_247 = tpu.vector_load %arg12[%get3A_246] {strides = array<i32>} : memref<400xi32, #tpu.memory_space<vmem>>, vector<16xi32>,
        %mul3A_248 = arith.constant 8 : i32
        %mul3A_249 = vector.broadcast %mul3A_248 : i32 to vector<16xi32>
        %mul3A_250 = arith.muli %get3A_247, %mul3A_249 : vector<16xi32>
        %get3A_251 = arith.constant 0 : i32
        %get3A_252 = arith.index_cast %get3A_251 : i32 to index
        %get3A_253 = arith.index_cast %mul3A_245 : i32 to index
        %get3A_254 = tpu.vector_load %arg20[%get3A_252, %get3A_253] {strides = array<i32>} : memref<4x400xf32, #tpu.memory_space<vmem>>, vector<16xf32>,
        %add3A_255 = arith.constant 0 : i32
        %add3A_256 = vector.broadcast %add3A_255 : i32 to vector<16xi32>
        %add3A_257 = arith.addi %mul3A_250, %add3A_256 : vector<16xi32>
        %gather3A_258 = tpu.vector_load_idx %arg22[%add3A_257] : memref<512xf32, #tpu.memory_space<vmem>>[vector<16xi32>], vector<16xf32>,
        %sub3A_259 = arith.subf %get3A_254, %gather3A_258 : vector<16xf32>
        %exp3A_260 = math.exp %sub3A_259 : vector<16xf32>
        tpu.vector_store_idx %arg23[%add3A_257], %exp3A_260 {add = true} : memref<512xf32, #tpu.memory_space<vmem>>[vector<16xi32>], vector<16xf32>,
        %get3A_261 = arith.constant 1 : i32
        %get3A_262 = arith.index_cast %get3A_261 : i32 to index
        %get3A_263 = arith.index_cast %mul3A_245 : i32 to index
        %get3A_264 = tpu.vector_load %arg20[%get3A_262, %get3A_263] {strides = array<i32>} : memref<4x400xf32, #tpu.memory_space<vmem>>, vector<16xf32>,
        %add3A_265 = arith.constant 1 : i32
        %add3A_266 = vector.broadcast %add3A_265 : i32 to vector<16xi32>
        %add3A_267 = arith.addi %mul3A_250, %add3A_266 : vector<16xi32>
        %gather3A_268 = tpu.vector_load_idx %arg22[%add3A_267] : memref<512xf32, #tpu.memory_space<vmem>>[vector<16xi32>], vector<16xf32>,
        %sub3A_269 = arith.subf %get3A_264, %gather3A_268 : vector<16xf32>
        %exp3A_270 = math.exp %sub3A_269 : vector<16xf32>
        tpu.vector_store_idx %arg23[%add3A_267], %exp3A_270 {add = true} : memref<512xf32, #tpu.memory_space<vmem>>[vector<16xi32>], vector<16xf32>,
        %get3A_271 = arith.constant 2 : i32
        %get3A_272 = arith.index_cast %get3A_271 : i32 to index
        %get3A_273 = arith.index_cast %mul3A_245 : i32 to index
        %get3A_274 = tpu.vector_load %arg20[%get3A_272, %get3A_273] {strides = array<i32>} : memref<4x400xf32, #tpu.memory_space<vmem>>, vector<16xf32>,
        %add3A_275 = arith.constant 2 : i32
        %add3A_276 = vector.broadcast %add3A_275 : i32 to vector<16xi32>
        %add3A_277 = arith.addi %mul3A_250, %add3A_276 : vector<16xi32>
        %gather3A_278 = tpu.vector_load_idx %arg22[%add3A_277] : memref<512xf32, #tpu.memory_space<vmem>>[vector<16xi32>], vector<16xf32>,
        %sub3A_279 = arith.subf %get3A_274, %gather3A_278 : vector<16xf32>
        %exp3A_280 = math.exp %sub3A_279 : vector<16xf32>
        tpu.vector_store_idx %arg23[%add3A_277], %exp3A_280 {add = true} : memref<512xf32, #tpu.memory_space<vmem>>[vector<16xi32>], vector<16xf32>,
        %get3A_281 = arith.constant 3 : i32
        %get3A_282 = arith.index_cast %get3A_281 : i32 to index
        %get3A_283 = arith.index_cast %mul3A_245 : i32 to index
        %get3A_284 = tpu.vector_load %arg20[%get3A_282, %get3A_283] {strides = array<i32>} : memref<4x400xf32, #tpu.memory_space<vmem>>, vector<16xf32>,
        %add3A_285 = arith.constant 3 : i32
        %add3A_286 = vector.broadcast %add3A_285 : i32 to vector<16xi32>
        %add3A_287 = arith.addi %mul3A_250, %add3A_286 : vector<16xi32>
        %gather3A_288 = tpu.vector_load_idx %arg22[%add3A_287] : memref<512xf32, #tpu.memory_space<vmem>>[vector<16xi32>], vector<16xf32>,
        %sub3A_289 = arith.subf %get3A_284, %gather3A_288 : vector<16xf32>
        %exp3A_290 = math.exp %sub3A_289 : vector<16xf32>
        tpu.vector_store_idx %arg23[%add3A_287], %exp3A_290 {add = true} : memref<512xf32, #tpu.memory_space<vmem>>[vector<16xi32>], vector<16xf32>,
        %mul3A_291 = arith.constant 5 : i32
        %mul3A_292 = arith.muli %scan3A_192, %mul3A_291 : i32
        %add3A_293 = arith.constant 2 : i32
        %add3A_294 = arith.addi %mul3A_292, %add3A_293 : i32
        %mul3A_295 = arith.constant 16 : i32
        %mul3A_296 = arith.muli %add3A_294, %mul3A_295 : i32
        %get3A_297 = arith.index_cast %mul3A_296 : i32 to index
        %get3A_298 = tpu.vector_load %arg12[%get3A_297] {strides = array<i32>} : memref<400xi32, #tpu.memory_space<vmem>>, vector<16xi32>,
        %mul3A_299 = arith.constant 8 : i32
        %mul3A_300 = vector.broadcast %mul3A_299 : i32 to vector<16xi32>
        %mul3A_301 = arith.muli %get3A_298, %mul3A_300 : vector<16xi32>
        %get3A_302 = arith.constant 0 : i32
        %get3A_303 = arith.index_cast %get3A_302 : i32 to index
        %get3A_304 = arith.index_cast %mul3A_296 : i32 to index
        %get3A_305 = tpu.vector_load %arg20[%get3A_303, %get3A_304] {strides = array<i32>} : memref<4x400xf32, #tpu.memory_space<vmem>>, vector<16xf32>,
        %add3A_306 = arith.constant 0 : i32
        %add3A_307 = vector.broadcast %add3A_306 : i32 to vector<16xi32>
        %add3A_308 = arith.addi %mul3A_301, %add3A_307 : vector<16xi32>
        %gather3A_309 = tpu.vector_load_idx %arg22[%add3A_308] : memref<512xf32, #tpu.memory_space<vmem>>[vector<16xi32>], vector<16xf32>,
        %sub3A_310 = arith.subf %get3A_305, %gather3A_309 : vector<16xf32>
        %exp3A_311 = math.exp %sub3A_310 : vector<16xf32>
        tpu.vector_store_idx %arg23[%add3A_308], %exp3A_311 {add = true} : memref<512xf32, #tpu.memory_space<vmem>>[vector<16xi32>], vector<16xf32>,
        %get3A_312 = arith.constant 1 : i32
        %get3A_313 = arith.index_cast %get3A_312 : i32 to index
        %get3A_314 = arith.index_cast %mul3A_296 : i32 to index
        %get3A_315 = tpu.vector_load %arg20[%get3A_313, %get3A_314] {strides = array<i32>} : memref<4x400xf32, #tpu.memory_space<vmem>>, vector<16xf32>,
        %add3A_316 = arith.constant 1 : i32
        %add3A_317 = vector.broadcast %add3A_316 : i32 to vector<16xi32>
        %add3A_318 = arith.addi %mul3A_301, %add3A_317 : vector<16xi32>
        %gather3A_319 = tpu.vector_load_idx %arg22[%add3A_318] : memref<512xf32, #tpu.memory_space<vmem>>[vector<16xi32>], vector<16xf32>,
        %sub3A_320 = arith.subf %get3A_315, %gather3A_319 : vector<16xf32>
        %exp3A_321 = math.exp %sub3A_320 : vector<16xf32>
        tpu.vector_store_idx %arg23[%add3A_318], %exp3A_321 {add = true} : memref<512xf32, #tpu.memory_space<vmem>>[vector<16xi32>], vector<16xf32>,
        %get3A_322 = arith.constant 2 : i32
        %get3A_323 = arith.index_cast %get3A_322 : i32 to index
        %get3A_324 = arith.index_cast %mul3A_296 : i32 to index
        %get3A_325 = tpu.vector_load %arg20[%get3A_323, %get3A_324] {strides = array<i32>} : memref<4x400xf32, #tpu.memory_space<vmem>>, vector<16xf32>,
        %add3A_326 = arith.constant 2 : i32
        %add3A_327 = vector.broadcast %add3A_326 : i32 to vector<16xi32>
        %add3A_328 = arith.addi %mul3A_301, %add3A_327 : vector<16xi32>
        %gather3A_329 = tpu.vector_load_idx %arg22[%add3A_328] : memref<512xf32, #tpu.memory_space<vmem>>[vector<16xi32>], vector<16xf32>,
        %sub3A_330 = arith.subf %get3A_325, %gather3A_329 : vector<16xf32>
        %exp3A_331 = math.exp %sub3A_330 : vector<16xf32>
        tpu.vector_store_idx %arg23[%add3A_328], %exp3A_331 {add = true} : memref<512xf32, #tpu.memory_space<vmem>>[vector<16xi32>], vector<16xf32>,
        %get3A_332 = arith.constant 3 : i32
        %get3A_333 = arith.index_cast %get3A_332 : i32 to index
        %get3A_334 = arith.index_cast %mul3A_296 : i32 to index
        %get3A_335 = tpu.vector_load %arg20[%get3A_333, %get3A_334] {strides = array<i32>} : memref<4x400xf32, #tpu.memory_space<vmem>>, vector<16xf32>,
        %add3A_336 = arith.constant 3 : i32
        %add3A_337 = vector.broadcast %add3A_336 : i32 to vector<16xi32>
        %add3A_338 = arith.addi %mul3A_301, %add3A_337 : vector<16xi32>
        %gather3A_339 = tpu.vector_load_idx %arg22[%add3A_338] : memref<512xf32, #tpu.memory_space<vmem>>[vector<16xi32>], vector<16xf32>,
        %sub3A_340 = arith.subf %get3A_335, %gather3A_339 : vector<16xf32>
        %exp3A_341 = math.exp %sub3A_340 : vector<16xf32>
        tpu.vector_store_idx %arg23[%add3A_338], %exp3A_341 {add = true} : memref<512xf32, #tpu.memory_space<vmem>>[vector<16xi32>], vector<16xf32>,
        %mul3A_342 = arith.constant 5 : i32
        %mul3A_343 = arith.muli %scan3A_192, %mul3A_342 : i32
        %add3A_344 = arith.constant 3 : i32
        %add3A_345 = arith.addi %mul3A_343, %add3A_344 : i32
        %mul3A_346 = arith.constant 16 : i32
        %mul3A_347 = arith.muli %add3A_345, %mul3A_346 : i32
        %get3A_348 = arith.index_cast %mul3A_347 : i32 to index
        %get3A_349 = tpu.vector_load %arg12[%get3A_348] {strides = array<i32>} : memref<400xi32, #tpu.memory_space<vmem>>, vector<16xi32>,
        %mul3A_350 = arith.constant 8 : i32
        %mul3A_351 = vector.broadcast %mul3A_350 : i32 to vector<16xi32>
        %mul3A_352 = arith.muli %get3A_349, %mul3A_351 : vector<16xi32>
        %get3A_353 = arith.constant 0 : i32
        %get3A_354 = arith.index_cast %get3A_353 : i32 to index
        %get3A_355 = arith.index_cast %mul3A_347 : i32 to index
        %get3A_356 = tpu.vector_load %arg20[%get3A_354, %get3A_355] {strides = array<i32>} : memref<4x400xf32, #tpu.memory_space<vmem>>, vector<16xf32>,
        %add3A_357 = arith.constant 0 : i32
        %add3A_358 = vector.broadcast %add3A_357 : i32 to vector<16xi32>
        %add3A_359 = arith.addi %mul3A_352, %add3A_358 : vector<16xi32>
        %gather3A_360 = tpu.vector_load_idx %arg22[%add3A_359] : memref<512xf32, #tpu.memory_space<vmem>>[vector<16xi32>], vector<16xf32>,
        %sub3A_361 = arith.subf %get3A_356, %gather3A_360 : vector<16xf32>
        %exp3A_362 = math.exp %sub3A_361 : vector<16xf32>
        tpu.vector_store_idx %arg23[%add3A_359], %exp3A_362 {add = true} : memref<512xf32, #tpu.memory_space<vmem>>[vector<16xi32>], vector<16xf32>,
        %get3A_363 = arith.constant 1 : i32
        %get3A_364 = arith.index_cast %get3A_363 : i32 to index
        %get3A_365 = arith.index_cast %mul3A_347 : i32 to index
        %get3A_366 = tpu.vector_load %arg20[%get3A_364, %get3A_365] {strides = array<i32>} : memref<4x400xf32, #tpu.memory_space<vmem>>, vector<16xf32>,
        %add3A_367 = arith.constant 1 : i32
        %add3A_368 = vector.broadcast %add3A_367 : i32 to vector<16xi32>
        %add3A_369 = arith.addi %mul3A_352, %add3A_368 : vector<16xi32>
        %gather3A_370 = tpu.vector_load_idx %arg22[%add3A_369] : memref<512xf32, #tpu.memory_space<vmem>>[vector<16xi32>], vector<16xf32>,
        %sub3A_371 = arith.subf %get3A_366, %gather3A_370 : vector<16xf32>
        %exp3A_372 = math.exp %sub3A_371 : vector<16xf32>
        tpu.vector_store_idx %arg23[%add3A_369], %exp3A_372 {add = true} : memref<512xf32, #tpu.memory_space<vmem>>[vector<16xi32>], vector<16xf32>,
        %get3A_373 = arith.constant 2 : i32
        %get3A_374 = arith.index_cast %get3A_373 : i32 to index
        %get3A_375 = arith.index_cast %mul3A_347 : i32 to index
        %get3A_376 = tpu.vector_load %arg20[%get3A_374, %get3A_375] {strides = array<i32>} : memref<4x400xf32, #tpu.memory_space<vmem>>, vector<16xf32>,
        %add3A_377 = arith.constant 2 : i32
        %add3A_378 = vector.broadcast %add3A_377 : i32 to vector<16xi32>
        %add3A_379 = arith.addi %mul3A_352, %add3A_378 : vector<16xi32>
        %gather3A_380 = tpu.vector_load_idx %arg22[%add3A_379] : memref<512xf32, #tpu.memory_space<vmem>>[vector<16xi32>], vector<16xf32>,
        %sub3A_381 = arith.subf %get3A_376, %gather3A_380 : vector<16xf32>
        %exp3A_382 = math.exp %sub3A_381 : vector<16xf32>
        tpu.vector_store_idx %arg23[%add3A_379], %exp3A_382 {add = true} : memref<512xf32, #tpu.memory_space<vmem>>[vector<16xi32>], vector<16xf32>,
        %get3A_383 = arith.constant 3 : i32
        %get3A_384 = arith.index_cast %get3A_383 : i32 to index
        %get3A_385 = arith.index_cast %mul3A_347 : i32 to index
        %get3A_386 = tpu.vector_load %arg20[%get3A_384, %get3A_385] {strides = array<i32>} : memref<4x400xf32, #tpu.memory_space<vmem>>, vector<16xf32>,
        %add3A_387 = arith.constant 3 : i32
        %add3A_388 = vector.broadcast %add3A_387 : i32 to vector<16xi32>
        %add3A_389 = arith.addi %mul3A_352, %add3A_388 : vector<16xi32>
        %gather3A_390 = tpu.vector_load_idx %arg22[%add3A_389] : memref<512xf32, #tpu.memory_space<vmem>>[vector<16xi32>], vector<16xf32>,
        %sub3A_391 = arith.subf %get3A_386, %gather3A_390 : vector<16xf32>
        %exp3A_392 = math.exp %sub3A_391 : vector<16xf32>
        tpu.vector_store_idx %arg23[%add3A_389], %exp3A_392 {add = true} : memref<512xf32, #tpu.memory_space<vmem>>[vector<16xi32>], vector<16xf32>,
        %mul3A_393 = arith.constant 5 : i32
        %mul3A_394 = arith.muli %scan3A_192, %mul3A_393 : i32
        %add3A_395 = arith.constant 4 : i32
        %add3A_396 = arith.addi %mul3A_394, %add3A_395 : i32
        %mul3A_397 = arith.constant 16 : i32
        %mul3A_398 = arith.muli %add3A_396, %mul3A_397 : i32
        %get3A_399 = arith.index_cast %mul3A_398 : i32 to index
        %get3A_400 = tpu.vector_load %arg12[%get3A_399] {strides = array<i32>} : memref<400xi32, #tpu.memory_space<vmem>>, vector<16xi32>,
        %mul3A_401 = arith.constant 8 : i32
        %mul3A_402 = vector.broadcast %mul3A_401 : i32 to vector<16xi32>
        %mul3A_403 = arith.muli %get3A_400, %mul3A_402 : vector<16xi32>
        %get3A_404 = arith.constant 0 : i32
        %get3A_405 = arith.index_cast %get3A_404 : i32 to index
        %get3A_406 = arith.index_cast %mul3A_398 : i32 to index
        %get3A_407 = tpu.vector_load %arg20[%get3A_405, %get3A_406] {strides = array<i32>} : memref<4x400xf32, #tpu.memory_space<vmem>>, vector<16xf32>,
        %add3A_408 = arith.constant 0 : i32
        %add3A_409 = vector.broadcast %add3A_408 : i32 to vector<16xi32>
        %add3A_410 = arith.addi %mul3A_403, %add3A_409 : vector<16xi32>
        %gather3A_411 = tpu.vector_load_idx %arg22[%add3A_410] : memref<512xf32, #tpu.memory_space<vmem>>[vector<16xi32>], vector<16xf32>,
        %sub3A_412 = arith.subf %get3A_407, %gather3A_411 : vector<16xf32>
        %exp3A_413 = math.exp %sub3A_412 : vector<16xf32>
        tpu.vector_store_idx %arg23[%add3A_410], %exp3A_413 {add = true} : memref<512xf32, #tpu.memory_space<vmem>>[vector<16xi32>], vector<16xf32>,
        %get3A_414 = arith.constant 1 : i32
        %get3A_415 = arith.index_cast %get3A_414 : i32 to index
        %get3A_416 = arith.index_cast %mul3A_398 : i32 to index
        %get3A_417 = tpu.vector_load %arg20[%get3A_415, %get3A_416] {strides = array<i32>} : memref<4x400xf32, #tpu.memory_space<vmem>>, vector<16xf32>,
        %add3A_418 = arith.constant 1 : i32
        %add3A_419 = vector.broadcast %add3A_418 : i32 to vector<16xi32>
        %add3A_420 = arith.addi %mul3A_403, %add3A_419 : vector<16xi32>
        %gather3A_421 = tpu.vector_load_idx %arg22[%add3A_420] : memref<512xf32, #tpu.memory_space<vmem>>[vector<16xi32>], vector<16xf32>,
        %sub3A_422 = arith.subf %get3A_417, %gather3A_421 : vector<16xf32>
        %exp3A_423 = math.exp %sub3A_422 : vector<16xf32>
        tpu.vector_store_idx %arg23[%add3A_420], %exp3A_423 {add = true} : memref<512xf32, #tpu.memory_space<vmem>>[vector<16xi32>], vector<16xf32>,
        %get3A_424 = arith.constant 2 : i32
        %get3A_425 = arith.index_cast %get3A_424 : i32 to index
        %get3A_426 = arith.index_cast %mul3A_398 : i32 to index
        %get3A_427 = tpu.vector_load %arg20[%get3A_425, %get3A_426] {strides = array<i32>} : memref<4x400xf32, #tpu.memory_space<vmem>>, vector<16xf32>,
        %add3A_428 = arith.constant 2 : i32
        %add3A_429 = vector.broadcast %add3A_428 : i32 to vector<16xi32>
        %add3A_430 = arith.addi %mul3A_403, %add3A_429 : vector<16xi32>
        %gather3A_431 = tpu.vector_load_idx %arg22[%add3A_430] : memref<512xf32, #tpu.memory_space<vmem>>[vector<16xi32>], vector<16xf32>,
        %sub3A_432 = arith.subf %get3A_427, %gather3A_431 : vector<16xf32>
        %exp3A_433 = math.exp %sub3A_432 : vector<16xf32>
        tpu.vector_store_idx %arg23[%add3A_430], %exp3A_433 {add = true} : memref<512xf32, #tpu.memory_space<vmem>>[vector<16xi32>], vector<16xf32>,
        %get3A_434 = arith.constant 3 : i32
        %get3A_435 = arith.index_cast %get3A_434 : i32 to index
        %get3A_436 = arith.index_cast %mul3A_398 : i32 to index
        %get3A_437 = tpu.vector_load %arg20[%get3A_435, %get3A_436] {strides = array<i32>} : memref<4x400xf32, #tpu.memory_space<vmem>>, vector<16xf32>,
        %add3A_438 = arith.constant 3 : i32
        %add3A_439 = vector.broadcast %add3A_438 : i32 to vector<16xi32>
        %add3A_440 = arith.addi %mul3A_403, %add3A_439 : vector<16xi32>
        %gather3A_441 = tpu.vector_load_idx %arg22[%add3A_440] : memref<512xf32, #tpu.memory_space<vmem>>[vector<16xi32>], vector<16xf32>,
        %sub3A_442 = arith.subf %get3A_437, %gather3A_441 : vector<16xf32>
        %exp3A_443 = math.exp %sub3A_442 : vector<16xf32>
        tpu.vector_store_idx %arg23[%add3A_440], %exp3A_443 {add = true} : memref<512xf32, #tpu.memory_space<vmem>>[vector<16xi32>], vector<16xf32>,
      }
      %scan3A_191 = arith.constant 5 : i32
    } else {
    }
    %add3A_167 = arith.constant 224 : i32
    %add3A_168 = arith.addi %add3A, %add3A_167 : i32
    %lt3A_169 = arith.constant 250 : i32
    %lt3A_170 = arith.cmpi slt, %add3A_168, %lt3A_169 : i32
    %convert_element_type3A_171 = arith.extui %lt3A_170 : i1 to i32
    %cond3A_172 = arith.constant 0 : i32
    %cond3A_173 = arith.cmpi ne, %convert_element_type3A_171, %cond3A_172 : i32
    scf.if %cond3A_173 {
      %dma_wait3A = arith.constant 0 : i32
      %dma_wait3A_174 = tpu.memref_slice %arg3[%dma_wait3A] : memref<100000xi32, #tpu.memory_space<hbm>> -> memref<400xi32, #tpu.memory_space<hbm>>
      %dma_wait3A_175 = arith.constant 0 : i32
      %dma_wait3A_176 = tpu.memref_slice %arg3[%dma_wait3A_175] : memref<100000xi32, #tpu.memory_space<hbm>> -> memref<400xi32, #tpu.memory_space<hbm>>
      tpu.wait_dma2 semaphore(%arg31 : memref<!tpu.dma_semaphore, #tpu.memory_space<semaphore_mem>>) src(%dma_wait3A_176 : memref<400xi32, #tpu.memory_space<hbm>>) dst(%arg13 : memref<400xi32, #tpu.memory_space<vmem>>)
      %dma_wait3A_177 = arith.constant 0 : i32
      %dma_wait3A_178 = arith.constant 0 : i32
      %dma_wait3A_179 = arith.constant 0 : i32
      %dma_wait3A_180 = arith.constant 0 : i32
      %dma_wait3A_181 = tpu.memref_slice %arg2[%dma_wait3A_177, %dma_wait3A_178, %dma_wait3A_179, %dma_wait3A_180] : memref<50x5x4x400xf32, #tpu.memory_space<hbm>> -> memref<1x1x4x400xf32, #tpu.memory_space<hbm>>
      %dma_wait3A_182 = tpu.memref_squeeze %dma_wait3A_181 : memref<1x1x4x400xf32, #tpu.memory_space<hbm>> -> memref<4x400xf32, #tpu.memory_space<hbm>>
      %dma_wait3A_183 = arith.constant 0 : i32
      %dma_wait3A_184 = arith.constant 0 : i32
      %dma_wait3A_185 = tpu.memref_slice %arg2[%dma_wait3A_177, %dma_wait3A_178, %dma_wait3A_183, %dma_wait3A_184] : memref<50x5x4x400xf32, #tpu.memory_space<hbm>> -> memref<1x1x4x400xf32, #tpu.memory_space<hbm>>
      %dma_wait3A_186 = tpu.memref_squeeze %dma_wait3A_185 : memref<1x1x4x400xf32, #tpu.memory_space<hbm>> -> memref<4x400xf32, #tpu.memory_space<hbm>>
      tpu.wait_dma2 semaphore(%arg31 : memref<!tpu.dma_semaphore, #tpu.memory_space<semaphore_mem>>) src(%dma_wait3A_186 : memref<4x400xf32, #tpu.memory_space<hbm>>) dst(%arg21 : memref<4x400xf32, #tpu.memory_space<vmem>>)
      %scan3A = arith.constant 0 : i32
      %scan3A_187 = arith.constant 0 : i32
      %scan3A_188 = arith.constant 5 : i32
      %scan3A_189 = arith.addi %scan3A_187, %scan3A_188 : i32
      %scan3A_190 = arith.constant 1 : i32
      scf.for %scan3A_192 = %scan3A_187 to %scan3A_189 step %scan3A_190  : i32 {
        %mul3A_193 = arith.constant 5 : i32
        %mul3A_194 = arith.muli %scan3A_192, %mul3A_193 : i32
        %add3A_195 = arith.constant 0 : i32
        %add3A_196 = arith.addi %mul3A_194, %add3A_195 : i32
        %mul3A_197 = arith.constant 16 : i32
        %mul3A_198 = arith.muli %add3A_196, %mul3A_197 : i32
        %get3A = arith.index_cast %mul3A_198 : i32 to index
        %get3A_199 = tpu.vector_load %arg13[%get3A] {strides = array<i32>} : memref<400xi32, #tpu.memory_space<vmem>>, vector<16xi32>,
        %mul3A_200 = arith.constant 8 : i32
        %mul3A_201 = vector.broadcast %mul3A_200 : i32 to vector<16xi32>
        %mul3A_202 = arith.muli %get3A_199, %mul3A_201 : vector<16xi32>
        %get3A_203 = arith.constant 0 : i32
        %get3A_204 = arith.index_cast %get3A_203 : i32 to index
        %get3A_205 = arith.index_cast %mul3A_198 : i32 to index
        %get3A_206 = tpu.vector_load %arg21[%get3A_204, %get3A_205] {strides = array<i32>} : memref<4x400xf32, #tpu.memory_space<vmem>>, vector<16xf32>,
        %add3A_207 = arith.constant 0 : i32
        %add3A_208 = vector.broadcast %add3A_207 : i32 to vector<16xi32>
        %add3A_209 = arith.addi %mul3A_202, %add3A_208 : vector<16xi32>
        %gather3A = tpu.vector_load_idx %arg22[%add3A_209] : memref<512xf32, #tpu.memory_space<vmem>>[vector<16xi32>], vector<16xf32>,
        %sub3A = arith.subf %get3A_206, %gather3A : vector<16xf32>
        %exp3A = math.exp %sub3A : vector<16xf32>
        tpu.vector_store_idx %arg23[%add3A_209], %exp3A {add = true} : memref<512xf32, #tpu.memory_space<vmem>>[vector<16xi32>], vector<16xf32>,
        %get3A_210 = arith.constant 1 : i32
        %get3A_211 = arith.index_cast %get3A_210 : i32 to index
        %get3A_212 = arith.index_cast %mul3A_198 : i32 to index
        %get3A_213 = tpu.vector_load %arg21[%get3A_211, %get3A_212] {strides = array<i32>} : memref<4x400xf32, #tpu.memory_space<vmem>>, vector<16xf32>,
        %add3A_214 = arith.constant 1 : i32
        %add3A_215 = vector.broadcast %add3A_214 : i32 to vector<16xi32>
        %add3A_216 = arith.addi %mul3A_202, %add3A_215 : vector<16xi32>
        %gather3A_217 = tpu.vector_load_idx %arg22[%add3A_216] : memref<512xf32, #tpu.memory_space<vmem>>[vector<16xi32>], vector<16xf32>,
        %sub3A_218 = arith.subf %get3A_213, %gather3A_217 : vector<16xf32>
        %exp3A_219 = math.exp %sub3A_218 : vector<16xf32>
        tpu.vector_store_idx %arg23[%add3A_216], %exp3A_219 {add = true} : memref<512xf32, #tpu.memory_space<vmem>>[vector<16xi32>], vector<16xf32>,
        %get3A_220 = arith.constant 2 : i32
        %get3A_221 = arith.index_cast %get3A_220 : i32 to index
        %get3A_222 = arith.index_cast %mul3A_198 : i32 to index
        %get3A_223 = tpu.vector_load %arg21[%get3A_221, %get3A_222] {strides = array<i32>} : memref<4x400xf32, #tpu.memory_space<vmem>>, vector<16xf32>,
        %add3A_224 = arith.constant 2 : i32
        %add3A_225 = vector.broadcast %add3A_224 : i32 to vector<16xi32>
        %add3A_226 = arith.addi %mul3A_202, %add3A_225 : vector<16xi32>
        %gather3A_227 = tpu.vector_load_idx %arg22[%add3A_226] : memref<512xf32, #tpu.memory_space<vmem>>[vector<16xi32>], vector<16xf32>,
        %sub3A_228 = arith.subf %get3A_223, %gather3A_227 : vector<16xf32>
        %exp3A_229 = math.exp %sub3A_228 : vector<16xf32>
        tpu.vector_store_idx %arg23[%add3A_226], %exp3A_229 {add = true} : memref<512xf32, #tpu.memory_space<vmem>>[vector<16xi32>], vector<16xf32>,
        %get3A_230 = arith.constant 3 : i32
        %get3A_231 = arith.index_cast %get3A_230 : i32 to index
        %get3A_232 = arith.index_cast %mul3A_198 : i32 to index
        %get3A_233 = tpu.vector_load %arg21[%get3A_231, %get3A_232] {strides = array<i32>} : memref<4x400xf32, #tpu.memory_space<vmem>>, vector<16xf32>,
        %add3A_234 = arith.constant 3 : i32
        %add3A_235 = vector.broadcast %add3A_234 : i32 to vector<16xi32>
        %add3A_236 = arith.addi %mul3A_202, %add3A_235 : vector<16xi32>
        %gather3A_237 = tpu.vector_load_idx %arg22[%add3A_236] : memref<512xf32, #tpu.memory_space<vmem>>[vector<16xi32>], vector<16xf32>,
        %sub3A_238 = arith.subf %get3A_233, %gather3A_237 : vector<16xf32>
        %exp3A_239 = math.exp %sub3A_238 : vector<16xf32>
        tpu.vector_store_idx %arg23[%add3A_236], %exp3A_239 {add = true} : memref<512xf32, #tpu.memory_space<vmem>>[vector<16xi32>], vector<16xf32>,
        %mul3A_240 = arith.constant 5 : i32
        %mul3A_241 = arith.muli %scan3A_192, %mul3A_240 : i32
        %add3A_242 = arith.constant 1 : i32
        %add3A_243 = arith.addi %mul3A_241, %add3A_242 : i32
        %mul3A_244 = arith.constant 16 : i32
        %mul3A_245 = arith.muli %add3A_243, %mul3A_244 : i32
        %get3A_246 = arith.index_cast %mul3A_245 : i32 to index
        %get3A_247 = tpu.vector_load %arg13[%get3A_246] {strides = array<i32>} : memref<400xi32, #tpu.memory_space<vmem>>, vector<16xi32>,
        %mul3A_248 = arith.constant 8 : i32
        %mul3A_249 = vector.broadcast %mul3A_248 : i32 to vector<16xi32>
        %mul3A_250 = arith.muli %get3A_247, %mul3A_249 : vector<16xi32>
        %get3A_251 = arith.constant 0 : i32
        %get3A_252 = arith.index_cast %get3A_251 : i32 to index
        %get3A_253 = arith.index_cast %mul3A_245 : i32 to index
        %get3A_254 = tpu.vector_load %arg21[%get3A_252, %get3A_253] {strides = array<i32>} : memref<4x400xf32, #tpu.memory_space<vmem>>, vector<16xf32>,
        %add3A_255 = arith.constant 0 : i32
        %add3A_256 = vector.broadcast %add3A_255 : i32 to vector<16xi32>
        %add3A_257 = arith.addi %mul3A_250, %add3A_256 : vector<16xi32>
        %gather3A_258 = tpu.vector_load_idx %arg22[%add3A_257] : memref<512xf32, #tpu.memory_space<vmem>>[vector<16xi32>], vector<16xf32>,
        %sub3A_259 = arith.subf %get3A_254, %gather3A_258 : vector<16xf32>
        %exp3A_260 = math.exp %sub3A_259 : vector<16xf32>
        tpu.vector_store_idx %arg23[%add3A_257], %exp3A_260 {add = true} : memref<512xf32, #tpu.memory_space<vmem>>[vector<16xi32>], vector<16xf32>,
        %get3A_261 = arith.constant 1 : i32
        %get3A_262 = arith.index_cast %get3A_261 : i32 to index
        %get3A_263 = arith.index_cast %mul3A_245 : i32 to index
        %get3A_264 = tpu.vector_load %arg21[%get3A_262, %get3A_263] {strides = array<i32>} : memref<4x400xf32, #tpu.memory_space<vmem>>, vector<16xf32>,
        %add3A_265 = arith.constant 1 : i32
        %add3A_266 = vector.broadcast %add3A_265 : i32 to vector<16xi32>
        %add3A_267 = arith.addi %mul3A_250, %add3A_266 : vector<16xi32>
        %gather3A_268 = tpu.vector_load_idx %arg22[%add3A_267] : memref<512xf32, #tpu.memory_space<vmem>>[vector<16xi32>], vector<16xf32>,
        %sub3A_269 = arith.subf %get3A_264, %gather3A_268 : vector<16xf32>
        %exp3A_270 = math.exp %sub3A_269 : vector<16xf32>
        tpu.vector_store_idx %arg23[%add3A_267], %exp3A_270 {add = true} : memref<512xf32, #tpu.memory_space<vmem>>[vector<16xi32>], vector<16xf32>,
        %get3A_271 = arith.constant 2 : i32
        %get3A_272 = arith.index_cast %get3A_271 : i32 to index
        %get3A_273 = arith.index_cast %mul3A_245 : i32 to index
        %get3A_274 = tpu.vector_load %arg21[%get3A_272, %get3A_273] {strides = array<i32>} : memref<4x400xf32, #tpu.memory_space<vmem>>, vector<16xf32>,
        %add3A_275 = arith.constant 2 : i32
        %add3A_276 = vector.broadcast %add3A_275 : i32 to vector<16xi32>
        %add3A_277 = arith.addi %mul3A_250, %add3A_276 : vector<16xi32>
        %gather3A_278 = tpu.vector_load_idx %arg22[%add3A_277] : memref<512xf32, #tpu.memory_space<vmem>>[vector<16xi32>], vector<16xf32>,
        %sub3A_279 = arith.subf %get3A_274, %gather3A_278 : vector<16xf32>
        %exp3A_280 = math.exp %sub3A_279 : vector<16xf32>
        tpu.vector_store_idx %arg23[%add3A_277], %exp3A_280 {add = true} : memref<512xf32, #tpu.memory_space<vmem>>[vector<16xi32>], vector<16xf32>,
        %get3A_281 = arith.constant 3 : i32
        %get3A_282 = arith.index_cast %get3A_281 : i32 to index
        %get3A_283 = arith.index_cast %mul3A_245 : i32 to index
        %get3A_284 = tpu.vector_load %arg21[%get3A_282, %get3A_283] {strides = array<i32>} : memref<4x400xf32, #tpu.memory_space<vmem>>, vector<16xf32>,
        %add3A_285 = arith.constant 3 : i32
        %add3A_286 = vector.broadcast %add3A_285 : i32 to vector<16xi32>
        %add3A_287 = arith.addi %mul3A_250, %add3A_286 : vector<16xi32>
        %gather3A_288 = tpu.vector_load_idx %arg22[%add3A_287] : memref<512xf32, #tpu.memory_space<vmem>>[vector<16xi32>], vector<16xf32>,
        %sub3A_289 = arith.subf %get3A_284, %gather3A_288 : vector<16xf32>
        %exp3A_290 = math.exp %sub3A_289 : vector<16xf32>
        tpu.vector_store_idx %arg23[%add3A_287], %exp3A_290 {add = true} : memref<512xf32, #tpu.memory_space<vmem>>[vector<16xi32>], vector<16xf32>,
        %mul3A_291 = arith.constant 5 : i32
        %mul3A_292 = arith.muli %scan3A_192, %mul3A_291 : i32
        %add3A_293 = arith.constant 2 : i32
        %add3A_294 = arith.addi %mul3A_292, %add3A_293 : i32
        %mul3A_295 = arith.constant 16 : i32
        %mul3A_296 = arith.muli %add3A_294, %mul3A_295 : i32
        %get3A_297 = arith.index_cast %mul3A_296 : i32 to index
        %get3A_298 = tpu.vector_load %arg13[%get3A_297] {strides = array<i32>} : memref<400xi32, #tpu.memory_space<vmem>>, vector<16xi32>,
        %mul3A_299 = arith.constant 8 : i32
        %mul3A_300 = vector.broadcast %mul3A_299 : i32 to vector<16xi32>
        %mul3A_301 = arith.muli %get3A_298, %mul3A_300 : vector<16xi32>
        %get3A_302 = arith.constant 0 : i32
        %get3A_303 = arith.index_cast %get3A_302 : i32 to index
        %get3A_304 = arith.index_cast %mul3A_296 : i32 to index
        %get3A_305 = tpu.vector_load %arg21[%get3A_303, %get3A_304] {strides = array<i32>} : memref<4x400xf32, #tpu.memory_space<vmem>>, vector<16xf32>,
        %add3A_306 = arith.constant 0 : i32
        %add3A_307 = vector.broadcast %add3A_306 : i32 to vector<16xi32>
        %add3A_308 = arith.addi %mul3A_301, %add3A_307 : vector<16xi32>
        %gather3A_309 = tpu.vector_load_idx %arg22[%add3A_308] : memref<512xf32, #tpu.memory_space<vmem>>[vector<16xi32>], vector<16xf32>,
        %sub3A_310 = arith.subf %get3A_305, %gather3A_309 : vector<16xf32>
        %exp3A_311 = math.exp %sub3A_310 : vector<16xf32>
        tpu.vector_store_idx %arg23[%add3A_308], %exp3A_311 {add = true} : memref<512xf32, #tpu.memory_space<vmem>>[vector<16xi32>], vector<16xf32>,
        %get3A_312 = arith.constant 1 : i32
        %get3A_313 = arith.index_cast %get3A_312 : i32 to index
        %get3A_314 = arith.index_cast %mul3A_296 : i32 to index
        %get3A_315 = tpu.vector_load %arg21[%get3A_313, %get3A_314] {strides = array<i32>} : memref<4x400xf32, #tpu.memory_space<vmem>>, vector<16xf32>,
        %add3A_316 = arith.constant 1 : i32
        %add3A_317 = vector.broadcast %add3A_316 : i32 to vector<16xi32>
        %add3A_318 = arith.addi %mul3A_301, %add3A_317 : vector<16xi32>
        %gather3A_319 = tpu.vector_load_idx %arg22[%add3A_318] : memref<512xf32, #tpu.memory_space<vmem>>[vector<16xi32>], vector<16xf32>,
        %sub3A_320 = arith.subf %get3A_315, %gather3A_319 : vector<16xf32>
        %exp3A_321 = math.exp %sub3A_320 : vector<16xf32>
        tpu.vector_store_idx %arg23[%add3A_318], %exp3A_321 {add = true} : memref<512xf32, #tpu.memory_space<vmem>>[vector<16xi32>], vector<16xf32>,
        %get3A_322 = arith.constant 2 : i32
        %get3A_323 = arith.index_cast %get3A_322 : i32 to index
        %get3A_324 = arith.index_cast %mul3A_296 : i32 to index
        %get3A_325 = tpu.vector_load %arg21[%get3A_323, %get3A_324] {strides = array<i32>} : memref<4x400xf32, #tpu.memory_space<vmem>>, vector<16xf32>,
        %add3A_326 = arith.constant 2 : i32
        %add3A_327 = vector.broadcast %add3A_326 : i32 to vector<16xi32>
        %add3A_328 = arith.addi %mul3A_301, %add3A_327 : vector<16xi32>
        %gather3A_329 = tpu.vector_load_idx %arg22[%add3A_328] : memref<512xf32, #tpu.memory_space<vmem>>[vector<16xi32>], vector<16xf32>,
        %sub3A_330 = arith.subf %get3A_325, %gather3A_329 : vector<16xf32>
        %exp3A_331 = math.exp %sub3A_330 : vector<16xf32>
        tpu.vector_store_idx %arg23[%add3A_328], %exp3A_331 {add = true} : memref<512xf32, #tpu.memory_space<vmem>>[vector<16xi32>], vector<16xf32>,
        %get3A_332 = arith.constant 3 : i32
        %get3A_333 = arith.index_cast %get3A_332 : i32 to index
        %get3A_334 = arith.index_cast %mul3A_296 : i32 to index
        %get3A_335 = tpu.vector_load %arg21[%get3A_333, %get3A_334] {strides = array<i32>} : memref<4x400xf32, #tpu.memory_space<vmem>>, vector<16xf32>,
        %add3A_336 = arith.constant 3 : i32
        %add3A_337 = vector.broadcast %add3A_336 : i32 to vector<16xi32>
        %add3A_338 = arith.addi %mul3A_301, %add3A_337 : vector<16xi32>
        %gather3A_339 = tpu.vector_load_idx %arg22[%add3A_338] : memref<512xf32, #tpu.memory_space<vmem>>[vector<16xi32>], vector<16xf32>,
        %sub3A_340 = arith.subf %get3A_335, %gather3A_339 : vector<16xf32>
        %exp3A_341 = math.exp %sub3A_340 : vector<16xf32>
        tpu.vector_store_idx %arg23[%add3A_338], %exp3A_341 {add = true} : memref<512xf32, #tpu.memory_space<vmem>>[vector<16xi32>], vector<16xf32>,
        %mul3A_342 = arith.constant 5 : i32
        %mul3A_343 = arith.muli %scan3A_192, %mul3A_342 : i32
        %add3A_344 = arith.constant 3 : i32
        %add3A_345 = arith.addi %mul3A_343, %add3A_344 : i32
        %mul3A_346 = arith.constant 16 : i32
        %mul3A_347 = arith.muli %add3A_345, %mul3A_346 : i32
        %get3A_348 = arith.index_cast %mul3A_347 : i32 to index
        %get3A_349 = tpu.vector_load %arg13[%get3A_348] {strides = array<i32>} : memref<400xi32, #tpu.memory_space<vmem>>, vector<16xi32>,
        %mul3A_350 = arith.constant 8 : i32
        %mul3A_351 = vector.broadcast %mul3A_350 : i32 to vector<16xi32>
        %mul3A_352 = arith.muli %get3A_349, %mul3A_351 : vector<16xi32>
        %get3A_353 = arith.constant 0 : i32
        %get3A_354 = arith.index_cast %get3A_353 : i32 to index
        %get3A_355 = arith.index_cast %mul3A_347 : i32 to index
        %get3A_356 = tpu.vector_load %arg21[%get3A_354, %get3A_355] {strides = array<i32>} : memref<4x400xf32, #tpu.memory_space<vmem>>, vector<16xf32>,
        %add3A_357 = arith.constant 0 : i32
        %add3A_358 = vector.broadcast %add3A_357 : i32 to vector<16xi32>
        %add3A_359 = arith.addi %mul3A_352, %add3A_358 : vector<16xi32>
        %gather3A_360 = tpu.vector_load_idx %arg22[%add3A_359] : memref<512xf32, #tpu.memory_space<vmem>>[vector<16xi32>], vector<16xf32>,
        %sub3A_361 = arith.subf %get3A_356, %gather3A_360 : vector<16xf32>
        %exp3A_362 = math.exp %sub3A_361 : vector<16xf32>
        tpu.vector_store_idx %arg23[%add3A_359], %exp3A_362 {add = true} : memref<512xf32, #tpu.memory_space<vmem>>[vector<16xi32>], vector<16xf32>,
        %get3A_363 = arith.constant 1 : i32
        %get3A_364 = arith.index_cast %get3A_363 : i32 to index
        %get3A_365 = arith.index_cast %mul3A_347 : i32 to index
        %get3A_366 = tpu.vector_load %arg21[%get3A_364, %get3A_365] {strides = array<i32>} : memref<4x400xf32, #tpu.memory_space<vmem>>, vector<16xf32>,
        %add3A_367 = arith.constant 1 : i32
        %add3A_368 = vector.broadcast %add3A_367 : i32 to vector<16xi32>
        %add3A_369 = arith.addi %mul3A_352, %add3A_368 : vector<16xi32>
        %gather3A_370 = tpu.vector_load_idx %arg22[%add3A_369] : memref<512xf32, #tpu.memory_space<vmem>>[vector<16xi32>], vector<16xf32>,
        %sub3A_371 = arith.subf %get3A_366, %gather3A_370 : vector<16xf32>
        %exp3A_372 = math.exp %sub3A_371 : vector<16xf32>
        tpu.vector_store_idx %arg23[%add3A_369], %exp3A_372 {add = true} : memref<512xf32, #tpu.memory_space<vmem>>[vector<16xi32>], vector<16xf32>,
        %get3A_373 = arith.constant 2 : i32
        %get3A_374 = arith.index_cast %get3A_373 : i32 to index
        %get3A_375 = arith.index_cast %mul3A_347 : i32 to index
        %get3A_376 = tpu.vector_load %arg21[%get3A_374, %get3A_375] {strides = array<i32>} : memref<4x400xf32, #tpu.memory_space<vmem>>, vector<16xf32>,
        %add3A_377 = arith.constant 2 : i32
        %add3A_378 = vector.broadcast %add3A_377 : i32 to vector<16xi32>
        %add3A_379 = arith.addi %mul3A_352, %add3A_378 : vector<16xi32>
        %gather3A_380 = tpu.vector_load_idx %arg22[%add3A_379] : memref<512xf32, #tpu.memory_space<vmem>>[vector<16xi32>], vector<16xf32>,
        %sub3A_381 = arith.subf %get3A_376, %gather3A_380 : vector<16xf32>
        %exp3A_382 = math.exp %sub3A_381 : vector<16xf32>
        tpu.vector_store_idx %arg23[%add3A_379], %exp3A_382 {add = true} : memref<512xf32, #tpu.memory_space<vmem>>[vector<16xi32>], vector<16xf32>,
        %get3A_383 = arith.constant 3 : i32
        %get3A_384 = arith.index_cast %get3A_383 : i32 to index
        %get3A_385 = arith.index_cast %mul3A_347 : i32 to index
        %get3A_386 = tpu.vector_load %arg21[%get3A_384, %get3A_385] {strides = array<i32>} : memref<4x400xf32, #tpu.memory_space<vmem>>, vector<16xf32>,
        %add3A_387 = arith.constant 3 : i32
        %add3A_388 = vector.broadcast %add3A_387 : i32 to vector<16xi32>
        %add3A_389 = arith.addi %mul3A_352, %add3A_388 : vector<16xi32>
        %gather3A_390 = tpu.vector_load_idx %arg22[%add3A_389] : memref<512xf32, #tpu.memory_space<vmem>>[vector<16xi32>], vector<16xf32>,
        %sub3A_391 = arith.subf %get3A_386, %gather3A_390 : vector<16xf32>
        %exp3A_392 = math.exp %sub3A_391 : vector<16xf32>
        tpu.vector_store_idx %arg23[%add3A_389], %exp3A_392 {add = true} : memref<512xf32, #tpu.memory_space<vmem>>[vector<16xi32>], vector<16xf32>,
        %mul3A_393 = arith.constant 5 : i32
        %mul3A_394 = arith.muli %scan3A_192, %mul3A_393 : i32
        %add3A_395 = arith.constant 4 : i32
        %add3A_396 = arith.addi %mul3A_394, %add3A_395 : i32
        %mul3A_397 = arith.constant 16 : i32
        %mul3A_398 = arith.muli %add3A_396, %mul3A_397 : i32
        %get3A_399 = arith.index_cast %mul3A_398 : i32 to index
        %get3A_400 = tpu.vector_load %arg13[%get3A_399] {strides = array<i32>} : memref<400xi32, #tpu.memory_space<vmem>>, vector<16xi32>,
        %mul3A_401 = arith.constant 8 : i32
        %mul3A_402 = vector.broadcast %mul3A_401 : i32 to vector<16xi32>
        %mul3A_403 = arith.muli %get3A_400, %mul3A_402 : vector<16xi32>
        %get3A_404 = arith.constant 0 : i32
        %get3A_405 = arith.index_cast %get3A_404 : i32 to index
        %get3A_406 = arith.index_cast %mul3A_398 : i32 to index
        %get3A_407 = tpu.vector_load %arg21[%get3A_405, %get3A_406] {strides = array<i32>} : memref<4x400xf32, #tpu.memory_space<vmem>>, vector<16xf32>,
        %add3A_408 = arith.constant 0 : i32
        %add3A_409 = vector.broadcast %add3A_408 : i32 to vector<16xi32>
        %add3A_410 = arith.addi %mul3A_403, %add3A_409 : vector<16xi32>
        %gather3A_411 = tpu.vector_load_idx %arg22[%add3A_410] : memref<512xf32, #tpu.memory_space<vmem>>[vector<16xi32>], vector<16xf32>,
        %sub3A_412 = arith.subf %get3A_407, %gather3A_411 : vector<16xf32>
        %exp3A_413 = math.exp %sub3A_412 : vector<16xf32>
        tpu.vector_store_idx %arg23[%add3A_410], %exp3A_413 {add = true} : memref<512xf32, #tpu.memory_space<vmem>>[vector<16xi32>], vector<16xf32>,
        %get3A_414 = arith.constant 1 : i32
        %get3A_415 = arith.index_cast %get3A_414 : i32 to index
        %get3A_416 = arith.index_cast %mul3A_398 : i32 to index
        %get3A_417 = tpu.vector_load %arg21[%get3A_415, %get3A_416] {strides = array<i32>} : memref<4x400xf32, #tpu.memory_space<vmem>>, vector<16xf32>,
        %add3A_418 = arith.constant 1 : i32
        %add3A_419 = vector.broadcast %add3A_418 : i32 to vector<16xi32>
        %add3A_420 = arith.addi %mul3A_403, %add3A_419 : vector<16xi32>
        %gather3A_421 = tpu.vector_load_idx %arg22[%add3A_420] : memref<512xf32, #tpu.memory_space<vmem>>[vector<16xi32>], vector<16xf32>,
        %sub3A_422 = arith.subf %get3A_417, %gather3A_421 : vector<16xf32>
        %exp3A_423 = math.exp %sub3A_422 : vector<16xf32>
        tpu.vector_store_idx %arg23[%add3A_420], %exp3A_423 {add = true} : memref<512xf32, #tpu.memory_space<vmem>>[vector<16xi32>], vector<16xf32>,
        %get3A_424 = arith.constant 2 : i32
        %get3A_425 = arith.index_cast %get3A_424 : i32 to index
        %get3A_426 = arith.index_cast %mul3A_398 : i32 to index
        %get3A_427 = tpu.vector_load %arg21[%get3A_425, %get3A_426] {strides = array<i32>} : memref<4x400xf32, #tpu.memory_space<vmem>>, vector<16xf32>,
        %add3A_428 = arith.constant 2 : i32
        %add3A_429 = vector.broadcast %add3A_428 : i32 to vector<16xi32>
        %add3A_430 = arith.addi %mul3A_403, %add3A_429 : vector<16xi32>
        %gather3A_431 = tpu.vector_load_idx %arg22[%add3A_430] : memref<512xf32, #tpu.memory_space<vmem>>[vector<16xi32>], vector<16xf32>,
        %sub3A_432 = arith.subf %get3A_427, %gather3A_431 : vector<16xf32>
        %exp3A_433 = math.exp %sub3A_432 : vector<16xf32>
        tpu.vector_store_idx %arg23[%add3A_430], %exp3A_433 {add = true} : memref<512xf32, #tpu.memory_space<vmem>>[vector<16xi32>], vector<16xf32>,
        %get3A_434 = arith.constant 3 : i32
        %get3A_435 = arith.index_cast %get3A_434 : i32 to index
        %get3A_436 = arith.index_cast %mul3A_398 : i32 to index
        %get3A_437 = tpu.vector_load %arg21[%get3A_435, %get3A_436] {strides = array<i32>} : memref<4x400xf32, #tpu.memory_space<vmem>>, vector<16xf32>,
        %add3A_438 = arith.constant 3 : i32
        %add3A_439 = vector.broadcast %add3A_438 : i32 to vector<16xi32>
        %add3A_440 = arith.addi %mul3A_403, %add3A_439 : vector<16xi32>
        %gather3A_441 = tpu.vector_load_idx %arg22[%add3A_440] : memref<512xf32, #tpu.memory_space<vmem>>[vector<16xi32>], vector<16xf32>,
        %sub3A_442 = arith.subf %get3A_437, %gather3A_441 : vector<16xf32>
        %exp3A_443 = math.exp %sub3A_442 : vector<16xf32>
        tpu.vector_store_idx %arg23[%add3A_440], %exp3A_443 {add = true} : memref<512xf32, #tpu.memory_space<vmem>>[vector<16xi32>], vector<16xf32>,
      }
      %scan3A_191 = arith.constant 5 : i32
    } else {
    }
    "tpu.region"() ({
      %run_scoped3A = tpu.sem_alloc : memref<!tpu.dma_semaphore, #tpu.memory_space<semaphore_mem>>
      %dma_start3A = arith.constant 0 : i32
      %dma_start3A_174 = tpu.memref_slice %arg5[%add3A, %dma_start3A] : memref<32x512xf32, #tpu.memory_space<hbm>> -> memref<1x512xf32, #tpu.memory_space<hbm>>
      %dma_start3A_175 = tpu.memref_squeeze %dma_start3A_174 : memref<1x512xf32, #tpu.memory_space<hbm>> -> memref<512xf32, #tpu.memory_space<hbm>>
      %dma_start3A_176 = arith.constant 0 : i32
      %dma_start3A_177 = tpu.memref_slice %arg5[%add3A, %dma_start3A_176] : memref<32x512xf32, #tpu.memory_space<hbm>> -> memref<1x512xf32, #tpu.memory_space<hbm>>
      %dma_start3A_178 = tpu.memref_squeeze %dma_start3A_177 : memref<1x512xf32, #tpu.memory_space<hbm>> -> memref<512xf32, #tpu.memory_space<hbm>>
      tpu.enqueue_dma source(%arg23 : memref<512xf32, #tpu.memory_space<vmem>>) target(%dma_start3A_178 : memref<512xf32, #tpu.memory_space<hbm>>) target_semaphore(%run_scoped3A : memref<!tpu.dma_semaphore, #tpu.memory_space<semaphore_mem>>)
      %dma_wait3A = arith.constant 0 : i32
      %dma_wait3A_179 = tpu.memref_slice %arg5[%add3A, %dma_wait3A] : memref<32x512xf32, #tpu.memory_space<hbm>> -> memref<1x512xf32, #tpu.memory_space<hbm>>
      %dma_wait3A_180 = tpu.memref_squeeze %dma_wait3A_179 : memref<1x512xf32, #tpu.memory_space<hbm>> -> memref<512xf32, #tpu.memory_space<hbm>>
      %dma_wait3A_181 = arith.constant 0 : i32
      %dma_wait3A_182 = tpu.memref_slice %arg5[%add3A, %dma_wait3A_181] : memref<32x512xf32, #tpu.memory_space<hbm>> -> memref<1x512xf32, #tpu.memory_space<hbm>>
      %dma_wait3A_183 = tpu.memref_squeeze %dma_wait3A_182 : memref<1x512xf32, #tpu.memory_space<hbm>> -> memref<512xf32, #tpu.memory_space<hbm>>
      tpu.wait_dma2 semaphore(%run_scoped3A : memref<!tpu.dma_semaphore, #tpu.memory_space<semaphore_mem>>) src(%arg23 : memref<512xf32, #tpu.memory_space<vmem>>) dst(%dma_wait3A_183 : memref<512xf32, #tpu.memory_space<hbm>>)
      tpu.yield
    }) : () -> ()
    return
  }
}

</mosaic_0001>

<sc_bundles>
// kernel: _denom_partials.3.cloned.1.call-start
scs
__scs_entry_jumppad:
0x0: {  	(pc) =	sbr.rel $0x88, $3  }
0x1: {  	(tag) =	ssettag $0x0;
	lr =	simm.s32 $0x1  }
0x2: {  	[smem:$0x3F9E] =	sst lr;
	_ =	strace $0xD0000000  }
0x3: {  	_ = 	snop  }
0x4: {  	_ = 	snop  }
0x5: {  	_ = 	snop  }
0x6: {  	_ = 	snop  }
0x7: {  	_ = 	snop  }
__scs_overlays_trampoline_lowered:
0x8: {  	[smem:$0x3FAD] =	sst s0  }
0x9: {  	[smem:$0x3FAE] =	sst s1  }
0xa: {  	[smem:$0x3FAF] =	sst s2  }
0xb: {  	[smem:$0x3FB0] =	sst s3  }
0xc: {  	[smem:$0x3FB1] =	sst s4  }
0xd: {  	[smem:$0x3FB2] =	sst s5  }
0xe: {  	[smem:$0x3FB3] =	sst s6  }
0xf: {  	[smem:$0x3FB4] =	sst s7  }
0x10: {  	[smem:$0x3FB5] =	sst s8  }
0x11: {  	[smem:$0x3FB6] =	sst s9;
	s0 =	simm.s32 @!p0 $0x0  }
0x12: {  	s1 =	sld [smem:$0x3F9C];
	s0 =	simm.s32 @p0 $0x1  }
0x13: {  	[smem:$0x3FB7] =	sst s0;
	s0 =	simm.s32 @!p1 $0x0  }
0x14: {  	s2 =	sld [smem:$0x3F9B];
	s0 =	simm.s32 @p1 $0x1  }
0x15: {  	[smem:$0x3FB8] =	sst s0;
	s0 =	simm.s32 @!p2 $0x0  }
0x16: {  	s3 =	sld [smem:$0x3FDB];
	s0 =	simm.s32 @p2 $0x1  }
0x17: {  	s4 =	simm.s32 $0x1BF5;
	[smem:$0x3FBA] =	sst s0  }
0x18: {  	s0 =	sld [smem:$0x3F9D];
	_ =	swait.ge [sflag:s4], $0x0  }
0x19: {  	s7 =	sld [smem:$0x3F9E]  }
0x1a: {  	s8 =	sadd.s32 $0xFFFFE003, lr  }
0x1b: {  	s9 =	sadd.s32 $0xFFFFFEF7, lr;
	s5 =	simm.s32 $0xFFFFFFFF;
	p2 =	slt.u32 s8, $0xFFFFF086  }
0x1c: {  	p1 =	slt.u32 s9, $0xF7A;
	s5 =	simm.s32 @!p2 $0x0  }
0x1d: {  	s5 =	simm.s32 @p1 $0x1;
	p0 =	seq.s32 s7, s2  }
0x1e: {  	s7 =	smul.u32 @!p0 $0xF7A, s2;
	p2 =	seq.s32 @!p0 s5, $0x0  }
0x1f: {  	s9 =	smul.u32 $0xF7A, s1;
	s8 =	simm.s32 @!p0 $0x1BF5;
	p2 =	por !p2, p0  }
0x20: {  	[sflag:s8] =	ssyncset.s32 @!p0 $0xFFFFF086;
	s6 =	sadd.s32 @!p0 s3, s7;
	s7 =	simm.s32 @!p0 $0x108  }
0x21: {  	s3 =	sadd.s32 s3, s9;
	s6 =	sadd.s32 @!p0 $0x88, s6;
	s7 =	simm.s32 @p2 $0x1082  }
0x22: {  	[simem:s7], [sflag:s8] =	dma.local @!p0 [hbm:s6], $0xF7A  }
0x23: {  	s9 =	sor.u32 $0xD0000000, s2;
	s6 =	simm.s32 $0x108;
	_ =	swait.ge @!p0 [sflag:s8], $0x0  }
0x24: {  	s3 =	sadd.s32 $0x88, s3;
	s6 =	simm.s32 @!p1 $0x1082;
	[sflag:s4] =	ssyncset.s32 $0xFFFFF086  }
0x25: {  	[simem:s6], [sflag:s4] =	dma.local [hbm:s3], $0xF7A  }
0x26: {  	[smem:$0x3F9E] =	sst s1;
	(tag) =	ssettag s2;
	_ =	strace s9  }
0x27: {  	s1 =	sld [smem:$0x3FAE]  }
0x28: {  	s2 =	sld [smem:$0x3FAF]  }
0x29: {  	s4 =	sld [smem:$0x3FB1]  }
0x2a: {  	p0 =	seq.s32 s5, $0x0;
	s5 =	sld [smem:$0x3FB2]  }
0x2b: {  	s6 =	sld [smem:$0x3FB3]  }
0x2c: {  	s7 =	sld [smem:$0x3FB4]  }
0x2d: {  	s3 =	simm.s32 $0x108;
	s8 =	sld [smem:$0x3FB5]  }
0x2e: {  	s3 =	simm.s32 @!p0 $0x1082;
	s9 =	sld [smem:$0x3FB6]  }
0x2f: {  	lr =	sadd.s32 s0, s3;
	s0 =	sld [smem:$0x3FAD]  }
0x30: {  	s3 =	sld [smem:$0x3FB0]  }
0x31: {  	[smem:$0x3FB9] =	sst s10  }
0x32: {  	s10 =	sld [smem:$0x3FB7];
	_ =	sdelay $0x3  }
0x33: {  	p0 =	seq.s32 s10, $0x1;
	s10 =	sld [smem:$0x3FB9];
	_ =	sdelay $0x3  }
0x34: {  	[smem:$0x3FB9] =	sst s10  }
0x35: {  	s10 =	sld [smem:$0x3FB8];
	_ =	sdelay $0x3  }
0x36: {  	p1 =	seq.s32 s10, $0x1;
	s10 =	sld [smem:$0x3FB9];
	_ =	sdelay $0x3  }
0x37: {  	[smem:$0x3FB9] =	sst s10  }
0x38: {  	s10 =	sld [smem:$0x3FBA]  }
0x39: {  	_ = 	snop;
	(pc) =	sbr.ind lr, $3  }
0x3a: {  	_ = 	snop  }
0x3b: {  	_ = 	snop  }
0x3c: {  	p2 =	seq.s32 s10, $0x1;
	s10 =	sld [smem:$0x3FB9]  }
0x3d: {  	_ =	shalt  }
0x3e: {  	_ =	shalt  }
0x3f: {  	_ =	shalt  }
0x40: {  	_ =	shalt  }
0x41: {  	_ =	shalt  }
0x42: {  	_ =	shalt  }
0x43: {  	_ =	shalt  }
0x44: {  	_ =	shalt  }
0x45: {  	_ =	shalt  }
0x46: {  	_ =	shalt  }
0x47: {  	_ =	shalt  }
0x48: {  	_ =	shalt  }
0x49: {  	_ =	shalt  }
0x4a: {  	_ =	shalt  }
0x4b: {  	_ =	shalt  }
0x4c: {  	_ =	shalt  }
0x4d: {  	_ =	shalt  }
0x4e: {  	_ =	shalt  }
0x4f: {  	_ =	shalt  }
0x50: {  	_ =	shalt  }
0x51: {  	_ =	shalt  }
0x52: {  	_ =	shalt  }
0x53: {  	_ =	shalt  }
0x54: {  	_ =	shalt  }
0x55: {  	_ =	shalt  }
0x56: {  	_ =	shalt  }
0x57: {  	_ =	shalt  }
0x58: {  	_ =	shalt  }
0x59: {  	_ =	shalt  }
0x5a: {  	_ =	shalt  }
0x5b: {  	_ =	shalt  }
0x5c: {  	_ =	shalt  }
0x5d: {  	_ =	shalt  }
0x5e: {  	_ =	shalt  }
0x5f: {  	_ =	shalt  }
0x60: {  	_ =	shalt  }
0x61: {  	_ =	shalt  }
0x62: {  	_ =	shalt  }
0x63: {  	_ =	shalt  }
0x64: {  	_ =	shalt  }
0x65: {  	_ =	shalt  }
0x66: {  	_ =	shalt  }
0x67: {  	_ =	shalt  }
0x68: {  	_ =	shalt  }
0x69: {  	_ =	shalt  }
0x6a: {  	_ =	shalt  }
0x6b: {  	_ =	shalt  }
0x6c: {  	_ =	shalt  }
0x6d: {  	_ =	shalt  }
0x6e: {  	_ =	shalt  }
0x6f: {  	_ =	shalt  }
0x70: {  	_ =	shalt  }
0x71: {  	_ =	shalt  }
0x72: {  	_ =	shalt  }
0x73: {  	_ =	shalt  }
0x74: {  	_ =	shalt  }
0x75: {  	_ =	shalt  }
0x76: {  	_ =	shalt  }
0x77: {  	_ =	shalt  }
0x78: {  	_ =	shalt  }
0x79: {  	_ =	shalt  }
0x7a: {  	_ =	shalt  }
0x7b: {  	_ =	shalt  }
0x7c: {  	_ =	shalt  }
0x7d: {  	_ =	shalt  }
0x7e: {  	_ =	shalt  }
0x7f: {  	_ =	shalt  }
0x80: {  	_ =	shalt  }
0x81: {  	_ =	shalt  }
0x82: {  	_ =	shalt  }
0x83: {  	_ =	shalt  }
0x84: {  	_ =	shalt  }
0x85: {  	_ =	shalt  }
0x86: {  	_ =	shalt  }
0x87: {  	_ =	shalt  }
.Lfunc_end0:
.L_simem_size_0:
called_computation_lowered:
.L_overlay_start_0:
0x88: {  	s2 =	sld [smem:$0x3FD9]  }
0x89: {  	s3 =	sld [smem:$0x3FFE];
	_ =	sdelay $0x1  }
0x8a: {  	s1 =	srdreg.scid  }
0x8b: {  	s0 =	sand.u32 $0x1, s1  }
0x8c: {  	s18 =	sshll.u32 s0, $0xA;
	s2 =	sadd.s32 s3, s2  }
0x8d: {  	s2 =	sadd.s32 s2, s18  }
0x8e: {  	[smem:$0x3FC5] =	sst s2  }
0x8f: {  	_ = 	snop  }
0x90: {  	s2 =	sld [smem:$0x3FC9]  }
0x91: {  	s19 =	sld [smem:$0x3FC8]  }
0x92: {  	s4 =	sld [smem:$0x3FC7]  }
0x93: {  	s5 =	sld [smem:$0x3FD0];
	(tm) =	ssettm $0x1  }
0x94: {  	s6 =	sld [smem:$0x3FFB];
	_ =	sdelay $0x3  }
0x95: {  	_ =	strace s6  }
0x96: {  	s6 =	sld [smem:$0x3FFC];
	_ =	sdelay $0x3  }
0x97: {  	_ =	strace s6  }
0x98: {  	s6 =	sld [smem:$0x3FFD];
	_ =	sdelay $0x3  }
0x99: {  	_ =	strace s6  }
0x9a: {  	_ =	strace $0x8FFFFFFF  }
0x9b: {  	s20 =	sld [smem:$0x3FDB];
	_ =	sdelay $0x1  }
0x9c: {  	s7 =	simm.s32 $_scs_section_size  }
0x9d: {  	s8 =	simm.s32 $_size__tile_overlayer_lowered;
	s9 =	simm.s32 $_tile_overlayer_lowered  }
0x9e: {  	s23 =	simm.s32 $0x1BFF;
	s22 =	sshll.u32 s9, $0x1;
	s6 =	sadd.s32 s7, s20  }
0x9f: {  	s10 =	simm.s32 $0x0;
	s21 =	sshll.u32 s8, $0x1;
	s8 =	sadd.s32 s22, s6  }
0xa0: {  	[timem:s10], [sflag:s23] =	dma.local [hbm:s8], s21  }
0xa1: {  	_ =	swait.ge [sflag:s23], s21  }
0xa2: {  	s7 =	ssub.s32 $0x0, s21;
	[sflag:s23] =	ssyncset.done $0x0  }
0xa3: {  	[sflag:s23] =	ssyncadd.s32 s7;
	_ =	sdelay $0x1  }
0xa4: {  	s24 =	simm.s32 $0x1B8B  }
0xa5: {  	_ =	swait.ge [sflag:s24], $0x1  }
0xa6: {  	[sflag:s24] =	ssyncset.done $0x0  }
0xa7: {  	s25 =	simm.s32 $0x1B8E;
	[sflag:s24] =	ssyncadd.s32 $0xFFFFFFFF  }
0xa8: {  	s26 =	simm.s32 $execute0_lowered;
	[smem:$0x3FD2] =	sst s25  }
0xa9: {  	s7 =	sshll.u32 s26, $0x1;
	_ =	strace $0x80000046;
	[dreg:$0x1] =	wrdreg $0xFFFFFFFF  }
0xaa: {  	s28 =	simm.s32 $_size_execute0_lowered;
	s6 =	sadd.s32 s6, s7;
	[dreg:$0x0] =	wrdreg $0x0  }
0xab: {  	s7 =	sshll.u32 s28, $0x1;
	[dreg:$0x2] =	wrdreg s6  }
0xac: {  	[dreg:$0x3] =	wrdreg s7  }
0xad: {  	[dreg:$0x4] =	wrdreg $0xC0  }
0xae: {  	_ =	task [dreg:s10], $0x5FFFF  }
0xaf: {  	[dreg:$0x1] =	wrdreg $0xFFFFFFFF  }
0xb0: {  	[dreg:$0x0] =	wrdreg $0x60  }
0xb1: {  	[dreg:$0x2] =	wrdreg s2  }
0xb2: {  	[dreg:$0x3] =	wrdreg s19  }
0xb3: {  	[dreg:$0x4] =	wrdreg s4  }
0xb4: {  	[dreg:$0x5] =	wrdreg s5  }
0xb5: {  	[dreg:$0x6] =	wrdreg $0x9  }
0xb6: {  	_ =	task.clear_ibuf [dreg:s10], $0x7FFFF;
	_ =	strace $0x90000046  }
0xb7: {  	s29 =	simm.s32 $0x9;
	_ =	strace $0x80000048  }
0xb8: {  	_ =	swait.ge [sflag:s29], $0x1  }
0xb9: {  	[sflag:s29] =	ssyncadd.s32 $0xFFFFFFFF  }
0xba: {  	_ =	strace $0x90000048  }
0xbb: {  	_ =	sfence  }
0xbc: {  	s30 =	sld [smem:$0x0];
	_ =	sdelay $0x2  }
0xbd: {  	s31 =	sshll.u32 s1, $0xD;
	s1 =	sshrl.u32 s1, $0x2  }
0xbe: {  	s3 =	sand.u32 $0x4000, s31;
	s1 =	sadd.s32 s1, s30  }
0xbf: {  	s0 =	sor.u32 s3, s0;
	s1 =	sshll.u32 s1, $0x11  }
0xc0: {  	s0 =	sor.u32 s1, s0  }
0xc1: {  	s0 =	sadd.s32 $0x8F2B, s0  }
0xc2: {  	[sflag:s0] =	ssyncadd.remote.s32 $0x1  }
0xc3: {  	_ =	sfence.sel $0xFFFF  }
0xc4: {  	[dreg:$0x0] =	wrdreg $0xFFFFFFFF;
	(pc) =	sbr.abs _section_cstart, $3  }
0xc5: {  	[dreg:$0x1] =	wrdreg $0xFFFFFFFF  }
0xc6: {  	_ =	task.clear_ibuf [dreg:s10], $0x2FFFF;
	_ =	strace $0x9FFFFFFF  }
0xc7: {  	(tm) =	ssettm $0x7FFFFFFF  }
tec
execute0_lowered:
.L_overlay_start_1:
0x0: {  	(tag) =	ssettag $0x1  }
0x1: {  	s1 =	srdreg.scid;
	s22 =	stileid.u32  }
0x2: {  	s5 =	sand.u32 $0x1, s1;
	s19 =	sshll.u32 s22, $0x1  }
0x3: {  	s2 =	sor.u32 s5, s19  }
0x4: {  	s0 =	rddreg [dreg:$0x0];
	s6 =	smul.u32 $0x34, s2  }
0x5: {  	s4 =	rddreg [dreg:$0x1];
	s8 =	sor.u32 $0x20, s2;
	s20 =	smul.u32 $0x32, s2  }
0x6: {  	s3 =	simm.s32 $0x0;
	s11 =	sor.u32 $0x40, s2;
	s10 =	smul.u32 $0x34, s8  }
0x7: {  	s28 =	simm.s32 $0x400;
	s29 =	simm.s32 $0x1;
	s23 =	smul.u32 $0x67, s11  }
0x8: {  	s1 =	rddreg [dreg:$0x3];
	s12 =	sor.u32 $0x60, s2;
	s24 =	smul.u32 $0x32, s8  }
0x9: {  	s30 =	simm.s32 $0x5200;
	[smem:$0x7FF] =	sst s3;
	s14 =	smul.u32 $0x67, s12  }
0xa: {  	_ =	strace $0x80000047;
	s5 =	ssub.s32 $0x2, s5;
	s15 =	smul.u32 $0x32, s11  }
0xb: {  	s9 =	sshrl.u32 s5, $0x1;
	s19 =	smul.u32 $0x32, s12;
	s6 =	sshrl.u32 s6, $0x8  }
0xc: {  	s5 =	ssub.s32 s5, s9;
	s9 =	sadd.s32 s4, s20;
	s7 =	smul.u32 $0x5, s6  }
0xd: {  	s6 =	smul.u32 $0x2800, s6;
	[dreg:$0x5] =	wrdreg s9;
	s9 =	sshrl.u32 s23, $0x9  }
0xe: {  	s10 =	sshrl.u32 s10, $0x8;
	s26 =	smul.u32 $0x5, s9;
	s7 =	ssub.s32 s2, s7  }
0xf: {  	s31 =	simm.s32 $0x2;
	s21 =	smul.u32 $0x5, s10;
	s7 =	sand.u32 $0xFF, s7  }
0x10: {  	s25 =	smul.u32 $0x2800, s10;
	s10 =	ssub.s32 s11, s26;
	s7 =	sshll.u32 s7, $0xB  }
0x11: {  	s9 =	smul.u32 $0x2800, s9;
	s10 =	sand.u32 $0xFF, s10;
	s6 =	sadd.s32 s7, s6  }
0x12: {  	s7 =	ssub.s32 s8, s21;
	s10 =	sshll.u32 s10, $0xB;
	s8 =	sadd.s32 s4, s15  }
0x13: {  	s15 =	sor.u32 $0xA0, s2;
	s6 =	sshrl.u32 s6, $0x3;
	s7 =	sand.u32 $0xFF, s7  }
0x14: {  	s17 =	sadd.s32 s10, s9;
	s23 =	smul.u32 $0xCD, s15;
	s7 =	sshll.u32 s7, $0xB  }
0x15: {  	s6 =	sadd.s32 s0, s6;
	s13 =	sadd.s32 s7, s25;
	s7 =	sshrl.u32 s14, $0x9  }
0x16: {  	[dreg:$0x6] =	wrdreg s6;
	s6 =	sadd.s32 s4, s24;
	s16 =	smul.u32 $0x5, s7  }
0x17: {  	s26 =	sshrl.u32 s23, $0xA;
	[dreg:$0x7] =	wrdreg s6;
	s7 =	smul.u32 $0x2800, s7  }
0x18: {  	s6 =	sshrl.u32 s13, $0x3;
	s13 =	sor.u32 $0x80, s2;
	s9 =	smul.u32 $0x5, s26  }
0x19: {  	p0 =	sgt.u32 s22, $0xC;
	[dreg:$0x9] =	wrdreg s8;
	s18 =	smul.u32 $0xCD, s13  }
0x1a: {  	s10 =	sadd.s32 s4, s19;
	s6 =	sadd.s32 s0, s6;
	s24 =	smul.u32 $0x32, s13  }
0x1b: {  	[dreg:$0x8] =	wrdreg s6;
	s6 =	sshrl.u32 s17, $0x3;
	s11 =	ssub.s32 s12, s16  }
0x1c: {  	s17 =	sor.u32 $0xC0, s2;
	s23 =	ssub.s32 s15, s9;
	s15 =	smul.u32 $0x32, s15  }
0x1d: {  	s20 =	sshrl.u32 s18, $0xA;
	s11 =	sand.u32 $0xFF, s11;
	s19 =	smul.u32 $0xCD, s17  }
0x1e: {  	s6 =	sadd.s32 s0, s6;
	s12 =	sadd.s32 s4, s24;
	s14 =	smul.u32 $0x5, s20  }
0x1f: {  	[dreg:$0xa] =	wrdreg s6;
	s21 =	sshll.u32 s11, $0xB;
	s16 =	smul.u32 $0x2800, s20  }
0x20: {  	s6 =	sadd.s32 s21, s7;
	s21 =	smul.u32 $0x2800, s26;
	s24 =	sshrl.u32 s19, $0xA  }
0x21: {  	s26 =	sor.u32 $0xE0, s2;
	s2 =	sshll.u32 s2, $0x4;
	s25 =	ssub.s32 s13, s14  }
0x22: {  	s6 =	sshrl.u32 s6, $0x3;
	s13 =	sand.u32 $0xFF, s23;
	s9 =	smul.u32 $0x2800, s24  }
0x23: {  	s2 =	sand.u32 $0x70, s2;
	s8 =	sand.u32 $0xFF, s25;
	s11 =	sadd.s32 s0, s6  }
0x24: {  	s25 =	smul.u32 $0x5, s24;
	s13 =	sshll.u32 s13, $0xB;
	s18 =	sshll.u32 s8, $0xB  }
0x25: {  	s7 =	sadd.s32 s13, s21;
	s8 =	smul.u32 $0xCD, s26;
	s20 =	sadd.s32 s18, s16  }
0x26: {  	s16 =	ssub.s32 s17, s25;
	s17 =	smul.u32 $0x32, s17;
	s7 =	sshrl.u32 s7, $0x3  }
0x27: {  	s18 =	smul.u32 $0x32, s26;
	s25 =	sshll.u32 s22, $0x7;
	s22 =	simm.s32 $0x5000  }
0x28: {  	s6 =	sshrl.u32 s20, $0x3;
	s16 =	sand.u32 $0xFF, s16;
	s19 =	sshrl.u32 s8, $0xA  }
0x29: {  	s13 =	sadd.s32 s0, s6;
	s14 =	sshll.u32 s16, $0xB;
	s20 =	smul.u32 $0x5, s19  }
0x2a: {  	s16 =	sadd.s32 s4, s17;
	s23 =	smul.u32 $0x2800, s19;
	s18 =	sadd.s32 s4, s18  }
0x2b: {  	s6 =	sadd.s32 s14, s9;
	s14 =	sadd.s32 s4, s15;
	s15 =	sadd.s32 s0, s7  }
0x2c: {  	s6 =	sshrl.u32 s6, $0x3;
	s21 =	ssub.s32 s26, s20;
	s26 =	sand.u32 $0x600, s25  }
0x2d: {  	s25 =	simm.s32 $0x7;
	s17 =	sadd.s32 s0, s6;
	s7 =	sand.u32 $0xFF, s21  }
.Ltmp0:
0x2e: {  	s1 =	sadd.s32 s1, s26;
	s21 =	smax.u32 s5, $0x1;
	(pc) =	sbr.rel .LBB2_1-.Ltmp0, $4  }
0x2f: {  	s26 =	simm.s32 $0x8;
	s24 =	sshll.u32 s7, $0xB;
	s20 =	sadd.s32 s2, s1  }
0x30: {  	s1 =	simm.s32 $0x3;
	s2 =	simm.s32 $0x5;
	s4 =	sadd.s32 s24, s23  }
0x31: {  	s23 =	simm.s32 $0x9;
	s24 =	simm.s32 $0x6;
	s4 =	sshrl.u32 s4, $0x3  }
0x32: {  	v0 =	vimm.f32 $0.0e+00;
	s19 =	sadd.s32 s0, s4;
	s0 =	simm.s32 $0x4;
	s4 =	simm.s32 $0x0  }
.LBB2_18:
0x33: {  	s4 =	sadd.s32 $0x1, s4  }
0x34: {  	p1 =	sne.s32 s4, s21  }
.Ltmp1:
0x35: {  	s5 =	simm.s32 $0x80;
	(pc) =	sbr.rel @!p1 .LBB2_19-.Ltmp1, $4  }
0x36: {  	[hbm4b:s20+s5] =	stream.strided.scatter [tilespmem:s30], [sflag:$0x9], $0x200, s28, s5, $0x38;
	[tilespmem:$0x5400] =	vst v63  }
0x37: {  	_ =	swait.ge [sflag:s23], $0x200  }
0x38: {  	[sflag:s23] =	ssyncset.done $0x0  }
0x39: {  	[sflag:s23] =	ssyncadd.s32 $0xFFFFFE00  }
.LBB2_1:
0x3a: {  	s5 =	rddreg [dreg:$0x2]  }
0x3b: {  	[tilespmem:s22], [sflag:$0x9] =	stream.linear.gather [hbm4b:s5+s3], $0x200, $0x38;
	[tilespmem:$0x5400] =	vst v63  }
0x3c: {  	_ =	swait.ge [sflag:s23], $0x200  }
0x3d: {  	[sflag:s23] =	ssyncset.done $0x0  }
0x3e: {  	[sflag:s23] =	ssyncadd.s32 $0xFFFFFE00  }
0x3f: {  	[tilespmem:$0x5200] =	vst v0  }
0x40: {  	[tilespmem:$0x5210] =	vst v0  }
0x41: {  	[tilespmem:$0x5220] =	vst v0  }
0x42: {  	[tilespmem:$0x5230] =	vst v0  }
0x43: {  	[tilespmem:$0x5240] =	vst v0  }
0x44: {  	[tilespmem:$0x5250] =	vst v0  }
0x45: {  	[tilespmem:$0x5260] =	vst v0  }
0x46: {  	[tilespmem:$0x5270] =	vst v0  }
0x47: {  	[tilespmem:$0x5280] =	vst v0  }
0x48: {  	[tilespmem:$0x5290] =	vst v0  }
0x49: {  	[tilespmem:$0x52A0] =	vst v0  }
0x4a: {  	[tilespmem:$0x52B0] =	vst v0  }
0x4b: {  	[tilespmem:$0x52C0] =	vst v0  }
0x4c: {  	[tilespmem:$0x52D0] =	vst v0  }
0x4d: {  	[tilespmem:$0x52E0] =	vst v0  }
0x4e: {  	[tilespmem:$0x52F0] =	vst v0  }
0x4f: {  	[tilespmem:$0x5300] =	vst v0  }
0x50: {  	[tilespmem:$0x5310] =	vst v0  }
0x51: {  	[tilespmem:$0x5320] =	vst v0  }
0x52: {  	[tilespmem:$0x5330] =	vst v0  }
0x53: {  	[tilespmem:$0x5340] =	vst v0  }
0x54: {  	[tilespmem:$0x5350] =	vst v0  }
0x55: {  	[tilespmem:$0x5360] =	vst v0  }
0x56: {  	[tilespmem:$0x5370] =	vst v0  }
0x57: {  	[tilespmem:$0x5380] =	vst v0  }
0x58: {  	[tilespmem:$0x5390] =	vst v0  }
0x59: {  	[tilespmem:$0x53A0] =	vst v0  }
0x5a: {  	[tilespmem:$0x53B0] =	vst v0  }
0x5b: {  	[tilespmem:$0x53C0] =	vst v0  }
0x5c: {  	[tilespmem:$0x53D0] =	vst v0  }
0x5d: {  	[tilespmem:$0x53E0] =	vst v0  }
0x5e: {  	s8 =	rddreg [dreg:$0x5];
	[tilespmem:$0x53F0] =	vst v0  }
0x5f: {  	[tilespmem:s3], [sflag:$0x1] =	stream.linear.gather [hbm4b:s8+s3], $0x190, $0x38;
	[tilespmem:$0x5400] =	vst v63  }
0x60: {  	s6 =	simm.s32 $0x1000;
	s9 =	rddreg [dreg:$0x6]  }
0x61: {  	[tilespmem:s6], [sflag:$0x1] =	stream.linear.gather [hbm4b:s9+s3], $0x800, $0x38;
	[tilespmem:$0x5400] =	vst v63  }
0x62: {  	s7 =	simm.s32 $0x200;
	s6 =	rddreg [dreg:$0x7]  }
0x63: {  	[tilespmem:s7], [sflag:$0x2] =	stream.linear.gather [hbm4b:s6+s3], $0x190, $0x38;
	[tilespmem:$0x5400] =	vst v63  }
0x64: {  	s8 =	rddreg [dreg:$0x8];
	s9 =	simm.s32 $0x1800  }
0x65: {  	[tilespmem:s9], [sflag:$0x2] =	stream.linear.gather [hbm4b:s8+s3], $0x800, $0x38;
	[tilespmem:$0x5400] =	vst v63  }
0x66: {  	s7 =	rddreg [dreg:$0x9]  }
0x67: {  	[tilespmem:s28], [sflag:$0x3] =	stream.linear.gather [hbm4b:s7+s3], $0x190, $0x38;
	[tilespmem:$0x5400] =	vst v63  }
0x68: {  	s8 =	rddreg [dreg:$0xa];
	s9 =	simm.s32 $0x2000  }
0x69: {  	[tilespmem:s9], [sflag:$0x3] =	stream.linear.gather [hbm4b:s8+s3], $0x800, $0x38;
	[tilespmem:$0x5400] =	vst v63  }
0x6a: {  	s6 =	simm.s32 $0x600  }
0x6b: {  	[tilespmem:s6], [sflag:$0x4] =	stream.linear.gather [hbm4b:s10+s3], $0x190, $0x38;
	[tilespmem:$0x5400] =	vst v63  }
0x6c: {  	s7 =	simm.s32 $0x2800  }
0x6d: {  	[tilespmem:s7], [sflag:$0x4] =	stream.linear.gather [hbm4b:s11+s3], $0x800, $0x38;
	[tilespmem:$0x5400] =	vst v63  }
0x6e: {  	s8 =	simm.s32 $0x800  }
0x6f: {  	[tilespmem:s8], [sflag:$0x5] =	stream.linear.gather [hbm4b:s12+s3], $0x190, $0x38;
	[tilespmem:$0x5400] =	vst v63  }
0x70: {  	s9 =	simm.s32 $0x3000  }
0x71: {  	[tilespmem:s9], [sflag:$0x5] =	stream.linear.gather [hbm4b:s13+s3], $0x800, $0x38;
	[tilespmem:$0x5400] =	vst v63  }
0x72: {  	s6 =	simm.s32 $0xA00  }
0x73: {  	[tilespmem:s6], [sflag:$0x6] =	stream.linear.gather [hbm4b:s14+s3], $0x190, $0x38;
	[tilespmem:$0x5400] =	vst v63  }
0x74: {  	s7 =	simm.s32 $0x3800  }
0x75: {  	[tilespmem:s7], [sflag:$0x6] =	stream.linear.gather [hbm4b:s15+s3], $0x800, $0x38;
	[tilespmem:$0x5400] =	vst v63  }
0x76: {  	s8 =	simm.s32 $0xC00  }
0x77: {  	[tilespmem:s8], [sflag:$0x7] =	stream.linear.gather [hbm4b:s16+s3], $0x190, $0x38;
	[tilespmem:$0x5400] =	vst v63  }
0x78: {  	s9 =	simm.s32 $0x4000  }
0x79: {  	[tilespmem:s9], [sflag:$0x7] =	stream.linear.gather [hbm4b:s17+s3], $0x800, $0x38;
	[tilespmem:$0x5400] =	vst v63  }
0x7a: {  	s5 =	simm.s32 @!p0 $0x0;
	s6 =	simm.s32 @!p0 $0xE00  }
0x7b: {  	[tilespmem:s6], [sflag:$0x8] =	stream.linear.gather @!p0 [hbm4b:s18+s5], $0x190, $0x38;
	[tilespmem:$0x5400] =	vst v63  }
0x7c: {  	s6 =	simm.s32 @!p0 $0x4800  }
0x7d: {  	[tilespmem:s6], [sflag:$0x8] =	stream.linear.gather @!p0 [hbm4b:s19+s5], $0x800, $0x38;
	[tilespmem:$0x5400] =	vst v63  }
0x7e: {  	_ =	swait.ge [sflag:s29], $0x190  }
0x7f: {  	[sflag:s29] =	ssyncset.done $0x0  }
0x80: {  	[sflag:s29] =	ssyncadd.s32 $0xFFFFFE70  }
0x81: {  	_ =	swait.ge [sflag:s29], $0x800  }
0x82: {  	[sflag:s29] =	ssyncset.done $0x0  }
0x83: {  	s5 =	simm.s32 $0x0;
	s6 =	simm.s32 $0x0;
	[sflag:s29] =	ssyncadd.s32 $0xFFFFF800  }
.LBB2_2:
0x84: {  	s7 =	sshra.s32 s6, $0x2  }
0x85: {  	v1 =	vld [tilespmem:s7+$0x0];
	_ =	sdelay $0x4  }
0x86: {  	v1 =	vshll.u32 v1, $0x3;
	_ =	sdelay $0x1  }
0x87: {  	s8 =	sand.u32 $0x70, s5;
	s9 =	sand.u32 $0xE00, s6  }
0x88: {  	s8 =	sor.u32 s8, s9  }
0x89: {  	v2 =	vld [tilespmem:s8+$0x1000]  }
0x8a: {  	v3 =	vld.idx.msk [tilespmem:v1+s22+$0x0], $0xffff;
	_ =	sdelay $0x4  }
0x8b: {  	v2 =	vsub.f32 v2, v3;
	_ =	sdelay $0x1  }
0x8c: {  	v2 =	vmul.f32 $1.442695020e+00, v2;
	_ =	sdelay $0x1  }
0x8d: {  	(erf) = vpow2.f32 v2;
	_ =	sdelay $0x6  }
0x8e: {  	v2 =	vor.u32 $0x1, v1;
	_ =	sdelay $0x1  }
0x8f: {  	v3 =	vpop (erf)  }
0x90: {  	[tilespmem:v1+s30+$0x0] =	vst.idx.add.f32.msk $0xffff, v3  }
0x91: {  	v3 =	vld [tilespmem:s8+$0x1080]  }
0x92: {  	v4 =	vld.idx.msk [tilespmem:v2+s22+$0x0], $0xffff;
	_ =	sdelay $0x4  }
0x93: {  	v3 =	vsub.f32 v3, v4;
	_ =	sdelay $0x1  }
0x94: {  	v3 =	vmul.f32 $1.442695020e+00, v3;
	_ =	sdelay $0x1  }
0x95: {  	(erf) = vpow2.f32 v3;
	_ =	sdelay $0x6  }
0x96: {  	v3 =	vor.u32 $0x2, v1;
	_ =	sdelay $0x1  }
0x97: {  	v55 =	vpop (erf)  }
0x98: {  	[tilespmem:v2+s30+$0x0] =	vst.idx.add.f32.msk $0xffff, v55  }
0x99: {  	v2 =	vld [tilespmem:s8+$0x1100]  }
0x9a: {  	v4 =	vld.idx.msk [tilespmem:v3+s22+$0x0], $0xffff;
	_ =	sdelay $0x4  }
0x9b: {  	v2 =	vsub.f32 v2, v4;
	_ =	sdelay $0x1  }
0x9c: {  	v2 =	vmul.f32 $1.442695020e+00, v2;
	_ =	sdelay $0x1  }
0x9d: {  	(erf) = vpow2.f32 v2;
	_ =	sdelay $0x6  }
0x9e: {  	v1 =	vor.u32 $0x3, v1;
	_ =	sdelay $0x1  }
0x9f: {  	v2 =	vpop (erf)  }
0xa0: {  	[tilespmem:v3+s30+$0x0] =	vst.idx.add.f32.msk $0xffff, v2  }
0xa1: {  	v2 =	vld [tilespmem:s8+$0x1180]  }
0xa2: {  	v3 =	vld.idx.msk [tilespmem:v1+s22+$0x0], $0xffff;
	_ =	sdelay $0x4  }
0xa3: {  	v2 =	vsub.f32 v2, v3;
	_ =	sdelay $0x1  }
0xa4: {  	v2 =	vmul.f32 $1.442695020e+00, v2;
	_ =	sdelay $0x1  }
0xa5: {  	(erf) = vpow2.f32 v2;
	_ =	sdelay $0x8  }
0xa6: {  	v2 =	vpop (erf)  }
0xa7: {  	[tilespmem:v1+s30+$0x0] =	vst.idx.add.f32.msk $0xffff, v2  }
0xa8: {  	v1 =	vld [tilespmem:s7+$0x10];
	_ =	sdelay $0x4  }
0xa9: {  	v1 =	vshll.u32 v1, $0x3  }
0xaa: {  	s9 =	sadd.s32 $0x40, s6;
	s8 =	sadd.s32 $0x10, s5  }
0xab: {  	s9 =	sand.u32 $0x1E00, s9;
	s8 =	sand.u32 $0x70, s8  }
0xac: {  	s8 =	sor.u32 s8, s9  }
0xad: {  	v2 =	vld [tilespmem:s8+$0x1000]  }
0xae: {  	v3 =	vld.idx.msk [tilespmem:v1+s22+$0x0], $0xffff;
	_ =	sdelay $0x4  }
0xaf: {  	v2 =	vsub.f32 v2, v3;
	_ =	sdelay $0x1  }
0xb0: {  	v2 =	vmul.f32 $1.442695020e+00, v2;
	_ =	sdelay $0x1  }
0xb1: {  	(erf) = vpow2.f32 v2;
	_ =	sdelay $0x6  }
0xb2: {  	v2 =	vor.u32 $0x1, v1;
	_ =	sdelay $0x1  }
0xb3: {  	v3 =	vpop (erf)  }
0xb4: {  	[tilespmem:v1+s30+$0x0] =	vst.idx.add.f32.msk $0xffff, v3  }
0xb5: {  	v3 =	vld [tilespmem:s8+$0x1080]  }
0xb6: {  	v56 =	vld.idx.msk [tilespmem:v2+s22+$0x0], $0xffff;
	_ =	sdelay $0x4  }
0xb7: {  	v3 =	vsub.f32 v3, v56;
	_ =	sdelay $0x1  }
0xb8: {  	v3 =	vmul.f32 $1.442695020e+00, v3;
	_ =	sdelay $0x1  }
0xb9: {  	(erf) = vpow2.f32 v3;
	_ =	sdelay $0x6  }
0xba: {  	v3 =	vor.u32 $0x2, v1;
	_ =	sdelay $0x1  }
0xbb: {  	v57 =	vpop (erf)  }
0xbc: {  	[tilespmem:v2+s30+$0x0] =	vst.idx.add.f32.msk $0xffff, v57  }
0xbd: {  	v2 =	vld [tilespmem:s8+$0x1100]  }
0xbe: {  	v4 =	vld.idx.msk [tilespmem:v3+s22+$0x0], $0xffff;
	_ =	sdelay $0x4  }
0xbf: {  	v2 =	vsub.f32 v2, v4;
	_ =	sdelay $0x1  }
0xc0: {  	v2 =	vmul.f32 $1.442695020e+00, v2;
	_ =	sdelay $0x1  }
0xc1: {  	(erf) = vpow2.f32 v2;
	_ =	sdelay $0x6  }
0xc2: {  	v1 =	vor.u32 $0x3, v1;
	_ =	sdelay $0x1  }
0xc3: {  	v2 =	vpop (erf)  }
0xc4: {  	[tilespmem:v3+s30+$0x0] =	vst.idx.add.f32.msk $0xffff, v2  }
0xc5: {  	v2 =	vld [tilespmem:s8+$0x1180]  }
0xc6: {  	v3 =	vld.idx.msk [tilespmem:v1+s22+$0x0], $0xffff;
	_ =	sdelay $0x4  }
0xc7: {  	v2 =	vsub.f32 v2, v3;
	_ =	sdelay $0x1  }
0xc8: {  	v2 =	vmul.f32 $1.442695020e+00, v2;
	_ =	sdelay $0x1  }
0xc9: {  	(erf) = vpow2.f32 v2;
	_ =	sdelay $0x8  }
0xca: {  	v2 =	vpop (erf)  }
0xcb: {  	[tilespmem:v1+s30+$0x0] =	vst.idx.add.f32.msk $0xffff, v2  }
0xcc: {  	v1 =	vld [tilespmem:s7+$0x20];
	_ =	sdelay $0x4  }
0xcd: {  	v1 =	vshll.u32 v1, $0x3  }
0xce: {  	s9 =	sadd.s32 $0x80, s6;
	s8 =	sadd.s32 $0x20, s5  }
0xcf: {  	s9 =	sand.u32 $0x1E00, s9;
	s8 =	sand.u32 $0x70, s8  }
0xd0: {  	s8 =	sor.u32 s8, s9  }
0xd1: {  	v2 =	vld [tilespmem:s8+$0x1000]  }
0xd2: {  	v3 =	vld.idx.msk [tilespmem:v1+s22+$0x0], $0xffff;
	_ =	sdelay $0x4  }
0xd3: {  	v2 =	vsub.f32 v2, v3;
	_ =	sdelay $0x1  }
0xd4: {  	v2 =	vmul.f32 $1.442695020e+00, v2;
	_ =	sdelay $0x1  }
0xd5: {  	(erf) = vpow2.f32 v2;
	_ =	sdelay $0x6  }
0xd6: {  	v2 =	vor.u32 $0x1, v1;
	_ =	sdelay $0x1  }
0xd7: {  	v3 =	vpop (erf)  }
0xd8: {  	[tilespmem:v1+s30+$0x0] =	vst.idx.add.f32.msk $0xffff, v3  }
0xd9: {  	v3 =	vld [tilespmem:s8+$0x1080]  }
0xda: {  	v58 =	vld.idx.msk [tilespmem:v2+s22+$0x0], $0xffff;
	_ =	sdelay $0x4  }
0xdb: {  	v3 =	vsub.f32 v3, v58;
	_ =	sdelay $0x1  }
0xdc: {  	v3 =	vmul.f32 $1.442695020e+00, v3;
	_ =	sdelay $0x1  }
0xdd: {  	(erf) = vpow2.f32 v3;
	_ =	sdelay $0x6  }
0xde: {  	v3 =	vor.u32 $0x2, v1;
	_ =	sdelay $0x1  }
0xdf: {  	v59 =	vpop (erf)  }
0xe0: {  	[tilespmem:v2+s30+$0x0] =	vst.idx.add.f32.msk $0xffff, v59  }
0xe1: {  	v2 =	vld [tilespmem:s8+$0x1100]  }
0xe2: {  	v4 =	vld.idx.msk [tilespmem:v3+s22+$0x0], $0xffff;
	_ =	sdelay $0x4  }
0xe3: {  	v2 =	vsub.f32 v2, v4;
	_ =	sdelay $0x1  }
0xe4: {  	v2 =	vmul.f32 $1.442695020e+00, v2;
	_ =	sdelay $0x1  }
0xe5: {  	(erf) = vpow2.f32 v2;
	_ =	sdelay $0x6  }
0xe6: {  	v1 =	vor.u32 $0x3, v1;
	_ =	sdelay $0x1  }
0xe7: {  	v2 =	vpop (erf)  }
0xe8: {  	[tilespmem:v3+s30+$0x0] =	vst.idx.add.f32.msk $0xffff, v2  }
0xe9: {  	v2 =	vld [tilespmem:s8+$0x1180]  }
0xea: {  	v3 =	vld.idx.msk [tilespmem:v1+s22+$0x0], $0xffff;
	_ =	sdelay $0x4  }
0xeb: {  	v2 =	vsub.f32 v2, v3;
	_ =	sdelay $0x1  }
0xec: {  	v2 =	vmul.f32 $1.442695020e+00, v2;
	_ =	sdelay $0x1  }
0xed: {  	(erf) = vpow2.f32 v2;
	_ =	sdelay $0x8  }
0xee: {  	v2 =	vpop (erf)  }
0xef: {  	[tilespmem:v1+s30+$0x0] =	vst.idx.add.f32.msk $0xffff, v2  }
0xf0: {  	v1 =	vld [tilespmem:s7+$0x30];
	_ =	sdelay $0x4  }
0xf1: {  	v1 =	vshll.u32 v1, $0x3  }
0xf2: {  	s9 =	sadd.s32 $0xC0, s6;
	s8 =	sadd.s32 $0x30, s5  }
0xf3: {  	s9 =	sand.u32 $0x1E00, s9;
	s8 =	sand.u32 $0x70, s8  }
0xf4: {  	s8 =	sor.u32 s8, s9  }
0xf5: {  	v2 =	vld [tilespmem:s8+$0x1000]  }
0xf6: {  	v3 =	vld.idx.msk [tilespmem:v1+s22+$0x0], $0xffff;
	_ =	sdelay $0x4  }
0xf7: {  	v2 =	vsub.f32 v2, v3;
	_ =	sdelay $0x1  }
0xf8: {  	v2 =	vmul.f32 $1.442695020e+00, v2;
	_ =	sdelay $0x1  }
0xf9: {  	(erf) = vpow2.f32 v2;
	_ =	sdelay $0x6  }
0xfa: {  	v2 =	vor.u32 $0x1, v1;
	_ =	sdelay $0x1  }
0xfb: {  	v3 =	vpop (erf)  }
0xfc: {  	[tilespmem:v1+s30+$0x0] =	vst.idx.add.f32.msk $0xffff, v3  }
0xfd: {  	v3 =	vld [tilespmem:s8+$0x1080]  }
0xfe: {  	v60 =	vld.idx.msk [tilespmem:v2+s22+$0x0], $0xffff;
	_ =	sdelay $0x4  }
0xff: {  	v3 =	vsub.f32 v3, v60;
	_ =	sdelay $0x1  }
0x100: {  	v3 =	vmul.f32 $1.442695020e+00, v3;
	_ =	sdelay $0x1  }
0x101: {  	(erf) = vpow2.f32 v3;
	_ =	sdelay $0x6  }
0x102: {  	v3 =	vor.u32 $0x2, v1;
	_ =	sdelay $0x1  }
0x103: {  	v61 =	vpop (erf)  }
0x104: {  	[tilespmem:v2+s30+$0x0] =	vst.idx.add.f32.msk $0xffff, v61  }
0x105: {  	v2 =	vld [tilespmem:s8+$0x1100]  }
0x106: {  	v4 =	vld.idx.msk [tilespmem:v3+s22+$0x0], $0xffff;
	_ =	sdelay $0x4  }
0x107: {  	v2 =	vsub.f32 v2, v4;
	_ =	sdelay $0x1  }
0x108: {  	v2 =	vmul.f32 $1.442695020e+00, v2;
	_ =	sdelay $0x1  }
0x109: {  	(erf) = vpow2.f32 v2;
	_ =	sdelay $0x6  }
0x10a: {  	v1 =	vor.u32 $0x3, v1;
	_ =	sdelay $0x1  }
0x10b: {  	v2 =	vpop (erf)  }
0x10c: {  	[tilespmem:v3+s30+$0x0] =	vst.idx.add.f32.msk $0xffff, v2  }
0x10d: {  	v2 =	vld [tilespmem:s8+$0x1180]  }
0x10e: {  	v3 =	vld.idx.msk [tilespmem:v1+s22+$0x0], $0xffff;
	_ =	sdelay $0x4  }
0x10f: {  	v2 =	vsub.f32 v2, v3;
	_ =	sdelay $0x1  }
0x110: {  	v2 =	vmul.f32 $1.442695020e+00, v2;
	_ =	sdelay $0x1  }
0x111: {  	(erf) = vpow2.f32 v2;
	_ =	sdelay $0x8  }
0x112: {  	v2 =	vpop (erf)  }
0x113: {  	[tilespmem:v1+s30+$0x0] =	vst.idx.add.f32.msk $0xffff, v2  }
0x114: {  	v1 =	vld [tilespmem:s7+$0x40];
	_ =	sdelay $0x4  }
0x115: {  	v1 =	vshll.u32 v1, $0x3  }
0x116: {  	s9 =	sadd.s32 $0x100, s6;
	s8 =	sadd.s32 $0x40, s5  }
0x117: {  	s7 =	sand.u32 $0x70, s8;
	s8 =	sand.u32 $0x1E00, s9  }
0x118: {  	s7 =	sor.u32 s7, s8  }
0x119: {  	v2 =	vld [tilespmem:s7+$0x1000]  }
0x11a: {  	v3 =	vld.idx.msk [tilespmem:v1+s22+$0x0], $0xffff;
	_ =	sdelay $0x4  }
0x11b: {  	v2 =	vsub.f32 v2, v3;
	_ =	sdelay $0x1  }
0x11c: {  	v2 =	vmul.f32 $1.442695020e+00, v2;
	_ =	sdelay $0x1  }
0x11d: {  	(erf) = vpow2.f32 v2;
	_ =	sdelay $0x6  }
0x11e: {  	v2 =	vor.u32 $0x1, v1;
	_ =	sdelay $0x1  }
0x11f: {  	v3 =	vpop (erf)  }
0x120: {  	[tilespmem:v1+s30+$0x0] =	vst.idx.add.f32.msk $0xffff, v3  }
0x121: {  	v3 =	vld [tilespmem:s7+$0x1080]  }
0x122: {  	v62 =	vld.idx.msk [tilespmem:v2+s22+$0x0], $0xffff;
	_ =	sdelay $0x4  }
0x123: {  	v3 =	vsub.f32 v3, v62;
	_ =	sdelay $0x1  }
0x124: {  	v3 =	vmul.f32 $1.442695020e+00, v3;
	_ =	sdelay $0x1  }
0x125: {  	(erf) = vpow2.f32 v3;
	_ =	sdelay $0x6  }
0x126: {  	v3 =	vor.u32 $0x2, v1;
	_ =	sdelay $0x1  }
0x127: {  	v63 =	vpop (erf)  }
0x128: {  	[tilespmem:v2+s30+$0x0] =	vst.idx.add.f32.msk $0xffff, v63  }
0x129: {  	v2 =	vld [tilespmem:s7+$0x1100]  }
0x12a: {  	v4 =	vld.idx.msk [tilespmem:v3+s22+$0x0], $0xffff;
	_ =	sdelay $0x4  }
0x12b: {  	v2 =	vsub.f32 v2, v4;
	_ =	sdelay $0x1  }
0x12c: {  	v2 =	vmul.f32 $1.442695020e+00, v2;
	_ =	sdelay $0x1  }
0x12d: {  	(erf) = vpow2.f32 v2;
	_ =	sdelay $0x6  }
0x12e: {  	v1 =	vor.u32 $0x3, v1;
	_ =	sdelay $0x1  }
0x12f: {  	v2 =	vpop (erf)  }
0x130: {  	[tilespmem:v3+s30+$0x0] =	vst.idx.add.f32.msk $0xffff, v2  }
0x131: {  	v2 =	vld [tilespmem:s7+$0x1180]  }
0x132: {  	v3 =	vld.idx.msk [tilespmem:v1+s22+$0x0], $0xffff;
	_ =	sdelay $0x4  }
0x133: {  	v2 =	vsub.f32 v2, v3;
	_ =	sdelay $0x1  }
0x134: {  	v2 =	vmul.f32 $1.442695020e+00, v2;
	_ =	sdelay $0x1  }
0x135: {  	(erf) = vpow2.f32 v2;
	_ =	sdelay $0x4  }
0x136: {  	p1 =	sne.s32 s6, $0x500  }
.Ltmp2:
0x137: {  	_ = 	snop;
	(pc) =	sbr.rel @p1 .LBB2_2-.Ltmp2, $3  }
0x138: {  	_ =	sdelay $0x1  }
0x139: {  	v2 =	vpop (erf)  }
0x13a: {  	s6 =	sadd.s32 $0x140, s6;
	s5 =	sadd.s32 $0x50, s5;
	[tilespmem:v1+s30+$0x0] =	vst.idx.add.f32.msk $0xffff, v2  }
0x13b: {  	_ =	swait.ge [sflag:s31], $0x190  }
0x13c: {  	[sflag:s31] =	ssyncset.done $0x0  }
0x13d: {  	[sflag:s31] =	ssyncadd.s32 $0xFFFFFE70  }
0x13e: {  	_ =	swait.ge [sflag:s31], $0x800  }
0x13f: {  	[sflag:s31] =	ssyncset.done $0x0  }
0x140: {  	s5 =	simm.s32 $0x0;
	s6 =	simm.s32 $0x0;
	[sflag:s31] =	ssyncadd.s32 $0xFFFFF800  }
.LBB2_4:
0x141: {  	s7 =	sshra.s32 s6, $0x2  }
0x142: {  	v1 =	vld [tilespmem:s7+$0x200];
	_ =	sdelay $0x4  }
0x143: {  	v1 =	vshll.u32 v1, $0x3;
	_ =	sdelay $0x1  }
0x144: {  	s8 =	sand.u32 $0x70, s5;
	s9 =	sand.u32 $0xE00, s6  }
0x145: {  	s8 =	sor.u32 s8, s9  }
0x146: {  	v2 =	vld [tilespmem:s8+$0x1800]  }
0x147: {  	v3 =	vld.idx.msk [tilespmem:v1+s22+$0x0], $0xffff;
	_ =	sdelay $0x4  }
0x148: {  	v2 =	vsub.f32 v2, v3;
	_ =	sdelay $0x1  }
0x149: {  	v2 =	vmul.f32 $1.442695020e+00, v2;
	_ =	sdelay $0x1  }
0x14a: {  	(erf) = vpow2.f32 v2;
	_ =	sdelay $0x6  }
0x14b: {  	v2 =	vor.u32 $0x1, v1;
	_ =	sdelay $0x1  }
0x14c: {  	v3 =	vpop (erf)  }
0x14d: {  	[tilespmem:v1+s30+$0x0] =	vst.idx.add.f32.msk $0xffff, v3  }
0x14e: {  	v3 =	vld [tilespmem:s8+$0x1880]  }
0x14f: {  	v4 =	vld.idx.msk [tilespmem:v2+s22+$0x0], $0xffff;
	_ =	sdelay $0x4  }
0x150: {  	v3 =	vsub.f32 v3, v4;
	_ =	sdelay $0x1  }
0x151: {  	v3 =	vmul.f32 $1.442695020e+00, v3;
	_ =	sdelay $0x1  }
0x152: {  	(erf) = vpow2.f32 v3;
	_ =	sdelay $0x6  }
0x153: {  	v3 =	vor.u32 $0x2, v1;
	_ =	sdelay $0x1  }
0x154: {  	v55 =	vpop (erf)  }
0x155: {  	[tilespmem:v2+s30+$0x0] =	vst.idx.add.f32.msk $0xffff, v55  }
0x156: {  	v2 =	vld [tilespmem:s8+$0x1900]  }
0x157: {  	v4 =	vld.idx.msk [tilespmem:v3+s22+$0x0], $0xffff;
	_ =	sdelay $0x4  }
0x158: {  	v2 =	vsub.f32 v2, v4;
	_ =	sdelay $0x1  }
0x159: {  	v2 =	vmul.f32 $1.442695020e+00, v2;
	_ =	sdelay $0x1  }
0x15a: {  	(erf) = vpow2.f32 v2;
	_ =	sdelay $0x6  }
0x15b: {  	v1 =	vor.u32 $0x3, v1;
	_ =	sdelay $0x1  }
0x15c: {  	v2 =	vpop (erf)  }
0x15d: {  	[tilespmem:v3+s30+$0x0] =	vst.idx.add.f32.msk $0xffff, v2  }
0x15e: {  	v2 =	vld [tilespmem:s8+$0x1980]  }
0x15f: {  	v3 =	vld.idx.msk [tilespmem:v1+s22+$0x0], $0xffff;
	_ =	sdelay $0x4  }
0x160: {  	v2 =	vsub.f32 v2, v3;
	_ =	sdelay $0x1  }
0x161: {  	v2 =	vmul.f32 $1.442695020e+00, v2;
	_ =	sdelay $0x1  }
0x162: {  	(erf) = vpow2.f32 v2;
	_ =	sdelay $0x8  }
0x163: {  	v2 =	vpop (erf)  }
0x164: {  	[tilespmem:v1+s30+$0x0] =	vst.idx.add.f32.msk $0xffff, v2  }
0x165: {  	v1 =	vld [tilespmem:s7+$0x210];
	_ =	sdelay $0x4  }
0x166: {  	v1 =	vshll.u32 v1, $0x3  }
0x167: {  	s9 =	sadd.s32 $0x40, s6;
	s8 =	sadd.s32 $0x10, s5  }
0x168: {  	s9 =	sand.u32 $0x1E00, s9;
	s8 =	sand.u32 $0x70, s8  }
0x169: {  	s8 =	sor.u32 s8, s9  }
0x16a: {  	v2 =	vld [tilespmem:s8+$0x1800]  }
0x16b: {  	v3 =	vld.idx.msk [tilespmem:v1+s22+$0x0], $0xffff;
	_ =	sdelay $0x4  }
0x16c: {  	v2 =	vsub.f32 v2, v3;
	_ =	sdelay $0x1  }
0x16d: {  	v2 =	vmul.f32 $1.442695020e+00, v2;
	_ =	sdelay $0x1  }
0x16e: {  	(erf) = vpow2.f32 v2;
	_ =	sdelay $0x6  }
0x16f: {  	v2 =	vor.u32 $0x1, v1;
	_ =	sdelay $0x1  }
0x170: {  	v3 =	vpop (erf)  }
0x171: {  	[tilespmem:v1+s30+$0x0] =	vst.idx.add.f32.msk $0xffff, v3  }
0x172: {  	v3 =	vld [tilespmem:s8+$0x1880]  }
0x173: {  	v56 =	vld.idx.msk [tilespmem:v2+s22+$0x0], $0xffff;
	_ =	sdelay $0x4  }
0x174: {  	v3 =	vsub.f32 v3, v56;
	_ =	sdelay $0x1  }
0x175: {  	v3 =	vmul.f32 $1.442695020e+00, v3;
	_ =	sdelay $0x1  }
0x176: {  	(erf) = vpow2.f32 v3;
	_ =	sdelay $0x6  }
0x177: {  	v3 =	vor.u32 $0x2, v1;
	_ =	sdelay $0x1  }
0x178: {  	v57 =	vpop (erf)  }
0x179: {  	[tilespmem:v2+s30+$0x0] =	vst.idx.add.f32.msk $0xffff, v57  }
0x17a: {  	v2 =	vld [tilespmem:s8+$0x1900]  }
0x17b: {  	v4 =	vld.idx.msk [tilespmem:v3+s22+$0x0], $0xffff;
	_ =	sdelay $0x4  }
0x17c: {  	v2 =	vsub.f32 v2, v4;
	_ =	sdelay $0x1  }
0x17d: {  	v2 =	vmul.f32 $1.442695020e+00, v2;
	_ =	sdelay $0x1  }
0x17e: {  	(erf) = vpow2.f32 v2;
	_ =	sdelay $0x6  }
0x17f: {  	v1 =	vor.u32 $0x3, v1;
	_ =	sdelay $0x1  }
0x180: {  	v2 =	vpop (erf)  }
0x181: {  	[tilespmem:v3+s30+$0x0] =	vst.idx.add.f32.msk $0xffff, v2  }
0x182: {  	v2 =	vld [tilespmem:s8+$0x1980]  }
0x183: {  	v3 =	vld.idx.msk [tilespmem:v1+s22+$0x0], $0xffff;
	_ =	sdelay $0x4  }
0x184: {  	v2 =	vsub.f32 v2, v3;
	_ =	sdelay $0x1  }
0x185: {  	v2 =	vmul.f32 $1.442695020e+00, v2;
	_ =	sdelay $0x1  }
0x186: {  	(erf) = vpow2.f32 v2;
	_ =	sdelay $0x8  }
0x187: {  	v2 =	vpop (erf)  }
0x188: {  	[tilespmem:v1+s30+$0x0] =	vst.idx.add.f32.msk $0xffff, v2  }
0x189: {  	v1 =	vld [tilespmem:s7+$0x220];
	_ =	sdelay $0x4  }
0x18a: {  	v1 =	vshll.u32 v1, $0x3  }
0x18b: {  	s9 =	sadd.s32 $0x80, s6;
	s8 =	sadd.s32 $0x20, s5  }
0x18c: {  	s9 =	sand.u32 $0x1E00, s9;
	s8 =	sand.u32 $0x70, s8  }
0x18d: {  	s8 =	sor.u32 s8, s9  }
0x18e: {  	v2 =	vld [tilespmem:s8+$0x1800]  }
0x18f: {  	v3 =	vld.idx.msk [tilespmem:v1+s22+$0x0], $0xffff;
	_ =	sdelay $0x4  }
0x190: {  	v2 =	vsub.f32 v2, v3;
	_ =	sdelay $0x1  }
0x191: {  	v2 =	vmul.f32 $1.442695020e+00, v2;
	_ =	sdelay $0x1  }
0x192: {  	(erf) = vpow2.f32 v2;
	_ =	sdelay $0x6  }
0x193: {  	v2 =	vor.u32 $0x1, v1;
	_ =	sdelay $0x1  }
0x194: {  	v3 =	vpop (erf)  }
0x195: {  	[tilespmem:v1+s30+$0x0] =	vst.idx.add.f32.msk $0xffff, v3  }
0x196: {  	v3 =	vld [tilespmem:s8+$0x1880]  }
0x197: {  	v58 =	vld.idx.msk [tilespmem:v2+s22+$0x0], $0xffff;
	_ =	sdelay $0x4  }
0x198: {  	v3 =	vsub.f32 v3, v58;
	_ =	sdelay $0x1  }
0x199: {  	v3 =	vmul.f32 $1.442695020e+00, v3;
	_ =	sdelay $0x1  }
0x19a: {  	(erf) = vpow2.f32 v3;
	_ =	sdelay $0x6  }
0x19b: {  	v3 =	vor.u32 $0x2, v1;
	_ =	sdelay $0x1  }
0x19c: {  	v59 =	vpop (erf)  }
0x19d: {  	[tilespmem:v2+s30+$0x0] =	vst.idx.add.f32.msk $0xffff, v59  }
0x19e: {  	v2 =	vld [tilespmem:s8+$0x1900]  }
0x19f: {  	v4 =	vld.idx.msk [tilespmem:v3+s22+$0x0], $0xffff;
	_ =	sdelay $0x4  }
0x1a0: {  	v2 =	vsub.f32 v2, v4;
	_ =	sdelay $0x1  }
0x1a1: {  	v2 =	vmul.f32 $1.442695020e+00, v2;
	_ =	sdelay $0x1  }
0x1a2: {  	(erf) = vpow2.f32 v2;
	_ =	sdelay $0x6  }
0x1a3: {  	v1 =	vor.u32 $0x3, v1;
	_ =	sdelay $0x1  }
0x1a4: {  	v2 =	vpop (erf)  }
0x1a5: {  	[tilespmem:v3+s30+$0x0] =	vst.idx.add.f32.msk $0xffff, v2  }
0x1a6: {  	v2 =	vld [tilespmem:s8+$0x1980]  }
0x1a7: {  	v3 =	vld.idx.msk [tilespmem:v1+s22+$0x0], $0xffff;
	_ =	sdelay $0x4  }
0x1a8: {  	v2 =	vsub.f32 v2, v3;
	_ =	sdelay $0x1  }
0x1a9: {  	v2 =	vmul.f32 $1.442695020e+00, v2;
	_ =	sdelay $0x1  }
0x1aa: {  	(erf) = vpow2.f32 v2;
	_ =	sdelay $0x8  }
0x1ab: {  	v2 =	vpop (erf)  }
0x1ac: {  	[tilespmem:v1+s30+$0x0] =	vst.idx.add.f32.msk $0xffff, v2  }
0x1ad: {  	v1 =	vld [tilespmem:s7+$0x230];
	_ =	sdelay $0x4  }
0x1ae: {  	v1 =	vshll.u32 v1, $0x3  }
0x1af: {  	s9 =	sadd.s32 $0xC0, s6;
	s8 =	sadd.s32 $0x30, s5  }
0x1b0: {  	s9 =	sand.u32 $0x1E00, s9;
	s8 =	sand.u32 $0x70, s8  }
0x1b1: {  	s8 =	sor.u32 s8, s9  }
0x1b2: {  	v2 =	vld [tilespmem:s8+$0x1800]  }
0x1b3: {  	v3 =	vld.idx.msk [tilespmem:v1+s22+$0x0], $0xffff;
	_ =	sdelay $0x4  }
0x1b4: {  	v2 =	vsub.f32 v2, v3;
	_ =	sdelay $0x1  }
0x1b5: {  	v2 =	vmul.f32 $1.442695020e+00, v2;
	_ =	sdelay $0x1  }
0x1b6: {  	(erf) = vpow2.f32 v2;
	_ =	sdelay $0x6  }
0x1b7: {  	v2 =	vor.u32 $0x1, v1;
	_ =	sdelay $0x1  }
0x1b8: {  	v3 =	vpop (erf)  }
0x1b9: {  	[tilespmem:v1+s30+$0x0] =	vst.idx.add.f32.msk $0xffff, v3  }
0x1ba: {  	v3 =	vld [tilespmem:s8+$0x1880]  }
0x1bb: {  	v60 =	vld.idx.msk [tilespmem:v2+s22+$0x0], $0xffff;
	_ =	sdelay $0x4  }
0x1bc: {  	v3 =	vsub.f32 v3, v60;
	_ =	sdelay $0x1  }
0x1bd: {  	v3 =	vmul.f32 $1.442695020e+00, v3;
	_ =	sdelay $0x1  }
0x1be: {  	(erf) = vpow2.f32 v3;
	_ =	sdelay $0x6  }
0x1bf: {  	v3 =	vor.u32 $0x2, v1;
	_ =	sdelay $0x1  }
0x1c0: {  	v61 =	vpop (erf)  }
0x1c1: {  	[tilespmem:v2+s30+$0x0] =	vst.idx.add.f32.msk $0xffff, v61  }
0x1c2: {  	v2 =	vld [tilespmem:s8+$0x1900]  }
0x1c3: {  	v4 =	vld.idx.msk [tilespmem:v3+s22+$0x0], $0xffff;
	_ =	sdelay $0x4  }
0x1c4: {  	v2 =	vsub.f32 v2, v4;
	_ =	sdelay $0x1  }
0x1c5: {  	v2 =	vmul.f32 $1.442695020e+00, v2;
	_ =	sdelay $0x1  }
0x1c6: {  	(erf) = vpow2.f32 v2;
	_ =	sdelay $0x6  }
0x1c7: {  	v1 =	vor.u32 $0x3, v1;
	_ =	sdelay $0x1  }
0x1c8: {  	v2 =	vpop (erf)  }
0x1c9: {  	[tilespmem:v3+s30+$0x0] =	vst.idx.add.f32.msk $0xffff, v2  }
0x1ca: {  	v2 =	vld [tilespmem:s8+$0x1980]  }
0x1cb: {  	v3 =	vld.idx.msk [tilespmem:v1+s22+$0x0], $0xffff;
	_ =	sdelay $0x4  }
0x1cc: {  	v2 =	vsub.f32 v2, v3;
	_ =	sdelay $0x1  }
0x1cd: {  	v2 =	vmul.f32 $1.442695020e+00, v2;
	_ =	sdelay $0x1  }
0x1ce: {  	(erf) = vpow2.f32 v2;
	_ =	sdelay $0x8  }
0x1cf: {  	v2 =	vpop (erf)  }
0x1d0: {  	[tilespmem:v1+s30+$0x0] =	vst.idx.add.f32.msk $0xffff, v2  }
0x1d1: {  	v1 =	vld [tilespmem:s7+$0x240];
	_ =	sdelay $0x4  }
0x1d2: {  	v1 =	vshll.u32 v1, $0x3  }
0x1d3: {  	s9 =	sadd.s32 $0x100, s6;
	s8 =	sadd.s32 $0x40, s5  }
0x1d4: {  	s7 =	sand.u32 $0x70, s8;
	s8 =	sand.u32 $0x1E00, s9  }
0x1d5: {  	s7 =	sor.u32 s7, s8  }
0x1d6: {  	v2 =	vld [tilespmem:s7+$0x1800]  }
0x1d7: {  	v3 =	vld.idx.msk [tilespmem:v1+s22+$0x0], $0xffff;
	_ =	sdelay $0x4  }
0x1d8: {  	v2 =	vsub.f32 v2, v3;
	_ =	sdelay $0x1  }
0x1d9: {  	v2 =	vmul.f32 $1.442695020e+00, v2;
	_ =	sdelay $0x1  }
0x1da: {  	(erf) = vpow2.f32 v2;
	_ =	sdelay $0x6  }
0x1db: {  	v2 =	vor.u32 $0x1, v1;
	_ =	sdelay $0x1  }
0x1dc: {  	v3 =	vpop (erf)  }
0x1dd: {  	[tilespmem:v1+s30+$0x0] =	vst.idx.add.f32.msk $0xffff, v3  }
0x1de: {  	v3 =	vld [tilespmem:s7+$0x1880]  }
0x1df: {  	v62 =	vld.idx.msk [tilespmem:v2+s22+$0x0], $0xffff;
	_ =	sdelay $0x4  }
0x1e0: {  	v3 =	vsub.f32 v3, v62;
	_ =	sdelay $0x1  }
0x1e1: {  	v3 =	vmul.f32 $1.442695020e+00, v3;
	_ =	sdelay $0x1  }
0x1e2: {  	(erf) = vpow2.f32 v3;
	_ =	sdelay $0x6  }
0x1e3: {  	v3 =	vor.u32 $0x2, v1;
	_ =	sdelay $0x1  }
0x1e4: {  	v63 =	vpop (erf)  }
0x1e5: {  	[tilespmem:v2+s30+$0x0] =	vst.idx.add.f32.msk $0xffff, v63  }
0x1e6: {  	v2 =	vld [tilespmem:s7+$0x1900]  }
0x1e7: {  	v4 =	vld.idx.msk [tilespmem:v3+s22+$0x0], $0xffff;
	_ =	sdelay $0x4  }
0x1e8: {  	v2 =	vsub.f32 v2, v4;
	_ =	sdelay $0x1  }
0x1e9: {  	v2 =	vmul.f32 $1.442695020e+00, v2;
	_ =	sdelay $0x1  }
0x1ea: {  	(erf) = vpow2.f32 v2;
	_ =	sdelay $0x6  }
0x1eb: {  	v1 =	vor.u32 $0x3, v1;
	_ =	sdelay $0x1  }
0x1ec: {  	v2 =	vpop (erf)  }
0x1ed: {  	[tilespmem:v3+s30+$0x0] =	vst.idx.add.f32.msk $0xffff, v2  }
0x1ee: {  	v2 =	vld [tilespmem:s7+$0x1980]  }
0x1ef: {  	v3 =	vld.idx.msk [tilespmem:v1+s22+$0x0], $0xffff;
	_ =	sdelay $0x4  }
0x1f0: {  	v2 =	vsub.f32 v2, v3;
	_ =	sdelay $0x1  }
0x1f1: {  	v2 =	vmul.f32 $1.442695020e+00, v2;
	_ =	sdelay $0x1  }
0x1f2: {  	(erf) = vpow2.f32 v2;
	_ =	sdelay $0x4  }
0x1f3: {  	p1 =	sne.s32 s6, $0x500  }
.Ltmp3:
0x1f4: {  	_ = 	snop;
	(pc) =	sbr.rel @p1 .LBB2_4-.Ltmp3, $3  }
0x1f5: {  	_ =	sdelay $0x1  }
0x1f6: {  	v2 =	vpop (erf)  }
0x1f7: {  	s6 =	sadd.s32 $0x140, s6;
	s5 =	sadd.s32 $0x50, s5;
	[tilespmem:v1+s30+$0x0] =	vst.idx.add.f32.msk $0xffff, v2  }
0x1f8: {  	_ =	swait.ge [sflag:s1], $0x190  }
0x1f9: {  	[sflag:s1] =	ssyncset.done $0x0  }
0x1fa: {  	[sflag:s1] =	ssyncadd.s32 $0xFFFFFE70  }
0x1fb: {  	_ =	swait.ge [sflag:s1], $0x800  }
0x1fc: {  	[sflag:s1] =	ssyncset.done $0x0  }
0x1fd: {  	s5 =	simm.s32 $0x0;
	s6 =	simm.s32 $0x0;
	[sflag:s1] =	ssyncadd.s32 $0xFFFFF800  }
.LBB2_6:
0x1fe: {  	s7 =	sshra.s32 s6, $0x2  }
0x1ff: {  	v1 =	vld [tilespmem:s7+$0x400];
	_ =	sdelay $0x4  }
0x200: {  	v1 =	vshll.u32 v1, $0x3;
	_ =	sdelay $0x1  }
0x201: {  	s8 =	sand.u32 $0x70, s5;
	s9 =	sand.u32 $0xE00, s6  }
0x202: {  	s8 =	sor.u32 s8, s9  }
0x203: {  	v2 =	vld [tilespmem:s8+$0x2000]  }
0x204: {  	v3 =	vld.idx.msk [tilespmem:v1+s22+$0x0], $0xffff;
	_ =	sdelay $0x4  }
0x205: {  	v2 =	vsub.f32 v2, v3;
	_ =	sdelay $0x1  }
0x206: {  	v2 =	vmul.f32 $1.442695020e+00, v2;
	_ =	sdelay $0x1  }
0x207: {  	(erf) = vpow2.f32 v2;
	_ =	sdelay $0x6  }
0x208: {  	v2 =	vor.u32 $0x1, v1;
	_ =	sdelay $0x1  }
0x209: {  	v3 =	vpop (erf)  }
0x20a: {  	[tilespmem:v1+s30+$0x0] =	vst.idx.add.f32.msk $0xffff, v3  }
0x20b: {  	v3 =	vld [tilespmem:s8+$0x2080]  }
0x20c: {  	v4 =	vld.idx.msk [tilespmem:v2+s22+$0x0], $0xffff;
	_ =	sdelay $0x4  }
0x20d: {  	v3 =	vsub.f32 v3, v4;
	_ =	sdelay $0x1  }
0x20e: {  	v3 =	vmul.f32 $1.442695020e+00, v3;
	_ =	sdelay $0x1  }
0x20f: {  	(erf) = vpow2.f32 v3;
	_ =	sdelay $0x6  }
0x210: {  	v3 =	vor.u32 $0x2, v1;
	_ =	sdelay $0x1  }
0x211: {  	v55 =	vpop (erf)  }
0x212: {  	[tilespmem:v2+s30+$0x0] =	vst.idx.add.f32.msk $0xffff, v55  }
0x213: {  	v2 =	vld [tilespmem:s8+$0x2100]  }
0x214: {  	v4 =	vld.idx.msk [tilespmem:v3+s22+$0x0], $0xffff;
	_ =	sdelay $0x4  }
0x215: {  	v2 =	vsub.f32 v2, v4;
	_ =	sdelay $0x1  }
0x216: {  	v2 =	vmul.f32 $1.442695020e+00, v2;
	_ =	sdelay $0x1  }
0x217: {  	(erf) = vpow2.f32 v2;
	_ =	sdelay $0x6  }
0x218: {  	v1 =	vor.u32 $0x3, v1;
	_ =	sdelay $0x1  }
0x219: {  	v2 =	vpop (erf)  }
0x21a: {  	[tilespmem:v3+s30+$0x0] =	vst.idx.add.f32.msk $0xffff, v2  }
0x21b: {  	v2 =	vld [tilespmem:s8+$0x2180]  }
0x21c: {  	v3 =	vld.idx.msk [tilespmem:v1+s22+$0x0], $0xffff;
	_ =	sdelay $0x4  }
0x21d: {  	v2 =	vsub.f32 v2, v3;
	_ =	sdelay $0x1  }
0x21e: {  	v2 =	vmul.f32 $1.442695020e+00, v2;
	_ =	sdelay $0x1  }
0x21f: {  	(erf) = vpow2.f32 v2;
	_ =	sdelay $0x8  }
0x220: {  	v2 =	vpop (erf)  }
0x221: {  	[tilespmem:v1+s30+$0x0] =	vst.idx.add.f32.msk $0xffff, v2  }
0x222: {  	v1 =	vld [tilespmem:s7+$0x410];
	_ =	sdelay $0x4  }
0x223: {  	v1 =	vshll.u32 v1, $0x3  }
0x224: {  	s9 =	sadd.s32 $0x40, s6;
	s8 =	sadd.s32 $0x10, s5  }
0x225: {  	s9 =	sand.u32 $0x1E00, s9;
	s8 =	sand.u32 $0x70, s8  }
0x226: {  	s8 =	sor.u32 s8, s9  }
0x227: {  	v2 =	vld [tilespmem:s8+$0x2000]  }
0x228: {  	v3 =	vld.idx.msk [tilespmem:v1+s22+$0x0], $0xffff;
	_ =	sdelay $0x4  }
0x229: {  	v2 =	vsub.f32 v2, v3;
	_ =	sdelay $0x1  }
0x22a: {  	v2 =	vmul.f32 $1.442695020e+00, v2;
	_ =	sdelay $0x1  }
0x22b: {  	(erf) = vpow2.f32 v2;
	_ =	sdelay $0x6  }
0x22c: {  	v2 =	vor.u32 $0x1, v1;
	_ =	sdelay $0x1  }
0x22d: {  	v3 =	vpop (erf)  }
0x22e: {  	[tilespmem:v1+s30+$0x0] =	vst.idx.add.f32.msk $0xffff, v3  }
0x22f: {  	v3 =	vld [tilespmem:s8+$0x2080]  }
0x230: {  	v56 =	vld.idx.msk [tilespmem:v2+s22+$0x0], $0xffff;
	_ =	sdelay $0x4  }
0x231: {  	v3 =	vsub.f32 v3, v56;
	_ =	sdelay $0x1  }
0x232: {  	v3 =	vmul.f32 $1.442695020e+00, v3;
	_ =	sdelay $0x1  }
0x233: {  	(erf) = vpow2.f32 v3;
	_ =	sdelay $0x6  }
0x234: {  	v3 =	vor.u32 $0x2, v1;
	_ =	sdelay $0x1  }
0x235: {  	v57 =	vpop (erf)  }
0x236: {  	[tilespmem:v2+s30+$0x0] =	vst.idx.add.f32.msk $0xffff, v57  }
0x237: {  	v2 =	vld [tilespmem:s8+$0x2100]  }
0x238: {  	v4 =	vld.idx.msk [tilespmem:v3+s22+$0x0], $0xffff;
	_ =	sdelay $0x4  }
0x239: {  	v2 =	vsub.f32 v2, v4;
	_ =	sdelay $0x1  }
0x23a: {  	v2 =	vmul.f32 $1.442695020e+00, v2;
	_ =	sdelay $0x1  }
0x23b: {  	(erf) = vpow2.f32 v2;
	_ =	sdelay $0x6  }
0x23c: {  	v1 =	vor.u32 $0x3, v1;
	_ =	sdelay $0x1  }
0x23d: {  	v2 =	vpop (erf)  }
0x23e: {  	[tilespmem:v3+s30+$0x0] =	vst.idx.add.f32.msk $0xffff, v2  }
0x23f: {  	v2 =	vld [tilespmem:s8+$0x2180]  }
0x240: {  	v3 =	vld.idx.msk [tilespmem:v1+s22+$0x0], $0xffff;
	_ =	sdelay $0x4  }
0x241: {  	v2 =	vsub.f32 v2, v3;
	_ =	sdelay $0x1  }
0x242: {  	v2 =	vmul.f32 $1.442695020e+00, v2;
	_ =	sdelay $0x1  }
0x243: {  	(erf) = vpow2.f32 v2;
	_ =	sdelay $0x8  }
0x244: {  	v2 =	vpop (erf)  }
0x245: {  	[tilespmem:v1+s30+$0x0] =	vst.idx.add.f32.msk $0xffff, v2  }
0x246: {  	v1 =	vld [tilespmem:s7+$0x420];
	_ =	sdelay $0x4  }
0x247: {  	v1 =	vshll.u32 v1, $0x3  }
0x248: {  	s9 =	sadd.s32 $0x80, s6;
	s8 =	sadd.s32 $0x20, s5  }
0x249: {  	s9 =	sand.u32 $0x1E00, s9;
	s8 =	sand.u32 $0x70, s8  }
0x24a: {  	s8 =	sor.u32 s8, s9  }
0x24b: {  	v2 =	vld [tilespmem:s8+$0x2000]  }
0x24c: {  	v3 =	vld.idx.msk [tilespmem:v1+s22+$0x0], $0xffff;
	_ =	sdelay $0x4  }
0x24d: {  	v2 =	vsub.f32 v2, v3;
	_ =	sdelay $0x1  }
0x24e: {  	v2 =	vmul.f32 $1.442695020e+00, v2;
	_ =	sdelay $0x1  }
0x24f: {  	(erf) = vpow2.f32 v2;
	_ =	sdelay $0x6  }
0x250: {  	v2 =	vor.u32 $0x1, v1;
	_ =	sdelay $0x1  }
0x251: {  	v3 =	vpop (erf)  }
0x252: {  	[tilespmem:v1+s30+$0x0] =	vst.idx.add.f32.msk $0xffff, v3  }
0x253: {  	v3 =	vld [tilespmem:s8+$0x2080]  }
0x254: {  	v58 =	vld.idx.msk [tilespmem:v2+s22+$0x0], $0xffff;
	_ =	sdelay $0x4  }
0x255: {  	v3 =	vsub.f32 v3, v58;
	_ =	sdelay $0x1  }
0x256: {  	v3 =	vmul.f32 $1.442695020e+00, v3;
	_ =	sdelay $0x1  }
0x257: {  	(erf) = vpow2.f32 v3;
	_ =	sdelay $0x6  }
0x258: {  	v3 =	vor.u32 $0x2, v1;
	_ =	sdelay $0x1  }
0x259: {  	v59 =	vpop (erf)  }
0x25a: {  	[tilespmem:v2+s30+$0x0] =	vst.idx.add.f32.msk $0xffff, v59  }
0x25b: {  	v2 =	vld [tilespmem:s8+$0x2100]  }
0x25c: {  	v4 =	vld.idx.msk [tilespmem:v3+s22+$0x0], $0xffff;
	_ =	sdelay $0x4  }
0x25d: {  	v2 =	vsub.f32 v2, v4;
	_ =	sdelay $0x1  }
0x25e: {  	v2 =	vmul.f32 $1.442695020e+00, v2;
	_ =	sdelay $0x1  }
0x25f: {  	(erf) = vpow2.f32 v2;
	_ =	sdelay $0x6  }
0x260: {  	v1 =	vor.u32 $0x3, v1;
	_ =	sdelay $0x1  }
0x261: {  	v2 =	vpop (erf)  }
0x262: {  	[tilespmem:v3+s30+$0x0] =	vst.idx.add.f32.msk $0xffff, v2  }
0x263: {  	v2 =	vld [tilespmem:s8+$0x2180]  }
0x264: {  	v3 =	vld.idx.msk [tilespmem:v1+s22+$0x0], $0xffff;
	_ =	sdelay $0x4  }
0x265: {  	v2 =	vsub.f32 v2, v3;
	_ =	sdelay $0x1  }
0x266: {  	v2 =	vmul.f32 $1.442695020e+00, v2;
	_ =	sdelay $0x1  }
0x267: {  	(erf) = vpow2.f32 v2;
	_ =	sdelay $0x8  }
0x268: {  	v2 =	vpop (erf)  }
0x269: {  	[tilespmem:v1+s30+$0x0] =	vst.idx.add.f32.msk $0xffff, v2  }
0x26a: {  	v1 =	vld [tilespmem:s7+$0x430];
	_ =	sdelay $0x4  }
0x26b: {  	v1 =	vshll.u32 v1, $0x3  }
0x26c: {  	s9 =	sadd.s32 $0xC0, s6;
	s8 =	sadd.s32 $0x30, s5  }
0x26d: {  	s9 =	sand.u32 $0x1E00, s9;
	s8 =	sand.u32 $0x70, s8  }
0x26e: {  	s8 =	sor.u32 s8, s9  }
0x26f: {  	v2 =	vld [tilespmem:s8+$0x2000]  }
0x270: {  	v3 =	vld.idx.msk [tilespmem:v1+s22+$0x0], $0xffff;
	_ =	sdelay $0x4  }
0x271: {  	v2 =	vsub.f32 v2, v3;
	_ =	sdelay $0x1  }
0x272: {  	v2 =	vmul.f32 $1.442695020e+00, v2;
	_ =	sdelay $0x1  }
0x273: {  	(erf) = vpow2.f32 v2;
	_ =	sdelay $0x6  }
0x274: {  	v2 =	vor.u32 $0x1, v1;
	_ =	sdelay $0x1  }
0x275: {  	v3 =	vpop (erf)  }
0x276: {  	[tilespmem:v1+s30+$0x0] =	vst.idx.add.f32.msk $0xffff, v3  }
0x277: {  	v3 =	vld [tilespmem:s8+$0x2080]  }
0x278: {  	v60 =	vld.idx.msk [tilespmem:v2+s22+$0x0], $0xffff;
	_ =	sdelay $0x4  }
0x279: {  	v3 =	vsub.f32 v3, v60;
	_ =	sdelay $0x1  }
0x27a: {  	v3 =	vmul.f32 $1.442695020e+00, v3;
	_ =	sdelay $0x1  }
0x27b: {  	(erf) = vpow2.f32 v3;
	_ =	sdelay $0x6  }
0x27c: {  	v3 =	vor.u32 $0x2, v1;
	_ =	sdelay $0x1  }
0x27d: {  	v61 =	vpop (erf)  }
0x27e: {  	[tilespmem:v2+s30+$0x0] =	vst.idx.add.f32.msk $0xffff, v61  }
0x27f: {  	v2 =	vld [tilespmem:s8+$0x2100]  }
0x280: {  	v4 =	vld.idx.msk [tilespmem:v3+s22+$0x0], $0xffff;
	_ =	sdelay $0x4  }
0x281: {  	v2 =	vsub.f32 v2, v4;
	_ =	sdelay $0x1  }
0x282: {  	v2 =	vmul.f32 $1.442695020e+00, v2;
	_ =	sdelay $0x1  }
0x283: {  	(erf) = vpow2.f32 v2;
	_ =	sdelay $0x6  }
0x284: {  	v1 =	vor.u32 $0x3, v1;
	_ =	sdelay $0x1  }
0x285: {  	v2 =	vpop (erf)  }
0x286: {  	[tilespmem:v3+s30+$0x0] =	vst.idx.add.f32.msk $0xffff, v2  }
0x287: {  	v2 =	vld [tilespmem:s8+$0x2180]  }
0x288: {  	v3 =	vld.idx.msk [tilespmem:v1+s22+$0x0], $0xffff;
	_ =	sdelay $0x4  }
0x289: {  	v2 =	vsub.f32 v2, v3;
	_ =	sdelay $0x1  }
0x28a: {  	v2 =	vmul.f32 $1.442695020e+00, v2;
	_ =	sdelay $0x1  }
0x28b: {  	(erf) = vpow2.f32 v2;
	_ =	sdelay $0x8  }
0x28c: {  	v2 =	vpop (erf)  }
0x28d: {  	[tilespmem:v1+s30+$0x0] =	vst.idx.add.f32.msk $0xffff, v2  }
0x28e: {  	v1 =	vld [tilespmem:s7+$0x440];
	_ =	sdelay $0x4  }
0x28f: {  	v1 =	vshll.u32 v1, $0x3  }
0x290: {  	s9 =	sadd.s32 $0x100, s6;
	s8 =	sadd.s32 $0x40, s5  }
0x291: {  	s7 =	sand.u32 $0x70, s8;
	s8 =	sand.u32 $0x1E00, s9  }
0x292: {  	s7 =	sor.u32 s7, s8  }
0x293: {  	v2 =	vld [tilespmem:s7+$0x2000]  }
0x294: {  	v3 =	vld.idx.msk [tilespmem:v1+s22+$0x0], $0xffff;
	_ =	sdelay $0x4  }
0x295: {  	v2 =	vsub.f32 v2, v3;
	_ =	sdelay $0x1  }
0x296: {  	v2 =	vmul.f32 $1.442695020e+00, v2;
	_ =	sdelay $0x1  }
0x297: {  	(erf) = vpow2.f32 v2;
	_ =	sdelay $0x6  }
0x298: {  	v2 =	vor.u32 $0x1, v1;
	_ =	sdelay $0x1  }
0x299: {  	v3 =	vpop (erf)  }
0x29a: {  	[tilespmem:v1+s30+$0x0] =	vst.idx.add.f32.msk $0xffff, v3  }
0x29b: {  	v3 =	vld [tilespmem:s7+$0x2080]  }
0x29c: {  	v62 =	vld.idx.msk [tilespmem:v2+s22+$0x0], $0xffff;
	_ =	sdelay $0x4  }
0x29d: {  	v3 =	vsub.f32 v3, v62;
	_ =	sdelay $0x1  }
0x29e: {  	v3 =	vmul.f32 $1.442695020e+00, v3;
	_ =	sdelay $0x1  }
0x29f: {  	(erf) = vpow2.f32 v3;
	_ =	sdelay $0x6  }
0x2a0: {  	v3 =	vor.u32 $0x2, v1;
	_ =	sdelay $0x1  }
0x2a1: {  	v63 =	vpop (erf)  }
0x2a2: {  	[tilespmem:v2+s30+$0x0] =	vst.idx.add.f32.msk $0xffff, v63  }
0x2a3: {  	v2 =	vld [tilespmem:s7+$0x2100]  }
0x2a4: {  	v4 =	vld.idx.msk [tilespmem:v3+s22+$0x0], $0xffff;
	_ =	sdelay $0x4  }
0x2a5: {  	v2 =	vsub.f32 v2, v4;
	_ =	sdelay $0x1  }
0x2a6: {  	v2 =	vmul.f32 $1.442695020e+00, v2;
	_ =	sdelay $0x1  }
0x2a7: {  	(erf) = vpow2.f32 v2;
	_ =	sdelay $0x6  }
0x2a8: {  	v1 =	vor.u32 $0x3, v1;
	_ =	sdelay $0x1  }
0x2a9: {  	v2 =	vpop (erf)  }
0x2aa: {  	[tilespmem:v3+s30+$0x0] =	vst.idx.add.f32.msk $0xffff, v2  }
0x2ab: {  	v2 =	vld [tilespmem:s7+$0x2180]  }
0x2ac: {  	v3 =	vld.idx.msk [tilespmem:v1+s22+$0x0], $0xffff;
	_ =	sdelay $0x4  }
0x2ad: {  	v2 =	vsub.f32 v2, v3;
	_ =	sdelay $0x1  }
0x2ae: {  	v2 =	vmul.f32 $1.442695020e+00, v2;
	_ =	sdelay $0x1  }
0x2af: {  	(erf) = vpow2.f32 v2;
	_ =	sdelay $0x4  }
0x2b0: {  	p1 =	sne.s32 s6, $0x500  }
.Ltmp4:
0x2b1: {  	_ = 	snop;
	(pc) =	sbr.rel @p1 .LBB2_6-.Ltmp4, $3  }
0x2b2: {  	_ =	sdelay $0x1  }
0x2b3: {  	v2 =	vpop (erf)  }
0x2b4: {  	s6 =	sadd.s32 $0x140, s6;
	s5 =	sadd.s32 $0x50, s5;
	[tilespmem:v1+s30+$0x0] =	vst.idx.add.f32.msk $0xffff, v2  }
0x2b5: {  	_ =	swait.ge [sflag:s0], $0x190  }
0x2b6: {  	[sflag:s0] =	ssyncset.done $0x0  }
0x2b7: {  	[sflag:s0] =	ssyncadd.s32 $0xFFFFFE70  }
0x2b8: {  	_ =	swait.ge [sflag:s0], $0x800  }
0x2b9: {  	[sflag:s0] =	ssyncset.done $0x0  }
0x2ba: {  	s5 =	simm.s32 $0x0;
	s6 =	simm.s32 $0x0;
	[sflag:s0] =	ssyncadd.s32 $0xFFFFF800  }
.LBB2_8:
0x2bb: {  	s7 =	sshra.s32 s6, $0x2  }
0x2bc: {  	v1 =	vld [tilespmem:s7+$0x600];
	_ =	sdelay $0x4  }
0x2bd: {  	v1 =	vshll.u32 v1, $0x3;
	_ =	sdelay $0x1  }
0x2be: {  	s8 =	sand.u32 $0x70, s5;
	s9 =	sand.u32 $0xE00, s6  }
0x2bf: {  	s8 =	sor.u32 s8, s9  }
0x2c0: {  	v2 =	vld [tilespmem:s8+$0x2800]  }
0x2c1: {  	v3 =	vld.idx.msk [tilespmem:v1+s22+$0x0], $0xffff;
	_ =	sdelay $0x4  }
0x2c2: {  	v2 =	vsub.f32 v2, v3;
	_ =	sdelay $0x1  }
0x2c3: {  	v2 =	vmul.f32 $1.442695020e+00, v2;
	_ =	sdelay $0x1  }
0x2c4: {  	(erf) = vpow2.f32 v2;
	_ =	sdelay $0x6  }
0x2c5: {  	v2 =	vor.u32 $0x1, v1;
	_ =	sdelay $0x1  }
0x2c6: {  	v3 =	vpop (erf)  }
0x2c7: {  	[tilespmem:v1+s30+$0x0] =	vst.idx.add.f32.msk $0xffff, v3  }
0x2c8: {  	v3 =	vld [tilespmem:s8+$0x2880]  }
0x2c9: {  	v4 =	vld.idx.msk [tilespmem:v2+s22+$0x0], $0xffff;
	_ =	sdelay $0x4  }
0x2ca: {  	v3 =	vsub.f32 v3, v4;
	_ =	sdelay $0x1  }
0x2cb: {  	v3 =	vmul.f32 $1.442695020e+00, v3;
	_ =	sdelay $0x1  }
0x2cc: {  	(erf) = vpow2.f32 v3;
	_ =	sdelay $0x6  }
0x2cd: {  	v3 =	vor.u32 $0x2, v1;
	_ =	sdelay $0x1  }
0x2ce: {  	v55 =	vpop (erf)  }
0x2cf: {  	[tilespmem:v2+s30+$0x0] =	vst.idx.add.f32.msk $0xffff, v55  }
0x2d0: {  	v2 =	vld [tilespmem:s8+$0x2900]  }
0x2d1: {  	v4 =	vld.idx.msk [tilespmem:v3+s22+$0x0], $0xffff;
	_ =	sdelay $0x4  }
0x2d2: {  	v2 =	vsub.f32 v2, v4;
	_ =	sdelay $0x1  }
0x2d3: {  	v2 =	vmul.f32 $1.442695020e+00, v2;
	_ =	sdelay $0x1  }
0x2d4: {  	(erf) = vpow2.f32 v2;
	_ =	sdelay $0x6  }
0x2d5: {  	v1 =	vor.u32 $0x3, v1;
	_ =	sdelay $0x1  }
0x2d6: {  	v2 =	vpop (erf)  }
0x2d7: {  	[tilespmem:v3+s30+$0x0] =	vst.idx.add.f32.msk $0xffff, v2  }
0x2d8: {  	v2 =	vld [tilespmem:s8+$0x2980]  }
0x2d9: {  	v3 =	vld.idx.msk [tilespmem:v1+s22+$0x0], $0xffff;
	_ =	sdelay $0x4  }
0x2da: {  	v2 =	vsub.f32 v2, v3;
	_ =	sdelay $0x1  }
0x2db: {  	v2 =	vmul.f32 $1.442695020e+00, v2;
	_ =	sdelay $0x1  }
0x2dc: {  	(erf) = vpow2.f32 v2;
	_ =	sdelay $0x8  }
0x2dd: {  	v2 =	vpop (erf)  }
0x2de: {  	[tilespmem:v1+s30+$0x0] =	vst.idx.add.f32.msk $0xffff, v2  }
0x2df: {  	v1 =	vld [tilespmem:s7+$0x610];
	_ =	sdelay $0x4  }
0x2e0: {  	v1 =	vshll.u32 v1, $0x3  }
0x2e1: {  	s9 =	sadd.s32 $0x40, s6;
	s8 =	sadd.s32 $0x10, s5  }
0x2e2: {  	s9 =	sand.u32 $0x1E00, s9;
	s8 =	sand.u32 $0x70, s8  }
0x2e3: {  	s8 =	sor.u32 s8, s9  }
0x2e4: {  	v2 =	vld [tilespmem:s8+$0x2800]  }
0x2e5: {  	v3 =	vld.idx.msk [tilespmem:v1+s22+$0x0], $0xffff;
	_ =	sdelay $0x4  }
0x2e6: {  	v2 =	vsub.f32 v2, v3;
	_ =	sdelay $0x1  }
0x2e7: {  	v2 =	vmul.f32 $1.442695020e+00, v2;
	_ =	sdelay $0x1  }
0x2e8: {  	(erf) = vpow2.f32 v2;
	_ =	sdelay $0x6  }
0x2e9: {  	v2 =	vor.u32 $0x1, v1;
	_ =	sdelay $0x1  }
0x2ea: {  	v3 =	vpop (erf)  }
0x2eb: {  	[tilespmem:v1+s30+$0x0] =	vst.idx.add.f32.msk $0xffff, v3  }
0x2ec: {  	v3 =	vld [tilespmem:s8+$0x2880]  }
0x2ed: {  	v56 =	vld.idx.msk [tilespmem:v2+s22+$0x0], $0xffff;
	_ =	sdelay $0x4  }
0x2ee: {  	v3 =	vsub.f32 v3, v56;
	_ =	sdelay $0x1  }
0x2ef: {  	v3 =	vmul.f32 $1.442695020e+00, v3;
	_ =	sdelay $0x1  }
0x2f0: {  	(erf) = vpow2.f32 v3;
	_ =	sdelay $0x6  }
0x2f1: {  	v3 =	vor.u32 $0x2, v1;
	_ =	sdelay $0x1  }
0x2f2: {  	v57 =	vpop (erf)  }
0x2f3: {  	[tilespmem:v2+s30+$0x0] =	vst.idx.add.f32.msk $0xffff, v57  }
0x2f4: {  	v2 =	vld [tilespmem:s8+$0x2900]  }
0x2f5: {  	v4 =	vld.idx.msk [tilespmem:v3+s22+$0x0], $0xffff;
	_ =	sdelay $0x4  }
0x2f6: {  	v2 =	vsub.f32 v2, v4;
	_ =	sdelay $0x1  }
0x2f7: {  	v2 =	vmul.f32 $1.442695020e+00, v2;
	_ =	sdelay $0x1  }
0x2f8: {  	(erf) = vpow2.f32 v2;
	_ =	sdelay $0x6  }
0x2f9: {  	v1 =	vor.u32 $0x3, v1;
	_ =	sdelay $0x1  }
0x2fa: {  	v2 =	vpop (erf)  }
0x2fb: {  	[tilespmem:v3+s30+$0x0] =	vst.idx.add.f32.msk $0xffff, v2  }
0x2fc: {  	v2 =	vld [tilespmem:s8+$0x2980]  }
0x2fd: {  	v3 =	vld.idx.msk [tilespmem:v1+s22+$0x0], $0xffff;
	_ =	sdelay $0x4  }
0x2fe: {  	v2 =	vsub.f32 v2, v3;
	_ =	sdelay $0x1  }
0x2ff: {  	v2 =	vmul.f32 $1.442695020e+00, v2;
	_ =	sdelay $0x1  }
0x300: {  	(erf) = vpow2.f32 v2;
	_ =	sdelay $0x8  }
0x301: {  	v2 =	vpop (erf)  }
0x302: {  	[tilespmem:v1+s30+$0x0] =	vst.idx.add.f32.msk $0xffff, v2  }
0x303: {  	v1 =	vld [tilespmem:s7+$0x620];
	_ =	sdelay $0x4  }
0x304: {  	v1 =	vshll.u32 v1, $0x3  }
0x305: {  	s9 =	sadd.s32 $0x80, s6;
	s8 =	sadd.s32 $0x20, s5  }
0x306: {  	s9 =	sand.u32 $0x1E00, s9;
	s8 =	sand.u32 $0x70, s8  }
0x307: {  	s8 =	sor.u32 s8, s9  }
0x308: {  	v2 =	vld [tilespmem:s8+$0x2800]  }
0x309: {  	v3 =	vld.idx.msk [tilespmem:v1+s22+$0x0], $0xffff;
	_ =	sdelay $0x4  }
0x30a: {  	v2 =	vsub.f32 v2, v3;
	_ =	sdelay $0x1  }
0x30b: {  	v2 =	vmul.f32 $1.442695020e+00, v2;
	_ =	sdelay $0x1  }
0x30c: {  	(erf) = vpow2.f32 v2;
	_ =	sdelay $0x6  }
0x30d: {  	v2 =	vor.u32 $0x1, v1;
	_ =	sdelay $0x1  }
0x30e: {  	v3 =	vpop (erf)  }
0x30f: {  	[tilespmem:v1+s30+$0x0] =	vst.idx.add.f32.msk $0xffff, v3  }
0x310: {  	v3 =	vld [tilespmem:s8+$0x2880]  }
0x311: {  	v58 =	vld.idx.msk [tilespmem:v2+s22+$0x0], $0xffff;
	_ =	sdelay $0x4  }
0x312: {  	v3 =	vsub.f32 v3, v58;
	_ =	sdelay $0x1  }
0x313: {  	v3 =	vmul.f32 $1.442695020e+00, v3;
	_ =	sdelay $0x1  }
0x314: {  	(erf) = vpow2.f32 v3;
	_ =	sdelay $0x6  }
0x315: {  	v3 =	vor.u32 $0x2, v1;
	_ =	sdelay $0x1  }
0x316: {  	v59 =	vpop (erf)  }
0x317: {  	[tilespmem:v2+s30+$0x0] =	vst.idx.add.f32.msk $0xffff, v59  }
0x318: {  	v2 =	vld [tilespmem:s8+$0x2900]  }
0x319: {  	v4 =	vld.idx.msk [tilespmem:v3+s22+$0x0], $0xffff;
	_ =	sdelay $0x4  }
0x31a: {  	v2 =	vsub.f32 v2, v4;
	_ =	sdelay $0x1  }
0x31b: {  	v2 =	vmul.f32 $1.442695020e+00, v2;
	_ =	sdelay $0x1  }
0x31c: {  	(erf) = vpow2.f32 v2;
	_ =	sdelay $0x6  }
0x31d: {  	v1 =	vor.u32 $0x3, v1;
	_ =	sdelay $0x1  }
0x31e: {  	v2 =	vpop (erf)  }
0x31f: {  	[tilespmem:v3+s30+$0x0] =	vst.idx.add.f32.msk $0xffff, v2  }
0x320: {  	v2 =	vld [tilespmem:s8+$0x2980]  }
0x321: {  	v3 =	vld.idx.msk [tilespmem:v1+s22+$0x0], $0xffff;
	_ =	sdelay $0x4  }
0x322: {  	v2 =	vsub.f32 v2, v3;
	_ =	sdelay $0x1  }
0x323: {  	v2 =	vmul.f32 $1.442695020e+00, v2;
	_ =	sdelay $0x1  }
0x324: {  	(erf) = vpow2.f32 v2;
	_ =	sdelay $0x8  }
0x325: {  	v2 =	vpop (erf)  }
0x326: {  	[tilespmem:v1+s30+$0x0] =	vst.idx.add.f32.msk $0xffff, v2  }
0x327: {  	v1 =	vld [tilespmem:s7+$0x630];
	_ =	sdelay $0x4  }
0x328: {  	v1 =	vshll.u32 v1, $0x3  }
0x329: {  	s9 =	sadd.s32 $0xC0, s6;
	s8 =	sadd.s32 $0x30, s5  }
0x32a: {  	s9 =	sand.u32 $0x1E00, s9;
	s8 =	sand.u32 $0x70, s8  }
0x32b: {  	s8 =	sor.u32 s8, s9  }
0x32c: {  	v2 =	vld [tilespmem:s8+$0x2800]  }
0x32d: {  	v3 =	vld.idx.msk [tilespmem:v1+s22+$0x0], $0xffff;
	_ =	sdelay $0x4  }
0x32e: {  	v2 =	vsub.f32 v2, v3;
	_ =	sdelay $0x1  }
0x32f: {  	v2 =	vmul.f32 $1.442695020e+00, v2;
	_ =	sdelay $0x1  }
0x330: {  	(erf) = vpow2.f32 v2;
	_ =	sdelay $0x6  }
0x331: {  	v2 =	vor.u32 $0x1, v1;
	_ =	sdelay $0x1  }
0x332: {  	v3 =	vpop (erf)  }
0x333: {  	[tilespmem:v1+s30+$0x0] =	vst.idx.add.f32.msk $0xffff, v3  }
0x334: {  	v3 =	vld [tilespmem:s8+$0x2880]  }
0x335: {  	v60 =	vld.idx.msk [tilespmem:v2+s22+$0x0], $0xffff;
	_ =	sdelay $0x4  }
0x336: {  	v3 =	vsub.f32 v3, v60;
	_ =	sdelay $0x1  }
0x337: {  	v3 =	vmul.f32 $1.442695020e+00, v3;
	_ =	sdelay $0x1  }
0x338: {  	(erf) = vpow2.f32 v3;
	_ =	sdelay $0x6  }
0x339: {  	v3 =	vor.u32 $0x2, v1;
	_ =	sdelay $0x1  }
0x33a: {  	v61 =	vpop (erf)  }
0x33b: {  	[tilespmem:v2+s30+$0x0] =	vst.idx.add.f32.msk $0xffff, v61  }
0x33c: {  	v2 =	vld [tilespmem:s8+$0x2900]  }
0x33d: {  	v4 =	vld.idx.msk [tilespmem:v3+s22+$0x0], $0xffff;
	_ =	sdelay $0x4  }
0x33e: {  	v2 =	vsub.f32 v2, v4;
	_ =	sdelay $0x1  }
0x33f: {  	v2 =	vmul.f32 $1.442695020e+00, v2;
	_ =	sdelay $0x1  }
0x340: {  	(erf) = vpow2.f32 v2;
	_ =	sdelay $0x6  }
0x341: {  	v1 =	vor.u32 $0x3, v1;
	_ =	sdelay $0x1  }
0x342: {  	v2 =	vpop (erf)  }
0x343: {  	[tilespmem:v3+s30+$0x0] =	vst.idx.add.f32.msk $0xffff, v2  }
0x344: {  	v2 =	vld [tilespmem:s8+$0x2980]  }
0x345: {  	v3 =	vld.idx.msk [tilespmem:v1+s22+$0x0], $0xffff;
	_ =	sdelay $0x4  }
0x346: {  	v2 =	vsub.f32 v2, v3;
	_ =	sdelay $0x1  }
0x347: {  	v2 =	vmul.f32 $1.442695020e+00, v2;
	_ =	sdelay $0x1  }
0x348: {  	(erf) = vpow2.f32 v2;
	_ =	sdelay $0x8  }
0x349: {  	v2 =	vpop (erf)  }
0x34a: {  	[tilespmem:v1+s30+$0x0] =	vst.idx.add.f32.msk $0xffff, v2  }
0x34b: {  	v1 =	vld [tilespmem:s7+$0x640];
	_ =	sdelay $0x4  }
0x34c: {  	v1 =	vshll.u32 v1, $0x3  }
0x34d: {  	s9 =	sadd.s32 $0x100, s6;
	s8 =	sadd.s32 $0x40, s5  }
0x34e: {  	s7 =	sand.u32 $0x70, s8;
	s8 =	sand.u32 $0x1E00, s9  }
0x34f: {  	s7 =	sor.u32 s7, s8  }
0x350: {  	v2 =	vld [tilespmem:s7+$0x2800]  }
0x351: {  	v3 =	vld.idx.msk [tilespmem:v1+s22+$0x0], $0xffff;
	_ =	sdelay $0x4  }
0x352: {  	v2 =	vsub.f32 v2, v3;
	_ =	sdelay $0x1  }
0x353: {  	v2 =	vmul.f32 $1.442695020e+00, v2;
	_ =	sdelay $0x1  }
0x354: {  	(erf) = vpow2.f32 v2;
	_ =	sdelay $0x6  }
0x355: {  	v2 =	vor.u32 $0x1, v1;
	_ =	sdelay $0x1  }
0x356: {  	v3 =	vpop (erf)  }
0x357: {  	[tilespmem:v1+s30+$0x0] =	vst.idx.add.f32.msk $0xffff, v3  }
0x358: {  	v3 =	vld [tilespmem:s7+$0x2880]  }
0x359: {  	v62 =	vld.idx.msk [tilespmem:v2+s22+$0x0], $0xffff;
	_ =	sdelay $0x4  }
0x35a: {  	v3 =	vsub.f32 v3, v62;
	_ =	sdelay $0x1  }
0x35b: {  	v3 =	vmul.f32 $1.442695020e+00, v3;
	_ =	sdelay $0x1  }
0x35c: {  	(erf) = vpow2.f32 v3;
	_ =	sdelay $0x6  }
0x35d: {  	v3 =	vor.u32 $0x2, v1;
	_ =	sdelay $0x1  }
0x35e: {  	v63 =	vpop (erf)  }
0x35f: {  	[tilespmem:v2+s30+$0x0] =	vst.idx.add.f32.msk $0xffff, v63  }
0x360: {  	v2 =	vld [tilespmem:s7+$0x2900]  }
0x361: {  	v4 =	vld.idx.msk [tilespmem:v3+s22+$0x0], $0xffff;
	_ =	sdelay $0x4  }
0x362: {  	v2 =	vsub.f32 v2, v4;
	_ =	sdelay $0x1  }
0x363: {  	v2 =	vmul.f32 $1.442695020e+00, v2;
	_ =	sdelay $0x1  }
0x364: {  	(erf) = vpow2.f32 v2;
	_ =	sdelay $0x6  }
0x365: {  	v1 =	vor.u32 $0x3, v1;
	_ =	sdelay $0x1  }
0x366: {  	v2 =	vpop (erf)  }
0x367: {  	[tilespmem:v3+s30+$0x0] =	vst.idx.add.f32.msk $0xffff, v2  }
0x368: {  	v2 =	vld [tilespmem:s7+$0x2980]  }
0x369: {  	v3 =	vld.idx.msk [tilespmem:v1+s22+$0x0], $0xffff;
	_ =	sdelay $0x4  }
0x36a: {  	v2 =	vsub.f32 v2, v3;
	_ =	sdelay $0x1  }
0x36b: {  	v2 =	vmul.f32 $1.442695020e+00, v2;
	_ =	sdelay $0x1  }
0x36c: {  	(erf) = vpow2.f32 v2;
	_ =	sdelay $0x4  }
0x36d: {  	p1 =	sne.s32 s6, $0x500  }
.Ltmp5:
0x36e: {  	_ = 	snop;
	(pc) =	sbr.rel @p1 .LBB2_8-.Ltmp5, $3  }
0x36f: {  	_ =	sdelay $0x1  }
0x370: {  	v2 =	vpop (erf)  }
0x371: {  	s6 =	sadd.s32 $0x140, s6;
	s5 =	sadd.s32 $0x50, s5;
	[tilespmem:v1+s30+$0x0] =	vst.idx.add.f32.msk $0xffff, v2  }
0x372: {  	_ =	swait.ge [sflag:s2], $0x190  }
0x373: {  	[sflag:s2] =	ssyncset.done $0x0  }
0x374: {  	[sflag:s2] =	ssyncadd.s32 $0xFFFFFE70  }
0x375: {  	_ =	swait.ge [sflag:s2], $0x800  }
0x376: {  	[sflag:s2] =	ssyncset.done $0x0  }
0x377: {  	s5 =	simm.s32 $0x0;
	s6 =	simm.s32 $0x0;
	[sflag:s2] =	ssyncadd.s32 $0xFFFFF800  }
.LBB2_10:
0x378: {  	s7 =	sshra.s32 s6, $0x2  }
0x379: {  	v1 =	vld [tilespmem:s7+$0x800];
	_ =	sdelay $0x4  }
0x37a: {  	v1 =	vshll.u32 v1, $0x3;
	_ =	sdelay $0x1  }
0x37b: {  	s8 =	sand.u32 $0x70, s5;
	s9 =	sand.u32 $0xE00, s6  }
0x37c: {  	s8 =	sor.u32 s8, s9  }
0x37d: {  	v2 =	vld [tilespmem:s8+$0x3000]  }
0x37e: {  	v3 =	vld.idx.msk [tilespmem:v1+s22+$0x0], $0xffff;
	_ =	sdelay $0x4  }
0x37f: {  	v2 =	vsub.f32 v2, v3;
	_ =	sdelay $0x1  }
0x380: {  	v2 =	vmul.f32 $1.442695020e+00, v2;
	_ =	sdelay $0x1  }
0x381: {  	(erf) = vpow2.f32 v2;
	_ =	sdelay $0x6  }
0x382: {  	v2 =	vor.u32 $0x1, v1;
	_ =	sdelay $0x1  }
0x383: {  	v3 =	vpop (erf)  }
0x384: {  	[tilespmem:v1+s30+$0x0] =	vst.idx.add.f32.msk $0xffff, v3  }
0x385: {  	v3 =	vld [tilespmem:s8+$0x3080]  }
0x386: {  	v4 =	vld.idx.msk [tilespmem:v2+s22+$0x0], $0xffff;
	_ =	sdelay $0x4  }
0x387: {  	v3 =	vsub.f32 v3, v4;
	_ =	sdelay $0x1  }
0x388: {  	v3 =	vmul.f32 $1.442695020e+00, v3;
	_ =	sdelay $0x1  }
0x389: {  	(erf) = vpow2.f32 v3;
	_ =	sdelay $0x6  }
0x38a: {  	v3 =	vor.u32 $0x2, v1;
	_ =	sdelay $0x1  }
0x38b: {  	v55 =	vpop (erf)  }
0x38c: {  	[tilespmem:v2+s30+$0x0] =	vst.idx.add.f32.msk $0xffff, v55  }
0x38d: {  	v2 =	vld [tilespmem:s8+$0x3100]  }
0x38e: {  	v4 =	vld.idx.msk [tilespmem:v3+s22+$0x0], $0xffff;
	_ =	sdelay $0x4  }
0x38f: {  	v2 =	vsub.f32 v2, v4;
	_ =	sdelay $0x1  }
0x390: {  	v2 =	vmul.f32 $1.442695020e+00, v2;
	_ =	sdelay $0x1  }
0x391: {  	(erf) = vpow2.f32 v2;
	_ =	sdelay $0x6  }
0x392: {  	v1 =	vor.u32 $0x3, v1;
	_ =	sdelay $0x1  }
0x393: {  	v2 =	vpop (erf)  }
0x394: {  	[tilespmem:v3+s30+$0x0] =	vst.idx.add.f32.msk $0xffff, v2  }
0x395: {  	v2 =	vld [tilespmem:s8+$0x3180]  }
0x396: {  	v3 =	vld.idx.msk [tilespmem:v1+s22+$0x0], $0xffff;
	_ =	sdelay $0x4  }
0x397: {  	v2 =	vsub.f32 v2, v3;
	_ =	sdelay $0x1  }
0x398: {  	v2 =	vmul.f32 $1.442695020e+00, v2;
	_ =	sdelay $0x1  }
0x399: {  	(erf) = vpow2.f32 v2;
	_ =	sdelay $0x8  }
0x39a: {  	v2 =	vpop (erf)  }
0x39b: {  	[tilespmem:v1+s30+$0x0] =	vst.idx.add.f32.msk $0xffff, v2  }
0x39c: {  	v1 =	vld [tilespmem:s7+$0x810];
	_ =	sdelay $0x4  }
0x39d: {  	v1 =	vshll.u32 v1, $0x3  }
0x39e: {  	s9 =	sadd.s32 $0x40, s6;
	s8 =	sadd.s32 $0x10, s5  }
0x39f: {  	s9 =	sand.u32 $0x1E00, s9;
	s8 =	sand.u32 $0x70, s8  }
0x3a0: {  	s8 =	sor.u32 s8, s9  }
0x3a1: {  	v2 =	vld [tilespmem:s8+$0x3000]  }
0x3a2: {  	v3 =	vld.idx.msk [tilespmem:v1+s22+$0x0], $0xffff;
	_ =	sdelay $0x4  }
0x3a3: {  	v2 =	vsub.f32 v2, v3;
	_ =	sdelay $0x1  }
0x3a4: {  	v2 =	vmul.f32 $1.442695020e+00, v2;
	_ =	sdelay $0x1  }
0x3a5: {  	(erf) = vpow2.f32 v2;
	_ =	sdelay $0x6  }
0x3a6: {  	v2 =	vor.u32 $0x1, v1;
	_ =	sdelay $0x1  }
0x3a7: {  	v3 =	vpop (erf)  }
0x3a8: {  	[tilespmem:v1+s30+$0x0] =	vst.idx.add.f32.msk $0xffff, v3  }
0x3a9: {  	v3 =	vld [tilespmem:s8+$0x3080]  }
0x3aa: {  	v56 =	vld.idx.msk [tilespmem:v2+s22+$0x0], $0xffff;
	_ =	sdelay $0x4  }
0x3ab: {  	v3 =	vsub.f32 v3, v56;
	_ =	sdelay $0x1  }
0x3ac: {  	v3 =	vmul.f32 $1.442695020e+00, v3;
	_ =	sdelay $0x1  }
0x3ad: {  	(erf) = vpow2.f32 v3;
	_ =	sdelay $0x6  }
0x3ae: {  	v3 =	vor.u32 $0x2, v1;
	_ =	sdelay $0x1  }
0x3af: {  	v57 =	vpop (erf)  }
0x3b0: {  	[tilespmem:v2+s30+$0x0] =	vst.idx.add.f32.msk $0xffff, v57  }
0x3b1: {  	v2 =	vld [tilespmem:s8+$0x3100]  }
0x3b2: {  	v4 =	vld.idx.msk [tilespmem:v3+s22+$0x0], $0xffff;
	_ =	sdelay $0x4  }
0x3b3: {  	v2 =	vsub.f32 v2, v4;
	_ =	sdelay $0x1  }
0x3b4: {  	v2 =	vmul.f32 $1.442695020e+00, v2;
	_ =	sdelay $0x1  }
0x3b5: {  	(erf) = vpow2.f32 v2;
	_ =	sdelay $0x6  }
0x3b6: {  	v1 =	vor.u32 $0x3, v1;
	_ =	sdelay $0x1  }
0x3b7: {  	v2 =	vpop (erf)  }
0x3b8: {  	[tilespmem:v3+s30+$0x0] =	vst.idx.add.f32.msk $0xffff, v2  }
0x3b9: {  	v2 =	vld [tilespmem:s8+$0x3180]  }
0x3ba: {  	v3 =	vld.idx.msk [tilespmem:v1+s22+$0x0], $0xffff;
	_ =	sdelay $0x4  }
0x3bb: {  	v2 =	vsub.f32 v2, v3;
	_ =	sdelay $0x1  }
0x3bc: {  	v2 =	vmul.f32 $1.442695020e+00, v2;
	_ =	sdelay $0x1  }
0x3bd: {  	(erf) = vpow2.f32 v2;
	_ =	sdelay $0x8  }
0x3be: {  	v2 =	vpop (erf)  }
0x3bf: {  	[tilespmem:v1+s30+$0x0] =	vst.idx.add.f32.msk $0xffff, v2  }
0x3c0: {  	v1 =	vld [tilespmem:s7+$0x820];
	_ =	sdelay $0x4  }
0x3c1: {  	v1 =	vshll.u32 v1, $0x3  }
0x3c2: {  	s9 =	sadd.s32 $0x80, s6;
	s8 =	sadd.s32 $0x20, s5  }
0x3c3: {  	s9 =	sand.u32 $0x1E00, s9;
	s8 =	sand.u32 $0x70, s8  }
0x3c4: {  	s8 =	sor.u32 s8, s9  }
0x3c5: {  	v2 =	vld [tilespmem:s8+$0x3000]  }
0x3c6: {  	v3 =	vld.idx.msk [tilespmem:v1+s22+$0x0], $0xffff;
	_ =	sdelay $0x4  }
0x3c7: {  	v2 =	vsub.f32 v2, v3;
	_ =	sdelay $0x1  }
0x3c8: {  	v2 =	vmul.f32 $1.442695020e+00, v2;
	_ =	sdelay $0x1  }
0x3c9: {  	(erf) = vpow2.f32 v2;
	_ =	sdelay $0x6  }
0x3ca: {  	v2 =	vor.u32 $0x1, v1;
	_ =	sdelay $0x1  }
0x3cb: {  	v3 =	vpop (erf)  }
0x3cc: {  	[tilespmem:v1+s30+$0x0] =	vst.idx.add.f32.msk $0xffff, v3  }
0x3cd: {  	v3 =	vld [tilespmem:s8+$0x3080]  }
0x3ce: {  	v58 =	vld.idx.msk [tilespmem:v2+s22+$0x0], $0xffff;
	_ =	sdelay $0x4  }
0x3cf: {  	v3 =	vsub.f32 v3, v58;
	_ =	sdelay $0x1  }
0x3d0: {  	v3 =	vmul.f32 $1.442695020e+00, v3;
	_ =	sdelay $0x1  }
0x3d1: {  	(erf) = vpow2.f32 v3;
	_ =	sdelay $0x6  }
0x3d2: {  	v3 =	vor.u32 $0x2, v1;
	_ =	sdelay $0x1  }
0x3d3: {  	v59 =	vpop (erf)  }
0x3d4: {  	[tilespmem:v2+s30+$0x0] =	vst.idx.add.f32.msk $0xffff, v59  }
0x3d5: {  	v2 =	vld [tilespmem:s8+$0x3100]  }
0x3d6: {  	v4 =	vld.idx.msk [tilespmem:v3+s22+$0x0], $0xffff;
	_ =	sdelay $0x4  }
0x3d7: {  	v2 =	vsub.f32 v2, v4;
	_ =	sdelay $0x1  }
0x3d8: {  	v2 =	vmul.f32 $1.442695020e+00, v2;
	_ =	sdelay $0x1  }
0x3d9: {  	(erf) = vpow2.f32 v2;
	_ =	sdelay $0x6  }
0x3da: {  	v1 =	vor.u32 $0x3, v1;
	_ =	sdelay $0x1  }
0x3db: {  	v2 =	vpop (erf)  }
0x3dc: {  	[tilespmem:v3+s30+$0x0] =	vst.idx.add.f32.msk $0xffff, v2  }
0x3dd: {  	v2 =	vld [tilespmem:s8+$0x3180]  }
0x3de: {  	v3 =	vld.idx.msk [tilespmem:v1+s22+$0x0], $0xffff;
	_ =	sdelay $0x4  }
0x3df: {  	v2 =	vsub.f32 v2, v3;
	_ =	sdelay $0x1  }
0x3e0: {  	v2 =	vmul.f32 $1.442695020e+00, v2;
	_ =	sdelay $0x1  }
0x3e1: {  	(erf) = vpow2.f32 v2;
	_ =	sdelay $0x8  }
0x3e2: {  	v2 =	vpop (erf)  }
0x3e3: {  	[tilespmem:v1+s30+$0x0] =	vst.idx.add.f32.msk $0xffff, v2  }
0x3e4: {  	v1 =	vld [tilespmem:s7+$0x830];
	_ =	sdelay $0x4  }
0x3e5: {  	v1 =	vshll.u32 v1, $0x3  }
0x3e6: {  	s9 =	sadd.s32 $0xC0, s6;
	s8 =	sadd.s32 $0x30, s5  }
0x3e7: {  	s9 =	sand.u32 $0x1E00, s9;
	s8 =	sand.u32 $0x70, s8  }
0x3e8: {  	s8 =	sor.u32 s8, s9  }
0x3e9: {  	v2 =	vld [tilespmem:s8+$0x3000]  }
0x3ea: {  	v3 =	vld.idx.msk [tilespmem:v1+s22+$0x0], $0xffff;
	_ =	sdelay $0x4  }
0x3eb: {  	v2 =	vsub.f32 v2, v3;
	_ =	sdelay $0x1  }
0x3ec: {  	v2 =	vmul.f32 $1.442695020e+00, v2;
	_ =	sdelay $0x1  }
0x3ed: {  	(erf) = vpow2.f32 v2;
	_ =	sdelay $0x6  }
0x3ee: {  	v2 =	vor.u32 $0x1, v1;
	_ =	sdelay $0x1  }
0x3ef: {  	v3 =	vpop (erf)  }
0x3f0: {  	[tilespmem:v1+s30+$0x0] =	vst.idx.add.f32.msk $0xffff, v3  }
0x3f1: {  	v3 =	vld [tilespmem:s8+$0x3080]  }
0x3f2: {  	v60 =	vld.idx.msk [tilespmem:v2+s22+$0x0], $0xffff;
	_ =	sdelay $0x4  }
0x3f3: {  	v3 =	vsub.f32 v3, v60;
	_ =	sdelay $0x1  }
0x3f4: {  	v3 =	vmul.f32 $1.442695020e+00, v3;
	_ =	sdelay $0x1  }
0x3f5: {  	(erf) = vpow2.f32 v3;
	_ =	sdelay $0x6  }
0x3f6: {  	v3 =	vor.u32 $0x2, v1;
	_ =	sdelay $0x1  }
0x3f7: {  	v61 =	vpop (erf)  }
0x3f8: {  	[tilespmem:v2+s30+$0x0] =	vst.idx.add.f32.msk $0xffff, v61  }
0x3f9: {  	v2 =	vld [tilespmem:s8+$0x3100]  }
0x3fa: {  	v4 =	vld.idx.msk [tilespmem:v3+s22+$0x0], $0xffff;
	_ =	sdelay $0x4  }
0x3fb: {  	v2 =	vsub.f32 v2, v4;
	_ =	sdelay $0x1  }
0x3fc: {  	v2 =	vmul.f32 $1.442695020e+00, v2;
	_ =	sdelay $0x1  }
0x3fd: {  	(erf) = vpow2.f32 v2;
	_ =	sdelay $0x6  }
0x3fe: {  	v1 =	vor.u32 $0x3, v1;
	_ =	sdelay $0x1  }
0x3ff: {  	v2 =	vpop (erf)  }
0x400: {  	[tilespmem:v3+s30+$0x0] =	vst.idx.add.f32.msk $0xffff, v2  }
0x401: {  	v2 =	vld [tilespmem:s8+$0x3180]  }
0x402: {  	v3 =	vld.idx.msk [tilespmem:v1+s22+$0x0], $0xffff;
	_ =	sdelay $0x4  }
0x403: {  	v2 =	vsub.f32 v2, v3;
	_ =	sdelay $0x1  }
0x404: {  	v2 =	vmul.f32 $1.442695020e+00, v2;
	_ =	sdelay $0x1  }
0x405: {  	(erf) = vpow2.f32 v2;
	_ =	sdelay $0x8  }
0x406: {  	v2 =	vpop (erf)  }
0x407: {  	[tilespmem:v1+s30+$0x0] =	vst.idx.add.f32.msk $0xffff, v2  }
0x408: {  	v1 =	vld [tilespmem:s7+$0x840];
	_ =	sdelay $0x4  }
0x409: {  	v1 =	vshll.u32 v1, $0x3  }
0x40a: {  	s9 =	sadd.s32 $0x100, s6;
	s8 =	sadd.s32 $0x40, s5  }
0x40b: {  	s7 =	sand.u32 $0x70, s8;
	s8 =	sand.u32 $0x1E00, s9  }
0x40c: {  	s7 =	sor.u32 s7, s8  }
0x40d: {  	v2 =	vld [tilespmem:s7+$0x3000]  }
0x40e: {  	v3 =	vld.idx.msk [tilespmem:v1+s22+$0x0], $0xffff;
	_ =	sdelay $0x4  }
0x40f: {  	v2 =	vsub.f32 v2, v3;
	_ =	sdelay $0x1  }
0x410: {  	v2 =	vmul.f32 $1.442695020e+00, v2;
	_ =	sdelay $0x1  }
0x411: {  	(erf) = vpow2.f32 v2;
	_ =	sdelay $0x6  }
0x412: {  	v2 =	vor.u32 $0x1, v1;
	_ =	sdelay $0x1  }
0x413: {  	v3 =	vpop (erf)  }
0x414: {  	[tilespmem:v1+s30+$0x0] =	vst.idx.add.f32.msk $0xffff, v3  }
0x415: {  	v3 =	vld [tilespmem:s7+$0x3080]  }
0x416: {  	v62 =	vld.idx.msk [tilespmem:v2+s22+$0x0], $0xffff;
	_ =	sdelay $0x4  }
0x417: {  	v3 =	vsub.f32 v3, v62;
	_ =	sdelay $0x1  }
0x418: {  	v3 =	vmul.f32 $1.442695020e+00, v3;
	_ =	sdelay $0x1  }
0x419: {  	(erf) = vpow2.f32 v3;
	_ =	sdelay $0x6  }
0x41a: {  	v3 =	vor.u32 $0x2, v1;
	_ =	sdelay $0x1  }
0x41b: {  	v63 =	vpop (erf)  }
0x41c: {  	[tilespmem:v2+s30+$0x0] =	vst.idx.add.f32.msk $0xffff, v63  }
0x41d: {  	v2 =	vld [tilespmem:s7+$0x3100]  }
0x41e: {  	v4 =	vld.idx.msk [tilespmem:v3+s22+$0x0], $0xffff;
	_ =	sdelay $0x4  }
0x41f: {  	v2 =	vsub.f32 v2, v4;
	_ =	sdelay $0x1  }
0x420: {  	v2 =	vmul.f32 $1.442695020e+00, v2;
	_ =	sdelay $0x1  }
0x421: {  	(erf) = vpow2.f32 v2;
	_ =	sdelay $0x6  }
0x422: {  	v1 =	vor.u32 $0x3, v1;
	_ =	sdelay $0x1  }
0x423: {  	v2 =	vpop (erf)  }
0x424: {  	[tilespmem:v3+s30+$0x0] =	vst.idx.add.f32.msk $0xffff, v2  }
0x425: {  	v2 =	vld [tilespmem:s7+$0x3180]  }
0x426: {  	v3 =	vld.idx.msk [tilespmem:v1+s22+$0x0], $0xffff;
	_ =	sdelay $0x4  }
0x427: {  	v2 =	vsub.f32 v2, v3;
	_ =	sdelay $0x1  }
0x428: {  	v2 =	vmul.f32 $1.442695020e+00, v2;
	_ =	sdelay $0x1  }
0x429: {  	(erf) = vpow2.f32 v2;
	_ =	sdelay $0x4  }
0x42a: {  	p1 =	sne.s32 s6, $0x500  }
.Ltmp6:
0x42b: {  	_ = 	snop;
	(pc) =	sbr.rel @p1 .LBB2_10-.Ltmp6, $3  }
0x42c: {  	_ =	sdelay $0x1  }
0x42d: {  	v2 =	vpop (erf)  }
0x42e: {  	s6 =	sadd.s32 $0x140, s6;
	s5 =	sadd.s32 $0x50, s5;
	[tilespmem:v1+s30+$0x0] =	vst.idx.add.f32.msk $0xffff, v2  }
0x42f: {  	_ =	swait.ge [sflag:s24], $0x190  }
0x430: {  	[sflag:s24] =	ssyncset.done $0x0  }
0x431: {  	[sflag:s24] =	ssyncadd.s32 $0xFFFFFE70  }
0x432: {  	_ =	swait.ge [sflag:s24], $0x800  }
0x433: {  	[sflag:s24] =	ssyncset.done $0x0  }
0x434: {  	s5 =	simm.s32 $0x0;
	s6 =	simm.s32 $0x0;
	[sflag:s24] =	ssyncadd.s32 $0xFFFFF800  }
.LBB2_12:
0x435: {  	s7 =	sshra.s32 s6, $0x2  }
0x436: {  	v1 =	vld [tilespmem:s7+$0xA00];
	_ =	sdelay $0x4  }
0x437: {  	v1 =	vshll.u32 v1, $0x3;
	_ =	sdelay $0x1  }
0x438: {  	s8 =	sand.u32 $0x70, s5;
	s9 =	sand.u32 $0xE00, s6  }
0x439: {  	s8 =	sor.u32 s8, s9  }
0x43a: {  	v2 =	vld [tilespmem:s8+$0x3800]  }
0x43b: {  	v3 =	vld.idx.msk [tilespmem:v1+s22+$0x0], $0xffff;
	_ =	sdelay $0x4  }
0x43c: {  	v2 =	vsub.f32 v2, v3;
	_ =	sdelay $0x1  }
0x43d: {  	v2 =	vmul.f32 $1.442695020e+00, v2;
	_ =	sdelay $0x1  }
0x43e: {  	(erf) = vpow2.f32 v2;
	_ =	sdelay $0x6  }
0x43f: {  	v2 =	vor.u32 $0x1, v1;
	_ =	sdelay $0x1  }
0x440: {  	v3 =	vpop (erf)  }
0x441: {  	[tilespmem:v1+s30+$0x0] =	vst.idx.add.f32.msk $0xffff, v3  }
0x442: {  	v3 =	vld [tilespmem:s8+$0x3880]  }
0x443: {  	v4 =	vld.idx.msk [tilespmem:v2+s22+$0x0], $0xffff;
	_ =	sdelay $0x4  }
0x444: {  	v3 =	vsub.f32 v3, v4;
	_ =	sdelay $0x1  }
0x445: {  	v3 =	vmul.f32 $1.442695020e+00, v3;
	_ =	sdelay $0x1  }
0x446: {  	(erf) = vpow2.f32 v3;
	_ =	sdelay $0x6  }
0x447: {  	v3 =	vor.u32 $0x2, v1;
	_ =	sdelay $0x1  }
0x448: {  	v55 =	vpop (erf)  }
0x449: {  	[tilespmem:v2+s30+$0x0] =	vst.idx.add.f32.msk $0xffff, v55  }
0x44a: {  	v2 =	vld [tilespmem:s8+$0x3900]  }
0x44b: {  	v4 =	vld.idx.msk [tilespmem:v3+s22+$0x0], $0xffff;
	_ =	sdelay $0x4  }
0x44c: {  	v2 =	vsub.f32 v2, v4;
	_ =	sdelay $0x1  }
0x44d: {  	v2 =	vmul.f32 $1.442695020e+00, v2;
	_ =	sdelay $0x1  }
0x44e: {  	(erf) = vpow2.f32 v2;
	_ =	sdelay $0x6  }
0x44f: {  	v1 =	vor.u32 $0x3, v1;
	_ =	sdelay $0x1  }
0x450: {  	v2 =	vpop (erf)  }
0x451: {  	[tilespmem:v3+s30+$0x0] =	vst.idx.add.f32.msk $0xffff, v2  }
0x452: {  	v2 =	vld [tilespmem:s8+$0x3980]  }
0x453: {  	v3 =	vld.idx.msk [tilespmem:v1+s22+$0x0], $0xffff;
	_ =	sdelay $0x4  }
0x454: {  	v2 =	vsub.f32 v2, v3;
	_ =	sdelay $0x1  }
0x455: {  	v2 =	vmul.f32 $1.442695020e+00, v2;
	_ =	sdelay $0x1  }
0x456: {  	(erf) = vpow2.f32 v2;
	_ =	sdelay $0x8  }
0x457: {  	v2 =	vpop (erf)  }
0x458: {  	[tilespmem:v1+s30+$0x0] =	vst.idx.add.f32.msk $0xffff, v2  }
0x459: {  	v1 =	vld [tilespmem:s7+$0xA10];
	_ =	sdelay $0x4  }
0x45a: {  	v1 =	vshll.u32 v1, $0x3  }
0x45b: {  	s9 =	sadd.s32 $0x40, s6;
	s8 =	sadd.s32 $0x10, s5  }
0x45c: {  	s9 =	sand.u32 $0x1E00, s9;
	s8 =	sand.u32 $0x70, s8  }
0x45d: {  	s8 =	sor.u32 s8, s9  }
0x45e: {  	v2 =	vld [tilespmem:s8+$0x3800]  }
0x45f: {  	v3 =	vld.idx.msk [tilespmem:v1+s22+$0x0], $0xffff;
	_ =	sdelay $0x4  }
0x460: {  	v2 =	vsub.f32 v2, v3;
	_ =	sdelay $0x1  }
0x461: {  	v2 =	vmul.f32 $1.442695020e+00, v2;
	_ =	sdelay $0x1  }
0x462: {  	(erf) = vpow2.f32 v2;
	_ =	sdelay $0x6  }
0x463: {  	v2 =	vor.u32 $0x1, v1;
	_ =	sdelay $0x1  }
0x464: {  	v3 =	vpop (erf)  }
0x465: {  	[tilespmem:v1+s30+$0x0] =	vst.idx.add.f32.msk $0xffff, v3  }
0x466: {  	v3 =	vld [tilespmem:s8+$0x3880]  }
0x467: {  	v56 =	vld.idx.msk [tilespmem:v2+s22+$0x0], $0xffff;
	_ =	sdelay $0x4  }
0x468: {  	v3 =	vsub.f32 v3, v56;
	_ =	sdelay $0x1  }
0x469: {  	v3 =	vmul.f32 $1.442695020e+00, v3;
	_ =	sdelay $0x1  }
0x46a: {  	(erf) = vpow2.f32 v3;
	_ =	sdelay $0x6  }
0x46b: {  	v3 =	vor.u32 $0x2, v1;
	_ =	sdelay $0x1  }
0x46c: {  	v57 =	vpop (erf)  }
0x46d: {  	[tilespmem:v2+s30+$0x0] =	vst.idx.add.f32.msk $0xffff, v57  }
0x46e: {  	v2 =	vld [tilespmem:s8+$0x3900]  }
0x46f: {  	v4 =	vld.idx.msk [tilespmem:v3+s22+$0x0], $0xffff;
	_ =	sdelay $0x4  }
0x470: {  	v2 =	vsub.f32 v2, v4;
	_ =	sdelay $0x1  }
0x471: {  	v2 =	vmul.f32 $1.442695020e+00, v2;
	_ =	sdelay $0x1  }
0x472: {  	(erf) = vpow2.f32 v2;
	_ =	sdelay $0x6  }
0x473: {  	v1 =	vor.u32 $0x3, v1;
	_ =	sdelay $0x1  }
0x474: {  	v2 =	vpop (erf)  }
0x475: {  	[tilespmem:v3+s30+$0x0] =	vst.idx.add.f32.msk $0xffff, v2  }
0x476: {  	v2 =	vld [tilespmem:s8+$0x3980]  }
0x477: {  	v3 =	vld.idx.msk [tilespmem:v1+s22+$0x0], $0xffff;
	_ =	sdelay $0x4  }
0x478: {  	v2 =	vsub.f32 v2, v3;
	_ =	sdelay $0x1  }
0x479: {  	v2 =	vmul.f32 $1.442695020e+00, v2;
	_ =	sdelay $0x1  }
0x47a: {  	(erf) = vpow2.f32 v2;
	_ =	sdelay $0x8  }
0x47b: {  	v2 =	vpop (erf)  }
0x47c: {  	[tilespmem:v1+s30+$0x0] =	vst.idx.add.f32.msk $0xffff, v2  }
0x47d: {  	v1 =	vld [tilespmem:s7+$0xA20];
	_ =	sdelay $0x4  }
0x47e: {  	v1 =	vshll.u32 v1, $0x3  }
0x47f: {  	s9 =	sadd.s32 $0x80, s6;
	s8 =	sadd.s32 $0x20, s5  }
0x480: {  	s9 =	sand.u32 $0x1E00, s9;
	s8 =	sand.u32 $0x70, s8  }
0x481: {  	s8 =	sor.u32 s8, s9  }
0x482: {  	v2 =	vld [tilespmem:s8+$0x3800]  }
0x483: {  	v3 =	vld.idx.msk [tilespmem:v1+s22+$0x0], $0xffff;
	_ =	sdelay $0x4  }
0x484: {  	v2 =	vsub.f32 v2, v3;
	_ =	sdelay $0x1  }
0x485: {  	v2 =	vmul.f32 $1.442695020e+00, v2;
	_ =	sdelay $0x1  }
0x486: {  	(erf) = vpow2.f32 v2;
	_ =	sdelay $0x6  }
0x487: {  	v2 =	vor.u32 $0x1, v1;
	_ =	sdelay $0x1  }
0x488: {  	v3 =	vpop (erf)  }
0x489: {  	[tilespmem:v1+s30+$0x0] =	vst.idx.add.f32.msk $0xffff, v3  }
0x48a: {  	v3 =	vld [tilespmem:s8+$0x3880]  }
0x48b: {  	v58 =	vld.idx.msk [tilespmem:v2+s22+$0x0], $0xffff;
	_ =	sdelay $0x4  }
0x48c: {  	v3 =	vsub.f32 v3, v58;
	_ =	sdelay $0x1  }
0x48d: {  	v3 =	vmul.f32 $1.442695020e+00, v3;
	_ =	sdelay $0x1  }
0x48e: {  	(erf) = vpow2.f32 v3;
	_ =	sdelay $0x6  }
0x48f: {  	v3 =	vor.u32 $0x2, v1;
	_ =	sdelay $0x1  }
0x490: {  	v59 =	vpop (erf)  }
0x491: {  	[tilespmem:v2+s30+$0x0] =	vst.idx.add.f32.msk $0xffff, v59  }
0x492: {  	v2 =	vld [tilespmem:s8+$0x3900]  }
0x493: {  	v4 =	vld.idx.msk [tilespmem:v3+s22+$0x0], $0xffff;
	_ =	sdelay $0x4  }
0x494: {  	v2 =	vsub.f32 v2, v4;
	_ =	sdelay $0x1  }
0x495: {  	v2 =	vmul.f32 $1.442695020e+00, v2;
	_ =	sdelay $0x1  }
0x496: {  	(erf) = vpow2.f32 v2;
	_ =	sdelay $0x6  }
0x497: {  	v1 =	vor.u32 $0x3, v1;
	_ =	sdelay $0x1  }
0x498: {  	v2 =	vpop (erf)  }
0x499: {  	[tilespmem:v3+s30+$0x0] =	vst.idx.add.f32.msk $0xffff, v2  }
0x49a: {  	v2 =	vld [tilespmem:s8+$0x3980]  }
0x49b: {  	v3 =	vld.idx.msk [tilespmem:v1+s22+$0x0], $0xffff;
	_ =	sdelay $0x4  }
0x49c: {  	v2 =	vsub.f32 v2, v3;
	_ =	sdelay $0x1  }
0x49d: {  	v2 =	vmul.f32 $1.442695020e+00, v2;
	_ =	sdelay $0x1  }
0x49e: {  	(erf) = vpow2.f32 v2;
	_ =	sdelay $0x8  }
0x49f: {  	v2 =	vpop (erf)  }
0x4a0: {  	[tilespmem:v1+s30+$0x0] =	vst.idx.add.f32.msk $0xffff, v2  }
0x4a1: {  	v1 =	vld [tilespmem:s7+$0xA30];
	_ =	sdelay $0x4  }
0x4a2: {  	v1 =	vshll.u32 v1, $0x3  }
0x4a3: {  	s9 =	sadd.s32 $0xC0, s6;
	s8 =	sadd.s32 $0x30, s5  }
0x4a4: {  	s9 =	sand.u32 $0x1E00, s9;
	s8 =	sand.u32 $0x70, s8  }
0x4a5: {  	s8 =	sor.u32 s8, s9  }
0x4a6: {  	v2 =	vld [tilespmem:s8+$0x3800]  }
0x4a7: {  	v3 =	vld.idx.msk [tilespmem:v1+s22+$0x0], $0xffff;
	_ =	sdelay $0x4  }
0x4a8: {  	v2 =	vsub.f32 v2, v3;
	_ =	sdelay $0x1  }
0x4a9: {  	v2 =	vmul.f32 $1.442695020e+00, v2;
	_ =	sdelay $0x1  }
0x4aa: {  	(erf) = vpow2.f32 v2;
	_ =	sdelay $0x6  }
0x4ab: {  	v2 =	vor.u32 $0x1, v1;
	_ =	sdelay $0x1  }
0x4ac: {  	v3 =	vpop (erf)  }
0x4ad: {  	[tilespmem:v1+s30+$0x0] =	vst.idx.add.f32.msk $0xffff, v3  }
0x4ae: {  	v3 =	vld [tilespmem:s8+$0x3880]  }
0x4af: {  	v60 =	vld.idx.msk [tilespmem:v2+s22+$0x0], $0xffff;
	_ =	sdelay $0x4  }
0x4b0: {  	v3 =	vsub.f32 v3, v60;
	_ =	sdelay $0x1  }
0x4b1: {  	v3 =	vmul.f32 $1.442695020e+00, v3;
	_ =	sdelay $0x1  }
0x4b2: {  	(erf) = vpow2.f32 v3;
	_ =	sdelay $0x6  }
0x4b3: {  	v3 =	vor.u32 $0x2, v1;
	_ =	sdelay $0x1  }
0x4b4: {  	v61 =	vpop (erf)  }
0x4b5: {  	[tilespmem:v2+s30+$0x0] =	vst.idx.add.f32.msk $0xffff, v61  }
0x4b6: {  	v2 =	vld [tilespmem:s8+$0x3900]  }
0x4b7: {  	v4 =	vld.idx.msk [tilespmem:v3+s22+$0x0], $0xffff;
	_ =	sdelay $0x4  }
0x4b8: {  	v2 =	vsub.f32 v2, v4;
	_ =	sdelay $0x1  }
0x4b9: {  	v2 =	vmul.f32 $1.442695020e+00, v2;
	_ =	sdelay $0x1  }
0x4ba: {  	(erf) = vpow2.f32 v2;
	_ =	sdelay $0x6  }
0x4bb: {  	v1 =	vor.u32 $0x3, v1;
	_ =	sdelay $0x1  }
0x4bc: {  	v2 =	vpop (erf)  }
0x4bd: {  	[tilespmem:v3+s30+$0x0] =	vst.idx.add.f32.msk $0xffff, v2  }
0x4be: {  	v2 =	vld [tilespmem:s8+$0x3980]  }
0x4bf: {  	v3 =	vld.idx.msk [tilespmem:v1+s22+$0x0], $0xffff;
	_ =	sdelay $0x4  }
0x4c0: {  	v2 =	vsub.f32 v2, v3;
	_ =	sdelay $0x1  }
0x4c1: {  	v2 =	vmul.f32 $1.442695020e+00, v2;
	_ =	sdelay $0x1  }
0x4c2: {  	(erf) = vpow2.f32 v2;
	_ =	sdelay $0x8  }
0x4c3: {  	v2 =	vpop (erf)  }
0x4c4: {  	[tilespmem:v1+s30+$0x0] =	vst.idx.add.f32.msk $0xffff, v2  }
0x4c5: {  	v1 =	vld [tilespmem:s7+$0xA40];
	_ =	sdelay $0x4  }
0x4c6: {  	v1 =	vshll.u32 v1, $0x3  }
0x4c7: {  	s9 =	sadd.s32 $0x100, s6;
	s8 =	sadd.s32 $0x40, s5  }
0x4c8: {  	s7 =	sand.u32 $0x70, s8;
	s8 =	sand.u32 $0x1E00, s9  }
0x4c9: {  	s7 =	sor.u32 s7, s8  }
0x4ca: {  	v2 =	vld [tilespmem:s7+$0x3800]  }
0x4cb: {  	v3 =	vld.idx.msk [tilespmem:v1+s22+$0x0], $0xffff;
	_ =	sdelay $0x4  }
0x4cc: {  	v2 =	vsub.f32 v2, v3;
	_ =	sdelay $0x1  }
0x4cd: {  	v2 =	vmul.f32 $1.442695020e+00, v2;
	_ =	sdelay $0x1  }
0x4ce: {  	(erf) = vpow2.f32 v2;
	_ =	sdelay $0x6  }
0x4cf: {  	v2 =	vor.u32 $0x1, v1;
	_ =	sdelay $0x1  }
0x4d0: {  	v3 =	vpop (erf)  }
0x4d1: {  	[tilespmem:v1+s30+$0x0] =	vst.idx.add.f32.msk $0xffff, v3  }
0x4d2: {  	v3 =	vld [tilespmem:s7+$0x3880]  }
0x4d3: {  	v62 =	vld.idx.msk [tilespmem:v2+s22+$0x0], $0xffff;
	_ =	sdelay $0x4  }
0x4d4: {  	v3 =	vsub.f32 v3, v62;
	_ =	sdelay $0x1  }
0x4d5: {  	v3 =	vmul.f32 $1.442695020e+00, v3;
	_ =	sdelay $0x1  }
0x4d6: {  	(erf) = vpow2.f32 v3;
	_ =	sdelay $0x6  }
0x4d7: {  	v3 =	vor.u32 $0x2, v1;
	_ =	sdelay $0x1  }
0x4d8: {  	v63 =	vpop (erf)  }
0x4d9: {  	[tilespmem:v2+s30+$0x0] =	vst.idx.add.f32.msk $0xffff, v63  }
0x4da: {  	v2 =	vld [tilespmem:s7+$0x3900]  }
0x4db: {  	v4 =	vld.idx.msk [tilespmem:v3+s22+$0x0], $0xffff;
	_ =	sdelay $0x4  }
0x4dc: {  	v2 =	vsub.f32 v2, v4;
	_ =	sdelay $0x1  }
0x4dd: {  	v2 =	vmul.f32 $1.442695020e+00, v2;
	_ =	sdelay $0x1  }
0x4de: {  	(erf) = vpow2.f32 v2;
	_ =	sdelay $0x6  }
0x4df: {  	v1 =	vor.u32 $0x3, v1;
	_ =	sdelay $0x1  }
0x4e0: {  	v2 =	vpop (erf)  }
0x4e1: {  	[tilespmem:v3+s30+$0x0] =	vst.idx.add.f32.msk $0xffff, v2  }
0x4e2: {  	v2 =	vld [tilespmem:s7+$0x3980]  }
0x4e3: {  	v3 =	vld.idx.msk [tilespmem:v1+s22+$0x0], $0xffff;
	_ =	sdelay $0x4  }
0x4e4: {  	v2 =	vsub.f32 v2, v3;
	_ =	sdelay $0x1  }
0x4e5: {  	v2 =	vmul.f32 $1.442695020e+00, v2;
	_ =	sdelay $0x1  }
0x4e6: {  	(erf) = vpow2.f32 v2;
	_ =	sdelay $0x4  }
0x4e7: {  	p1 =	sne.s32 s6, $0x500  }
.Ltmp7:
0x4e8: {  	_ = 	snop;
	(pc) =	sbr.rel @p1 .LBB2_12-.Ltmp7, $3  }
0x4e9: {  	_ =	sdelay $0x1  }
0x4ea: {  	v2 =	vpop (erf)  }
0x4eb: {  	s6 =	sadd.s32 $0x140, s6;
	s5 =	sadd.s32 $0x50, s5;
	[tilespmem:v1+s30+$0x0] =	vst.idx.add.f32.msk $0xffff, v2  }
0x4ec: {  	_ =	swait.ge [sflag:s25], $0x190  }
0x4ed: {  	[sflag:s25] =	ssyncset.done $0x0  }
0x4ee: {  	[sflag:s25] =	ssyncadd.s32 $0xFFFFFE70  }
0x4ef: {  	_ =	swait.ge [sflag:s25], $0x800  }
0x4f0: {  	[sflag:s25] =	ssyncset.done $0x0  }
0x4f1: {  	s5 =	simm.s32 $0x0;
	s6 =	simm.s32 $0x0;
	[sflag:s25] =	ssyncadd.s32 $0xFFFFF800  }
.LBB2_14:
0x4f2: {  	s7 =	sshra.s32 s6, $0x2  }
0x4f3: {  	v1 =	vld [tilespmem:s7+$0xC00];
	_ =	sdelay $0x4  }
0x4f4: {  	v1 =	vshll.u32 v1, $0x3;
	_ =	sdelay $0x1  }
0x4f5: {  	s8 =	sand.u32 $0x70, s5;
	s9 =	sand.u32 $0xE00, s6  }
0x4f6: {  	s8 =	sor.u32 s8, s9  }
0x4f7: {  	v2 =	vld [tilespmem:s8+$0x4000]  }
0x4f8: {  	v3 =	vld.idx.msk [tilespmem:v1+s22+$0x0], $0xffff;
	_ =	sdelay $0x4  }
0x4f9: {  	v2 =	vsub.f32 v2, v3;
	_ =	sdelay $0x1  }
0x4fa: {  	v2 =	vmul.f32 $1.442695020e+00, v2;
	_ =	sdelay $0x1  }
0x4fb: {  	(erf) = vpow2.f32 v2;
	_ =	sdelay $0x6  }
0x4fc: {  	v2 =	vor.u32 $0x1, v1;
	_ =	sdelay $0x1  }
0x4fd: {  	v3 =	vpop (erf)  }
0x4fe: {  	[tilespmem:v1+s30+$0x0] =	vst.idx.add.f32.msk $0xffff, v3  }
0x4ff: {  	v3 =	vld [tilespmem:s8+$0x4080]  }
0x500: {  	v4 =	vld.idx.msk [tilespmem:v2+s22+$0x0], $0xffff;
	_ =	sdelay $0x4  }
0x501: {  	v3 =	vsub.f32 v3, v4;
	_ =	sdelay $0x1  }
0x502: {  	v3 =	vmul.f32 $1.442695020e+00, v3;
	_ =	sdelay $0x1  }
0x503: {  	(erf) = vpow2.f32 v3;
	_ =	sdelay $0x6  }
0x504: {  	v3 =	vor.u32 $0x2, v1;
	_ =	sdelay $0x1  }
0x505: {  	v55 =	vpop (erf)  }
0x506: {  	[tilespmem:v2+s30+$0x0] =	vst.idx.add.f32.msk $0xffff, v55  }
0x507: {  	v2 =	vld [tilespmem:s8+$0x4100]  }
0x508: {  	v4 =	vld.idx.msk [tilespmem:v3+s22+$0x0], $0xffff;
	_ =	sdelay $0x4  }
0x509: {  	v2 =	vsub.f32 v2, v4;
	_ =	sdelay $0x1  }
0x50a: {  	v2 =	vmul.f32 $1.442695020e+00, v2;
	_ =	sdelay $0x1  }
0x50b: {  	(erf) = vpow2.f32 v2;
	_ =	sdelay $0x6  }
0x50c: {  	v1 =	vor.u32 $0x3, v1;
	_ =	sdelay $0x1  }
0x50d: {  	v2 =	vpop (erf)  }
0x50e: {  	[tilespmem:v3+s30+$0x0] =	vst.idx.add.f32.msk $0xffff, v2  }
0x50f: {  	v2 =	vld [tilespmem:s8+$0x4180]  }
0x510: {  	v3 =	vld.idx.msk [tilespmem:v1+s22+$0x0], $0xffff;
	_ =	sdelay $0x4  }
0x511: {  	v2 =	vsub.f32 v2, v3;
	_ =	sdelay $0x1  }
0x512: {  	v2 =	vmul.f32 $1.442695020e+00, v2;
	_ =	sdelay $0x1  }
0x513: {  	(erf) = vpow2.f32 v2;
	_ =	sdelay $0x8  }
0x514: {  	v2 =	vpop (erf)  }
0x515: {  	[tilespmem:v1+s30+$0x0] =	vst.idx.add.f32.msk $0xffff, v2  }
0x516: {  	v1 =	vld [tilespmem:s7+$0xC10];
	_ =	sdelay $0x4  }
0x517: {  	v1 =	vshll.u32 v1, $0x3  }
0x518: {  	s9 =	sadd.s32 $0x40, s6;
	s8 =	sadd.s32 $0x10, s5  }
0x519: {  	s9 =	sand.u32 $0x1E00, s9;
	s8 =	sand.u32 $0x70, s8  }
0x51a: {  	s8 =	sor.u32 s8, s9  }
0x51b: {  	v2 =	vld [tilespmem:s8+$0x4000]  }
0x51c: {  	v3 =	vld.idx.msk [tilespmem:v1+s22+$0x0], $0xffff;
	_ =	sdelay $0x4  }
0x51d: {  	v2 =	vsub.f32 v2, v3;
	_ =	sdelay $0x1  }
0x51e: {  	v2 =	vmul.f32 $1.442695020e+00, v2;
	_ =	sdelay $0x1  }
0x51f: {  	(erf) = vpow2.f32 v2;
	_ =	sdelay $0x6  }
0x520: {  	v2 =	vor.u32 $0x1, v1;
	_ =	sdelay $0x1  }
0x521: {  	v3 =	vpop (erf)  }
0x522: {  	[tilespmem:v1+s30+$0x0] =	vst.idx.add.f32.msk $0xffff, v3  }
0x523: {  	v3 =	vld [tilespmem:s8+$0x4080]  }
0x524: {  	v56 =	vld.idx.msk [tilespmem:v2+s22+$0x0], $0xffff;
	_ =	sdelay $0x4  }
0x525: {  	v3 =	vsub.f32 v3, v56;
	_ =	sdelay $0x1  }
0x526: {  	v3 =	vmul.f32 $1.442695020e+00, v3;
	_ =	sdelay $0x1  }
0x527: {  	(erf) = vpow2.f32 v3;
	_ =	sdelay $0x6  }
0x528: {  	v3 =	vor.u32 $0x2, v1;
	_ =	sdelay $0x1  }
0x529: {  	v57 =	vpop (erf)  }
0x52a: {  	[tilespmem:v2+s30+$0x0] =	vst.idx.add.f32.msk $0xffff, v57  }
0x52b: {  	v2 =	vld [tilespmem:s8+$0x4100]  }
0x52c: {  	v4 =	vld.idx.msk [tilespmem:v3+s22+$0x0], $0xffff;
	_ =	sdelay $0x4  }
0x52d: {  	v2 =	vsub.f32 v2, v4;
	_ =	sdelay $0x1  }
0x52e: {  	v2 =	vmul.f32 $1.442695020e+00, v2;
	_ =	sdelay $0x1  }
0x52f: {  	(erf) = vpow2.f32 v2;
	_ =	sdelay $0x6  }
0x530: {  	v1 =	vor.u32 $0x3, v1;
	_ =	sdelay $0x1  }
0x531: {  	v2 =	vpop (erf)  }
0x532: {  	[tilespmem:v3+s30+$0x0] =	vst.idx.add.f32.msk $0xffff, v2  }
0x533: {  	v2 =	vld [tilespmem:s8+$0x4180]  }
0x534: {  	v3 =	vld.idx.msk [tilespmem:v1+s22+$0x0], $0xffff;
	_ =	sdelay $0x4  }
0x535: {  	v2 =	vsub.f32 v2, v3;
	_ =	sdelay $0x1  }
0x536: {  	v2 =	vmul.f32 $1.442695020e+00, v2;
	_ =	sdelay $0x1  }
0x537: {  	(erf) = vpow2.f32 v2;
	_ =	sdelay $0x8  }
0x538: {  	v2 =	vpop (erf)  }
0x539: {  	[tilespmem:v1+s30+$0x0] =	vst.idx.add.f32.msk $0xffff, v2  }
0x53a: {  	v1 =	vld [tilespmem:s7+$0xC20];
	_ =	sdelay $0x4  }
0x53b: {  	v1 =	vshll.u32 v1, $0x3  }
0x53c: {  	s9 =	sadd.s32 $0x80, s6;
	s8 =	sadd.s32 $0x20, s5  }
0x53d: {  	s9 =	sand.u32 $0x1E00, s9;
	s8 =	sand.u32 $0x70, s8  }
0x53e: {  	s8 =	sor.u32 s8, s9  }
0x53f: {  	v2 =	vld [tilespmem:s8+$0x4000]  }
0x540: {  	v3 =	vld.idx.msk [tilespmem:v1+s22+$0x0], $0xffff;
	_ =	sdelay $0x4  }
0x541: {  	v2 =	vsub.f32 v2, v3;
	_ =	sdelay $0x1  }
0x542: {  	v2 =	vmul.f32 $1.442695020e+00, v2;
	_ =	sdelay $0x1  }
0x543: {  	(erf) = vpow2.f32 v2;
	_ =	sdelay $0x6  }
0x544: {  	v2 =	vor.u32 $0x1, v1;
	_ =	sdelay $0x1  }
0x545: {  	v3 =	vpop (erf)  }
0x546: {  	[tilespmem:v1+s30+$0x0] =	vst.idx.add.f32.msk $0xffff, v3  }
0x547: {  	v3 =	vld [tilespmem:s8+$0x4080]  }
0x548: {  	v58 =	vld.idx.msk [tilespmem:v2+s22+$0x0], $0xffff;
	_ =	sdelay $0x4  }
0x549: {  	v3 =	vsub.f32 v3, v58;
	_ =	sdelay $0x1  }
0x54a: {  	v3 =	vmul.f32 $1.442695020e+00, v3;
	_ =	sdelay $0x1  }
0x54b: {  	(erf) = vpow2.f32 v3;
	_ =	sdelay $0x6  }
0x54c: {  	v3 =	vor.u32 $0x2, v1;
	_ =	sdelay $0x1  }
0x54d: {  	v59 =	vpop (erf)  }
0x54e: {  	[tilespmem:v2+s30+$0x0] =	vst.idx.add.f32.msk $0xffff, v59  }
0x54f: {  	v2 =	vld [tilespmem:s8+$0x4100]  }
0x550: {  	v4 =	vld.idx.msk [tilespmem:v3+s22+$0x0], $0xffff;
	_ =	sdelay $0x4  }
0x551: {  	v2 =	vsub.f32 v2, v4;
	_ =	sdelay $0x1  }
0x552: {  	v2 =	vmul.f32 $1.442695020e+00, v2;
	_ =	sdelay $0x1  }
0x553: {  	(erf) = vpow2.f32 v2;
	_ =	sdelay $0x6  }
0x554: {  	v1 =	vor.u32 $0x3, v1;
	_ =	sdelay $0x1  }
0x555: {  	v2 =	vpop (erf)  }
0x556: {  	[tilespmem:v3+s30+$0x0] =	vst.idx.add.f32.msk $0xffff, v2  }
0x557: {  	v2 =	vld [tilespmem:s8+$0x4180]  }
0x558: {  	v3 =	vld.idx.msk [tilespmem:v1+s22+$0x0], $0xffff;
	_ =	sdelay $0x4  }
0x559: {  	v2 =	vsub.f32 v2, v3;
	_ =	sdelay $0x1  }
0x55a: {  	v2 =	vmul.f32 $1.442695020e+00, v2;
	_ =	sdelay $0x1  }
0x55b: {  	(erf) = vpow2.f32 v2;
	_ =	sdelay $0x8  }
0x55c: {  	v2 =	vpop (erf)  }
0x55d: {  	[tilespmem:v1+s30+$0x0] =	vst.idx.add.f32.msk $0xffff, v2  }
0x55e: {  	v1 =	vld [tilespmem:s7+$0xC30];
	_ =	sdelay $0x4  }
0x55f: {  	v1 =	vshll.u32 v1, $0x3  }
0x560: {  	s9 =	sadd.s32 $0xC0, s6;
	s8 =	sadd.s32 $0x30, s5  }
0x561: {  	s9 =	sand.u32 $0x1E00, s9;
	s8 =	sand.u32 $0x70, s8  }
0x562: {  	s8 =	sor.u32 s8, s9  }
0x563: {  	v2 =	vld [tilespmem:s8+$0x4000]  }
0x564: {  	v3 =	vld.idx.msk [tilespmem:v1+s22+$0x0], $0xffff;
	_ =	sdelay $0x4  }
0x565: {  	v2 =	vsub.f32 v2, v3;
	_ =	sdelay $0x1  }
0x566: {  	v2 =	vmul.f32 $1.442695020e+00, v2;
	_ =	sdelay $0x1  }
0x567: {  	(erf) = vpow2.f32 v2;
	_ =	sdelay $0x6  }
0x568: {  	v2 =	vor.u32 $0x1, v1;
	_ =	sdelay $0x1  }
0x569: {  	v3 =	vpop (erf)  }
0x56a: {  	[tilespmem:v1+s30+$0x0] =	vst.idx.add.f32.msk $0xffff, v3  }
0x56b: {  	v3 =	vld [tilespmem:s8+$0x4080]  }
0x56c: {  	v60 =	vld.idx.msk [tilespmem:v2+s22+$0x0], $0xffff;
	_ =	sdelay $0x4  }
0x56d: {  	v3 =	vsub.f32 v3, v60;
	_ =	sdelay $0x1  }
0x56e: {  	v3 =	vmul.f32 $1.442695020e+00, v3;
	_ =	sdelay $0x1  }
0x56f: {  	(erf) = vpow2.f32 v3;
	_ =	sdelay $0x6  }
0x570: {  	v3 =	vor.u32 $0x2, v1;
	_ =	sdelay $0x1  }
0x571: {  	v61 =	vpop (erf)  }
0x572: {  	[tilespmem:v2+s30+$0x0] =	vst.idx.add.f32.msk $0xffff, v61  }
0x573: {  	v2 =	vld [tilespmem:s8+$0x4100]  }
0x574: {  	v4 =	vld.idx.msk [tilespmem:v3+s22+$0x0], $0xffff;
	_ =	sdelay $0x4  }
0x575: {  	v2 =	vsub.f32 v2, v4;
	_ =	sdelay $0x1  }
0x576: {  	v2 =	vmul.f32 $1.442695020e+00, v2;
	_ =	sdelay $0x1  }
0x577: {  	(erf) = vpow2.f32 v2;
	_ =	sdelay $0x6  }
0x578: {  	v1 =	vor.u32 $0x3, v1;
	_ =	sdelay $0x1  }
0x579: {  	v2 =	vpop (erf)  }
0x57a: {  	[tilespmem:v3+s30+$0x0] =	vst.idx.add.f32.msk $0xffff, v2  }
0x57b: {  	v2 =	vld [tilespmem:s8+$0x4180]  }
0x57c: {  	v3 =	vld.idx.msk [tilespmem:v1+s22+$0x0], $0xffff;
	_ =	sdelay $0x4  }
0x57d: {  	v2 =	vsub.f32 v2, v3;
	_ =	sdelay $0x1  }
0x57e: {  	v2 =	vmul.f32 $1.442695020e+00, v2;
	_ =	sdelay $0x1  }
0x57f: {  	(erf) = vpow2.f32 v2;
	_ =	sdelay $0x8  }
0x580: {  	v2 =	vpop (erf)  }
0x581: {  	[tilespmem:v1+s30+$0x0] =	vst.idx.add.f32.msk $0xffff, v2  }
0x582: {  	v1 =	vld [tilespmem:s7+$0xC40];
	_ =	sdelay $0x4  }
0x583: {  	v1 =	vshll.u32 v1, $0x3  }
0x584: {  	s9 =	sadd.s32 $0x100, s6;
	s8 =	sadd.s32 $0x40, s5  }
0x585: {  	s7 =	sand.u32 $0x70, s8;
	s8 =	sand.u32 $0x1E00, s9  }
0x586: {  	s7 =	sor.u32 s7, s8  }
0x587: {  	v2 =	vld [tilespmem:s7+$0x4000]  }
0x588: {  	v3 =	vld.idx.msk [tilespmem:v1+s22+$0x0], $0xffff;
	_ =	sdelay $0x4  }
0x589: {  	v2 =	vsub.f32 v2, v3;
	_ =	sdelay $0x1  }
0x58a: {  	v2 =	vmul.f32 $1.442695020e+00, v2;
	_ =	sdelay $0x1  }
0x58b: {  	(erf) = vpow2.f32 v2;
	_ =	sdelay $0x6  }
0x58c: {  	v2 =	vor.u32 $0x1, v1;
	_ =	sdelay $0x1  }
0x58d: {  	v3 =	vpop (erf)  }
0x58e: {  	[tilespmem:v1+s30+$0x0] =	vst.idx.add.f32.msk $0xffff, v3  }
0x58f: {  	v3 =	vld [tilespmem:s7+$0x4080]  }
0x590: {  	v62 =	vld.idx.msk [tilespmem:v2+s22+$0x0], $0xffff;
	_ =	sdelay $0x4  }
0x591: {  	v3 =	vsub.f32 v3, v62;
	_ =	sdelay $0x1  }
0x592: {  	v3 =	vmul.f32 $1.442695020e+00, v3;
	_ =	sdelay $0x1  }
0x593: {  	(erf) = vpow2.f32 v3;
	_ =	sdelay $0x6  }
0x594: {  	v3 =	vor.u32 $0x2, v1;
	_ =	sdelay $0x1  }
0x595: {  	v63 =	vpop (erf)  }
0x596: {  	[tilespmem:v2+s30+$0x0] =	vst.idx.add.f32.msk $0xffff, v63  }
0x597: {  	v2 =	vld [tilespmem:s7+$0x4100]  }
0x598: {  	v4 =	vld.idx.msk [tilespmem:v3+s22+$0x0], $0xffff;
	_ =	sdelay $0x4  }
0x599: {  	v2 =	vsub.f32 v2, v4;
	_ =	sdelay $0x1  }
0x59a: {  	v2 =	vmul.f32 $1.442695020e+00, v2;
	_ =	sdelay $0x1  }
0x59b: {  	(erf) = vpow2.f32 v2;
	_ =	sdelay $0x6  }
0x59c: {  	v1 =	vor.u32 $0x3, v1;
	_ =	sdelay $0x1  }
0x59d: {  	v2 =	vpop (erf)  }
0x59e: {  	[tilespmem:v3+s30+$0x0] =	vst.idx.add.f32.msk $0xffff, v2  }
0x59f: {  	v2 =	vld [tilespmem:s7+$0x4180]  }
0x5a0: {  	v3 =	vld.idx.msk [tilespmem:v1+s22+$0x0], $0xffff;
	_ =	sdelay $0x4  }
0x5a1: {  	v2 =	vsub.f32 v2, v3;
	_ =	sdelay $0x1  }
0x5a2: {  	v2 =	vmul.f32 $1.442695020e+00, v2;
	_ =	sdelay $0x1  }
0x5a3: {  	(erf) = vpow2.f32 v2;
	_ =	sdelay $0x4  }
0x5a4: {  	p1 =	sne.s32 s6, $0x500  }
.Ltmp8:
0x5a5: {  	_ = 	snop;
	(pc) =	sbr.rel @p1 .LBB2_14-.Ltmp8, $3  }
0x5a6: {  	_ =	sdelay $0x1  }
0x5a7: {  	v2 =	vpop (erf)  }
0x5a8: {  	s6 =	sadd.s32 $0x140, s6;
	s5 =	sadd.s32 $0x50, s5;
	[tilespmem:v1+s30+$0x0] =	vst.idx.add.f32.msk $0xffff, v2  }
.Ltmp9:
0x5a9: {  	(pc) =	sbr.rel @p0 .LBB2_18-.Ltmp9, $1  }
0x5aa: {  	_ =	sdelay $0x3  }
0x5ab: {  	_ =	swait.ge [sflag:s26], $0x190  }
0x5ac: {  	[sflag:s26] =	ssyncset.done $0x0  }
0x5ad: {  	[sflag:s26] =	ssyncadd.s32 $0xFFFFFE70  }
0x5ae: {  	_ =	swait.ge [sflag:s26], $0x800  }
0x5af: {  	[sflag:s26] =	ssyncset.done $0x0  }
0x5b0: {  	s5 =	simm.s32 $0x0;
	s6 =	simm.s32 $0x0;
	[sflag:s26] =	ssyncadd.s32 $0xFFFFF800  }
.LBB2_17:
0x5b1: {  	s7 =	sshra.s32 s6, $0x2  }
0x5b2: {  	v1 =	vld [tilespmem:s7+$0xE00];
	_ =	sdelay $0x4  }
0x5b3: {  	v1 =	vshll.u32 v1, $0x3;
	_ =	sdelay $0x1  }
0x5b4: {  	s8 =	sand.u32 $0x70, s5;
	s9 =	sand.u32 $0xE00, s6  }
0x5b5: {  	s8 =	sor.u32 s8, s9  }
0x5b6: {  	v2 =	vld [tilespmem:s8+$0x4800]  }
0x5b7: {  	v3 =	vld.idx.msk [tilespmem:v1+s22+$0x0], $0xffff;
	_ =	sdelay $0x4  }
0x5b8: {  	v2 =	vsub.f32 v2, v3;
	_ =	sdelay $0x1  }
0x5b9: {  	v2 =	vmul.f32 $1.442695020e+00, v2;
	_ =	sdelay $0x1  }
0x5ba: {  	(erf) = vpow2.f32 v2;
	_ =	sdelay $0x6  }
0x5bb: {  	v2 =	vor.u32 $0x1, v1;
	_ =	sdelay $0x1  }
0x5bc: {  	v3 =	vpop (erf)  }
0x5bd: {  	[tilespmem:v1+s30+$0x0] =	vst.idx.add.f32.msk $0xffff, v3  }
0x5be: {  	v3 =	vld [tilespmem:s8+$0x4880]  }
0x5bf: {  	v4 =	vld.idx.msk [tilespmem:v2+s22+$0x0], $0xffff;
	_ =	sdelay $0x4  }
0x5c0: {  	v3 =	vsub.f32 v3, v4;
	_ =	sdelay $0x1  }
0x5c1: {  	v3 =	vmul.f32 $1.442695020e+00, v3;
	_ =	sdelay $0x1  }
0x5c2: {  	(erf) = vpow2.f32 v3;
	_ =	sdelay $0x6  }
0x5c3: {  	v3 =	vor.u32 $0x2, v1;
	_ =	sdelay $0x1  }
0x5c4: {  	v55 =	vpop (erf)  }
0x5c5: {  	[tilespmem:v2+s30+$0x0] =	vst.idx.add.f32.msk $0xffff, v55  }
0x5c6: {  	v2 =	vld [tilespmem:s8+$0x4900]  }
0x5c7: {  	v4 =	vld.idx.msk [tilespmem:v3+s22+$0x0], $0xffff;
	_ =	sdelay $0x4  }
0x5c8: {  	v2 =	vsub.f32 v2, v4;
	_ =	sdelay $0x1  }
0x5c9: {  	v2 =	vmul.f32 $1.442695020e+00, v2;
	_ =	sdelay $0x1  }
0x5ca: {  	(erf) = vpow2.f32 v2;
	_ =	sdelay $0x6  }
0x5cb: {  	v1 =	vor.u32 $0x3, v1;
	_ =	sdelay $0x1  }
0x5cc: {  	v2 =	vpop (erf)  }
0x5cd: {  	[tilespmem:v3+s30+$0x0] =	vst.idx.add.f32.msk $0xffff, v2  }
0x5ce: {  	v2 =	vld [tilespmem:s8+$0x4980]  }
0x5cf: {  	v3 =	vld.idx.msk [tilespmem:v1+s22+$0x0], $0xffff;
	_ =	sdelay $0x4  }
0x5d0: {  	v2 =	vsub.f32 v2, v3;
	_ =	sdelay $0x1  }
0x5d1: {  	v2 =	vmul.f32 $1.442695020e+00, v2;
	_ =	sdelay $0x1  }
0x5d2: {  	(erf) = vpow2.f32 v2;
	_ =	sdelay $0x8  }
0x5d3: {  	v2 =	vpop (erf)  }
0x5d4: {  	[tilespmem:v1+s30+$0x0] =	vst.idx.add.f32.msk $0xffff, v2  }
0x5d5: {  	v1 =	vld [tilespmem:s7+$0xE10];
	_ =	sdelay $0x4  }
0x5d6: {  	v1 =	vshll.u32 v1, $0x3  }
0x5d7: {  	s9 =	sadd.s32 $0x40, s6;
	s8 =	sadd.s32 $0x10, s5  }
0x5d8: {  	s9 =	sand.u32 $0x1E00, s9;
	s8 =	sand.u32 $0x70, s8  }
0x5d9: {  	s8 =	sor.u32 s8, s9  }
0x5da: {  	v2 =	vld [tilespmem:s8+$0x4800]  }
0x5db: {  	v3 =	vld.idx.msk [tilespmem:v1+s22+$0x0], $0xffff;
	_ =	sdelay $0x4  }
0x5dc: {  	v2 =	vsub.f32 v2, v3;
	_ =	sdelay $0x1  }
0x5dd: {  	v2 =	vmul.f32 $1.442695020e+00, v2;
	_ =	sdelay $0x1  }
0x5de: {  	(erf) = vpow2.f32 v2;
	_ =	sdelay $0x6  }
0x5df: {  	v2 =	vor.u32 $0x1, v1;
	_ =	sdelay $0x1  }
0x5e0: {  	v3 =	vpop (erf)  }
0x5e1: {  	[tilespmem:v1+s30+$0x0] =	vst.idx.add.f32.msk $0xffff, v3  }
0x5e2: {  	v3 =	vld [tilespmem:s8+$0x4880]  }
0x5e3: {  	v56 =	vld.idx.msk [tilespmem:v2+s22+$0x0], $0xffff;
	_ =	sdelay $0x4  }
0x5e4: {  	v3 =	vsub.f32 v3, v56;
	_ =	sdelay $0x1  }
0x5e5: {  	v3 =	vmul.f32 $1.442695020e+00, v3;
	_ =	sdelay $0x1  }
0x5e6: {  	(erf) = vpow2.f32 v3;
	_ =	sdelay $0x6  }
0x5e7: {  	v3 =	vor.u32 $0x2, v1;
	_ =	sdelay $0x1  }
0x5e8: {  	v57 =	vpop (erf)  }
0x5e9: {  	[tilespmem:v2+s30+$0x0] =	vst.idx.add.f32.msk $0xffff, v57  }
0x5ea: {  	v2 =	vld [tilespmem:s8+$0x4900]  }
0x5eb: {  	v4 =	vld.idx.msk [tilespmem:v3+s22+$0x0], $0xffff;
	_ =	sdelay $0x4  }
0x5ec: {  	v2 =	vsub.f32 v2, v4;
	_ =	sdelay $0x1  }
0x5ed: {  	v2 =	vmul.f32 $1.442695020e+00, v2;
	_ =	sdelay $0x1  }
0x5ee: {  	(erf) = vpow2.f32 v2;
	_ =	sdelay $0x6  }
0x5ef: {  	v1 =	vor.u32 $0x3, v1;
	_ =	sdelay $0x1  }
0x5f0: {  	v2 =	vpop (erf)  }
0x5f1: {  	[tilespmem:v3+s30+$0x0] =	vst.idx.add.f32.msk $0xffff, v2  }
0x5f2: {  	v2 =	vld [tilespmem:s8+$0x4980]  }
0x5f3: {  	v3 =	vld.idx.msk [tilespmem:v1+s22+$0x0], $0xffff;
	_ =	sdelay $0x4  }
0x5f4: {  	v2 =	vsub.f32 v2, v3;
	_ =	sdelay $0x1  }
0x5f5: {  	v2 =	vmul.f32 $1.442695020e+00, v2;
	_ =	sdelay $0x1  }
0x5f6: {  	(erf) = vpow2.f32 v2;
	_ =	sdelay $0x8  }
0x5f7: {  	v2 =	vpop (erf)  }
0x5f8: {  	[tilespmem:v1+s30+$0x0] =	vst.idx.add.f32.msk $0xffff, v2  }
0x5f9: {  	v1 =	vld [tilespmem:s7+$0xE20];
	_ =	sdelay $0x4  }
0x5fa: {  	v1 =	vshll.u32 v1, $0x3  }
0x5fb: {  	s9 =	sadd.s32 $0x80, s6;
	s8 =	sadd.s32 $0x20, s5  }
0x5fc: {  	s9 =	sand.u32 $0x1E00, s9;
	s8 =	sand.u32 $0x70, s8  }
0x5fd: {  	s8 =	sor.u32 s8, s9  }
0x5fe: {  	v2 =	vld [tilespmem:s8+$0x4800]  }
0x5ff: {  	v3 =	vld.idx.msk [tilespmem:v1+s22+$0x0], $0xffff;
	_ =	sdelay $0x4  }
0x600: {  	v2 =	vsub.f32 v2, v3;
	_ =	sdelay $0x1  }
0x601: {  	v2 =	vmul.f32 $1.442695020e+00, v2;
	_ =	sdelay $0x1  }
0x602: {  	(erf) = vpow2.f32 v2;
	_ =	sdelay $0x6  }
0x603: {  	v2 =	vor.u32 $0x1, v1;
	_ =	sdelay $0x1  }
0x604: {  	v3 =	vpop (erf)  }
0x605: {  	[tilespmem:v1+s30+$0x0] =	vst.idx.add.f32.msk $0xffff, v3  }
0x606: {  	v3 =	vld [tilespmem:s8+$0x4880]  }
0x607: {  	v58 =	vld.idx.msk [tilespmem:v2+s22+$0x0], $0xffff;
	_ =	sdelay $0x4  }
0x608: {  	v3 =	vsub.f32 v3, v58;
	_ =	sdelay $0x1  }
0x609: {  	v3 =	vmul.f32 $1.442695020e+00, v3;
	_ =	sdelay $0x1  }
0x60a: {  	(erf) = vpow2.f32 v3;
	_ =	sdelay $0x6  }
0x60b: {  	v3 =	vor.u32 $0x2, v1;
	_ =	sdelay $0x1  }
0x60c: {  	v59 =	vpop (erf)  }
0x60d: {  	[tilespmem:v2+s30+$0x0] =	vst.idx.add.f32.msk $0xffff, v59  }
0x60e: {  	v2 =	vld [tilespmem:s8+$0x4900]  }
0x60f: {  	v4 =	vld.idx.msk [tilespmem:v3+s22+$0x0], $0xffff;
	_ =	sdelay $0x4  }
0x610: {  	v2 =	vsub.f32 v2, v4;
	_ =	sdelay $0x1  }
0x611: {  	v2 =	vmul.f32 $1.442695020e+00, v2;
	_ =	sdelay $0x1  }
0x612: {  	(erf) = vpow2.f32 v2;
	_ =	sdelay $0x6  }
0x613: {  	v1 =	vor.u32 $0x3, v1;
	_ =	sdelay $0x1  }
0x614: {  	v2 =	vpop (erf)  }
0x615: {  	[tilespmem:v3+s30+$0x0] =	vst.idx.add.f32.msk $0xffff, v2  }
0x616: {  	v2 =	vld [tilespmem:s8+$0x4980]  }
0x617: {  	v3 =	vld.idx.msk [tilespmem:v1+s22+$0x0], $0xffff;
	_ =	sdelay $0x4  }
0x618: {  	v2 =	vsub.f32 v2, v3;
	_ =	sdelay $0x1  }
0x619: {  	v2 =	vmul.f32 $1.442695020e+00, v2;
	_ =	sdelay $0x1  }
0x61a: {  	(erf) = vpow2.f32 v2;
	_ =	sdelay $0x8  }
0x61b: {  	v2 =	vpop (erf)  }
0x61c: {  	[tilespmem:v1+s30+$0x0] =	vst.idx.add.f32.msk $0xffff, v2  }
0x61d: {  	v1 =	vld [tilespmem:s7+$0xE30];
	_ =	sdelay $0x4  }
0x61e: {  	v1 =	vshll.u32 v1, $0x3  }
0x61f: {  	s9 =	sadd.s32 $0xC0, s6;
	s8 =	sadd.s32 $0x30, s5  }
0x620: {  	s9 =	sand.u32 $0x1E00, s9;
	s8 =	sand.u32 $0x70, s8  }
0x621: {  	s8 =	sor.u32 s8, s9  }
0x622: {  	v2 =	vld [tilespmem:s8+$0x4800]  }
0x623: {  	v3 =	vld.idx.msk [tilespmem:v1+s22+$0x0], $0xffff;
	_ =	sdelay $0x4  }
0x624: {  	v2 =	vsub.f32 v2, v3;
	_ =	sdelay $0x1  }
0x625: {  	v2 =	vmul.f32 $1.442695020e+00, v2;
	_ =	sdelay $0x1  }
0x626: {  	(erf) = vpow2.f32 v2;
	_ =	sdelay $0x6  }
0x627: {  	v2 =	vor.u32 $0x1, v1;
	_ =	sdelay $0x1  }
0x628: {  	v3 =	vpop (erf)  }
0x629: {  	[tilespmem:v1+s30+$0x0] =	vst.idx.add.f32.msk $0xffff, v3  }
0x62a: {  	v3 =	vld [tilespmem:s8+$0x4880]  }
0x62b: {  	v60 =	vld.idx.msk [tilespmem:v2+s22+$0x0], $0xffff;
	_ =	sdelay $0x4  }
0x62c: {  	v3 =	vsub.f32 v3, v60;
	_ =	sdelay $0x1  }
0x62d: {  	v3 =	vmul.f32 $1.442695020e+00, v3;
	_ =	sdelay $0x1  }
0x62e: {  	(erf) = vpow2.f32 v3;
	_ =	sdelay $0x6  }
0x62f: {  	v3 =	vor.u32 $0x2, v1;
	_ =	sdelay $0x1  }
0x630: {  	v61 =	vpop (erf)  }
0x631: {  	[tilespmem:v2+s30+$0x0] =	vst.idx.add.f32.msk $0xffff, v61  }
0x632: {  	v2 =	vld [tilespmem:s8+$0x4900]  }
0x633: {  	v4 =	vld.idx.msk [tilespmem:v3+s22+$0x0], $0xffff;
	_ =	sdelay $0x4  }
0x634: {  	v2 =	vsub.f32 v2, v4;
	_ =	sdelay $0x1  }
0x635: {  	v2 =	vmul.f32 $1.442695020e+00, v2;
	_ =	sdelay $0x1  }
0x636: {  	(erf) = vpow2.f32 v2;
	_ =	sdelay $0x6  }
0x637: {  	v1 =	vor.u32 $0x3, v1;
	_ =	sdelay $0x1  }
0x638: {  	v2 =	vpop (erf)  }
0x639: {  	[tilespmem:v3+s30+$0x0] =	vst.idx.add.f32.msk $0xffff, v2  }
0x63a: {  	v2 =	vld [tilespmem:s8+$0x4980]  }
0x63b: {  	v3 =	vld.idx.msk [tilespmem:v1+s22+$0x0], $0xffff;
	_ =	sdelay $0x4  }
0x63c: {  	v2 =	vsub.f32 v2, v3;
	_ =	sdelay $0x1  }
0x63d: {  	v2 =	vmul.f32 $1.442695020e+00, v2;
	_ =	sdelay $0x1  }
0x63e: {  	(erf) = vpow2.f32 v2;
	_ =	sdelay $0x8  }
0x63f: {  	v2 =	vpop (erf)  }
0x640: {  	[tilespmem:v1+s30+$0x0] =	vst.idx.add.f32.msk $0xffff, v2  }
0x641: {  	v1 =	vld [tilespmem:s7+$0xE40];
	_ =	sdelay $0x4  }
0x642: {  	v1 =	vshll.u32 v1, $0x3  }
0x643: {  	s9 =	sadd.s32 $0x100, s6;
	s8 =	sadd.s32 $0x40, s5  }
0x644: {  	s7 =	sand.u32 $0x70, s8;
	s8 =	sand.u32 $0x1E00, s9  }
0x645: {  	s7 =	sor.u32 s7, s8  }
0x646: {  	v2 =	vld [tilespmem:s7+$0x4800]  }
0x647: {  	v3 =	vld.idx.msk [tilespmem:v1+s22+$0x0], $0xffff;
	_ =	sdelay $0x4  }
0x648: {  	v2 =	vsub.f32 v2, v3;
	_ =	sdelay $0x1  }
0x649: {  	v2 =	vmul.f32 $1.442695020e+00, v2;
	_ =	sdelay $0x1  }
0x64a: {  	(erf) = vpow2.f32 v2;
	_ =	sdelay $0x6  }
0x64b: {  	v2 =	vor.u32 $0x1, v1;
	_ =	sdelay $0x1  }
0x64c: {  	v3 =	vpop (erf)  }
0x64d: {  	[tilespmem:v1+s30+$0x0] =	vst.idx.add.f32.msk $0xffff, v3  }
0x64e: {  	v3 =	vld [tilespmem:s7+$0x4880]  }
0x64f: {  	v62 =	vld.idx.msk [tilespmem:v2+s22+$0x0], $0xffff;
	_ =	sdelay $0x4  }
0x650: {  	v3 =	vsub.f32 v3, v62;
	_ =	sdelay $0x1  }
0x651: {  	v3 =	vmul.f32 $1.442695020e+00, v3;
	_ =	sdelay $0x1  }
0x652: {  	(erf) = vpow2.f32 v3;
	_ =	sdelay $0x6  }
0x653: {  	v3 =	vor.u32 $0x2, v1;
	_ =	sdelay $0x1  }
0x654: {  	v63 =	vpop (erf)  }
0x655: {  	[tilespmem:v2+s30+$0x0] =	vst.idx.add.f32.msk $0xffff, v63  }
0x656: {  	v2 =	vld [tilespmem:s7+$0x4900]  }
0x657: {  	v4 =	vld.idx.msk [tilespmem:v3+s22+$0x0], $0xffff;
	_ =	sdelay $0x4  }
0x658: {  	v2 =	vsub.f32 v2, v4;
	_ =	sdelay $0x1  }
0x659: {  	v2 =	vmul.f32 $1.442695020e+00, v2;
	_ =	sdelay $0x1  }
0x65a: {  	(erf) = vpow2.f32 v2;
	_ =	sdelay $0x6  }
0x65b: {  	v1 =	vor.u32 $0x3, v1;
	_ =	sdelay $0x1  }
0x65c: {  	v2 =	vpop (erf)  }
0x65d: {  	[tilespmem:v3+s30+$0x0] =	vst.idx.add.f32.msk $0xffff, v2  }
0x65e: {  	v2 =	vld [tilespmem:s7+$0x4980]  }
0x65f: {  	v3 =	vld.idx.msk [tilespmem:v1+s22+$0x0], $0xffff;
	_ =	sdelay $0x4  }
0x660: {  	v2 =	vsub.f32 v2, v3;
	_ =	sdelay $0x1  }
0x661: {  	v2 =	vmul.f32 $1.442695020e+00, v2;
	_ =	sdelay $0x1  }
0x662: {  	(erf) = vpow2.f32 v2;
	_ =	sdelay $0x4  }
0x663: {  	p1 =	sne.s32 s6, $0x500  }
.Ltmp10:
0x664: {  	_ = 	snop;
	(pc) =	sbr.rel @p1 .LBB2_17-.Ltmp10, $3  }
0x665: {  	_ =	sdelay $0x1  }
0x666: {  	v2 =	vpop (erf)  }
0x667: {  	s6 =	sadd.s32 $0x140, s6;
	s5 =	sadd.s32 $0x50, s5;
	[tilespmem:v1+s30+$0x0] =	vst.idx.add.f32.msk $0xffff, v2  }
.Ltmp11:
0x668: {  	_ = 	snop;
	(pc) =	sbr.rel .LBB2_18-.Ltmp11, $1  }
0x669: {  	_ =	sdelay $0x3  }
.LBB2_19:
0x66a: {  	_ =	sfence.sel $0x180000  }
0x66b: {  	[bflag:$0x0] =	sbarrier.arrive $0xFFFF  }
0x66c: {  	_ =	strace $0x90000047  }
0x66d: {  	s0 =	stileid.u32;
	[bflag:$0x2] =	sbarrier.arrive $0xFFFF  }
0x66e: {  	p0 =	sne.s32 s0, $0x0;
	s0 =	rddreg [dreg:$0x4]  }
0x66f: {  	s0 =	sadd.s32 @!p0 $0x100000, s0  }
0x670: {  	[sflag:s0] =	ssyncadd.tile.s32 @!p0 $0x1;
	_ =	shalt  }
.Lfunc_end2:
_tile_overlayer_lowered:
.L_overlay_start_2:
0x671: {  	(tag) =	ssettag $0x2  }
0x672: {  	s0 =	rddreg [dreg:$0x0];
	s2 =	stileid.u32  }
0x673: {  	s1 =	rddreg [dreg:$0x1];
	p0 =	sne.s32 s2, $0x0  }
0x674: {  	s3 =	rddreg [dreg:$0x2];
	[bflag:$0x3] =	sbarrier.arrive $0xFFFF;
	s2 =	simm.s32 @!p0 $0x1C09  }
0x675: {  	[timem:s3], [sflag:s2] =	dma.local @!p0 [hbm:s0], s1  }
0x676: {  	s0 =	simm.s32 @!p0 $0x9  }
0x677: {  	_ =	swait.ge @!p0 [sflag:s0], s1  }
0x678: {  	s1 =	ssub.s32 @!p0 $0x0, s1;
	[sflag:s0] =	ssyncset.done @!p0 $0x0  }
0x679: {  	[sflag:s0] =	ssyncadd.s32 @!p0 s1  }
0x67a: {  	[bflag:$0x3] =	sbarrier.arrive $0xFFFF  }
0x67b: {  	_ =	shalt  }

</sc_bundles>
